<compile_context>
chip_gen: v7x
topology: tpu7x:2x2x1
jax: 0.10.2.dev20260603
libtpu: 0.0.44.dev20260713+nightly
codegen_flags: <defaults>
</compile_context>

<pallas_src>
import jax
import jax.numpy as jnp
from jax import lax
from jax.experimental import pallas as pl
from jax.experimental.pallas import tpu as pltpu
from jax.experimental.pallas import tpu_sc as plsc

VOCAB = 1000000
EMBED_DIM = 32
BATCH = 16384
HIST = 50

NC = 2
NS = 16
NW = NC * NS

ROWS_PER_BLK = 128 // EMBED_DIM
NBLK = VOCAB // ROWS_PER_BLK

BB = BATCH // NW
CH = 128
NCHUNK = BB // CH
L = 16


def _body(x_hbm, table_hbm, out_hbm, xblk, idxh, qh, rows, cols,
          xsem, gsem, ssem):
  wid = lax.axis_index("s") * NC + lax.axis_index("c")
  b0 = wid * BB

  pltpu.make_async_copy(x_hbm.at[pl.ds(b0 * HIST, BB * HIST)], xblk,
                        xsem).start()

  lane = lax.iota(jnp.int32, L)
  lane_h = lane * HIST

  NSTEP = HIST * NCHUNK

  def build_idx(t, slot):
    h = t // NCHUNK
    c = t % NCHUNK

    @plsc.parallel_loop(0, CH // L, unroll=8)
    def jstep(j):
      v = plsc.load_gather(
          xblk, [lane_h + ((c * CH + j * L) * HIST + h)])
      idxh[slot][pl.ds(j * L, L)] = lax.shift_right_logical(v, 2)
      qh[slot][pl.ds(j * L, L)] = lax.shift_left(
          jnp.bitwise_and(v, 3), 5)

  def gather_desc(slot):
    return pltpu.make_async_copy(
        table_hbm.at[idxh[slot]], rows[slot], gsem.at[slot])

  def store_desc(t, slot):
    h = t // NCHUNK
    c = t % NCHUNK
    return pltpu.make_async_copy(
        cols[slot], out_hbm.at[h, :, pl.ds(b0 + c * CH, CH)], ssem.at[slot])

  def transpose(slot):
    for e in range(EMBED_DIM):
      ev = jnp.full((L,), e, jnp.int32)

      @plsc.parallel_loop(0, CH // L, unroll=8)
      def jstep(j, ev=ev, slot=slot):
        qv = qh[slot][pl.ds(j * L, L)]
        v = plsc.load_gather(rows[slot], [lane + j * L, qv + ev])
        cols[slot][e, pl.ds(j * L, L)] = v

  pltpu.make_async_copy(x_hbm.at[pl.ds(b0 * HIST, BB * HIST)], xblk,
                        xsem).wait()

  build_idx(0, 0)
  gather_desc(0).start()
  build_idx(1, 1)
  gather_desc(1).start()

  @pl.loop(0, NSTEP, step=2)
  def _tloop(t0):
    for s in range(2):
      t = t0 + s
      tn = t + 2
      gather_desc(s).wait()

      @pl.when(t >= 2)
      def _():
        store_desc(t - 2, s).wait()

      transpose(s)

      @pl.when(tn < NSTEP)
      def _():
        build_idx(tn, s)
        gather_desc(s).start()

      store_desc(t, s).start()

  store_desc(NSTEP - 2, 0).wait()
  store_desc(NSTEP - 1, 1).wait()


@jax.jit
def _embed(x_flat, table_blk):
  mesh = plsc.VectorSubcoreMesh(core_axis_name="c", subcore_axis_name="s")
  return pl.kernel(
      _body,
      out_type=jax.ShapeDtypeStruct((HIST, EMBED_DIM, BATCH), jnp.float32),
      mesh=mesh,
      scratch_types=[
          pltpu.VMEM((BB * HIST,), jnp.int32),
          [pltpu.VMEM((CH,), jnp.int32) for _ in range(2)],
          [pltpu.VMEM((CH,), jnp.int32) for _ in range(2)],
          [pltpu.VMEM((CH, 128), jnp.float32) for _ in range(2)],
          [pltpu.VMEM((EMBED_DIM, CH), jnp.float32) for _ in range(2)],
          pltpu.SemaphoreType.DMA,
          pltpu.SemaphoreType.DMA((2,)),
          pltpu.SemaphoreType.DMA((2,)),
      ],
      compiler_params=pltpu.CompilerParams(
          use_tc_tiling_on_sc=True, needs_layout_passes=False),
  )(x_flat, table_blk)


def kernel(x, table):
  x_flat = x.reshape(-1).astype(jnp.int32)
  table_blk = table.reshape(NBLK, 128)
  out = _embed(x_flat, table_blk)
  return out.transpose(2, 0, 1)

# --- scband reference (transcript-rebuilt; emitter-appended) ---
"""Pipeline reference for scband-text-embedder-2740189135067 (READ-ONLY COPY).

The authoritative reference and input builder live on the scoring server;
editing this copy changes nothing except your own understanding.
"""

import jax, jax.numpy as jnp
import numpy as np

VOCAB = 1000000
EMBED_DIM = 32
BATCH = 16384
HIST = 50

def setup_inputs(seed: int = 0) -> dict:
    key = jax.random.key(seed)
    k1, k2 = jax.random.split(key)
    x = jax.random.randint(k1, (BATCH, HIST), 0, VOCAB, dtype=jnp.int64)
    table = jax.random.normal(k2, (VOCAB, EMBED_DIM), dtype=jnp.float32)
    return {"x": x, "table": table}

def reference(x, table):
    # nn.Embedding forward: gather rows of the embedding table
    return jnp.take(table, x, axis=0)

if __name__ == "__main__":
    import jax
    _d = setup_inputs()
    print(jax.jit(kernel)(*tuple(_d.values())))

</pallas_src>

<mosaic_0001>
#map = affine_map<(d0, d1) -> (0)>
#map1 = affine_map<(d0, d1) -> (0, 0)>
#map2 = affine_map<(d0, d1) -> (0, 0, 0)>
module attributes {stable_mosaic.version = 14 : i64} {
  func.func @_body(%arg0: i32, %arg1: i32, %arg2: memref<819200xi32, #tpu.memory_space<hbm>>, %arg3: memref<250000x128xf32, #tpu.memory_space<hbm>>, %arg4: memref<50x32x16384xf32, #tpu.memory_space<hbm>>, %arg5: memref<25600xi32, #tpu.memory_space<vmem>>, %arg6: memref<128xi32, #tpu.memory_space<vmem>>, %arg7: memref<128xi32, #tpu.memory_space<vmem>>, %arg8: memref<128xi32, #tpu.memory_space<vmem>>, %arg9: memref<128xi32, #tpu.memory_space<vmem>>, %arg10: memref<128x128xf32, #tpu.memory_space<vmem>>, %arg11: memref<128x128xf32, #tpu.memory_space<vmem>>, %arg12: memref<32x128xf32, #tpu.memory_space<vmem>>, %arg13: memref<32x128xf32, #tpu.memory_space<vmem>>, %arg14: memref<!tpu.dma_semaphore, #tpu.memory_space<semaphore_mem>>, %arg15: memref<2x!tpu.dma_semaphore, #tpu.memory_space<semaphore_mem>>, %arg16: memref<2x!tpu.dma_semaphore, #tpu.memory_space<semaphore_mem>>) attributes {dimension_semantics = [#tpu.dimension_semantics<core_parallel>, #tpu.dimension_semantics<subcore_parallel>], iteration_bounds = array<i64: 2, 16>, scalar_prefetch = 0 : i64, scratch_operands = 12 : i64, tpu.core_type = #tpu.core_type<sc_vector_subcore>, window_params = [{transform_indices = #map}, {transform_indices = #map1}, {transform_indices = #map2}]} {
    %mul3A = arith.constant 2 : i32
    %mul3A_0 = arith.muli %arg1, %mul3A : i32
    %add3A = arith.addi %mul3A_0, %arg0 : i32
    %mul3A_1 = arith.constant 512 : i32
    %mul3A_2 = arith.muli %add3A, %mul3A_1 : i32
    %mul3A_3 = arith.constant 50 : i32
    %mul3A_4 = arith.muli %mul3A_2, %mul3A_3 : i32
    %dma_start3A = tpu.memref_slice %arg2[%mul3A_4] : memref<819200xi32, #tpu.memory_space<hbm>> -> memref<25600xi32, #tpu.memory_space<hbm>>
    %dma_start3A_5 = tpu.memref_slice %arg2[%mul3A_4] : memref<819200xi32, #tpu.memory_space<hbm>> -> memref<25600xi32, #tpu.memory_space<hbm>>
    tpu.enqueue_dma source(%dma_start3A_5 : memref<25600xi32, #tpu.memory_space<hbm>>) target(%arg5 : memref<25600xi32, #tpu.memory_space<vmem>>) target_semaphore(%arg14 : memref<!tpu.dma_semaphore, #tpu.memory_space<semaphore_mem>>)
    %iota3A = tpu.iota {dimensions = array<i32: 0>} : vector<16xi32>
    %mul3A_6 = arith.constant 50 : i32
    %mul3A_7 = vector.broadcast %mul3A_6 : i32 to vector<16xi32>
    %mul3A_8 = arith.muli %iota3A, %mul3A_7 : vector<16xi32>
    %mul3A_9 = arith.constant 50 : i32
    %mul3A_10 = arith.muli %mul3A_2, %mul3A_9 : i32
    %dma_wait3A = tpu.memref_slice %arg2[%mul3A_10] : memref<819200xi32, #tpu.memory_space<hbm>> -> memref<25600xi32, #tpu.memory_space<hbm>>
    %dma_wait3A_11 = tpu.memref_slice %arg2[%mul3A_10] : memref<819200xi32, #tpu.memory_space<hbm>> -> memref<25600xi32, #tpu.memory_space<hbm>>
    tpu.wait_dma2 semaphore(%arg14 : memref<!tpu.dma_semaphore, #tpu.memory_space<semaphore_mem>>) src(%dma_wait3A_11 : memref<25600xi32, #tpu.memory_space<hbm>>) dst(%arg5 : memref<25600xi32, #tpu.memory_space<vmem>>)
    %parallel_loop3A = arith.constant 0 : i32
    %parallel_loop3A_12 = arith.constant 8 : i32
    %parallel_loop3A_13 = arith.constant 1 : i32
    scf.for %parallel_loop3A_57 = %parallel_loop3A to %parallel_loop3A_12 step %parallel_loop3A_13  : i32 {
      %parallel_loop3A_58 = arith.constant 16 : i32
      %parallel_loop3A_59 = arith.muli %parallel_loop3A_57, %parallel_loop3A_58 : i32
      %parallel_loop3A_60 = arith.constant 0 : i32
      %parallel_loop3A_61 = arith.addi %parallel_loop3A_60, %parallel_loop3A_59 : i32
      %parallel_loop3A_62 = arith.constant 50 : i32
      %parallel_loop3A_63 = arith.muli %parallel_loop3A_61, %parallel_loop3A_62 : i32
      %parallel_loop3A_64 = arith.constant 0 : i32
      %parallel_loop3A_65 = arith.addi %parallel_loop3A_63, %parallel_loop3A_64 : i32
      %parallel_loop3A_66 = vector.broadcast %parallel_loop3A_65 : i32 to vector<16xi32>
      %parallel_loop3A_67 = arith.addi %mul3A_8, %parallel_loop3A_66 : vector<16xi32>
      %parallel_loop3A_68 = tpu.vector_load_idx %arg5[%parallel_loop3A_67] : memref<25600xi32, #tpu.memory_space<vmem>>[vector<16xi32>], vector<16xi32>,
      %parallel_loop3A_69 = arith.constant 2 : i32
      %parallel_loop3A_70 = vector.broadcast %parallel_loop3A_69 : i32 to vector<16xi32>
      %parallel_loop3A_71 = arith.shrui %parallel_loop3A_68, %parallel_loop3A_70 : vector<16xi32>
      %parallel_loop3A_72 = arith.constant 16 : i32
      %parallel_loop3A_73 = arith.muli %parallel_loop3A_57, %parallel_loop3A_72 : i32
      %parallel_loop3A_74 = arith.index_cast %parallel_loop3A_73 : i32 to index
      %parallel_loop3A_75 = tpu.vector_load %arg6[%parallel_loop3A_74] {strides = array<i32>} : memref<128xi32, #tpu.memory_space<vmem>>, vector<16xi32>,
      tpu.vector_store %arg6[%parallel_loop3A_74], %parallel_loop3A_71 {strides = array<i32>} : memref<128xi32, #tpu.memory_space<vmem>>, vector<16xi32>,
      %parallel_loop3A_76 = arith.constant 3 : i32
      %parallel_loop3A_77 = vector.broadcast %parallel_loop3A_76 : i32 to vector<16xi32>
      %parallel_loop3A_78 = arith.andi %parallel_loop3A_68, %parallel_loop3A_77 : vector<16xi32>
      %parallel_loop3A_79 = arith.constant 5 : i32
      %parallel_loop3A_80 = vector.broadcast %parallel_loop3A_79 : i32 to vector<16xi32>
      %parallel_loop3A_81 = arith.shli %parallel_loop3A_78, %parallel_loop3A_80 : vector<16xi32>
      %parallel_loop3A_82 = arith.constant 16 : i32
      %parallel_loop3A_83 = arith.muli %parallel_loop3A_57, %parallel_loop3A_82 : i32
      %parallel_loop3A_84 = arith.index_cast %parallel_loop3A_83 : i32 to index
      %parallel_loop3A_85 = tpu.vector_load %arg8[%parallel_loop3A_84] {strides = array<i32>} : memref<128xi32, #tpu.memory_space<vmem>>, vector<16xi32>,
      tpu.vector_store %arg8[%parallel_loop3A_84], %parallel_loop3A_81 {strides = array<i32>} : memref<128xi32, #tpu.memory_space<vmem>>, vector<16xi32>,
    } {sc.loop_unroll_factor = 8 : i64, sc.parallel_access}
    %dma_start3A_14 = arith.constant 0 : i32
    %dma_start3A_15 = arith.constant 0 : i32
    %dma_start3A_16 = arith.constant 0 : i32
    %dma_start3A_17 = tpu.memref_slice %arg3[%dma_start3A_15, %dma_start3A_16] : memref<250000x128xf32, #tpu.memory_space<hbm>> -> memref<250000x128xf32, #tpu.memory_space<hbm>>
    %dma_start3A_18 = tpu.memref_slice %arg15[%dma_start3A_14] : memref<2x!tpu.dma_semaphore, #tpu.memory_space<semaphore_mem>> -> memref<1x!tpu.dma_semaphore, #tpu.memory_space<semaphore_mem>>
    %dma_start3A_19 = tpu.memref_squeeze %dma_start3A_18 : memref<1x!tpu.dma_semaphore, #tpu.memory_space<semaphore_mem>> -> memref<!tpu.dma_semaphore, #tpu.memory_space<semaphore_mem>>
    tpu.enqueue_indirect_dma source(%dma_start3A_17 : memref<250000x128xf32, #tpu.memory_space<hbm>>) target(%arg10 : memref<128x128xf32, #tpu.memory_space<vmem>>) offsets(%arg6 : memref<128xi32, #tpu.memory_space<vmem>>) semaphore(%dma_start3A_19 : memref<!tpu.dma_semaphore, #tpu.memory_space<semaphore_mem>>)
    %parallel_loop3A_20 = arith.constant 0 : i32
    %parallel_loop3A_21 = arith.constant 8 : i32
    %parallel_loop3A_22 = arith.constant 1 : i32
    scf.for %parallel_loop3A_57 = %parallel_loop3A_20 to %parallel_loop3A_21 step %parallel_loop3A_22  : i32 {
      %parallel_loop3A_58 = arith.constant 16 : i32
      %parallel_loop3A_59 = arith.muli %parallel_loop3A_57, %parallel_loop3A_58 : i32
      %parallel_loop3A_60 = arith.constant 128 : i32
      %parallel_loop3A_61 = arith.addi %parallel_loop3A_60, %parallel_loop3A_59 : i32
      %parallel_loop3A_62 = arith.constant 50 : i32
      %parallel_loop3A_63 = arith.muli %parallel_loop3A_61, %parallel_loop3A_62 : i32
      %parallel_loop3A_64 = arith.constant 0 : i32
      %parallel_loop3A_65 = arith.addi %parallel_loop3A_63, %parallel_loop3A_64 : i32
      %parallel_loop3A_66 = vector.broadcast %parallel_loop3A_65 : i32 to vector<16xi32>
      %parallel_loop3A_67 = arith.addi %mul3A_8, %parallel_loop3A_66 : vector<16xi32>
      %parallel_loop3A_68 = tpu.vector_load_idx %arg5[%parallel_loop3A_67] : memref<25600xi32, #tpu.memory_space<vmem>>[vector<16xi32>], vector<16xi32>,
      %parallel_loop3A_69 = arith.constant 2 : i32
      %parallel_loop3A_70 = vector.broadcast %parallel_loop3A_69 : i32 to vector<16xi32>
      %parallel_loop3A_71 = arith.shrui %parallel_loop3A_68, %parallel_loop3A_70 : vector<16xi32>
      %parallel_loop3A_72 = arith.constant 16 : i32
      %parallel_loop3A_73 = arith.muli %parallel_loop3A_57, %parallel_loop3A_72 : i32
      %parallel_loop3A_74 = arith.index_cast %parallel_loop3A_73 : i32 to index
      %parallel_loop3A_75 = tpu.vector_load %arg7[%parallel_loop3A_74] {strides = array<i32>} : memref<128xi32, #tpu.memory_space<vmem>>, vector<16xi32>,
      tpu.vector_store %arg7[%parallel_loop3A_74], %parallel_loop3A_71 {strides = array<i32>} : memref<128xi32, #tpu.memory_space<vmem>>, vector<16xi32>,
      %parallel_loop3A_76 = arith.constant 3 : i32
      %parallel_loop3A_77 = vector.broadcast %parallel_loop3A_76 : i32 to vector<16xi32>
      %parallel_loop3A_78 = arith.andi %parallel_loop3A_68, %parallel_loop3A_77 : vector<16xi32>
      %parallel_loop3A_79 = arith.constant 5 : i32
      %parallel_loop3A_80 = vector.broadcast %parallel_loop3A_79 : i32 to vector<16xi32>
      %parallel_loop3A_81 = arith.shli %parallel_loop3A_78, %parallel_loop3A_80 : vector<16xi32>
      %parallel_loop3A_82 = arith.constant 16 : i32
      %parallel_loop3A_83 = arith.muli %parallel_loop3A_57, %parallel_loop3A_82 : i32
      %parallel_loop3A_84 = arith.index_cast %parallel_loop3A_83 : i32 to index
      %parallel_loop3A_85 = tpu.vector_load %arg9[%parallel_loop3A_84] {strides = array<i32>} : memref<128xi32, #tpu.memory_space<vmem>>, vector<16xi32>,
      tpu.vector_store %arg9[%parallel_loop3A_84], %parallel_loop3A_81 {strides = array<i32>} : memref<128xi32, #tpu.memory_space<vmem>>, vector<16xi32>,
    } {sc.loop_unroll_factor = 8 : i64, sc.parallel_access}
    %dma_start3A_23 = arith.constant 1 : i32
    %dma_start3A_24 = arith.constant 0 : i32
    %dma_start3A_25 = arith.constant 0 : i32
    %dma_start3A_26 = tpu.memref_slice %arg3[%dma_start3A_24, %dma_start3A_25] : memref<250000x128xf32, #tpu.memory_space<hbm>> -> memref<250000x128xf32, #tpu.memory_space<hbm>>
    %dma_start3A_27 = tpu.memref_slice %arg15[%dma_start3A_23] : memref<2x!tpu.dma_semaphore, #tpu.memory_space<semaphore_mem>> -> memref<1x!tpu.dma_semaphore, #tpu.memory_space<semaphore_mem>>
    %dma_start3A_28 = tpu.memref_squeeze %dma_start3A_27 : memref<1x!tpu.dma_semaphore, #tpu.memory_space<semaphore_mem>> -> memref<!tpu.dma_semaphore, #tpu.memory_space<semaphore_mem>>
    tpu.enqueue_indirect_dma source(%dma_start3A_26 : memref<250000x128xf32, #tpu.memory_space<hbm>>) target(%arg11 : memref<128x128xf32, #tpu.memory_space<vmem>>) offsets(%arg7 : memref<128xi32, #tpu.memory_space<vmem>>) semaphore(%dma_start3A_28 : memref<!tpu.dma_semaphore, #tpu.memory_space<semaphore_mem>>)
    %scan3A = arith.constant 0 : i32
    %scan3A_29 = arith.constant 100 : i32
    %scan3A_30 = arith.addi %scan3A, %scan3A_29 : i32
    %scan3A_31 = arith.constant 1 : i32
    scf.for %scan3A_57 = %scan3A to %scan3A_30 step %scan3A_31  : i32 {
      %mul3A_58 = arith.constant 2 : i32
      %mul3A_59 = arith.muli %scan3A_57, %mul3A_58 : i32
      %add3A_60 = arith.constant 0 : i32
      %add3A_61 = arith.addi %add3A_60, %mul3A_59 : i32
      %add3A_62 = arith.constant 0 : i32
      %add3A_63 = arith.addi %add3A_61, %add3A_62 : i32
      %add3A_64 = arith.constant 2 : i32
      %add3A_65 = arith.addi %add3A_63, %add3A_64 : i32
      %dma_wait3A_66 = arith.constant 0 : i32
      %dma_wait3A_67 = arith.constant 0 : i32
      %dma_wait3A_68 = arith.constant 0 : i32
      %dma_wait3A_69 = tpu.memref_slice %arg3[%dma_wait3A_67, %dma_wait3A_68] : memref<250000x128xf32, #tpu.memory_space<hbm>> -> memref<250000x128xf32, #tpu.memory_space<hbm>>
      %dma_wait3A_70 = tpu.memref_slice %arg15[%dma_wait3A_66] : memref<2x!tpu.dma_semaphore, #tpu.memory_space<semaphore_mem>> -> memref<1x!tpu.dma_semaphore, #tpu.memory_space<semaphore_mem>>
      %dma_wait3A_71 = tpu.memref_squeeze %dma_wait3A_70 : memref<1x!tpu.dma_semaphore, #tpu.memory_space<semaphore_mem>> -> memref<!tpu.dma_semaphore, #tpu.memory_space<semaphore_mem>>
      tpu.wait_indirect_dma semaphore(%dma_wait3A_71 : memref<!tpu.dma_semaphore, #tpu.memory_space<semaphore_mem>>) src(%dma_wait3A_69 : memref<250000x128xf32, #tpu.memory_space<hbm>>) dst(%arg10 : memref<128x128xf32, #tpu.memory_space<vmem>>)
      %ge3A = arith.constant 2 : i32
      %ge3A_72 = arith.cmpi sge, %add3A_63, %ge3A : i32
      %convert_element_type3A = arith.extui %ge3A_72 : i1 to i32
      %cond3A = arith.constant 0 : i32
      %cond3A_73 = arith.cmpi ne, %convert_element_type3A, %cond3A : i32
      scf.if %cond3A_73 {
        %sub3A_512 = arith.constant 2 : i32
        %sub3A_513 = arith.subi %add3A_63, %sub3A_512 : i32
        %jit3A_514 = arith.constant 4 : i32
        %div3A_515 = arith.divsi %sub3A_513, %jit3A_514 : i32
        %sign3A_516 = arith.constant 0 : i32
        %sign3A_517 = arith.cmpi sgt, %sub3A_513, %sign3A_516 : i32
        %sign3A_518 = arith.extui %sign3A_517 : i1 to i32
        %sign3A_519 = arith.constant 0 : i32
        %sign3A_520 = arith.cmpi slt, %sub3A_513, %sign3A_519 : i32
        %sign3A_521 = arith.extui %sign3A_520 : i1 to i32
        %sign3A_522 = arith.subi %sign3A_518, %sign3A_521 : i32
        %sign3A_523 = arith.constant 0 : i32
        %sign3A_524 = arith.cmpi sgt, %jit3A_514, %sign3A_523 : i32
        %sign3A_525 = arith.extui %sign3A_524 : i1 to i32
        %sign3A_526 = arith.constant 0 : i32
        %sign3A_527 = arith.cmpi slt, %jit3A_514, %sign3A_526 : i32
        %sign3A_528 = arith.extui %sign3A_527 : i1 to i32
        %sign3A_529 = arith.subi %sign3A_525, %sign3A_528 : i32
        %ne3A_530 = arith.cmpi ne, %sign3A_522, %sign3A_529 : i32
        %rem3A_531 = arith.remsi %sub3A_513, %jit3A_514 : i32
        %ne3A_532 = arith.constant 0 : i32
        %ne3A_533 = arith.cmpi ne, %rem3A_531, %ne3A_532 : i32
        %and3A_534 = arith.andi %ne3A_530, %ne3A_533 : i1
        %sub3A_535 = arith.constant 1 : i32
        %sub3A_536 = arith.subi %div3A_515, %sub3A_535 : i32
        %select_n3A_537 = arith.select %and3A_534, %sub3A_536, %div3A_515 : i32
        %jit3A_538 = arith.constant 4 : i32
        %eq3A_539 = arith.constant 0 : i32
        %eq3A_540 = arith.cmpi eq, %jit3A_538, %eq3A_539 : i32
        %jit3A_541 = arith.constant 1 : i32
        %select_n3A_542 = arith.select %eq3A_540, %jit3A_541, %jit3A_538 : i32
        %rem3A_543 = arith.remsi %sub3A_513, %select_n3A_542 : i32
        %ne3A_544 = arith.constant 0 : i32
        %ne3A_545 = arith.cmpi ne, %rem3A_543, %ne3A_544 : i32
        %lt3A_546 = arith.constant 0 : i32
        %lt3A_547 = arith.cmpi slt, %rem3A_543, %lt3A_546 : i32
        %lt3A_548 = arith.constant 0 : i32
        %lt3A_549 = arith.cmpi slt, %select_n3A_542, %lt3A_548 : i32
        %ne3A_550 = arith.xori %lt3A_547, %lt3A_549 : i1
        %and3A_551 = arith.andi %ne3A_550, %ne3A_545 : i1
        %add3A_552 = arith.addi %rem3A_543, %select_n3A_542 : i32
        %select_n3A_553 = arith.select %and3A_551, %add3A_552, %rem3A_543 : i32
        %mul3A_554 = arith.constant 128 : i32
        %mul3A_555 = arith.muli %select_n3A_553, %mul3A_554 : i32
        %add3A_556 = arith.addi %mul3A_2, %mul3A_555 : i32
        %dma_wait3A_557 = arith.constant 0 : i32
        %dma_wait3A_558 = arith.constant 0 : i32
        %dma_wait3A_559 = tpu.memref_slice %arg4[%select_n3A_537, %dma_wait3A_558, %add3A_556] : memref<50x32x16384xf32, #tpu.memory_space<hbm>> -> memref<1x32x128xf32, #tpu.memory_space<hbm>>
        %dma_wait3A_560 = tpu.memref_squeeze %dma_wait3A_559 : memref<1x32x128xf32, #tpu.memory_space<hbm>> -> memref<32x128xf32, #tpu.memory_space<hbm>>
        %dma_wait3A_561 = tpu.memref_slice %arg16[%dma_wait3A_557] : memref<2x!tpu.dma_semaphore, #tpu.memory_space<semaphore_mem>> -> memref<1x!tpu.dma_semaphore, #tpu.memory_space<semaphore_mem>>
        %dma_wait3A_562 = tpu.memref_squeeze %dma_wait3A_561 : memref<1x!tpu.dma_semaphore, #tpu.memory_space<semaphore_mem>> -> memref<!tpu.dma_semaphore, #tpu.memory_space<semaphore_mem>>
        %dma_wait3A_563 = arith.constant 0 : i32
        %dma_wait3A_564 = tpu.memref_slice %arg4[%select_n3A_537, %dma_wait3A_563, %add3A_556] : memref<50x32x16384xf32, #tpu.memory_space<hbm>> -> memref<1x32x128xf32, #tpu.memory_space<hbm>>
        %dma_wait3A_565 = tpu.memref_squeeze %dma_wait3A_564 : memref<1x32x128xf32, #tpu.memory_space<hbm>> -> memref<32x128xf32, #tpu.memory_space<hbm>>
        tpu.wait_dma2 semaphore(%dma_wait3A_562 : memref<!tpu.dma_semaphore, #tpu.memory_space<semaphore_mem>>) src(%arg12 : memref<32x128xf32, #tpu.memory_space<vmem>>) dst(%dma_wait3A_565 : memref<32x128xf32, #tpu.memory_space<hbm>>)
      } else {
      }
      %broadcast_in_dim3A = arith.constant 0 : i32
      %broadcast_in_dim3A_74 = vector.broadcast %broadcast_in_dim3A : i32 to vector<16xi32>
      %parallel_loop3A_75 = arith.constant 0 : i32
      %parallel_loop3A_76 = arith.constant 8 : i32
      %parallel_loop3A_77 = arith.constant 1 : i32
      scf.for %parallel_loop3A_512 = %parallel_loop3A_75 to %parallel_loop3A_76 step %parallel_loop3A_77  : i32 {
        %parallel_loop3A_513 = arith.constant 16 : i32
        %parallel_loop3A_514 = arith.muli %parallel_loop3A_512, %parallel_loop3A_513 : i32
        %parallel_loop3A_515 = arith.index_cast %parallel_loop3A_514 : i32 to index
        %parallel_loop3A_516 = tpu.vector_load %arg8[%parallel_loop3A_515] {strides = array<i32>} : memref<128xi32, #tpu.memory_space<vmem>>, vector<16xi32>,
        %parallel_loop3A_517 = arith.constant 16 : i32
        %parallel_loop3A_518 = arith.muli %parallel_loop3A_512, %parallel_loop3A_517 : i32
        %parallel_loop3A_519 = vector.broadcast %parallel_loop3A_518 : i32 to vector<16xi32>
        %parallel_loop3A_520 = arith.addi %iota3A, %parallel_loop3A_519 : vector<16xi32>
        %parallel_loop3A_521 = arith.addi %parallel_loop3A_516, %broadcast_in_dim3A_74 : vector<16xi32>
        %parallel_loop3A_522 = tpu.vector_load_idx %arg10[%parallel_loop3A_520, %parallel_loop3A_521] : memref<128x128xf32, #tpu.memory_space<vmem>>[vector<16xi32>, vector<16xi32>], vector<16xf32>,
        %parallel_loop3A_523 = arith.constant 16 : i32
        %parallel_loop3A_524 = arith.muli %parallel_loop3A_512, %parallel_loop3A_523 : i32
        %parallel_loop3A_525 = arith.constant 0 : i32
        %parallel_loop3A_526 = arith.index_cast %parallel_loop3A_525 : i32 to index
        %parallel_loop3A_527 = arith.index_cast %parallel_loop3A_524 : i32 to index
        %parallel_loop3A_528 = tpu.vector_load %arg12[%parallel_loop3A_526, %parallel_loop3A_527] {strides = array<i32>} : memref<32x128xf32, #tpu.memory_space<vmem>>, vector<16xf32>,
        tpu.vector_store %arg12[%parallel_loop3A_526, %parallel_loop3A_527], %parallel_loop3A_522 {strides = array<i32>} : memref<32x128xf32, #tpu.memory_space<vmem>>, vector<16xf32>,
      } {sc.loop_unroll_factor = 8 : i64, sc.parallel_access}
      %broadcast_in_dim3A_78 = arith.constant 1 : i32
      %broadcast_in_dim3A_79 = vector.broadcast %broadcast_in_dim3A_78 : i32 to vector<16xi32>
      %parallel_loop3A_80 = arith.constant 0 : i32
      %parallel_loop3A_81 = arith.constant 8 : i32
      %parallel_loop3A_82 = arith.constant 1 : i32
      scf.for %parallel_loop3A_512 = %parallel_loop3A_80 to %parallel_loop3A_81 step %parallel_loop3A_82  : i32 {
        %parallel_loop3A_513 = arith.constant 16 : i32
        %parallel_loop3A_514 = arith.muli %parallel_loop3A_512, %parallel_loop3A_513 : i32
        %parallel_loop3A_515 = arith.index_cast %parallel_loop3A_514 : i32 to index
        %parallel_loop3A_516 = tpu.vector_load %arg8[%parallel_loop3A_515] {strides = array<i32>} : memref<128xi32, #tpu.memory_space<vmem>>, vector<16xi32>,
        %parallel_loop3A_517 = arith.constant 16 : i32
        %parallel_loop3A_518 = arith.muli %parallel_loop3A_512, %parallel_loop3A_517 : i32
        %parallel_loop3A_519 = vector.broadcast %parallel_loop3A_518 : i32 to vector<16xi32>
        %parallel_loop3A_520 = arith.addi %iota3A, %parallel_loop3A_519 : vector<16xi32>
        %parallel_loop3A_521 = arith.addi %parallel_loop3A_516, %broadcast_in_dim3A_79 : vector<16xi32>
        %parallel_loop3A_522 = tpu.vector_load_idx %arg10[%parallel_loop3A_520, %parallel_loop3A_521] : memref<128x128xf32, #tpu.memory_space<vmem>>[vector<16xi32>, vector<16xi32>], vector<16xf32>,
        %parallel_loop3A_523 = arith.constant 16 : i32
        %parallel_loop3A_524 = arith.muli %parallel_loop3A_512, %parallel_loop3A_523 : i32
        %parallel_loop3A_525 = arith.constant 1 : i32
        %parallel_loop3A_526 = arith.index_cast %parallel_loop3A_525 : i32 to index
        %parallel_loop3A_527 = arith.index_cast %parallel_loop3A_524 : i32 to index
        %parallel_loop3A_528 = tpu.vector_load %arg12[%parallel_loop3A_526, %parallel_loop3A_527] {strides = array<i32>} : memref<32x128xf32, #tpu.memory_space<vmem>>, vector<16xf32>,
        tpu.vector_store %arg12[%parallel_loop3A_526, %parallel_loop3A_527], %parallel_loop3A_522 {strides = array<i32>} : memref<32x128xf32, #tpu.memory_space<vmem>>, vector<16xf32>,
      } {sc.loop_unroll_factor = 8 : i64, sc.parallel_access}
      %broadcast_in_dim3A_83 = arith.constant 2 : i32
      %broadcast_in_dim3A_84 = vector.broadcast %broadcast_in_dim3A_83 : i32 to vector<16xi32>
      %parallel_loop3A_85 = arith.constant 0 : i32
      %parallel_loop3A_86 = arith.constant 8 : i32
      %parallel_loop3A_87 = arith.constant 1 : i32
      scf.for %parallel_loop3A_512 = %parallel_loop3A_85 to %parallel_loop3A_86 step %parallel_loop3A_87  : i32 {
        %parallel_loop3A_513 = arith.constant 16 : i32
        %parallel_loop3A_514 = arith.muli %parallel_loop3A_512, %parallel_loop3A_513 : i32
        %parallel_loop3A_515 = arith.index_cast %parallel_loop3A_514 : i32 to index
        %parallel_loop3A_516 = tpu.vector_load %arg8[%parallel_loop3A_515] {strides = array<i32>} : memref<128xi32, #tpu.memory_space<vmem>>, vector<16xi32>,
        %parallel_loop3A_517 = arith.constant 16 : i32
        %parallel_loop3A_518 = arith.muli %parallel_loop3A_512, %parallel_loop3A_517 : i32
        %parallel_loop3A_519 = vector.broadcast %parallel_loop3A_518 : i32 to vector<16xi32>
        %parallel_loop3A_520 = arith.addi %iota3A, %parallel_loop3A_519 : vector<16xi32>
        %parallel_loop3A_521 = arith.addi %parallel_loop3A_516, %broadcast_in_dim3A_84 : vector<16xi32>
        %parallel_loop3A_522 = tpu.vector_load_idx %arg10[%parallel_loop3A_520, %parallel_loop3A_521] : memref<128x128xf32, #tpu.memory_space<vmem>>[vector<16xi32>, vector<16xi32>], vector<16xf32>,
        %parallel_loop3A_523 = arith.constant 16 : i32
        %parallel_loop3A_524 = arith.muli %parallel_loop3A_512, %parallel_loop3A_523 : i32
        %parallel_loop3A_525 = arith.constant 2 : i32
        %parallel_loop3A_526 = arith.index_cast %parallel_loop3A_525 : i32 to index
        %parallel_loop3A_527 = arith.index_cast %parallel_loop3A_524 : i32 to index
        %parallel_loop3A_528 = tpu.vector_load %arg12[%parallel_loop3A_526, %parallel_loop3A_527] {strides = array<i32>} : memref<32x128xf32, #tpu.memory_space<vmem>>, vector<16xf32>,
        tpu.vector_store %arg12[%parallel_loop3A_526, %parallel_loop3A_527], %parallel_loop3A_522 {strides = array<i32>} : memref<32x128xf32, #tpu.memory_space<vmem>>, vector<16xf32>,
      } {sc.loop_unroll_factor = 8 : i64, sc.parallel_access}
      %broadcast_in_dim3A_88 = arith.constant 3 : i32
      %broadcast_in_dim3A_89 = vector.broadcast %broadcast_in_dim3A_88 : i32 to vector<16xi32>
      %parallel_loop3A_90 = arith.constant 0 : i32
      %parallel_loop3A_91 = arith.constant 8 : i32
      %parallel_loop3A_92 = arith.constant 1 : i32
      scf.for %parallel_loop3A_512 = %parallel_loop3A_90 to %parallel_loop3A_91 step %parallel_loop3A_92  : i32 {
        %parallel_loop3A_513 = arith.constant 16 : i32
        %parallel_loop3A_514 = arith.muli %parallel_loop3A_512, %parallel_loop3A_513 : i32
        %parallel_loop3A_515 = arith.index_cast %parallel_loop3A_514 : i32 to index
        %parallel_loop3A_516 = tpu.vector_load %arg8[%parallel_loop3A_515] {strides = array<i32>} : memref<128xi32, #tpu.memory_space<vmem>>, vector<16xi32>,
        %parallel_loop3A_517 = arith.constant 16 : i32
        %parallel_loop3A_518 = arith.muli %parallel_loop3A_512, %parallel_loop3A_517 : i32
        %parallel_loop3A_519 = vector.broadcast %parallel_loop3A_518 : i32 to vector<16xi32>
        %parallel_loop3A_520 = arith.addi %iota3A, %parallel_loop3A_519 : vector<16xi32>
        %parallel_loop3A_521 = arith.addi %parallel_loop3A_516, %broadcast_in_dim3A_89 : vector<16xi32>
        %parallel_loop3A_522 = tpu.vector_load_idx %arg10[%parallel_loop3A_520, %parallel_loop3A_521] : memref<128x128xf32, #tpu.memory_space<vmem>>[vector<16xi32>, vector<16xi32>], vector<16xf32>,
        %parallel_loop3A_523 = arith.constant 16 : i32
        %parallel_loop3A_524 = arith.muli %parallel_loop3A_512, %parallel_loop3A_523 : i32
        %parallel_loop3A_525 = arith.constant 3 : i32
        %parallel_loop3A_526 = arith.index_cast %parallel_loop3A_525 : i32 to index
        %parallel_loop3A_527 = arith.index_cast %parallel_loop3A_524 : i32 to index
        %parallel_loop3A_528 = tpu.vector_load %arg12[%parallel_loop3A_526, %parallel_loop3A_527] {strides = array<i32>} : memref<32x128xf32, #tpu.memory_space<vmem>>, vector<16xf32>,
        tpu.vector_store %arg12[%parallel_loop3A_526, %parallel_loop3A_527], %parallel_loop3A_522 {strides = array<i32>} : memref<32x128xf32, #tpu.memory_space<vmem>>, vector<16xf32>,
      } {sc.loop_unroll_factor = 8 : i64, sc.parallel_access}
      %broadcast_in_dim3A_93 = arith.constant 4 : i32
      %broadcast_in_dim3A_94 = vector.broadcast %broadcast_in_dim3A_93 : i32 to vector<16xi32>
      %parallel_loop3A_95 = arith.constant 0 : i32
      %parallel_loop3A_96 = arith.constant 8 : i32
      %parallel_loop3A_97 = arith.constant 1 : i32
      scf.for %parallel_loop3A_512 = %parallel_loop3A_95 to %parallel_loop3A_96 step %parallel_loop3A_97  : i32 {
        %parallel_loop3A_513 = arith.constant 16 : i32
        %parallel_loop3A_514 = arith.muli %parallel_loop3A_512, %parallel_loop3A_513 : i32
        %parallel_loop3A_515 = arith.index_cast %parallel_loop3A_514 : i32 to index
        %parallel_loop3A_516 = tpu.vector_load %arg8[%parallel_loop3A_515] {strides = array<i32>} : memref<128xi32, #tpu.memory_space<vmem>>, vector<16xi32>,
        %parallel_loop3A_517 = arith.constant 16 : i32
        %parallel_loop3A_518 = arith.muli %parallel_loop3A_512, %parallel_loop3A_517 : i32
        %parallel_loop3A_519 = vector.broadcast %parallel_loop3A_518 : i32 to vector<16xi32>
        %parallel_loop3A_520 = arith.addi %iota3A, %parallel_loop3A_519 : vector<16xi32>
        %parallel_loop3A_521 = arith.addi %parallel_loop3A_516, %broadcast_in_dim3A_94 : vector<16xi32>
        %parallel_loop3A_522 = tpu.vector_load_idx %arg10[%parallel_loop3A_520, %parallel_loop3A_521] : memref<128x128xf32, #tpu.memory_space<vmem>>[vector<16xi32>, vector<16xi32>], vector<16xf32>,
        %parallel_loop3A_523 = arith.constant 16 : i32
        %parallel_loop3A_524 = arith.muli %parallel_loop3A_512, %parallel_loop3A_523 : i32
        %parallel_loop3A_525 = arith.constant 4 : i32
        %parallel_loop3A_526 = arith.index_cast %parallel_loop3A_525 : i32 to index
        %parallel_loop3A_527 = arith.index_cast %parallel_loop3A_524 : i32 to index
        %parallel_loop3A_528 = tpu.vector_load %arg12[%parallel_loop3A_526, %parallel_loop3A_527] {strides = array<i32>} : memref<32x128xf32, #tpu.memory_space<vmem>>, vector<16xf32>,
        tpu.vector_store %arg12[%parallel_loop3A_526, %parallel_loop3A_527], %parallel_loop3A_522 {strides = array<i32>} : memref<32x128xf32, #tpu.memory_space<vmem>>, vector<16xf32>,
      } {sc.loop_unroll_factor = 8 : i64, sc.parallel_access}
      %broadcast_in_dim3A_98 = arith.constant 5 : i32
      %broadcast_in_dim3A_99 = vector.broadcast %broadcast_in_dim3A_98 : i32 to vector<16xi32>
      %parallel_loop3A_100 = arith.constant 0 : i32
      %parallel_loop3A_101 = arith.constant 8 : i32
      %parallel_loop3A_102 = arith.constant 1 : i32
      scf.for %parallel_loop3A_512 = %parallel_loop3A_100 to %parallel_loop3A_101 step %parallel_loop3A_102  : i32 {
        %parallel_loop3A_513 = arith.constant 16 : i32
        %parallel_loop3A_514 = arith.muli %parallel_loop3A_512, %parallel_loop3A_513 : i32
        %parallel_loop3A_515 = arith.index_cast %parallel_loop3A_514 : i32 to index
        %parallel_loop3A_516 = tpu.vector_load %arg8[%parallel_loop3A_515] {strides = array<i32>} : memref<128xi32, #tpu.memory_space<vmem>>, vector<16xi32>,
        %parallel_loop3A_517 = arith.constant 16 : i32
        %parallel_loop3A_518 = arith.muli %parallel_loop3A_512, %parallel_loop3A_517 : i32
        %parallel_loop3A_519 = vector.broadcast %parallel_loop3A_518 : i32 to vector<16xi32>
        %parallel_loop3A_520 = arith.addi %iota3A, %parallel_loop3A_519 : vector<16xi32>
        %parallel_loop3A_521 = arith.addi %parallel_loop3A_516, %broadcast_in_dim3A_99 : vector<16xi32>
        %parallel_loop3A_522 = tpu.vector_load_idx %arg10[%parallel_loop3A_520, %parallel_loop3A_521] : memref<128x128xf32, #tpu.memory_space<vmem>>[vector<16xi32>, vector<16xi32>], vector<16xf32>,
        %parallel_loop3A_523 = arith.constant 16 : i32
        %parallel_loop3A_524 = arith.muli %parallel_loop3A_512, %parallel_loop3A_523 : i32
        %parallel_loop3A_525 = arith.constant 5 : i32
        %parallel_loop3A_526 = arith.index_cast %parallel_loop3A_525 : i32 to index
        %parallel_loop3A_527 = arith.index_cast %parallel_loop3A_524 : i32 to index
        %parallel_loop3A_528 = tpu.vector_load %arg12[%parallel_loop3A_526, %parallel_loop3A_527] {strides = array<i32>} : memref<32x128xf32, #tpu.memory_space<vmem>>, vector<16xf32>,
        tpu.vector_store %arg12[%parallel_loop3A_526, %parallel_loop3A_527], %parallel_loop3A_522 {strides = array<i32>} : memref<32x128xf32, #tpu.memory_space<vmem>>, vector<16xf32>,
      } {sc.loop_unroll_factor = 8 : i64, sc.parallel_access}
      %broadcast_in_dim3A_103 = arith.constant 6 : i32
      %broadcast_in_dim3A_104 = vector.broadcast %broadcast_in_dim3A_103 : i32 to vector<16xi32>
      %parallel_loop3A_105 = arith.constant 0 : i32
      %parallel_loop3A_106 = arith.constant 8 : i32
      %parallel_loop3A_107 = arith.constant 1 : i32
      scf.for %parallel_loop3A_512 = %parallel_loop3A_105 to %parallel_loop3A_106 step %parallel_loop3A_107  : i32 {
        %parallel_loop3A_513 = arith.constant 16 : i32
        %parallel_loop3A_514 = arith.muli %parallel_loop3A_512, %parallel_loop3A_513 : i32
        %parallel_loop3A_515 = arith.index_cast %parallel_loop3A_514 : i32 to index
        %parallel_loop3A_516 = tpu.vector_load %arg8[%parallel_loop3A_515] {strides = array<i32>} : memref<128xi32, #tpu.memory_space<vmem>>, vector<16xi32>,
        %parallel_loop3A_517 = arith.constant 16 : i32
        %parallel_loop3A_518 = arith.muli %parallel_loop3A_512, %parallel_loop3A_517 : i32
        %parallel_loop3A_519 = vector.broadcast %parallel_loop3A_518 : i32 to vector<16xi32>
        %parallel_loop3A_520 = arith.addi %iota3A, %parallel_loop3A_519 : vector<16xi32>
        %parallel_loop3A_521 = arith.addi %parallel_loop3A_516, %broadcast_in_dim3A_104 : vector<16xi32>
        %parallel_loop3A_522 = tpu.vector_load_idx %arg10[%parallel_loop3A_520, %parallel_loop3A_521] : memref<128x128xf32, #tpu.memory_space<vmem>>[vector<16xi32>, vector<16xi32>], vector<16xf32>,
        %parallel_loop3A_523 = arith.constant 16 : i32
        %parallel_loop3A_524 = arith.muli %parallel_loop3A_512, %parallel_loop3A_523 : i32
        %parallel_loop3A_525 = arith.constant 6 : i32
        %parallel_loop3A_526 = arith.index_cast %parallel_loop3A_525 : i32 to index
        %parallel_loop3A_527 = arith.index_cast %parallel_loop3A_524 : i32 to index
        %parallel_loop3A_528 = tpu.vector_load %arg12[%parallel_loop3A_526, %parallel_loop3A_527] {strides = array<i32>} : memref<32x128xf32, #tpu.memory_space<vmem>>, vector<16xf32>,
        tpu.vector_store %arg12[%parallel_loop3A_526, %parallel_loop3A_527], %parallel_loop3A_522 {strides = array<i32>} : memref<32x128xf32, #tpu.memory_space<vmem>>, vector<16xf32>,
      } {sc.loop_unroll_factor = 8 : i64, sc.parallel_access}
      %broadcast_in_dim3A_108 = arith.constant 7 : i32
      %broadcast_in_dim3A_109 = vector.broadcast %broadcast_in_dim3A_108 : i32 to vector<16xi32>
      %parallel_loop3A_110 = arith.constant 0 : i32
      %parallel_loop3A_111 = arith.constant 8 : i32
      %parallel_loop3A_112 = arith.constant 1 : i32
      scf.for %parallel_loop3A_512 = %parallel_loop3A_110 to %parallel_loop3A_111 step %parallel_loop3A_112  : i32 {
        %parallel_loop3A_513 = arith.constant 16 : i32
        %parallel_loop3A_514 = arith.muli %parallel_loop3A_512, %parallel_loop3A_513 : i32
        %parallel_loop3A_515 = arith.index_cast %parallel_loop3A_514 : i32 to index
        %parallel_loop3A_516 = tpu.vector_load %arg8[%parallel_loop3A_515] {strides = array<i32>} : memref<128xi32, #tpu.memory_space<vmem>>, vector<16xi32>,
        %parallel_loop3A_517 = arith.constant 16 : i32
        %parallel_loop3A_518 = arith.muli %parallel_loop3A_512, %parallel_loop3A_517 : i32
        %parallel_loop3A_519 = vector.broadcast %parallel_loop3A_518 : i32 to vector<16xi32>
        %parallel_loop3A_520 = arith.addi %iota3A, %parallel_loop3A_519 : vector<16xi32>
        %parallel_loop3A_521 = arith.addi %parallel_loop3A_516, %broadcast_in_dim3A_109 : vector<16xi32>
        %parallel_loop3A_522 = tpu.vector_load_idx %arg10[%parallel_loop3A_520, %parallel_loop3A_521] : memref<128x128xf32, #tpu.memory_space<vmem>>[vector<16xi32>, vector<16xi32>], vector<16xf32>,
        %parallel_loop3A_523 = arith.constant 16 : i32
        %parallel_loop3A_524 = arith.muli %parallel_loop3A_512, %parallel_loop3A_523 : i32
        %parallel_loop3A_525 = arith.constant 7 : i32
        %parallel_loop3A_526 = arith.index_cast %parallel_loop3A_525 : i32 to index
        %parallel_loop3A_527 = arith.index_cast %parallel_loop3A_524 : i32 to index
        %parallel_loop3A_528 = tpu.vector_load %arg12[%parallel_loop3A_526, %parallel_loop3A_527] {strides = array<i32>} : memref<32x128xf32, #tpu.memory_space<vmem>>, vector<16xf32>,
        tpu.vector_store %arg12[%parallel_loop3A_526, %parallel_loop3A_527], %parallel_loop3A_522 {strides = array<i32>} : memref<32x128xf32, #tpu.memory_space<vmem>>, vector<16xf32>,
      } {sc.loop_unroll_factor = 8 : i64, sc.parallel_access}
      %broadcast_in_dim3A_113 = arith.constant 8 : i32
      %broadcast_in_dim3A_114 = vector.broadcast %broadcast_in_dim3A_113 : i32 to vector<16xi32>
      %parallel_loop3A_115 = arith.constant 0 : i32
      %parallel_loop3A_116 = arith.constant 8 : i32
      %parallel_loop3A_117 = arith.constant 1 : i32
      scf.for %parallel_loop3A_512 = %parallel_loop3A_115 to %parallel_loop3A_116 step %parallel_loop3A_117  : i32 {
        %parallel_loop3A_513 = arith.constant 16 : i32
        %parallel_loop3A_514 = arith.muli %parallel_loop3A_512, %parallel_loop3A_513 : i32
        %parallel_loop3A_515 = arith.index_cast %parallel_loop3A_514 : i32 to index
        %parallel_loop3A_516 = tpu.vector_load %arg8[%parallel_loop3A_515] {strides = array<i32>} : memref<128xi32, #tpu.memory_space<vmem>>, vector<16xi32>,
        %parallel_loop3A_517 = arith.constant 16 : i32
        %parallel_loop3A_518 = arith.muli %parallel_loop3A_512, %parallel_loop3A_517 : i32
        %parallel_loop3A_519 = vector.broadcast %parallel_loop3A_518 : i32 to vector<16xi32>
        %parallel_loop3A_520 = arith.addi %iota3A, %parallel_loop3A_519 : vector<16xi32>
        %parallel_loop3A_521 = arith.addi %parallel_loop3A_516, %broadcast_in_dim3A_114 : vector<16xi32>
        %parallel_loop3A_522 = tpu.vector_load_idx %arg10[%parallel_loop3A_520, %parallel_loop3A_521] : memref<128x128xf32, #tpu.memory_space<vmem>>[vector<16xi32>, vector<16xi32>], vector<16xf32>,
        %parallel_loop3A_523 = arith.constant 16 : i32
        %parallel_loop3A_524 = arith.muli %parallel_loop3A_512, %parallel_loop3A_523 : i32
        %parallel_loop3A_525 = arith.constant 8 : i32
        %parallel_loop3A_526 = arith.index_cast %parallel_loop3A_525 : i32 to index
        %parallel_loop3A_527 = arith.index_cast %parallel_loop3A_524 : i32 to index
        %parallel_loop3A_528 = tpu.vector_load %arg12[%parallel_loop3A_526, %parallel_loop3A_527] {strides = array<i32>} : memref<32x128xf32, #tpu.memory_space<vmem>>, vector<16xf32>,
        tpu.vector_store %arg12[%parallel_loop3A_526, %parallel_loop3A_527], %parallel_loop3A_522 {strides = array<i32>} : memref<32x128xf32, #tpu.memory_space<vmem>>, vector<16xf32>,
      } {sc.loop_unroll_factor = 8 : i64, sc.parallel_access}
      %broadcast_in_dim3A_118 = arith.constant 9 : i32
      %broadcast_in_dim3A_119 = vector.broadcast %broadcast_in_dim3A_118 : i32 to vector<16xi32>
      %parallel_loop3A_120 = arith.constant 0 : i32
      %parallel_loop3A_121 = arith.constant 8 : i32
      %parallel_loop3A_122 = arith.constant 1 : i32
      scf.for %parallel_loop3A_512 = %parallel_loop3A_120 to %parallel_loop3A_121 step %parallel_loop3A_122  : i32 {
        %parallel_loop3A_513 = arith.constant 16 : i32
        %parallel_loop3A_514 = arith.muli %parallel_loop3A_512, %parallel_loop3A_513 : i32
        %parallel_loop3A_515 = arith.index_cast %parallel_loop3A_514 : i32 to index
        %parallel_loop3A_516 = tpu.vector_load %arg8[%parallel_loop3A_515] {strides = array<i32>} : memref<128xi32, #tpu.memory_space<vmem>>, vector<16xi32>,
        %parallel_loop3A_517 = arith.constant 16 : i32
        %parallel_loop3A_518 = arith.muli %parallel_loop3A_512, %parallel_loop3A_517 : i32
        %parallel_loop3A_519 = vector.broadcast %parallel_loop3A_518 : i32 to vector<16xi32>
        %parallel_loop3A_520 = arith.addi %iota3A, %parallel_loop3A_519 : vector<16xi32>
        %parallel_loop3A_521 = arith.addi %parallel_loop3A_516, %broadcast_in_dim3A_119 : vector<16xi32>
        %parallel_loop3A_522 = tpu.vector_load_idx %arg10[%parallel_loop3A_520, %parallel_loop3A_521] : memref<128x128xf32, #tpu.memory_space<vmem>>[vector<16xi32>, vector<16xi32>], vector<16xf32>,
        %parallel_loop3A_523 = arith.constant 16 : i32
        %parallel_loop3A_524 = arith.muli %parallel_loop3A_512, %parallel_loop3A_523 : i32
        %parallel_loop3A_525 = arith.constant 9 : i32
        %parallel_loop3A_526 = arith.index_cast %parallel_loop3A_525 : i32 to index
        %parallel_loop3A_527 = arith.index_cast %parallel_loop3A_524 : i32 to index
        %parallel_loop3A_528 = tpu.vector_load %arg12[%parallel_loop3A_526, %parallel_loop3A_527] {strides = array<i32>} : memref<32x128xf32, #tpu.memory_space<vmem>>, vector<16xf32>,
        tpu.vector_store %arg12[%parallel_loop3A_526, %parallel_loop3A_527], %parallel_loop3A_522 {strides = array<i32>} : memref<32x128xf32, #tpu.memory_space<vmem>>, vector<16xf32>,
      } {sc.loop_unroll_factor = 8 : i64, sc.parallel_access}
      %broadcast_in_dim3A_123 = arith.constant 10 : i32
      %broadcast_in_dim3A_124 = vector.broadcast %broadcast_in_dim3A_123 : i32 to vector<16xi32>
      %parallel_loop3A_125 = arith.constant 0 : i32
      %parallel_loop3A_126 = arith.constant 8 : i32
      %parallel_loop3A_127 = arith.constant 1 : i32
      scf.for %parallel_loop3A_512 = %parallel_loop3A_125 to %parallel_loop3A_126 step %parallel_loop3A_127  : i32 {
        %parallel_loop3A_513 = arith.constant 16 : i32
        %parallel_loop3A_514 = arith.muli %parallel_loop3A_512, %parallel_loop3A_513 : i32
        %parallel_loop3A_515 = arith.index_cast %parallel_loop3A_514 : i32 to index
        %parallel_loop3A_516 = tpu.vector_load %arg8[%parallel_loop3A_515] {strides = array<i32>} : memref<128xi32, #tpu.memory_space<vmem>>, vector<16xi32>,
        %parallel_loop3A_517 = arith.constant 16 : i32
        %parallel_loop3A_518 = arith.muli %parallel_loop3A_512, %parallel_loop3A_517 : i32
        %parallel_loop3A_519 = vector.broadcast %parallel_loop3A_518 : i32 to vector<16xi32>
        %parallel_loop3A_520 = arith.addi %iota3A, %parallel_loop3A_519 : vector<16xi32>
        %parallel_loop3A_521 = arith.addi %parallel_loop3A_516, %broadcast_in_dim3A_124 : vector<16xi32>
        %parallel_loop3A_522 = tpu.vector_load_idx %arg10[%parallel_loop3A_520, %parallel_loop3A_521] : memref<128x128xf32, #tpu.memory_space<vmem>>[vector<16xi32>, vector<16xi32>], vector<16xf32>,
        %parallel_loop3A_523 = arith.constant 16 : i32
        %parallel_loop3A_524 = arith.muli %parallel_loop3A_512, %parallel_loop3A_523 : i32
        %parallel_loop3A_525 = arith.constant 10 : i32
        %parallel_loop3A_526 = arith.index_cast %parallel_loop3A_525 : i32 to index
        %parallel_loop3A_527 = arith.index_cast %parallel_loop3A_524 : i32 to index
        %parallel_loop3A_528 = tpu.vector_load %arg12[%parallel_loop3A_526, %parallel_loop3A_527] {strides = array<i32>} : memref<32x128xf32, #tpu.memory_space<vmem>>, vector<16xf32>,
        tpu.vector_store %arg12[%parallel_loop3A_526, %parallel_loop3A_527], %parallel_loop3A_522 {strides = array<i32>} : memref<32x128xf32, #tpu.memory_space<vmem>>, vector<16xf32>,
      } {sc.loop_unroll_factor = 8 : i64, sc.parallel_access}
      %broadcast_in_dim3A_128 = arith.constant 11 : i32
      %broadcast_in_dim3A_129 = vector.broadcast %broadcast_in_dim3A_128 : i32 to vector<16xi32>
      %parallel_loop3A_130 = arith.constant 0 : i32
      %parallel_loop3A_131 = arith.constant 8 : i32
      %parallel_loop3A_132 = arith.constant 1 : i32
      scf.for %parallel_loop3A_512 = %parallel_loop3A_130 to %parallel_loop3A_131 step %parallel_loop3A_132  : i32 {
        %parallel_loop3A_513 = arith.constant 16 : i32
        %parallel_loop3A_514 = arith.muli %parallel_loop3A_512, %parallel_loop3A_513 : i32
        %parallel_loop3A_515 = arith.index_cast %parallel_loop3A_514 : i32 to index
        %parallel_loop3A_516 = tpu.vector_load %arg8[%parallel_loop3A_515] {strides = array<i32>} : memref<128xi32, #tpu.memory_space<vmem>>, vector<16xi32>,
        %parallel_loop3A_517 = arith.constant 16 : i32
        %parallel_loop3A_518 = arith.muli %parallel_loop3A_512, %parallel_loop3A_517 : i32
        %parallel_loop3A_519 = vector.broadcast %parallel_loop3A_518 : i32 to vector<16xi32>
        %parallel_loop3A_520 = arith.addi %iota3A, %parallel_loop3A_519 : vector<16xi32>
        %parallel_loop3A_521 = arith.addi %parallel_loop3A_516, %broadcast_in_dim3A_129 : vector<16xi32>
        %parallel_loop3A_522 = tpu.vector_load_idx %arg10[%parallel_loop3A_520, %parallel_loop3A_521] : memref<128x128xf32, #tpu.memory_space<vmem>>[vector<16xi32>, vector<16xi32>], vector<16xf32>,
        %parallel_loop3A_523 = arith.constant 16 : i32
        %parallel_loop3A_524 = arith.muli %parallel_loop3A_512, %parallel_loop3A_523 : i32
        %parallel_loop3A_525 = arith.constant 11 : i32
        %parallel_loop3A_526 = arith.index_cast %parallel_loop3A_525 : i32 to index
        %parallel_loop3A_527 = arith.index_cast %parallel_loop3A_524 : i32 to index
        %parallel_loop3A_528 = tpu.vector_load %arg12[%parallel_loop3A_526, %parallel_loop3A_527] {strides = array<i32>} : memref<32x128xf32, #tpu.memory_space<vmem>>, vector<16xf32>,
        tpu.vector_store %arg12[%parallel_loop3A_526, %parallel_loop3A_527], %parallel_loop3A_522 {strides = array<i32>} : memref<32x128xf32, #tpu.memory_space<vmem>>, vector<16xf32>,
      } {sc.loop_unroll_factor = 8 : i64, sc.parallel_access}
      %broadcast_in_dim3A_133 = arith.constant 12 : i32
      %broadcast_in_dim3A_134 = vector.broadcast %broadcast_in_dim3A_133 : i32 to vector<16xi32>
      %parallel_loop3A_135 = arith.constant 0 : i32
      %parallel_loop3A_136 = arith.constant 8 : i32
      %parallel_loop3A_137 = arith.constant 1 : i32
      scf.for %parallel_loop3A_512 = %parallel_loop3A_135 to %parallel_loop3A_136 step %parallel_loop3A_137  : i32 {
        %parallel_loop3A_513 = arith.constant 16 : i32
        %parallel_loop3A_514 = arith.muli %parallel_loop3A_512, %parallel_loop3A_513 : i32
        %parallel_loop3A_515 = arith.index_cast %parallel_loop3A_514 : i32 to index
        %parallel_loop3A_516 = tpu.vector_load %arg8[%parallel_loop3A_515] {strides = array<i32>} : memref<128xi32, #tpu.memory_space<vmem>>, vector<16xi32>,
        %parallel_loop3A_517 = arith.constant 16 : i32
        %parallel_loop3A_518 = arith.muli %parallel_loop3A_512, %parallel_loop3A_517 : i32
        %parallel_loop3A_519 = vector.broadcast %parallel_loop3A_518 : i32 to vector<16xi32>
        %parallel_loop3A_520 = arith.addi %iota3A, %parallel_loop3A_519 : vector<16xi32>
        %parallel_loop3A_521 = arith.addi %parallel_loop3A_516, %broadcast_in_dim3A_134 : vector<16xi32>
        %parallel_loop3A_522 = tpu.vector_load_idx %arg10[%parallel_loop3A_520, %parallel_loop3A_521] : memref<128x128xf32, #tpu.memory_space<vmem>>[vector<16xi32>, vector<16xi32>], vector<16xf32>,
        %parallel_loop3A_523 = arith.constant 16 : i32
        %parallel_loop3A_524 = arith.muli %parallel_loop3A_512, %parallel_loop3A_523 : i32
        %parallel_loop3A_525 = arith.constant 12 : i32
        %parallel_loop3A_526 = arith.index_cast %parallel_loop3A_525 : i32 to index
        %parallel_loop3A_527 = arith.index_cast %parallel_loop3A_524 : i32 to index
        %parallel_loop3A_528 = tpu.vector_load %arg12[%parallel_loop3A_526, %parallel_loop3A_527] {strides = array<i32>} : memref<32x128xf32, #tpu.memory_space<vmem>>, vector<16xf32>,
        tpu.vector_store %arg12[%parallel_loop3A_526, %parallel_loop3A_527], %parallel_loop3A_522 {strides = array<i32>} : memref<32x128xf32, #tpu.memory_space<vmem>>, vector<16xf32>,
      } {sc.loop_unroll_factor = 8 : i64, sc.parallel_access}
      %broadcast_in_dim3A_138 = arith.constant 13 : i32
      %broadcast_in_dim3A_139 = vector.broadcast %broadcast_in_dim3A_138 : i32 to vector<16xi32>
      %parallel_loop3A_140 = arith.constant 0 : i32
      %parallel_loop3A_141 = arith.constant 8 : i32
      %parallel_loop3A_142 = arith.constant 1 : i32
      scf.for %parallel_loop3A_512 = %parallel_loop3A_140 to %parallel_loop3A_141 step %parallel_loop3A_142  : i32 {
        %parallel_loop3A_513 = arith.constant 16 : i32
        %parallel_loop3A_514 = arith.muli %parallel_loop3A_512, %parallel_loop3A_513 : i32
        %parallel_loop3A_515 = arith.index_cast %parallel_loop3A_514 : i32 to index
        %parallel_loop3A_516 = tpu.vector_load %arg8[%parallel_loop3A_515] {strides = array<i32>} : memref<128xi32, #tpu.memory_space<vmem>>, vector<16xi32>,
        %parallel_loop3A_517 = arith.constant 16 : i32
        %parallel_loop3A_518 = arith.muli %parallel_loop3A_512, %parallel_loop3A_517 : i32
        %parallel_loop3A_519 = vector.broadcast %parallel_loop3A_518 : i32 to vector<16xi32>
        %parallel_loop3A_520 = arith.addi %iota3A, %parallel_loop3A_519 : vector<16xi32>
        %parallel_loop3A_521 = arith.addi %parallel_loop3A_516, %broadcast_in_dim3A_139 : vector<16xi32>
        %parallel_loop3A_522 = tpu.vector_load_idx %arg10[%parallel_loop3A_520, %parallel_loop3A_521] : memref<128x128xf32, #tpu.memory_space<vmem>>[vector<16xi32>, vector<16xi32>], vector<16xf32>,
        %parallel_loop3A_523 = arith.constant 16 : i32
        %parallel_loop3A_524 = arith.muli %parallel_loop3A_512, %parallel_loop3A_523 : i32
        %parallel_loop3A_525 = arith.constant 13 : i32
        %parallel_loop3A_526 = arith.index_cast %parallel_loop3A_525 : i32 to index
        %parallel_loop3A_527 = arith.index_cast %parallel_loop3A_524 : i32 to index
        %parallel_loop3A_528 = tpu.vector_load %arg12[%parallel_loop3A_526, %parallel_loop3A_527] {strides = array<i32>} : memref<32x128xf32, #tpu.memory_space<vmem>>, vector<16xf32>,
        tpu.vector_store %arg12[%parallel_loop3A_526, %parallel_loop3A_527], %parallel_loop3A_522 {strides = array<i32>} : memref<32x128xf32, #tpu.memory_space<vmem>>, vector<16xf32>,
      } {sc.loop_unroll_factor = 8 : i64, sc.parallel_access}
      %broadcast_in_dim3A_143 = arith.constant 14 : i32
      %broadcast_in_dim3A_144 = vector.broadcast %broadcast_in_dim3A_143 : i32 to vector<16xi32>
      %parallel_loop3A_145 = arith.constant 0 : i32
      %parallel_loop3A_146 = arith.constant 8 : i32
      %parallel_loop3A_147 = arith.constant 1 : i32
      scf.for %parallel_loop3A_512 = %parallel_loop3A_145 to %parallel_loop3A_146 step %parallel_loop3A_147  : i32 {
        %parallel_loop3A_513 = arith.constant 16 : i32
        %parallel_loop3A_514 = arith.muli %parallel_loop3A_512, %parallel_loop3A_513 : i32
        %parallel_loop3A_515 = arith.index_cast %parallel_loop3A_514 : i32 to index
        %parallel_loop3A_516 = tpu.vector_load %arg8[%parallel_loop3A_515] {strides = array<i32>} : memref<128xi32, #tpu.memory_space<vmem>>, vector<16xi32>,
        %parallel_loop3A_517 = arith.constant 16 : i32
        %parallel_loop3A_518 = arith.muli %parallel_loop3A_512, %parallel_loop3A_517 : i32
        %parallel_loop3A_519 = vector.broadcast %parallel_loop3A_518 : i32 to vector<16xi32>
        %parallel_loop3A_520 = arith.addi %iota3A, %parallel_loop3A_519 : vector<16xi32>
        %parallel_loop3A_521 = arith.addi %parallel_loop3A_516, %broadcast_in_dim3A_144 : vector<16xi32>
        %parallel_loop3A_522 = tpu.vector_load_idx %arg10[%parallel_loop3A_520, %parallel_loop3A_521] : memref<128x128xf32, #tpu.memory_space<vmem>>[vector<16xi32>, vector<16xi32>], vector<16xf32>,
        %parallel_loop3A_523 = arith.constant 16 : i32
        %parallel_loop3A_524 = arith.muli %parallel_loop3A_512, %parallel_loop3A_523 : i32
        %parallel_loop3A_525 = arith.constant 14 : i32
        %parallel_loop3A_526 = arith.index_cast %parallel_loop3A_525 : i32 to index
        %parallel_loop3A_527 = arith.index_cast %parallel_loop3A_524 : i32 to index
        %parallel_loop3A_528 = tpu.vector_load %arg12[%parallel_loop3A_526, %parallel_loop3A_527] {strides = array<i32>} : memref<32x128xf32, #tpu.memory_space<vmem>>, vector<16xf32>,
        tpu.vector_store %arg12[%parallel_loop3A_526, %parallel_loop3A_527], %parallel_loop3A_522 {strides = array<i32>} : memref<32x128xf32, #tpu.memory_space<vmem>>, vector<16xf32>,
      } {sc.loop_unroll_factor = 8 : i64, sc.parallel_access}
      %broadcast_in_dim3A_148 = arith.constant 15 : i32
      %broadcast_in_dim3A_149 = vector.broadcast %broadcast_in_dim3A_148 : i32 to vector<16xi32>
      %parallel_loop3A_150 = arith.constant 0 : i32
      %parallel_loop3A_151 = arith.constant 8 : i32
      %parallel_loop3A_152 = arith.constant 1 : i32
      scf.for %parallel_loop3A_512 = %parallel_loop3A_150 to %parallel_loop3A_151 step %parallel_loop3A_152  : i32 {
        %parallel_loop3A_513 = arith.constant 16 : i32
        %parallel_loop3A_514 = arith.muli %parallel_loop3A_512, %parallel_loop3A_513 : i32
        %parallel_loop3A_515 = arith.index_cast %parallel_loop3A_514 : i32 to index
        %parallel_loop3A_516 = tpu.vector_load %arg8[%parallel_loop3A_515] {strides = array<i32>} : memref<128xi32, #tpu.memory_space<vmem>>, vector<16xi32>,
        %parallel_loop3A_517 = arith.constant 16 : i32
        %parallel_loop3A_518 = arith.muli %parallel_loop3A_512, %parallel_loop3A_517 : i32
        %parallel_loop3A_519 = vector.broadcast %parallel_loop3A_518 : i32 to vector<16xi32>
        %parallel_loop3A_520 = arith.addi %iota3A, %parallel_loop3A_519 : vector<16xi32>
        %parallel_loop3A_521 = arith.addi %parallel_loop3A_516, %broadcast_in_dim3A_149 : vector<16xi32>
        %parallel_loop3A_522 = tpu.vector_load_idx %arg10[%parallel_loop3A_520, %parallel_loop3A_521] : memref<128x128xf32, #tpu.memory_space<vmem>>[vector<16xi32>, vector<16xi32>], vector<16xf32>,
        %parallel_loop3A_523 = arith.constant 16 : i32
        %parallel_loop3A_524 = arith.muli %parallel_loop3A_512, %parallel_loop3A_523 : i32
        %parallel_loop3A_525 = arith.constant 15 : i32
        %parallel_loop3A_526 = arith.index_cast %parallel_loop3A_525 : i32 to index
        %parallel_loop3A_527 = arith.index_cast %parallel_loop3A_524 : i32 to index
        %parallel_loop3A_528 = tpu.vector_load %arg12[%parallel_loop3A_526, %parallel_loop3A_527] {strides = array<i32>} : memref<32x128xf32, #tpu.memory_space<vmem>>, vector<16xf32>,
        tpu.vector_store %arg12[%parallel_loop3A_526, %parallel_loop3A_527], %parallel_loop3A_522 {strides = array<i32>} : memref<32x128xf32, #tpu.memory_space<vmem>>, vector<16xf32>,
      } {sc.loop_unroll_factor = 8 : i64, sc.parallel_access}
      %broadcast_in_dim3A_153 = arith.constant 16 : i32
      %broadcast_in_dim3A_154 = vector.broadcast %broadcast_in_dim3A_153 : i32 to vector<16xi32>
      %parallel_loop3A_155 = arith.constant 0 : i32
      %parallel_loop3A_156 = arith.constant 8 : i32
      %parallel_loop3A_157 = arith.constant 1 : i32
      scf.for %parallel_loop3A_512 = %parallel_loop3A_155 to %parallel_loop3A_156 step %parallel_loop3A_157  : i32 {
        %parallel_loop3A_513 = arith.constant 16 : i32
        %parallel_loop3A_514 = arith.muli %parallel_loop3A_512, %parallel_loop3A_513 : i32
        %parallel_loop3A_515 = arith.index_cast %parallel_loop3A_514 : i32 to index
        %parallel_loop3A_516 = tpu.vector_load %arg8[%parallel_loop3A_515] {strides = array<i32>} : memref<128xi32, #tpu.memory_space<vmem>>, vector<16xi32>,
        %parallel_loop3A_517 = arith.constant 16 : i32
        %parallel_loop3A_518 = arith.muli %parallel_loop3A_512, %parallel_loop3A_517 : i32
        %parallel_loop3A_519 = vector.broadcast %parallel_loop3A_518 : i32 to vector<16xi32>
        %parallel_loop3A_520 = arith.addi %iota3A, %parallel_loop3A_519 : vector<16xi32>
        %parallel_loop3A_521 = arith.addi %parallel_loop3A_516, %broadcast_in_dim3A_154 : vector<16xi32>
        %parallel_loop3A_522 = tpu.vector_load_idx %arg10[%parallel_loop3A_520, %parallel_loop3A_521] : memref<128x128xf32, #tpu.memory_space<vmem>>[vector<16xi32>, vector<16xi32>], vector<16xf32>,
        %parallel_loop3A_523 = arith.constant 16 : i32
        %parallel_loop3A_524 = arith.muli %parallel_loop3A_512, %parallel_loop3A_523 : i32
        %parallel_loop3A_525 = arith.constant 16 : i32
        %parallel_loop3A_526 = arith.index_cast %parallel_loop3A_525 : i32 to index
        %parallel_loop3A_527 = arith.index_cast %parallel_loop3A_524 : i32 to index
        %parallel_loop3A_528 = tpu.vector_load %arg12[%parallel_loop3A_526, %parallel_loop3A_527] {strides = array<i32>} : memref<32x128xf32, #tpu.memory_space<vmem>>, vector<16xf32>,
        tpu.vector_store %arg12[%parallel_loop3A_526, %parallel_loop3A_527], %parallel_loop3A_522 {strides = array<i32>} : memref<32x128xf32, #tpu.memory_space<vmem>>, vector<16xf32>,
      } {sc.loop_unroll_factor = 8 : i64, sc.parallel_access}
      %broadcast_in_dim3A_158 = arith.constant 17 : i32
      %broadcast_in_dim3A_159 = vector.broadcast %broadcast_in_dim3A_158 : i32 to vector<16xi32>
      %parallel_loop3A_160 = arith.constant 0 : i32
      %parallel_loop3A_161 = arith.constant 8 : i32
      %parallel_loop3A_162 = arith.constant 1 : i32
      scf.for %parallel_loop3A_512 = %parallel_loop3A_160 to %parallel_loop3A_161 step %parallel_loop3A_162  : i32 {
        %parallel_loop3A_513 = arith.constant 16 : i32
        %parallel_loop3A_514 = arith.muli %parallel_loop3A_512, %parallel_loop3A_513 : i32
        %parallel_loop3A_515 = arith.index_cast %parallel_loop3A_514 : i32 to index
        %parallel_loop3A_516 = tpu.vector_load %arg8[%parallel_loop3A_515] {strides = array<i32>} : memref<128xi32, #tpu.memory_space<vmem>>, vector<16xi32>,
        %parallel_loop3A_517 = arith.constant 16 : i32
        %parallel_loop3A_518 = arith.muli %parallel_loop3A_512, %parallel_loop3A_517 : i32
        %parallel_loop3A_519 = vector.broadcast %parallel_loop3A_518 : i32 to vector<16xi32>
        %parallel_loop3A_520 = arith.addi %iota3A, %parallel_loop3A_519 : vector<16xi32>
        %parallel_loop3A_521 = arith.addi %parallel_loop3A_516, %broadcast_in_dim3A_159 : vector<16xi32>
        %parallel_loop3A_522 = tpu.vector_load_idx %arg10[%parallel_loop3A_520, %parallel_loop3A_521] : memref<128x128xf32, #tpu.memory_space<vmem>>[vector<16xi32>, vector<16xi32>], vector<16xf32>,
        %parallel_loop3A_523 = arith.constant 16 : i32
        %parallel_loop3A_524 = arith.muli %parallel_loop3A_512, %parallel_loop3A_523 : i32
        %parallel_loop3A_525 = arith.constant 17 : i32
        %parallel_loop3A_526 = arith.index_cast %parallel_loop3A_525 : i32 to index
        %parallel_loop3A_527 = arith.index_cast %parallel_loop3A_524 : i32 to index
        %parallel_loop3A_528 = tpu.vector_load %arg12[%parallel_loop3A_526, %parallel_loop3A_527] {strides = array<i32>} : memref<32x128xf32, #tpu.memory_space<vmem>>, vector<16xf32>,
        tpu.vector_store %arg12[%parallel_loop3A_526, %parallel_loop3A_527], %parallel_loop3A_522 {strides = array<i32>} : memref<32x128xf32, #tpu.memory_space<vmem>>, vector<16xf32>,
      } {sc.loop_unroll_factor = 8 : i64, sc.parallel_access}
      %broadcast_in_dim3A_163 = arith.constant 18 : i32
      %broadcast_in_dim3A_164 = vector.broadcast %broadcast_in_dim3A_163 : i32 to vector<16xi32>
      %parallel_loop3A_165 = arith.constant 0 : i32
      %parallel_loop3A_166 = arith.constant 8 : i32
      %parallel_loop3A_167 = arith.constant 1 : i32
      scf.for %parallel_loop3A_512 = %parallel_loop3A_165 to %parallel_loop3A_166 step %parallel_loop3A_167  : i32 {
        %parallel_loop3A_513 = arith.constant 16 : i32
        %parallel_loop3A_514 = arith.muli %parallel_loop3A_512, %parallel_loop3A_513 : i32
        %parallel_loop3A_515 = arith.index_cast %parallel_loop3A_514 : i32 to index
        %parallel_loop3A_516 = tpu.vector_load %arg8[%parallel_loop3A_515] {strides = array<i32>} : memref<128xi32, #tpu.memory_space<vmem>>, vector<16xi32>,
        %parallel_loop3A_517 = arith.constant 16 : i32
        %parallel_loop3A_518 = arith.muli %parallel_loop3A_512, %parallel_loop3A_517 : i32
        %parallel_loop3A_519 = vector.broadcast %parallel_loop3A_518 : i32 to vector<16xi32>
        %parallel_loop3A_520 = arith.addi %iota3A, %parallel_loop3A_519 : vector<16xi32>
        %parallel_loop3A_521 = arith.addi %parallel_loop3A_516, %broadcast_in_dim3A_164 : vector<16xi32>
        %parallel_loop3A_522 = tpu.vector_load_idx %arg10[%parallel_loop3A_520, %parallel_loop3A_521] : memref<128x128xf32, #tpu.memory_space<vmem>>[vector<16xi32>, vector<16xi32>], vector<16xf32>,
        %parallel_loop3A_523 = arith.constant 16 : i32
        %parallel_loop3A_524 = arith.muli %parallel_loop3A_512, %parallel_loop3A_523 : i32
        %parallel_loop3A_525 = arith.constant 18 : i32
        %parallel_loop3A_526 = arith.index_cast %parallel_loop3A_525 : i32 to index
        %parallel_loop3A_527 = arith.index_cast %parallel_loop3A_524 : i32 to index
        %parallel_loop3A_528 = tpu.vector_load %arg12[%parallel_loop3A_526, %parallel_loop3A_527] {strides = array<i32>} : memref<32x128xf32, #tpu.memory_space<vmem>>, vector<16xf32>,
        tpu.vector_store %arg12[%parallel_loop3A_526, %parallel_loop3A_527], %parallel_loop3A_522 {strides = array<i32>} : memref<32x128xf32, #tpu.memory_space<vmem>>, vector<16xf32>,
      } {sc.loop_unroll_factor = 8 : i64, sc.parallel_access}
      %broadcast_in_dim3A_168 = arith.constant 19 : i32
      %broadcast_in_dim3A_169 = vector.broadcast %broadcast_in_dim3A_168 : i32 to vector<16xi32>
      %parallel_loop3A_170 = arith.constant 0 : i32
      %parallel_loop3A_171 = arith.constant 8 : i32
      %parallel_loop3A_172 = arith.constant 1 : i32
      scf.for %parallel_loop3A_512 = %parallel_loop3A_170 to %parallel_loop3A_171 step %parallel_loop3A_172  : i32 {
        %parallel_loop3A_513 = arith.constant 16 : i32
        %parallel_loop3A_514 = arith.muli %parallel_loop3A_512, %parallel_loop3A_513 : i32
        %parallel_loop3A_515 = arith.index_cast %parallel_loop3A_514 : i32 to index
        %parallel_loop3A_516 = tpu.vector_load %arg8[%parallel_loop3A_515] {strides = array<i32>} : memref<128xi32, #tpu.memory_space<vmem>>, vector<16xi32>,
        %parallel_loop3A_517 = arith.constant 16 : i32
        %parallel_loop3A_518 = arith.muli %parallel_loop3A_512, %parallel_loop3A_517 : i32
        %parallel_loop3A_519 = vector.broadcast %parallel_loop3A_518 : i32 to vector<16xi32>
        %parallel_loop3A_520 = arith.addi %iota3A, %parallel_loop3A_519 : vector<16xi32>
        %parallel_loop3A_521 = arith.addi %parallel_loop3A_516, %broadcast_in_dim3A_169 : vector<16xi32>
        %parallel_loop3A_522 = tpu.vector_load_idx %arg10[%parallel_loop3A_520, %parallel_loop3A_521] : memref<128x128xf32, #tpu.memory_space<vmem>>[vector<16xi32>, vector<16xi32>], vector<16xf32>,
        %parallel_loop3A_523 = arith.constant 16 : i32
        %parallel_loop3A_524 = arith.muli %parallel_loop3A_512, %parallel_loop3A_523 : i32
        %parallel_loop3A_525 = arith.constant 19 : i32
        %parallel_loop3A_526 = arith.index_cast %parallel_loop3A_525 : i32 to index
        %parallel_loop3A_527 = arith.index_cast %parallel_loop3A_524 : i32 to index
        %parallel_loop3A_528 = tpu.vector_load %arg12[%parallel_loop3A_526, %parallel_loop3A_527] {strides = array<i32>} : memref<32x128xf32, #tpu.memory_space<vmem>>, vector<16xf32>,
        tpu.vector_store %arg12[%parallel_loop3A_526, %parallel_loop3A_527], %parallel_loop3A_522 {strides = array<i32>} : memref<32x128xf32, #tpu.memory_space<vmem>>, vector<16xf32>,
      } {sc.loop_unroll_factor = 8 : i64, sc.parallel_access}
      %broadcast_in_dim3A_173 = arith.constant 20 : i32
      %broadcast_in_dim3A_174 = vector.broadcast %broadcast_in_dim3A_173 : i32 to vector<16xi32>
      %parallel_loop3A_175 = arith.constant 0 : i32
      %parallel_loop3A_176 = arith.constant 8 : i32
      %parallel_loop3A_177 = arith.constant 1 : i32
      scf.for %parallel_loop3A_512 = %parallel_loop3A_175 to %parallel_loop3A_176 step %parallel_loop3A_177  : i32 {
        %parallel_loop3A_513 = arith.constant 16 : i32
        %parallel_loop3A_514 = arith.muli %parallel_loop3A_512, %parallel_loop3A_513 : i32
        %parallel_loop3A_515 = arith.index_cast %parallel_loop3A_514 : i32 to index
        %parallel_loop3A_516 = tpu.vector_load %arg8[%parallel_loop3A_515] {strides = array<i32>} : memref<128xi32, #tpu.memory_space<vmem>>, vector<16xi32>,
        %parallel_loop3A_517 = arith.constant 16 : i32
        %parallel_loop3A_518 = arith.muli %parallel_loop3A_512, %parallel_loop3A_517 : i32
        %parallel_loop3A_519 = vector.broadcast %parallel_loop3A_518 : i32 to vector<16xi32>
        %parallel_loop3A_520 = arith.addi %iota3A, %parallel_loop3A_519 : vector<16xi32>
        %parallel_loop3A_521 = arith.addi %parallel_loop3A_516, %broadcast_in_dim3A_174 : vector<16xi32>
        %parallel_loop3A_522 = tpu.vector_load_idx %arg10[%parallel_loop3A_520, %parallel_loop3A_521] : memref<128x128xf32, #tpu.memory_space<vmem>>[vector<16xi32>, vector<16xi32>], vector<16xf32>,
        %parallel_loop3A_523 = arith.constant 16 : i32
        %parallel_loop3A_524 = arith.muli %parallel_loop3A_512, %parallel_loop3A_523 : i32
        %parallel_loop3A_525 = arith.constant 20 : i32
        %parallel_loop3A_526 = arith.index_cast %parallel_loop3A_525 : i32 to index
        %parallel_loop3A_527 = arith.index_cast %parallel_loop3A_524 : i32 to index
        %parallel_loop3A_528 = tpu.vector_load %arg12[%parallel_loop3A_526, %parallel_loop3A_527] {strides = array<i32>} : memref<32x128xf32, #tpu.memory_space<vmem>>, vector<16xf32>,
        tpu.vector_store %arg12[%parallel_loop3A_526, %parallel_loop3A_527], %parallel_loop3A_522 {strides = array<i32>} : memref<32x128xf32, #tpu.memory_space<vmem>>, vector<16xf32>,
      } {sc.loop_unroll_factor = 8 : i64, sc.parallel_access}
      %broadcast_in_dim3A_178 = arith.constant 21 : i32
      %broadcast_in_dim3A_179 = vector.broadcast %broadcast_in_dim3A_178 : i32 to vector<16xi32>
      %parallel_loop3A_180 = arith.constant 0 : i32
      %parallel_loop3A_181 = arith.constant 8 : i32
      %parallel_loop3A_182 = arith.constant 1 : i32
      scf.for %parallel_loop3A_512 = %parallel_loop3A_180 to %parallel_loop3A_181 step %parallel_loop3A_182  : i32 {
        %parallel_loop3A_513 = arith.constant 16 : i32
        %parallel_loop3A_514 = arith.muli %parallel_loop3A_512, %parallel_loop3A_513 : i32
        %parallel_loop3A_515 = arith.index_cast %parallel_loop3A_514 : i32 to index
        %parallel_loop3A_516 = tpu.vector_load %arg8[%parallel_loop3A_515] {strides = array<i32>} : memref<128xi32, #tpu.memory_space<vmem>>, vector<16xi32>,
        %parallel_loop3A_517 = arith.constant 16 : i32
        %parallel_loop3A_518 = arith.muli %parallel_loop3A_512, %parallel_loop3A_517 : i32
        %parallel_loop3A_519 = vector.broadcast %parallel_loop3A_518 : i32 to vector<16xi32>
        %parallel_loop3A_520 = arith.addi %iota3A, %parallel_loop3A_519 : vector<16xi32>
        %parallel_loop3A_521 = arith.addi %parallel_loop3A_516, %broadcast_in_dim3A_179 : vector<16xi32>
        %parallel_loop3A_522 = tpu.vector_load_idx %arg10[%parallel_loop3A_520, %parallel_loop3A_521] : memref<128x128xf32, #tpu.memory_space<vmem>>[vector<16xi32>, vector<16xi32>], vector<16xf32>,
        %parallel_loop3A_523 = arith.constant 16 : i32
        %parallel_loop3A_524 = arith.muli %parallel_loop3A_512, %parallel_loop3A_523 : i32
        %parallel_loop3A_525 = arith.constant 21 : i32
        %parallel_loop3A_526 = arith.index_cast %parallel_loop3A_525 : i32 to index
        %parallel_loop3A_527 = arith.index_cast %parallel_loop3A_524 : i32 to index
        %parallel_loop3A_528 = tpu.vector_load %arg12[%parallel_loop3A_526, %parallel_loop3A_527] {strides = array<i32>} : memref<32x128xf32, #tpu.memory_space<vmem>>, vector<16xf32>,
        tpu.vector_store %arg12[%parallel_loop3A_526, %parallel_loop3A_527], %parallel_loop3A_522 {strides = array<i32>} : memref<32x128xf32, #tpu.memory_space<vmem>>, vector<16xf32>,
      } {sc.loop_unroll_factor = 8 : i64, sc.parallel_access}
      %broadcast_in_dim3A_183 = arith.constant 22 : i32
      %broadcast_in_dim3A_184 = vector.broadcast %broadcast_in_dim3A_183 : i32 to vector<16xi32>
      %parallel_loop3A_185 = arith.constant 0 : i32
      %parallel_loop3A_186 = arith.constant 8 : i32
      %parallel_loop3A_187 = arith.constant 1 : i32
      scf.for %parallel_loop3A_512 = %parallel_loop3A_185 to %parallel_loop3A_186 step %parallel_loop3A_187  : i32 {
        %parallel_loop3A_513 = arith.constant 16 : i32
        %parallel_loop3A_514 = arith.muli %parallel_loop3A_512, %parallel_loop3A_513 : i32
        %parallel_loop3A_515 = arith.index_cast %parallel_loop3A_514 : i32 to index
        %parallel_loop3A_516 = tpu.vector_load %arg8[%parallel_loop3A_515] {strides = array<i32>} : memref<128xi32, #tpu.memory_space<vmem>>, vector<16xi32>,
        %parallel_loop3A_517 = arith.constant 16 : i32
        %parallel_loop3A_518 = arith.muli %parallel_loop3A_512, %parallel_loop3A_517 : i32
        %parallel_loop3A_519 = vector.broadcast %parallel_loop3A_518 : i32 to vector<16xi32>
        %parallel_loop3A_520 = arith.addi %iota3A, %parallel_loop3A_519 : vector<16xi32>
        %parallel_loop3A_521 = arith.addi %parallel_loop3A_516, %broadcast_in_dim3A_184 : vector<16xi32>
        %parallel_loop3A_522 = tpu.vector_load_idx %arg10[%parallel_loop3A_520, %parallel_loop3A_521] : memref<128x128xf32, #tpu.memory_space<vmem>>[vector<16xi32>, vector<16xi32>], vector<16xf32>,
        %parallel_loop3A_523 = arith.constant 16 : i32
        %parallel_loop3A_524 = arith.muli %parallel_loop3A_512, %parallel_loop3A_523 : i32
        %parallel_loop3A_525 = arith.constant 22 : i32
        %parallel_loop3A_526 = arith.index_cast %parallel_loop3A_525 : i32 to index
        %parallel_loop3A_527 = arith.index_cast %parallel_loop3A_524 : i32 to index
        %parallel_loop3A_528 = tpu.vector_load %arg12[%parallel_loop3A_526, %parallel_loop3A_527] {strides = array<i32>} : memref<32x128xf32, #tpu.memory_space<vmem>>, vector<16xf32>,
        tpu.vector_store %arg12[%parallel_loop3A_526, %parallel_loop3A_527], %parallel_loop3A_522 {strides = array<i32>} : memref<32x128xf32, #tpu.memory_space<vmem>>, vector<16xf32>,
      } {sc.loop_unroll_factor = 8 : i64, sc.parallel_access}
      %broadcast_in_dim3A_188 = arith.constant 23 : i32
      %broadcast_in_dim3A_189 = vector.broadcast %broadcast_in_dim3A_188 : i32 to vector<16xi32>
      %parallel_loop3A_190 = arith.constant 0 : i32
      %parallel_loop3A_191 = arith.constant 8 : i32
      %parallel_loop3A_192 = arith.constant 1 : i32
      scf.for %parallel_loop3A_512 = %parallel_loop3A_190 to %parallel_loop3A_191 step %parallel_loop3A_192  : i32 {
        %parallel_loop3A_513 = arith.constant 16 : i32
        %parallel_loop3A_514 = arith.muli %parallel_loop3A_512, %parallel_loop3A_513 : i32
        %parallel_loop3A_515 = arith.index_cast %parallel_loop3A_514 : i32 to index
        %parallel_loop3A_516 = tpu.vector_load %arg8[%parallel_loop3A_515] {strides = array<i32>} : memref<128xi32, #tpu.memory_space<vmem>>, vector<16xi32>,
        %parallel_loop3A_517 = arith.constant 16 : i32
        %parallel_loop3A_518 = arith.muli %parallel_loop3A_512, %parallel_loop3A_517 : i32
        %parallel_loop3A_519 = vector.broadcast %parallel_loop3A_518 : i32 to vector<16xi32>
        %parallel_loop3A_520 = arith.addi %iota3A, %parallel_loop3A_519 : vector<16xi32>
        %parallel_loop3A_521 = arith.addi %parallel_loop3A_516, %broadcast_in_dim3A_189 : vector<16xi32>
        %parallel_loop3A_522 = tpu.vector_load_idx %arg10[%parallel_loop3A_520, %parallel_loop3A_521] : memref<128x128xf32, #tpu.memory_space<vmem>>[vector<16xi32>, vector<16xi32>], vector<16xf32>,
        %parallel_loop3A_523 = arith.constant 16 : i32
        %parallel_loop3A_524 = arith.muli %parallel_loop3A_512, %parallel_loop3A_523 : i32
        %parallel_loop3A_525 = arith.constant 23 : i32
        %parallel_loop3A_526 = arith.index_cast %parallel_loop3A_525 : i32 to index
        %parallel_loop3A_527 = arith.index_cast %parallel_loop3A_524 : i32 to index
        %parallel_loop3A_528 = tpu.vector_load %arg12[%parallel_loop3A_526, %parallel_loop3A_527] {strides = array<i32>} : memref<32x128xf32, #tpu.memory_space<vmem>>, vector<16xf32>,
        tpu.vector_store %arg12[%parallel_loop3A_526, %parallel_loop3A_527], %parallel_loop3A_522 {strides = array<i32>} : memref<32x128xf32, #tpu.memory_space<vmem>>, vector<16xf32>,
      } {sc.loop_unroll_factor = 8 : i64, sc.parallel_access}
      %broadcast_in_dim3A_193 = arith.constant 24 : i32
      %broadcast_in_dim3A_194 = vector.broadcast %broadcast_in_dim3A_193 : i32 to vector<16xi32>
      %parallel_loop3A_195 = arith.constant 0 : i32
      %parallel_loop3A_196 = arith.constant 8 : i32
      %parallel_loop3A_197 = arith.constant 1 : i32
      scf.for %parallel_loop3A_512 = %parallel_loop3A_195 to %parallel_loop3A_196 step %parallel_loop3A_197  : i32 {
        %parallel_loop3A_513 = arith.constant 16 : i32
        %parallel_loop3A_514 = arith.muli %parallel_loop3A_512, %parallel_loop3A_513 : i32
        %parallel_loop3A_515 = arith.index_cast %parallel_loop3A_514 : i32 to index
        %parallel_loop3A_516 = tpu.vector_load %arg8[%parallel_loop3A_515] {strides = array<i32>} : memref<128xi32, #tpu.memory_space<vmem>>, vector<16xi32>,
        %parallel_loop3A_517 = arith.constant 16 : i32
        %parallel_loop3A_518 = arith.muli %parallel_loop3A_512, %parallel_loop3A_517 : i32
        %parallel_loop3A_519 = vector.broadcast %parallel_loop3A_518 : i32 to vector<16xi32>
        %parallel_loop3A_520 = arith.addi %iota3A, %parallel_loop3A_519 : vector<16xi32>
        %parallel_loop3A_521 = arith.addi %parallel_loop3A_516, %broadcast_in_dim3A_194 : vector<16xi32>
        %parallel_loop3A_522 = tpu.vector_load_idx %arg10[%parallel_loop3A_520, %parallel_loop3A_521] : memref<128x128xf32, #tpu.memory_space<vmem>>[vector<16xi32>, vector<16xi32>], vector<16xf32>,
        %parallel_loop3A_523 = arith.constant 16 : i32
        %parallel_loop3A_524 = arith.muli %parallel_loop3A_512, %parallel_loop3A_523 : i32
        %parallel_loop3A_525 = arith.constant 24 : i32
        %parallel_loop3A_526 = arith.index_cast %parallel_loop3A_525 : i32 to index
        %parallel_loop3A_527 = arith.index_cast %parallel_loop3A_524 : i32 to index
        %parallel_loop3A_528 = tpu.vector_load %arg12[%parallel_loop3A_526, %parallel_loop3A_527] {strides = array<i32>} : memref<32x128xf32, #tpu.memory_space<vmem>>, vector<16xf32>,
        tpu.vector_store %arg12[%parallel_loop3A_526, %parallel_loop3A_527], %parallel_loop3A_522 {strides = array<i32>} : memref<32x128xf32, #tpu.memory_space<vmem>>, vector<16xf32>,
      } {sc.loop_unroll_factor = 8 : i64, sc.parallel_access}
      %broadcast_in_dim3A_198 = arith.constant 25 : i32
      %broadcast_in_dim3A_199 = vector.broadcast %broadcast_in_dim3A_198 : i32 to vector<16xi32>
      %parallel_loop3A_200 = arith.constant 0 : i32
      %parallel_loop3A_201 = arith.constant 8 : i32
      %parallel_loop3A_202 = arith.constant 1 : i32
      scf.for %parallel_loop3A_512 = %parallel_loop3A_200 to %parallel_loop3A_201 step %parallel_loop3A_202  : i32 {
        %parallel_loop3A_513 = arith.constant 16 : i32
        %parallel_loop3A_514 = arith.muli %parallel_loop3A_512, %parallel_loop3A_513 : i32
        %parallel_loop3A_515 = arith.index_cast %parallel_loop3A_514 : i32 to index
        %parallel_loop3A_516 = tpu.vector_load %arg8[%parallel_loop3A_515] {strides = array<i32>} : memref<128xi32, #tpu.memory_space<vmem>>, vector<16xi32>,
        %parallel_loop3A_517 = arith.constant 16 : i32
        %parallel_loop3A_518 = arith.muli %parallel_loop3A_512, %parallel_loop3A_517 : i32
        %parallel_loop3A_519 = vector.broadcast %parallel_loop3A_518 : i32 to vector<16xi32>
        %parallel_loop3A_520 = arith.addi %iota3A, %parallel_loop3A_519 : vector<16xi32>
        %parallel_loop3A_521 = arith.addi %parallel_loop3A_516, %broadcast_in_dim3A_199 : vector<16xi32>
        %parallel_loop3A_522 = tpu.vector_load_idx %arg10[%parallel_loop3A_520, %parallel_loop3A_521] : memref<128x128xf32, #tpu.memory_space<vmem>>[vector<16xi32>, vector<16xi32>], vector<16xf32>,
        %parallel_loop3A_523 = arith.constant 16 : i32
        %parallel_loop3A_524 = arith.muli %parallel_loop3A_512, %parallel_loop3A_523 : i32
        %parallel_loop3A_525 = arith.constant 25 : i32
        %parallel_loop3A_526 = arith.index_cast %parallel_loop3A_525 : i32 to index
        %parallel_loop3A_527 = arith.index_cast %parallel_loop3A_524 : i32 to index
        %parallel_loop3A_528 = tpu.vector_load %arg12[%parallel_loop3A_526, %parallel_loop3A_527] {strides = array<i32>} : memref<32x128xf32, #tpu.memory_space<vmem>>, vector<16xf32>,
        tpu.vector_store %arg12[%parallel_loop3A_526, %parallel_loop3A_527], %parallel_loop3A_522 {strides = array<i32>} : memref<32x128xf32, #tpu.memory_space<vmem>>, vector<16xf32>,
      } {sc.loop_unroll_factor = 8 : i64, sc.parallel_access}
      %broadcast_in_dim3A_203 = arith.constant 26 : i32
      %broadcast_in_dim3A_204 = vector.broadcast %broadcast_in_dim3A_203 : i32 to vector<16xi32>
      %parallel_loop3A_205 = arith.constant 0 : i32
      %parallel_loop3A_206 = arith.constant 8 : i32
      %parallel_loop3A_207 = arith.constant 1 : i32
      scf.for %parallel_loop3A_512 = %parallel_loop3A_205 to %parallel_loop3A_206 step %parallel_loop3A_207  : i32 {
        %parallel_loop3A_513 = arith.constant 16 : i32
        %parallel_loop3A_514 = arith.muli %parallel_loop3A_512, %parallel_loop3A_513 : i32
        %parallel_loop3A_515 = arith.index_cast %parallel_loop3A_514 : i32 to index
        %parallel_loop3A_516 = tpu.vector_load %arg8[%parallel_loop3A_515] {strides = array<i32>} : memref<128xi32, #tpu.memory_space<vmem>>, vector<16xi32>,
        %parallel_loop3A_517 = arith.constant 16 : i32
        %parallel_loop3A_518 = arith.muli %parallel_loop3A_512, %parallel_loop3A_517 : i32
        %parallel_loop3A_519 = vector.broadcast %parallel_loop3A_518 : i32 to vector<16xi32>
        %parallel_loop3A_520 = arith.addi %iota3A, %parallel_loop3A_519 : vector<16xi32>
        %parallel_loop3A_521 = arith.addi %parallel_loop3A_516, %broadcast_in_dim3A_204 : vector<16xi32>
        %parallel_loop3A_522 = tpu.vector_load_idx %arg10[%parallel_loop3A_520, %parallel_loop3A_521] : memref<128x128xf32, #tpu.memory_space<vmem>>[vector<16xi32>, vector<16xi32>], vector<16xf32>,
        %parallel_loop3A_523 = arith.constant 16 : i32
        %parallel_loop3A_524 = arith.muli %parallel_loop3A_512, %parallel_loop3A_523 : i32
        %parallel_loop3A_525 = arith.constant 26 : i32
        %parallel_loop3A_526 = arith.index_cast %parallel_loop3A_525 : i32 to index
        %parallel_loop3A_527 = arith.index_cast %parallel_loop3A_524 : i32 to index
        %parallel_loop3A_528 = tpu.vector_load %arg12[%parallel_loop3A_526, %parallel_loop3A_527] {strides = array<i32>} : memref<32x128xf32, #tpu.memory_space<vmem>>, vector<16xf32>,
        tpu.vector_store %arg12[%parallel_loop3A_526, %parallel_loop3A_527], %parallel_loop3A_522 {strides = array<i32>} : memref<32x128xf32, #tpu.memory_space<vmem>>, vector<16xf32>,
      } {sc.loop_unroll_factor = 8 : i64, sc.parallel_access}
      %broadcast_in_dim3A_208 = arith.constant 27 : i32
      %broadcast_in_dim3A_209 = vector.broadcast %broadcast_in_dim3A_208 : i32 to vector<16xi32>
      %parallel_loop3A_210 = arith.constant 0 : i32
      %parallel_loop3A_211 = arith.constant 8 : i32
      %parallel_loop3A_212 = arith.constant 1 : i32
      scf.for %parallel_loop3A_512 = %parallel_loop3A_210 to %parallel_loop3A_211 step %parallel_loop3A_212  : i32 {
        %parallel_loop3A_513 = arith.constant 16 : i32
        %parallel_loop3A_514 = arith.muli %parallel_loop3A_512, %parallel_loop3A_513 : i32
        %parallel_loop3A_515 = arith.index_cast %parallel_loop3A_514 : i32 to index
        %parallel_loop3A_516 = tpu.vector_load %arg8[%parallel_loop3A_515] {strides = array<i32>} : memref<128xi32, #tpu.memory_space<vmem>>, vector<16xi32>,
        %parallel_loop3A_517 = arith.constant 16 : i32
        %parallel_loop3A_518 = arith.muli %parallel_loop3A_512, %parallel_loop3A_517 : i32
        %parallel_loop3A_519 = vector.broadcast %parallel_loop3A_518 : i32 to vector<16xi32>
        %parallel_loop3A_520 = arith.addi %iota3A, %parallel_loop3A_519 : vector<16xi32>
        %parallel_loop3A_521 = arith.addi %parallel_loop3A_516, %broadcast_in_dim3A_209 : vector<16xi32>
        %parallel_loop3A_522 = tpu.vector_load_idx %arg10[%parallel_loop3A_520, %parallel_loop3A_521] : memref<128x128xf32, #tpu.memory_space<vmem>>[vector<16xi32>, vector<16xi32>], vector<16xf32>,
        %parallel_loop3A_523 = arith.constant 16 : i32
        %parallel_loop3A_524 = arith.muli %parallel_loop3A_512, %parallel_loop3A_523 : i32
        %parallel_loop3A_525 = arith.constant 27 : i32
        %parallel_loop3A_526 = arith.index_cast %parallel_loop3A_525 : i32 to index
        %parallel_loop3A_527 = arith.index_cast %parallel_loop3A_524 : i32 to index
        %parallel_loop3A_528 = tpu.vector_load %arg12[%parallel_loop3A_526, %parallel_loop3A_527] {strides = array<i32>} : memref<32x128xf32, #tpu.memory_space<vmem>>, vector<16xf32>,
        tpu.vector_store %arg12[%parallel_loop3A_526, %parallel_loop3A_527], %parallel_loop3A_522 {strides = array<i32>} : memref<32x128xf32, #tpu.memory_space<vmem>>, vector<16xf32>,
      } {sc.loop_unroll_factor = 8 : i64, sc.parallel_access}
      %broadcast_in_dim3A_213 = arith.constant 28 : i32
      %broadcast_in_dim3A_214 = vector.broadcast %broadcast_in_dim3A_213 : i32 to vector<16xi32>
      %parallel_loop3A_215 = arith.constant 0 : i32
      %parallel_loop3A_216 = arith.constant 8 : i32
      %parallel_loop3A_217 = arith.constant 1 : i32
      scf.for %parallel_loop3A_512 = %parallel_loop3A_215 to %parallel_loop3A_216 step %parallel_loop3A_217  : i32 {
        %parallel_loop3A_513 = arith.constant 16 : i32
        %parallel_loop3A_514 = arith.muli %parallel_loop3A_512, %parallel_loop3A_513 : i32
        %parallel_loop3A_515 = arith.index_cast %parallel_loop3A_514 : i32 to index
        %parallel_loop3A_516 = tpu.vector_load %arg8[%parallel_loop3A_515] {strides = array<i32>} : memref<128xi32, #tpu.memory_space<vmem>>, vector<16xi32>,
        %parallel_loop3A_517 = arith.constant 16 : i32
        %parallel_loop3A_518 = arith.muli %parallel_loop3A_512, %parallel_loop3A_517 : i32
        %parallel_loop3A_519 = vector.broadcast %parallel_loop3A_518 : i32 to vector<16xi32>
        %parallel_loop3A_520 = arith.addi %iota3A, %parallel_loop3A_519 : vector<16xi32>
        %parallel_loop3A_521 = arith.addi %parallel_loop3A_516, %broadcast_in_dim3A_214 : vector<16xi32>
        %parallel_loop3A_522 = tpu.vector_load_idx %arg10[%parallel_loop3A_520, %parallel_loop3A_521] : memref<128x128xf32, #tpu.memory_space<vmem>>[vector<16xi32>, vector<16xi32>], vector<16xf32>,
        %parallel_loop3A_523 = arith.constant 16 : i32
        %parallel_loop3A_524 = arith.muli %parallel_loop3A_512, %parallel_loop3A_523 : i32
        %parallel_loop3A_525 = arith.constant 28 : i32
        %parallel_loop3A_526 = arith.index_cast %parallel_loop3A_525 : i32 to index
        %parallel_loop3A_527 = arith.index_cast %parallel_loop3A_524 : i32 to index
        %parallel_loop3A_528 = tpu.vector_load %arg12[%parallel_loop3A_526, %parallel_loop3A_527] {strides = array<i32>} : memref<32x128xf32, #tpu.memory_space<vmem>>, vector<16xf32>,
        tpu.vector_store %arg12[%parallel_loop3A_526, %parallel_loop3A_527], %parallel_loop3A_522 {strides = array<i32>} : memref<32x128xf32, #tpu.memory_space<vmem>>, vector<16xf32>,
      } {sc.loop_unroll_factor = 8 : i64, sc.parallel_access}
      %broadcast_in_dim3A_218 = arith.constant 29 : i32
      %broadcast_in_dim3A_219 = vector.broadcast %broadcast_in_dim3A_218 : i32 to vector<16xi32>
      %parallel_loop3A_220 = arith.constant 0 : i32
      %parallel_loop3A_221 = arith.constant 8 : i32
      %parallel_loop3A_222 = arith.constant 1 : i32
      scf.for %parallel_loop3A_512 = %parallel_loop3A_220 to %parallel_loop3A_221 step %parallel_loop3A_222  : i32 {
        %parallel_loop3A_513 = arith.constant 16 : i32
        %parallel_loop3A_514 = arith.muli %parallel_loop3A_512, %parallel_loop3A_513 : i32
        %parallel_loop3A_515 = arith.index_cast %parallel_loop3A_514 : i32 to index
        %parallel_loop3A_516 = tpu.vector_load %arg8[%parallel_loop3A_515] {strides = array<i32>} : memref<128xi32, #tpu.memory_space<vmem>>, vector<16xi32>,
        %parallel_loop3A_517 = arith.constant 16 : i32
        %parallel_loop3A_518 = arith.muli %parallel_loop3A_512, %parallel_loop3A_517 : i32
        %parallel_loop3A_519 = vector.broadcast %parallel_loop3A_518 : i32 to vector<16xi32>
        %parallel_loop3A_520 = arith.addi %iota3A, %parallel_loop3A_519 : vector<16xi32>
        %parallel_loop3A_521 = arith.addi %parallel_loop3A_516, %broadcast_in_dim3A_219 : vector<16xi32>
        %parallel_loop3A_522 = tpu.vector_load_idx %arg10[%parallel_loop3A_520, %parallel_loop3A_521] : memref<128x128xf32, #tpu.memory_space<vmem>>[vector<16xi32>, vector<16xi32>], vector<16xf32>,
        %parallel_loop3A_523 = arith.constant 16 : i32
        %parallel_loop3A_524 = arith.muli %parallel_loop3A_512, %parallel_loop3A_523 : i32
        %parallel_loop3A_525 = arith.constant 29 : i32
        %parallel_loop3A_526 = arith.index_cast %parallel_loop3A_525 : i32 to index
        %parallel_loop3A_527 = arith.index_cast %parallel_loop3A_524 : i32 to index
        %parallel_loop3A_528 = tpu.vector_load %arg12[%parallel_loop3A_526, %parallel_loop3A_527] {strides = array<i32>} : memref<32x128xf32, #tpu.memory_space<vmem>>, vector<16xf32>,
        tpu.vector_store %arg12[%parallel_loop3A_526, %parallel_loop3A_527], %parallel_loop3A_522 {strides = array<i32>} : memref<32x128xf32, #tpu.memory_space<vmem>>, vector<16xf32>,
      } {sc.loop_unroll_factor = 8 : i64, sc.parallel_access}
      %broadcast_in_dim3A_223 = arith.constant 30 : i32
      %broadcast_in_dim3A_224 = vector.broadcast %broadcast_in_dim3A_223 : i32 to vector<16xi32>
      %parallel_loop3A_225 = arith.constant 0 : i32
      %parallel_loop3A_226 = arith.constant 8 : i32
      %parallel_loop3A_227 = arith.constant 1 : i32
      scf.for %parallel_loop3A_512 = %parallel_loop3A_225 to %parallel_loop3A_226 step %parallel_loop3A_227  : i32 {
        %parallel_loop3A_513 = arith.constant 16 : i32
        %parallel_loop3A_514 = arith.muli %parallel_loop3A_512, %parallel_loop3A_513 : i32
        %parallel_loop3A_515 = arith.index_cast %parallel_loop3A_514 : i32 to index
        %parallel_loop3A_516 = tpu.vector_load %arg8[%parallel_loop3A_515] {strides = array<i32>} : memref<128xi32, #tpu.memory_space<vmem>>, vector<16xi32>,
        %parallel_loop3A_517 = arith.constant 16 : i32
        %parallel_loop3A_518 = arith.muli %parallel_loop3A_512, %parallel_loop3A_517 : i32
        %parallel_loop3A_519 = vector.broadcast %parallel_loop3A_518 : i32 to vector<16xi32>
        %parallel_loop3A_520 = arith.addi %iota3A, %parallel_loop3A_519 : vector<16xi32>
        %parallel_loop3A_521 = arith.addi %parallel_loop3A_516, %broadcast_in_dim3A_224 : vector<16xi32>
        %parallel_loop3A_522 = tpu.vector_load_idx %arg10[%parallel_loop3A_520, %parallel_loop3A_521] : memref<128x128xf32, #tpu.memory_space<vmem>>[vector<16xi32>, vector<16xi32>], vector<16xf32>,
        %parallel_loop3A_523 = arith.constant 16 : i32
        %parallel_loop3A_524 = arith.muli %parallel_loop3A_512, %parallel_loop3A_523 : i32
        %parallel_loop3A_525 = arith.constant 30 : i32
        %parallel_loop3A_526 = arith.index_cast %parallel_loop3A_525 : i32 to index
        %parallel_loop3A_527 = arith.index_cast %parallel_loop3A_524 : i32 to index
        %parallel_loop3A_528 = tpu.vector_load %arg12[%parallel_loop3A_526, %parallel_loop3A_527] {strides = array<i32>} : memref<32x128xf32, #tpu.memory_space<vmem>>, vector<16xf32>,
        tpu.vector_store %arg12[%parallel_loop3A_526, %parallel_loop3A_527], %parallel_loop3A_522 {strides = array<i32>} : memref<32x128xf32, #tpu.memory_space<vmem>>, vector<16xf32>,
      } {sc.loop_unroll_factor = 8 : i64, sc.parallel_access}
      %broadcast_in_dim3A_228 = arith.constant 31 : i32
      %broadcast_in_dim3A_229 = vector.broadcast %broadcast_in_dim3A_228 : i32 to vector<16xi32>
      %parallel_loop3A_230 = arith.constant 0 : i32
      %parallel_loop3A_231 = arith.constant 8 : i32
      %parallel_loop3A_232 = arith.constant 1 : i32
      scf.for %parallel_loop3A_512 = %parallel_loop3A_230 to %parallel_loop3A_231 step %parallel_loop3A_232  : i32 {
        %parallel_loop3A_513 = arith.constant 16 : i32
        %parallel_loop3A_514 = arith.muli %parallel_loop3A_512, %parallel_loop3A_513 : i32
        %parallel_loop3A_515 = arith.index_cast %parallel_loop3A_514 : i32 to index
        %parallel_loop3A_516 = tpu.vector_load %arg8[%parallel_loop3A_515] {strides = array<i32>} : memref<128xi32, #tpu.memory_space<vmem>>, vector<16xi32>,
        %parallel_loop3A_517 = arith.constant 16 : i32
        %parallel_loop3A_518 = arith.muli %parallel_loop3A_512, %parallel_loop3A_517 : i32
        %parallel_loop3A_519 = vector.broadcast %parallel_loop3A_518 : i32 to vector<16xi32>
        %parallel_loop3A_520 = arith.addi %iota3A, %parallel_loop3A_519 : vector<16xi32>
        %parallel_loop3A_521 = arith.addi %parallel_loop3A_516, %broadcast_in_dim3A_229 : vector<16xi32>
        %parallel_loop3A_522 = tpu.vector_load_idx %arg10[%parallel_loop3A_520, %parallel_loop3A_521] : memref<128x128xf32, #tpu.memory_space<vmem>>[vector<16xi32>, vector<16xi32>], vector<16xf32>,
        %parallel_loop3A_523 = arith.constant 16 : i32
        %parallel_loop3A_524 = arith.muli %parallel_loop3A_512, %parallel_loop3A_523 : i32
        %parallel_loop3A_525 = arith.constant 31 : i32
        %parallel_loop3A_526 = arith.index_cast %parallel_loop3A_525 : i32 to index
        %parallel_loop3A_527 = arith.index_cast %parallel_loop3A_524 : i32 to index
        %parallel_loop3A_528 = tpu.vector_load %arg12[%parallel_loop3A_526, %parallel_loop3A_527] {strides = array<i32>} : memref<32x128xf32, #tpu.memory_space<vmem>>, vector<16xf32>,
        tpu.vector_store %arg12[%parallel_loop3A_526, %parallel_loop3A_527], %parallel_loop3A_522 {strides = array<i32>} : memref<32x128xf32, #tpu.memory_space<vmem>>, vector<16xf32>,
      } {sc.loop_unroll_factor = 8 : i64, sc.parallel_access}
      %lt3A = arith.constant 200 : i32
      %lt3A_233 = arith.cmpi slt, %add3A_65, %lt3A : i32
      %convert_element_type3A_234 = arith.extui %lt3A_233 : i1 to i32
      %cond3A_235 = arith.constant 0 : i32
      %cond3A_236 = arith.cmpi ne, %convert_element_type3A_234, %cond3A_235 : i32
      scf.if %cond3A_236 {
        %jit3A_512 = arith.constant 4 : i32
        %div3A_513 = arith.divsi %add3A_65, %jit3A_512 : i32
        %sign3A_514 = arith.constant 0 : i32
        %sign3A_515 = arith.cmpi sgt, %add3A_65, %sign3A_514 : i32
        %sign3A_516 = arith.extui %sign3A_515 : i1 to i32
        %sign3A_517 = arith.constant 0 : i32
        %sign3A_518 = arith.cmpi slt, %add3A_65, %sign3A_517 : i32
        %sign3A_519 = arith.extui %sign3A_518 : i1 to i32
        %sign3A_520 = arith.subi %sign3A_516, %sign3A_519 : i32
        %sign3A_521 = arith.constant 0 : i32
        %sign3A_522 = arith.cmpi sgt, %jit3A_512, %sign3A_521 : i32
        %sign3A_523 = arith.extui %sign3A_522 : i1 to i32
        %sign3A_524 = arith.constant 0 : i32
        %sign3A_525 = arith.cmpi slt, %jit3A_512, %sign3A_524 : i32
        %sign3A_526 = arith.extui %sign3A_525 : i1 to i32
        %sign3A_527 = arith.subi %sign3A_523, %sign3A_526 : i32
        %ne3A_528 = arith.cmpi ne, %sign3A_520, %sign3A_527 : i32
        %rem3A_529 = arith.remsi %add3A_65, %jit3A_512 : i32
        %ne3A_530 = arith.constant 0 : i32
        %ne3A_531 = arith.cmpi ne, %rem3A_529, %ne3A_530 : i32
        %and3A_532 = arith.andi %ne3A_528, %ne3A_531 : i1
        %sub3A_533 = arith.constant 1 : i32
        %sub3A_534 = arith.subi %div3A_513, %sub3A_533 : i32
        %select_n3A_535 = arith.select %and3A_532, %sub3A_534, %div3A_513 : i32
        %jit3A_536 = arith.constant 4 : i32
        %eq3A_537 = arith.constant 0 : i32
        %eq3A_538 = arith.cmpi eq, %jit3A_536, %eq3A_537 : i32
        %jit3A_539 = arith.constant 1 : i32
        %select_n3A_540 = arith.select %eq3A_538, %jit3A_539, %jit3A_536 : i32
        %rem3A_541 = arith.remsi %add3A_65, %select_n3A_540 : i32
        %ne3A_542 = arith.constant 0 : i32
        %ne3A_543 = arith.cmpi ne, %rem3A_541, %ne3A_542 : i32
        %lt3A_544 = arith.constant 0 : i32
        %lt3A_545 = arith.cmpi slt, %rem3A_541, %lt3A_544 : i32
        %lt3A_546 = arith.constant 0 : i32
        %lt3A_547 = arith.cmpi slt, %select_n3A_540, %lt3A_546 : i32
        %ne3A_548 = arith.xori %lt3A_545, %lt3A_547 : i1
        %and3A_549 = arith.andi %ne3A_548, %ne3A_543 : i1
        %add3A_550 = arith.addi %rem3A_541, %select_n3A_540 : i32
        %select_n3A_551 = arith.select %and3A_549, %add3A_550, %rem3A_541 : i32
        %parallel_loop3A_552 = arith.constant 0 : i32
        %parallel_loop3A_553 = arith.constant 8 : i32
        %parallel_loop3A_554 = arith.constant 1 : i32
        scf.for %parallel_loop3A_561 = %parallel_loop3A_552 to %parallel_loop3A_553 step %parallel_loop3A_554  : i32 {
          %parallel_loop3A_562 = arith.constant 128 : i32
          %parallel_loop3A_563 = arith.muli %select_n3A_551, %parallel_loop3A_562 : i32
          %parallel_loop3A_564 = arith.constant 16 : i32
          %parallel_loop3A_565 = arith.muli %parallel_loop3A_561, %parallel_loop3A_564 : i32
          %parallel_loop3A_566 = arith.addi %parallel_loop3A_563, %parallel_loop3A_565 : i32
          %parallel_loop3A_567 = arith.constant 50 : i32
          %parallel_loop3A_568 = arith.muli %parallel_loop3A_566, %parallel_loop3A_567 : i32
          %parallel_loop3A_569 = arith.addi %parallel_loop3A_568, %select_n3A_535 : i32
          %parallel_loop3A_570 = vector.broadcast %parallel_loop3A_569 : i32 to vector<16xi32>
          %parallel_loop3A_571 = arith.addi %mul3A_8, %parallel_loop3A_570 : vector<16xi32>
          %parallel_loop3A_572 = tpu.vector_load_idx %arg5[%parallel_loop3A_571] : memref<25600xi32, #tpu.memory_space<vmem>>[vector<16xi32>], vector<16xi32>,
          %parallel_loop3A_573 = arith.constant 2 : i32
          %parallel_loop3A_574 = vector.broadcast %parallel_loop3A_573 : i32 to vector<16xi32>
          %parallel_loop3A_575 = arith.shrui %parallel_loop3A_572, %parallel_loop3A_574 : vector<16xi32>
          %parallel_loop3A_576 = arith.constant 16 : i32
          %parallel_loop3A_577 = arith.muli %parallel_loop3A_561, %parallel_loop3A_576 : i32
          %parallel_loop3A_578 = arith.index_cast %parallel_loop3A_577 : i32 to index
          %parallel_loop3A_579 = tpu.vector_load %arg6[%parallel_loop3A_578] {strides = array<i32>} : memref<128xi32, #tpu.memory_space<vmem>>, vector<16xi32>,
          tpu.vector_store %arg6[%parallel_loop3A_578], %parallel_loop3A_575 {strides = array<i32>} : memref<128xi32, #tpu.memory_space<vmem>>, vector<16xi32>,
          %parallel_loop3A_580 = arith.constant 3 : i32
          %parallel_loop3A_581 = vector.broadcast %parallel_loop3A_580 : i32 to vector<16xi32>
          %parallel_loop3A_582 = arith.andi %parallel_loop3A_572, %parallel_loop3A_581 : vector<16xi32>
          %parallel_loop3A_583 = arith.constant 5 : i32
          %parallel_loop3A_584 = vector.broadcast %parallel_loop3A_583 : i32 to vector<16xi32>
          %parallel_loop3A_585 = arith.shli %parallel_loop3A_582, %parallel_loop3A_584 : vector<16xi32>
          %parallel_loop3A_586 = arith.constant 16 : i32
          %parallel_loop3A_587 = arith.muli %parallel_loop3A_561, %parallel_loop3A_586 : i32
          %parallel_loop3A_588 = arith.index_cast %parallel_loop3A_587 : i32 to index
          %parallel_loop3A_589 = tpu.vector_load %arg8[%parallel_loop3A_588] {strides = array<i32>} : memref<128xi32, #tpu.memory_space<vmem>>, vector<16xi32>,
          tpu.vector_store %arg8[%parallel_loop3A_588], %parallel_loop3A_585 {strides = array<i32>} : memref<128xi32, #tpu.memory_space<vmem>>, vector<16xi32>,
        } {sc.loop_unroll_factor = 8 : i64, sc.parallel_access}
        %dma_start3A_555 = arith.constant 0 : i32
        %dma_start3A_556 = arith.constant 0 : i32
        %dma_start3A_557 = arith.constant 0 : i32
        %dma_start3A_558 = tpu.memref_slice %arg3[%dma_start3A_556, %dma_start3A_557] : memref<250000x128xf32, #tpu.memory_space<hbm>> -> memref<250000x128xf32, #tpu.memory_space<hbm>>
        %dma_start3A_559 = tpu.memref_slice %arg15[%dma_start3A_555] : memref<2x!tpu.dma_semaphore, #tpu.memory_space<semaphore_mem>> -> memref<1x!tpu.dma_semaphore, #tpu.memory_space<semaphore_mem>>
        %dma_start3A_560 = tpu.memref_squeeze %dma_start3A_559 : memref<1x!tpu.dma_semaphore, #tpu.memory_space<semaphore_mem>> -> memref<!tpu.dma_semaphore, #tpu.memory_space<semaphore_mem>>
        tpu.enqueue_indirect_dma source(%dma_start3A_558 : memref<250000x128xf32, #tpu.memory_space<hbm>>) target(%arg10 : memref<128x128xf32, #tpu.memory_space<vmem>>) offsets(%arg6 : memref<128xi32, #tpu.memory_space<vmem>>) semaphore(%dma_start3A_560 : memref<!tpu.dma_semaphore, #tpu.memory_space<semaphore_mem>>)
      } else {
      }
      %jit3A = arith.constant 4 : i32
      %div3A = arith.divsi %add3A_63, %jit3A : i32
      %sign3A = arith.constant 0 : i32
      %sign3A_237 = arith.cmpi sgt, %add3A_63, %sign3A : i32
      %sign3A_238 = arith.extui %sign3A_237 : i1 to i32
      %sign3A_239 = arith.constant 0 : i32
      %sign3A_240 = arith.cmpi slt, %add3A_63, %sign3A_239 : i32
      %sign3A_241 = arith.extui %sign3A_240 : i1 to i32
      %sign3A_242 = arith.subi %sign3A_238, %sign3A_241 : i32
      %sign3A_243 = arith.constant 0 : i32
      %sign3A_244 = arith.cmpi sgt, %jit3A, %sign3A_243 : i32
      %sign3A_245 = arith.extui %sign3A_244 : i1 to i32
      %sign3A_246 = arith.constant 0 : i32
      %sign3A_247 = arith.cmpi slt, %jit3A, %sign3A_246 : i32
      %sign3A_248 = arith.extui %sign3A_247 : i1 to i32
      %sign3A_249 = arith.subi %sign3A_245, %sign3A_248 : i32
      %ne3A = arith.cmpi ne, %sign3A_242, %sign3A_249 : i32
      %rem3A = arith.remsi %add3A_63, %jit3A : i32
      %ne3A_250 = arith.constant 0 : i32
      %ne3A_251 = arith.cmpi ne, %rem3A, %ne3A_250 : i32
      %and3A = arith.andi %ne3A, %ne3A_251 : i1
      %sub3A = arith.constant 1 : i32
      %sub3A_252 = arith.subi %div3A, %sub3A : i32
      %select_n3A = arith.select %and3A, %sub3A_252, %div3A : i32
      %jit3A_253 = arith.constant 4 : i32
      %eq3A = arith.constant 0 : i32
      %eq3A_254 = arith.cmpi eq, %jit3A_253, %eq3A : i32
      %jit3A_255 = arith.constant 1 : i32
      %select_n3A_256 = arith.select %eq3A_254, %jit3A_255, %jit3A_253 : i32
      %rem3A_257 = arith.remsi %add3A_63, %select_n3A_256 : i32
      %ne3A_258 = arith.constant 0 : i32
      %ne3A_259 = arith.cmpi ne, %rem3A_257, %ne3A_258 : i32
      %lt3A_260 = arith.constant 0 : i32
      %lt3A_261 = arith.cmpi slt, %rem3A_257, %lt3A_260 : i32
      %lt3A_262 = arith.constant 0 : i32
      %lt3A_263 = arith.cmpi slt, %select_n3A_256, %lt3A_262 : i32
      %ne3A_264 = arith.xori %lt3A_261, %lt3A_263 : i1
      %and3A_265 = arith.andi %ne3A_264, %ne3A_259 : i1
      %add3A_266 = arith.addi %rem3A_257, %select_n3A_256 : i32
      %select_n3A_267 = arith.select %and3A_265, %add3A_266, %rem3A_257 : i32
      %mul3A_268 = arith.constant 128 : i32
      %mul3A_269 = arith.muli %select_n3A_267, %mul3A_268 : i32
      %add3A_270 = arith.addi %mul3A_2, %mul3A_269 : i32
      %dma_start3A_271 = arith.constant 0 : i32
      %dma_start3A_272 = arith.constant 0 : i32
      %dma_start3A_273 = tpu.memref_slice %arg4[%select_n3A, %dma_start3A_272, %add3A_270] : memref<50x32x16384xf32, #tpu.memory_space<hbm>> -> memref<1x32x128xf32, #tpu.memory_space<hbm>>
      %dma_start3A_274 = tpu.memref_squeeze %dma_start3A_273 : memref<1x32x128xf32, #tpu.memory_space<hbm>> -> memref<32x128xf32, #tpu.memory_space<hbm>>
      %dma_start3A_275 = tpu.memref_slice %arg16[%dma_start3A_271] : memref<2x!tpu.dma_semaphore, #tpu.memory_space<semaphore_mem>> -> memref<1x!tpu.dma_semaphore, #tpu.memory_space<semaphore_mem>>
      %dma_start3A_276 = tpu.memref_squeeze %dma_start3A_275 : memref<1x!tpu.dma_semaphore, #tpu.memory_space<semaphore_mem>> -> memref<!tpu.dma_semaphore, #tpu.memory_space<semaphore_mem>>
      %dma_start3A_277 = arith.constant 0 : i32
      %dma_start3A_278 = tpu.memref_slice %arg4[%select_n3A, %dma_start3A_277, %add3A_270] : memref<50x32x16384xf32, #tpu.memory_space<hbm>> -> memref<1x32x128xf32, #tpu.memory_space<hbm>>
      %dma_start3A_279 = tpu.memref_squeeze %dma_start3A_278 : memref<1x32x128xf32, #tpu.memory_space<hbm>> -> memref<32x128xf32, #tpu.memory_space<hbm>>
      tpu.enqueue_dma source(%arg12 : memref<32x128xf32, #tpu.memory_space<vmem>>) target(%dma_start3A_279 : memref<32x128xf32, #tpu.memory_space<hbm>>) target_semaphore(%dma_start3A_276 : memref<!tpu.dma_semaphore, #tpu.memory_space<semaphore_mem>>)
      %add3A_280 = arith.constant 1 : i32
      %add3A_281 = arith.addi %add3A_61, %add3A_280 : i32
      %add3A_282 = arith.constant 2 : i32
      %add3A_283 = arith.addi %add3A_281, %add3A_282 : i32
      %dma_wait3A_284 = arith.constant 1 : i32
      %dma_wait3A_285 = arith.constant 0 : i32
      %dma_wait3A_286 = arith.constant 0 : i32
      %dma_wait3A_287 = tpu.memref_slice %arg3[%dma_wait3A_285, %dma_wait3A_286] : memref<250000x128xf32, #tpu.memory_space<hbm>> -> memref<250000x128xf32, #tpu.memory_space<hbm>>
      %dma_wait3A_288 = tpu.memref_slice %arg15[%dma_wait3A_284] : memref<2x!tpu.dma_semaphore, #tpu.memory_space<semaphore_mem>> -> memref<1x!tpu.dma_semaphore, #tpu.memory_space<semaphore_mem>>
      %dma_wait3A_289 = tpu.memref_squeeze %dma_wait3A_288 : memref<1x!tpu.dma_semaphore, #tpu.memory_space<semaphore_mem>> -> memref<!tpu.dma_semaphore, #tpu.memory_space<semaphore_mem>>
      tpu.wait_indirect_dma semaphore(%dma_wait3A_289 : memref<!tpu.dma_semaphore, #tpu.memory_space<semaphore_mem>>) src(%dma_wait3A_287 : memref<250000x128xf32, #tpu.memory_space<hbm>>) dst(%arg11 : memref<128x128xf32, #tpu.memory_space<vmem>>)
      %ge3A_290 = arith.constant 2 : i32
      %ge3A_291 = arith.cmpi sge, %add3A_281, %ge3A_290 : i32
      %convert_element_type3A_292 = arith.extui %ge3A_291 : i1 to i32
      %cond3A_293 = arith.constant 0 : i32
      %cond3A_294 = arith.cmpi ne, %convert_element_type3A_292, %cond3A_293 : i32
      scf.if %cond3A_294 {
        %sub3A_512 = arith.constant 2 : i32
        %sub3A_513 = arith.subi %add3A_281, %sub3A_512 : i32
        %jit3A_514 = arith.constant 4 : i32
        %div3A_515 = arith.divsi %sub3A_513, %jit3A_514 : i32
        %sign3A_516 = arith.constant 0 : i32
        %sign3A_517 = arith.cmpi sgt, %sub3A_513, %sign3A_516 : i32
        %sign3A_518 = arith.extui %sign3A_517 : i1 to i32
        %sign3A_519 = arith.constant 0 : i32
        %sign3A_520 = arith.cmpi slt, %sub3A_513, %sign3A_519 : i32
        %sign3A_521 = arith.extui %sign3A_520 : i1 to i32
        %sign3A_522 = arith.subi %sign3A_518, %sign3A_521 : i32
        %sign3A_523 = arith.constant 0 : i32
        %sign3A_524 = arith.cmpi sgt, %jit3A_514, %sign3A_523 : i32
        %sign3A_525 = arith.extui %sign3A_524 : i1 to i32
        %sign3A_526 = arith.constant 0 : i32
        %sign3A_527 = arith.cmpi slt, %jit3A_514, %sign3A_526 : i32
        %sign3A_528 = arith.extui %sign3A_527 : i1 to i32
        %sign3A_529 = arith.subi %sign3A_525, %sign3A_528 : i32
        %ne3A_530 = arith.cmpi ne, %sign3A_522, %sign3A_529 : i32
        %rem3A_531 = arith.remsi %sub3A_513, %jit3A_514 : i32
        %ne3A_532 = arith.constant 0 : i32
        %ne3A_533 = arith.cmpi ne, %rem3A_531, %ne3A_532 : i32
        %and3A_534 = arith.andi %ne3A_530, %ne3A_533 : i1
        %sub3A_535 = arith.constant 1 : i32
        %sub3A_536 = arith.subi %div3A_515, %sub3A_535 : i32
        %select_n3A_537 = arith.select %and3A_534, %sub3A_536, %div3A_515 : i32
        %jit3A_538 = arith.constant 4 : i32
        %eq3A_539 = arith.constant 0 : i32
        %eq3A_540 = arith.cmpi eq, %jit3A_538, %eq3A_539 : i32
        %jit3A_541 = arith.constant 1 : i32
        %select_n3A_542 = arith.select %eq3A_540, %jit3A_541, %jit3A_538 : i32
        %rem3A_543 = arith.remsi %sub3A_513, %select_n3A_542 : i32
        %ne3A_544 = arith.constant 0 : i32
        %ne3A_545 = arith.cmpi ne, %rem3A_543, %ne3A_544 : i32
        %lt3A_546 = arith.constant 0 : i32
        %lt3A_547 = arith.cmpi slt, %rem3A_543, %lt3A_546 : i32
        %lt3A_548 = arith.constant 0 : i32
        %lt3A_549 = arith.cmpi slt, %select_n3A_542, %lt3A_548 : i32
        %ne3A_550 = arith.xori %lt3A_547, %lt3A_549 : i1
        %and3A_551 = arith.andi %ne3A_550, %ne3A_545 : i1
        %add3A_552 = arith.addi %rem3A_543, %select_n3A_542 : i32
        %select_n3A_553 = arith.select %and3A_551, %add3A_552, %rem3A_543 : i32
        %mul3A_554 = arith.constant 128 : i32
        %mul3A_555 = arith.muli %select_n3A_553, %mul3A_554 : i32
        %add3A_556 = arith.addi %mul3A_2, %mul3A_555 : i32
        %dma_wait3A_557 = arith.constant 1 : i32
        %dma_wait3A_558 = arith.constant 0 : i32
        %dma_wait3A_559 = tpu.memref_slice %arg4[%select_n3A_537, %dma_wait3A_558, %add3A_556] : memref<50x32x16384xf32, #tpu.memory_space<hbm>> -> memref<1x32x128xf32, #tpu.memory_space<hbm>>
        %dma_wait3A_560 = tpu.memref_squeeze %dma_wait3A_559 : memref<1x32x128xf32, #tpu.memory_space<hbm>> -> memref<32x128xf32, #tpu.memory_space<hbm>>
        %dma_wait3A_561 = tpu.memref_slice %arg16[%dma_wait3A_557] : memref<2x!tpu.dma_semaphore, #tpu.memory_space<semaphore_mem>> -> memref<1x!tpu.dma_semaphore, #tpu.memory_space<semaphore_mem>>
        %dma_wait3A_562 = tpu.memref_squeeze %dma_wait3A_561 : memref<1x!tpu.dma_semaphore, #tpu.memory_space<semaphore_mem>> -> memref<!tpu.dma_semaphore, #tpu.memory_space<semaphore_mem>>
        %dma_wait3A_563 = arith.constant 0 : i32
        %dma_wait3A_564 = tpu.memref_slice %arg4[%select_n3A_537, %dma_wait3A_563, %add3A_556] : memref<50x32x16384xf32, #tpu.memory_space<hbm>> -> memref<1x32x128xf32, #tpu.memory_space<hbm>>
        %dma_wait3A_565 = tpu.memref_squeeze %dma_wait3A_564 : memref<1x32x128xf32, #tpu.memory_space<hbm>> -> memref<32x128xf32, #tpu.memory_space<hbm>>
        tpu.wait_dma2 semaphore(%dma_wait3A_562 : memref<!tpu.dma_semaphore, #tpu.memory_space<semaphore_mem>>) src(%arg13 : memref<32x128xf32, #tpu.memory_space<vmem>>) dst(%dma_wait3A_565 : memref<32x128xf32, #tpu.memory_space<hbm>>)
      } else {
      }
      %broadcast_in_dim3A_295 = arith.constant 0 : i32
      %broadcast_in_dim3A_296 = vector.broadcast %broadcast_in_dim3A_295 : i32 to vector<16xi32>
      %parallel_loop3A_297 = arith.constant 0 : i32
      %parallel_loop3A_298 = arith.constant 8 : i32
      %parallel_loop3A_299 = arith.constant 1 : i32
      scf.for %parallel_loop3A_512 = %parallel_loop3A_297 to %parallel_loop3A_298 step %parallel_loop3A_299  : i32 {
        %parallel_loop3A_513 = arith.constant 16 : i32
        %parallel_loop3A_514 = arith.muli %parallel_loop3A_512, %parallel_loop3A_513 : i32
        %parallel_loop3A_515 = arith.index_cast %parallel_loop3A_514 : i32 to index
        %parallel_loop3A_516 = tpu.vector_load %arg9[%parallel_loop3A_515] {strides = array<i32>} : memref<128xi32, #tpu.memory_space<vmem>>, vector<16xi32>,
        %parallel_loop3A_517 = arith.constant 16 : i32
        %parallel_loop3A_518 = arith.muli %parallel_loop3A_512, %parallel_loop3A_517 : i32
        %parallel_loop3A_519 = vector.broadcast %parallel_loop3A_518 : i32 to vector<16xi32>
        %parallel_loop3A_520 = arith.addi %iota3A, %parallel_loop3A_519 : vector<16xi32>
        %parallel_loop3A_521 = arith.addi %parallel_loop3A_516, %broadcast_in_dim3A_296 : vector<16xi32>
        %parallel_loop3A_522 = tpu.vector_load_idx %arg11[%parallel_loop3A_520, %parallel_loop3A_521] : memref<128x128xf32, #tpu.memory_space<vmem>>[vector<16xi32>, vector<16xi32>], vector<16xf32>,
        %parallel_loop3A_523 = arith.constant 16 : i32
        %parallel_loop3A_524 = arith.muli %parallel_loop3A_512, %parallel_loop3A_523 : i32
        %parallel_loop3A_525 = arith.constant 0 : i32
        %parallel_loop3A_526 = arith.index_cast %parallel_loop3A_525 : i32 to index
        %parallel_loop3A_527 = arith.index_cast %parallel_loop3A_524 : i32 to index
        %parallel_loop3A_528 = tpu.vector_load %arg13[%parallel_loop3A_526, %parallel_loop3A_527] {strides = array<i32>} : memref<32x128xf32, #tpu.memory_space<vmem>>, vector<16xf32>,
        tpu.vector_store %arg13[%parallel_loop3A_526, %parallel_loop3A_527], %parallel_loop3A_522 {strides = array<i32>} : memref<32x128xf32, #tpu.memory_space<vmem>>, vector<16xf32>,
      } {sc.loop_unroll_factor = 8 : i64, sc.parallel_access}
      %broadcast_in_dim3A_300 = arith.constant 1 : i32
      %broadcast_in_dim3A_301 = vector.broadcast %broadcast_in_dim3A_300 : i32 to vector<16xi32>
      %parallel_loop3A_302 = arith.constant 0 : i32
      %parallel_loop3A_303 = arith.constant 8 : i32
      %parallel_loop3A_304 = arith.constant 1 : i32
      scf.for %parallel_loop3A_512 = %parallel_loop3A_302 to %parallel_loop3A_303 step %parallel_loop3A_304  : i32 {
        %parallel_loop3A_513 = arith.constant 16 : i32
        %parallel_loop3A_514 = arith.muli %parallel_loop3A_512, %parallel_loop3A_513 : i32
        %parallel_loop3A_515 = arith.index_cast %parallel_loop3A_514 : i32 to index
        %parallel_loop3A_516 = tpu.vector_load %arg9[%parallel_loop3A_515] {strides = array<i32>} : memref<128xi32, #tpu.memory_space<vmem>>, vector<16xi32>,
        %parallel_loop3A_517 = arith.constant 16 : i32
        %parallel_loop3A_518 = arith.muli %parallel_loop3A_512, %parallel_loop3A_517 : i32
        %parallel_loop3A_519 = vector.broadcast %parallel_loop3A_518 : i32 to vector<16xi32>
        %parallel_loop3A_520 = arith.addi %iota3A, %parallel_loop3A_519 : vector<16xi32>
        %parallel_loop3A_521 = arith.addi %parallel_loop3A_516, %broadcast_in_dim3A_301 : vector<16xi32>
        %parallel_loop3A_522 = tpu.vector_load_idx %arg11[%parallel_loop3A_520, %parallel_loop3A_521] : memref<128x128xf32, #tpu.memory_space<vmem>>[vector<16xi32>, vector<16xi32>], vector<16xf32>,
        %parallel_loop3A_523 = arith.constant 16 : i32
        %parallel_loop3A_524 = arith.muli %parallel_loop3A_512, %parallel_loop3A_523 : i32
        %parallel_loop3A_525 = arith.constant 1 : i32
        %parallel_loop3A_526 = arith.index_cast %parallel_loop3A_525 : i32 to index
        %parallel_loop3A_527 = arith.index_cast %parallel_loop3A_524 : i32 to index
        %parallel_loop3A_528 = tpu.vector_load %arg13[%parallel_loop3A_526, %parallel_loop3A_527] {strides = array<i32>} : memref<32x128xf32, #tpu.memory_space<vmem>>, vector<16xf32>,
        tpu.vector_store %arg13[%parallel_loop3A_526, %parallel_loop3A_527], %parallel_loop3A_522 {strides = array<i32>} : memref<32x128xf32, #tpu.memory_space<vmem>>, vector<16xf32>,
      } {sc.loop_unroll_factor = 8 : i64, sc.parallel_access}
      %broadcast_in_dim3A_305 = arith.constant 2 : i32
      %broadcast_in_dim3A_306 = vector.broadcast %broadcast_in_dim3A_305 : i32 to vector<16xi32>
      %parallel_loop3A_307 = arith.constant 0 : i32
      %parallel_loop3A_308 = arith.constant 8 : i32
      %parallel_loop3A_309 = arith.constant 1 : i32
      scf.for %parallel_loop3A_512 = %parallel_loop3A_307 to %parallel_loop3A_308 step %parallel_loop3A_309  : i32 {
        %parallel_loop3A_513 = arith.constant 16 : i32
        %parallel_loop3A_514 = arith.muli %parallel_loop3A_512, %parallel_loop3A_513 : i32
        %parallel_loop3A_515 = arith.index_cast %parallel_loop3A_514 : i32 to index
        %parallel_loop3A_516 = tpu.vector_load %arg9[%parallel_loop3A_515] {strides = array<i32>} : memref<128xi32, #tpu.memory_space<vmem>>, vector<16xi32>,
        %parallel_loop3A_517 = arith.constant 16 : i32
        %parallel_loop3A_518 = arith.muli %parallel_loop3A_512, %parallel_loop3A_517 : i32
        %parallel_loop3A_519 = vector.broadcast %parallel_loop3A_518 : i32 to vector<16xi32>
        %parallel_loop3A_520 = arith.addi %iota3A, %parallel_loop3A_519 : vector<16xi32>
        %parallel_loop3A_521 = arith.addi %parallel_loop3A_516, %broadcast_in_dim3A_306 : vector<16xi32>
        %parallel_loop3A_522 = tpu.vector_load_idx %arg11[%parallel_loop3A_520, %parallel_loop3A_521] : memref<128x128xf32, #tpu.memory_space<vmem>>[vector<16xi32>, vector<16xi32>], vector<16xf32>,
        %parallel_loop3A_523 = arith.constant 16 : i32
        %parallel_loop3A_524 = arith.muli %parallel_loop3A_512, %parallel_loop3A_523 : i32
        %parallel_loop3A_525 = arith.constant 2 : i32
        %parallel_loop3A_526 = arith.index_cast %parallel_loop3A_525 : i32 to index
        %parallel_loop3A_527 = arith.index_cast %parallel_loop3A_524 : i32 to index
        %parallel_loop3A_528 = tpu.vector_load %arg13[%parallel_loop3A_526, %parallel_loop3A_527] {strides = array<i32>} : memref<32x128xf32, #tpu.memory_space<vmem>>, vector<16xf32>,
        tpu.vector_store %arg13[%parallel_loop3A_526, %parallel_loop3A_527], %parallel_loop3A_522 {strides = array<i32>} : memref<32x128xf32, #tpu.memory_space<vmem>>, vector<16xf32>,
      } {sc.loop_unroll_factor = 8 : i64, sc.parallel_access}
      %broadcast_in_dim3A_310 = arith.constant 3 : i32
      %broadcast_in_dim3A_311 = vector.broadcast %broadcast_in_dim3A_310 : i32 to vector<16xi32>
      %parallel_loop3A_312 = arith.constant 0 : i32
      %parallel_loop3A_313 = arith.constant 8 : i32
      %parallel_loop3A_314 = arith.constant 1 : i32
      scf.for %parallel_loop3A_512 = %parallel_loop3A_312 to %parallel_loop3A_313 step %parallel_loop3A_314  : i32 {
        %parallel_loop3A_513 = arith.constant 16 : i32
        %parallel_loop3A_514 = arith.muli %parallel_loop3A_512, %parallel_loop3A_513 : i32
        %parallel_loop3A_515 = arith.index_cast %parallel_loop3A_514 : i32 to index
        %parallel_loop3A_516 = tpu.vector_load %arg9[%parallel_loop3A_515] {strides = array<i32>} : memref<128xi32, #tpu.memory_space<vmem>>, vector<16xi32>,
        %parallel_loop3A_517 = arith.constant 16 : i32
        %parallel_loop3A_518 = arith.muli %parallel_loop3A_512, %parallel_loop3A_517 : i32
        %parallel_loop3A_519 = vector.broadcast %parallel_loop3A_518 : i32 to vector<16xi32>
        %parallel_loop3A_520 = arith.addi %iota3A, %parallel_loop3A_519 : vector<16xi32>
        %parallel_loop3A_521 = arith.addi %parallel_loop3A_516, %broadcast_in_dim3A_311 : vector<16xi32>
        %parallel_loop3A_522 = tpu.vector_load_idx %arg11[%parallel_loop3A_520, %parallel_loop3A_521] : memref<128x128xf32, #tpu.memory_space<vmem>>[vector<16xi32>, vector<16xi32>], vector<16xf32>,
        %parallel_loop3A_523 = arith.constant 16 : i32
        %parallel_loop3A_524 = arith.muli %parallel_loop3A_512, %parallel_loop3A_523 : i32
        %parallel_loop3A_525 = arith.constant 3 : i32
        %parallel_loop3A_526 = arith.index_cast %parallel_loop3A_525 : i32 to index
        %parallel_loop3A_527 = arith.index_cast %parallel_loop3A_524 : i32 to index
        %parallel_loop3A_528 = tpu.vector_load %arg13[%parallel_loop3A_526, %parallel_loop3A_527] {strides = array<i32>} : memref<32x128xf32, #tpu.memory_space<vmem>>, vector<16xf32>,
        tpu.vector_store %arg13[%parallel_loop3A_526, %parallel_loop3A_527], %parallel_loop3A_522 {strides = array<i32>} : memref<32x128xf32, #tpu.memory_space<vmem>>, vector<16xf32>,
      } {sc.loop_unroll_factor = 8 : i64, sc.parallel_access}
      %broadcast_in_dim3A_315 = arith.constant 4 : i32
      %broadcast_in_dim3A_316 = vector.broadcast %broadcast_in_dim3A_315 : i32 to vector<16xi32>
      %parallel_loop3A_317 = arith.constant 0 : i32
      %parallel_loop3A_318 = arith.constant 8 : i32
      %parallel_loop3A_319 = arith.constant 1 : i32
      scf.for %parallel_loop3A_512 = %parallel_loop3A_317 to %parallel_loop3A_318 step %parallel_loop3A_319  : i32 {
        %parallel_loop3A_513 = arith.constant 16 : i32
        %parallel_loop3A_514 = arith.muli %parallel_loop3A_512, %parallel_loop3A_513 : i32
        %parallel_loop3A_515 = arith.index_cast %parallel_loop3A_514 : i32 to index
        %parallel_loop3A_516 = tpu.vector_load %arg9[%parallel_loop3A_515] {strides = array<i32>} : memref<128xi32, #tpu.memory_space<vmem>>, vector<16xi32>,
        %parallel_loop3A_517 = arith.constant 16 : i32
        %parallel_loop3A_518 = arith.muli %parallel_loop3A_512, %parallel_loop3A_517 : i32
        %parallel_loop3A_519 = vector.broadcast %parallel_loop3A_518 : i32 to vector<16xi32>
        %parallel_loop3A_520 = arith.addi %iota3A, %parallel_loop3A_519 : vector<16xi32>
        %parallel_loop3A_521 = arith.addi %parallel_loop3A_516, %broadcast_in_dim3A_316 : vector<16xi32>
        %parallel_loop3A_522 = tpu.vector_load_idx %arg11[%parallel_loop3A_520, %parallel_loop3A_521] : memref<128x128xf32, #tpu.memory_space<vmem>>[vector<16xi32>, vector<16xi32>], vector<16xf32>,
        %parallel_loop3A_523 = arith.constant 16 : i32
        %parallel_loop3A_524 = arith.muli %parallel_loop3A_512, %parallel_loop3A_523 : i32
        %parallel_loop3A_525 = arith.constant 4 : i32
        %parallel_loop3A_526 = arith.index_cast %parallel_loop3A_525 : i32 to index
        %parallel_loop3A_527 = arith.index_cast %parallel_loop3A_524 : i32 to index
        %parallel_loop3A_528 = tpu.vector_load %arg13[%parallel_loop3A_526, %parallel_loop3A_527] {strides = array<i32>} : memref<32x128xf32, #tpu.memory_space<vmem>>, vector<16xf32>,
        tpu.vector_store %arg13[%parallel_loop3A_526, %parallel_loop3A_527], %parallel_loop3A_522 {strides = array<i32>} : memref<32x128xf32, #tpu.memory_space<vmem>>, vector<16xf32>,
      } {sc.loop_unroll_factor = 8 : i64, sc.parallel_access}
      %broadcast_in_dim3A_320 = arith.constant 5 : i32
      %broadcast_in_dim3A_321 = vector.broadcast %broadcast_in_dim3A_320 : i32 to vector<16xi32>
      %parallel_loop3A_322 = arith.constant 0 : i32
      %parallel_loop3A_323 = arith.constant 8 : i32
      %parallel_loop3A_324 = arith.constant 1 : i32
      scf.for %parallel_loop3A_512 = %parallel_loop3A_322 to %parallel_loop3A_323 step %parallel_loop3A_324  : i32 {
        %parallel_loop3A_513 = arith.constant 16 : i32
        %parallel_loop3A_514 = arith.muli %parallel_loop3A_512, %parallel_loop3A_513 : i32
        %parallel_loop3A_515 = arith.index_cast %parallel_loop3A_514 : i32 to index
        %parallel_loop3A_516 = tpu.vector_load %arg9[%parallel_loop3A_515] {strides = array<i32>} : memref<128xi32, #tpu.memory_space<vmem>>, vector<16xi32>,
        %parallel_loop3A_517 = arith.constant 16 : i32
        %parallel_loop3A_518 = arith.muli %parallel_loop3A_512, %parallel_loop3A_517 : i32
        %parallel_loop3A_519 = vector.broadcast %parallel_loop3A_518 : i32 to vector<16xi32>
        %parallel_loop3A_520 = arith.addi %iota3A, %parallel_loop3A_519 : vector<16xi32>
        %parallel_loop3A_521 = arith.addi %parallel_loop3A_516, %broadcast_in_dim3A_321 : vector<16xi32>
        %parallel_loop3A_522 = tpu.vector_load_idx %arg11[%parallel_loop3A_520, %parallel_loop3A_521] : memref<128x128xf32, #tpu.memory_space<vmem>>[vector<16xi32>, vector<16xi32>], vector<16xf32>,
        %parallel_loop3A_523 = arith.constant 16 : i32
        %parallel_loop3A_524 = arith.muli %parallel_loop3A_512, %parallel_loop3A_523 : i32
        %parallel_loop3A_525 = arith.constant 5 : i32
        %parallel_loop3A_526 = arith.index_cast %parallel_loop3A_525 : i32 to index
        %parallel_loop3A_527 = arith.index_cast %parallel_loop3A_524 : i32 to index
        %parallel_loop3A_528 = tpu.vector_load %arg13[%parallel_loop3A_526, %parallel_loop3A_527] {strides = array<i32>} : memref<32x128xf32, #tpu.memory_space<vmem>>, vector<16xf32>,
        tpu.vector_store %arg13[%parallel_loop3A_526, %parallel_loop3A_527], %parallel_loop3A_522 {strides = array<i32>} : memref<32x128xf32, #tpu.memory_space<vmem>>, vector<16xf32>,
      } {sc.loop_unroll_factor = 8 : i64, sc.parallel_access}
      %broadcast_in_dim3A_325 = arith.constant 6 : i32
      %broadcast_in_dim3A_326 = vector.broadcast %broadcast_in_dim3A_325 : i32 to vector<16xi32>
      %parallel_loop3A_327 = arith.constant 0 : i32
      %parallel_loop3A_328 = arith.constant 8 : i32
      %parallel_loop3A_329 = arith.constant 1 : i32
      scf.for %parallel_loop3A_512 = %parallel_loop3A_327 to %parallel_loop3A_328 step %parallel_loop3A_329  : i32 {
        %parallel_loop3A_513 = arith.constant 16 : i32
        %parallel_loop3A_514 = arith.muli %parallel_loop3A_512, %parallel_loop3A_513 : i32
        %parallel_loop3A_515 = arith.index_cast %parallel_loop3A_514 : i32 to index
        %parallel_loop3A_516 = tpu.vector_load %arg9[%parallel_loop3A_515] {strides = array<i32>} : memref<128xi32, #tpu.memory_space<vmem>>, vector<16xi32>,
        %parallel_loop3A_517 = arith.constant 16 : i32
        %parallel_loop3A_518 = arith.muli %parallel_loop3A_512, %parallel_loop3A_517 : i32
        %parallel_loop3A_519 = vector.broadcast %parallel_loop3A_518 : i32 to vector<16xi32>
        %parallel_loop3A_520 = arith.addi %iota3A, %parallel_loop3A_519 : vector<16xi32>
        %parallel_loop3A_521 = arith.addi %parallel_loop3A_516, %broadcast_in_dim3A_326 : vector<16xi32>
        %parallel_loop3A_522 = tpu.vector_load_idx %arg11[%parallel_loop3A_520, %parallel_loop3A_521] : memref<128x128xf32, #tpu.memory_space<vmem>>[vector<16xi32>, vector<16xi32>], vector<16xf32>,
        %parallel_loop3A_523 = arith.constant 16 : i32
        %parallel_loop3A_524 = arith.muli %parallel_loop3A_512, %parallel_loop3A_523 : i32
        %parallel_loop3A_525 = arith.constant 6 : i32
        %parallel_loop3A_526 = arith.index_cast %parallel_loop3A_525 : i32 to index
        %parallel_loop3A_527 = arith.index_cast %parallel_loop3A_524 : i32 to index
        %parallel_loop3A_528 = tpu.vector_load %arg13[%parallel_loop3A_526, %parallel_loop3A_527] {strides = array<i32>} : memref<32x128xf32, #tpu.memory_space<vmem>>, vector<16xf32>,
        tpu.vector_store %arg13[%parallel_loop3A_526, %parallel_loop3A_527], %parallel_loop3A_522 {strides = array<i32>} : memref<32x128xf32, #tpu.memory_space<vmem>>, vector<16xf32>,
      } {sc.loop_unroll_factor = 8 : i64, sc.parallel_access}
      %broadcast_in_dim3A_330 = arith.constant 7 : i32
      %broadcast_in_dim3A_331 = vector.broadcast %broadcast_in_dim3A_330 : i32 to vector<16xi32>
      %parallel_loop3A_332 = arith.constant 0 : i32
      %parallel_loop3A_333 = arith.constant 8 : i32
      %parallel_loop3A_334 = arith.constant 1 : i32
      scf.for %parallel_loop3A_512 = %parallel_loop3A_332 to %parallel_loop3A_333 step %parallel_loop3A_334  : i32 {
        %parallel_loop3A_513 = arith.constant 16 : i32
        %parallel_loop3A_514 = arith.muli %parallel_loop3A_512, %parallel_loop3A_513 : i32
        %parallel_loop3A_515 = arith.index_cast %parallel_loop3A_514 : i32 to index
        %parallel_loop3A_516 = tpu.vector_load %arg9[%parallel_loop3A_515] {strides = array<i32>} : memref<128xi32, #tpu.memory_space<vmem>>, vector<16xi32>,
        %parallel_loop3A_517 = arith.constant 16 : i32
        %parallel_loop3A_518 = arith.muli %parallel_loop3A_512, %parallel_loop3A_517 : i32
        %parallel_loop3A_519 = vector.broadcast %parallel_loop3A_518 : i32 to vector<16xi32>
        %parallel_loop3A_520 = arith.addi %iota3A, %parallel_loop3A_519 : vector<16xi32>
        %parallel_loop3A_521 = arith.addi %parallel_loop3A_516, %broadcast_in_dim3A_331 : vector<16xi32>
        %parallel_loop3A_522 = tpu.vector_load_idx %arg11[%parallel_loop3A_520, %parallel_loop3A_521] : memref<128x128xf32, #tpu.memory_space<vmem>>[vector<16xi32>, vector<16xi32>], vector<16xf32>,
        %parallel_loop3A_523 = arith.constant 16 : i32
        %parallel_loop3A_524 = arith.muli %parallel_loop3A_512, %parallel_loop3A_523 : i32
        %parallel_loop3A_525 = arith.constant 7 : i32
        %parallel_loop3A_526 = arith.index_cast %parallel_loop3A_525 : i32 to index
        %parallel_loop3A_527 = arith.index_cast %parallel_loop3A_524 : i32 to index
        %parallel_loop3A_528 = tpu.vector_load %arg13[%parallel_loop3A_526, %parallel_loop3A_527] {strides = array<i32>} : memref<32x128xf32, #tpu.memory_space<vmem>>, vector<16xf32>,
        tpu.vector_store %arg13[%parallel_loop3A_526, %parallel_loop3A_527], %parallel_loop3A_522 {strides = array<i32>} : memref<32x128xf32, #tpu.memory_space<vmem>>, vector<16xf32>,
      } {sc.loop_unroll_factor = 8 : i64, sc.parallel_access}
      %broadcast_in_dim3A_335 = arith.constant 8 : i32
      %broadcast_in_dim3A_336 = vector.broadcast %broadcast_in_dim3A_335 : i32 to vector<16xi32>
      %parallel_loop3A_337 = arith.constant 0 : i32
      %parallel_loop3A_338 = arith.constant 8 : i32
      %parallel_loop3A_339 = arith.constant 1 : i32
      scf.for %parallel_loop3A_512 = %parallel_loop3A_337 to %parallel_loop3A_338 step %parallel_loop3A_339  : i32 {
        %parallel_loop3A_513 = arith.constant 16 : i32
        %parallel_loop3A_514 = arith.muli %parallel_loop3A_512, %parallel_loop3A_513 : i32
        %parallel_loop3A_515 = arith.index_cast %parallel_loop3A_514 : i32 to index
        %parallel_loop3A_516 = tpu.vector_load %arg9[%parallel_loop3A_515] {strides = array<i32>} : memref<128xi32, #tpu.memory_space<vmem>>, vector<16xi32>,
        %parallel_loop3A_517 = arith.constant 16 : i32
        %parallel_loop3A_518 = arith.muli %parallel_loop3A_512, %parallel_loop3A_517 : i32
        %parallel_loop3A_519 = vector.broadcast %parallel_loop3A_518 : i32 to vector<16xi32>
        %parallel_loop3A_520 = arith.addi %iota3A, %parallel_loop3A_519 : vector<16xi32>
        %parallel_loop3A_521 = arith.addi %parallel_loop3A_516, %broadcast_in_dim3A_336 : vector<16xi32>
        %parallel_loop3A_522 = tpu.vector_load_idx %arg11[%parallel_loop3A_520, %parallel_loop3A_521] : memref<128x128xf32, #tpu.memory_space<vmem>>[vector<16xi32>, vector<16xi32>], vector<16xf32>,
        %parallel_loop3A_523 = arith.constant 16 : i32
        %parallel_loop3A_524 = arith.muli %parallel_loop3A_512, %parallel_loop3A_523 : i32
        %parallel_loop3A_525 = arith.constant 8 : i32
        %parallel_loop3A_526 = arith.index_cast %parallel_loop3A_525 : i32 to index
        %parallel_loop3A_527 = arith.index_cast %parallel_loop3A_524 : i32 to index
        %parallel_loop3A_528 = tpu.vector_load %arg13[%parallel_loop3A_526, %parallel_loop3A_527] {strides = array<i32>} : memref<32x128xf32, #tpu.memory_space<vmem>>, vector<16xf32>,
        tpu.vector_store %arg13[%parallel_loop3A_526, %parallel_loop3A_527], %parallel_loop3A_522 {strides = array<i32>} : memref<32x128xf32, #tpu.memory_space<vmem>>, vector<16xf32>,
      } {sc.loop_unroll_factor = 8 : i64, sc.parallel_access}
      %broadcast_in_dim3A_340 = arith.constant 9 : i32
      %broadcast_in_dim3A_341 = vector.broadcast %broadcast_in_dim3A_340 : i32 to vector<16xi32>
      %parallel_loop3A_342 = arith.constant 0 : i32
      %parallel_loop3A_343 = arith.constant 8 : i32
      %parallel_loop3A_344 = arith.constant 1 : i32
      scf.for %parallel_loop3A_512 = %parallel_loop3A_342 to %parallel_loop3A_343 step %parallel_loop3A_344  : i32 {
        %parallel_loop3A_513 = arith.constant 16 : i32
        %parallel_loop3A_514 = arith.muli %parallel_loop3A_512, %parallel_loop3A_513 : i32
        %parallel_loop3A_515 = arith.index_cast %parallel_loop3A_514 : i32 to index
        %parallel_loop3A_516 = tpu.vector_load %arg9[%parallel_loop3A_515] {strides = array<i32>} : memref<128xi32, #tpu.memory_space<vmem>>, vector<16xi32>,
        %parallel_loop3A_517 = arith.constant 16 : i32
        %parallel_loop3A_518 = arith.muli %parallel_loop3A_512, %parallel_loop3A_517 : i32
        %parallel_loop3A_519 = vector.broadcast %parallel_loop3A_518 : i32 to vector<16xi32>
        %parallel_loop3A_520 = arith.addi %iota3A, %parallel_loop3A_519 : vector<16xi32>
        %parallel_loop3A_521 = arith.addi %parallel_loop3A_516, %broadcast_in_dim3A_341 : vector<16xi32>
        %parallel_loop3A_522 = tpu.vector_load_idx %arg11[%parallel_loop3A_520, %parallel_loop3A_521] : memref<128x128xf32, #tpu.memory_space<vmem>>[vector<16xi32>, vector<16xi32>], vector<16xf32>,
        %parallel_loop3A_523 = arith.constant 16 : i32
        %parallel_loop3A_524 = arith.muli %parallel_loop3A_512, %parallel_loop3A_523 : i32
        %parallel_loop3A_525 = arith.constant 9 : i32
        %parallel_loop3A_526 = arith.index_cast %parallel_loop3A_525 : i32 to index
        %parallel_loop3A_527 = arith.index_cast %parallel_loop3A_524 : i32 to index
        %parallel_loop3A_528 = tpu.vector_load %arg13[%parallel_loop3A_526, %parallel_loop3A_527] {strides = array<i32>} : memref<32x128xf32, #tpu.memory_space<vmem>>, vector<16xf32>,
        tpu.vector_store %arg13[%parallel_loop3A_526, %parallel_loop3A_527], %parallel_loop3A_522 {strides = array<i32>} : memref<32x128xf32, #tpu.memory_space<vmem>>, vector<16xf32>,
      } {sc.loop_unroll_factor = 8 : i64, sc.parallel_access}
      %broadcast_in_dim3A_345 = arith.constant 10 : i32
      %broadcast_in_dim3A_346 = vector.broadcast %broadcast_in_dim3A_345 : i32 to vector<16xi32>
      %parallel_loop3A_347 = arith.constant 0 : i32
      %parallel_loop3A_348 = arith.constant 8 : i32
      %parallel_loop3A_349 = arith.constant 1 : i32
      scf.for %parallel_loop3A_512 = %parallel_loop3A_347 to %parallel_loop3A_348 step %parallel_loop3A_349  : i32 {
        %parallel_loop3A_513 = arith.constant 16 : i32
        %parallel_loop3A_514 = arith.muli %parallel_loop3A_512, %parallel_loop3A_513 : i32
        %parallel_loop3A_515 = arith.index_cast %parallel_loop3A_514 : i32 to index
        %parallel_loop3A_516 = tpu.vector_load %arg9[%parallel_loop3A_515] {strides = array<i32>} : memref<128xi32, #tpu.memory_space<vmem>>, vector<16xi32>,
        %parallel_loop3A_517 = arith.constant 16 : i32
        %parallel_loop3A_518 = arith.muli %parallel_loop3A_512, %parallel_loop3A_517 : i32
        %parallel_loop3A_519 = vector.broadcast %parallel_loop3A_518 : i32 to vector<16xi32>
        %parallel_loop3A_520 = arith.addi %iota3A, %parallel_loop3A_519 : vector<16xi32>
        %parallel_loop3A_521 = arith.addi %parallel_loop3A_516, %broadcast_in_dim3A_346 : vector<16xi32>
        %parallel_loop3A_522 = tpu.vector_load_idx %arg11[%parallel_loop3A_520, %parallel_loop3A_521] : memref<128x128xf32, #tpu.memory_space<vmem>>[vector<16xi32>, vector<16xi32>], vector<16xf32>,
        %parallel_loop3A_523 = arith.constant 16 : i32
        %parallel_loop3A_524 = arith.muli %parallel_loop3A_512, %parallel_loop3A_523 : i32
        %parallel_loop3A_525 = arith.constant 10 : i32
        %parallel_loop3A_526 = arith.index_cast %parallel_loop3A_525 : i32 to index
        %parallel_loop3A_527 = arith.index_cast %parallel_loop3A_524 : i32 to index
        %parallel_loop3A_528 = tpu.vector_load %arg13[%parallel_loop3A_526, %parallel_loop3A_527] {strides = array<i32>} : memref<32x128xf32, #tpu.memory_space<vmem>>, vector<16xf32>,
        tpu.vector_store %arg13[%parallel_loop3A_526, %parallel_loop3A_527], %parallel_loop3A_522 {strides = array<i32>} : memref<32x128xf32, #tpu.memory_space<vmem>>, vector<16xf32>,
      } {sc.loop_unroll_factor = 8 : i64, sc.parallel_access}
      %broadcast_in_dim3A_350 = arith.constant 11 : i32
      %broadcast_in_dim3A_351 = vector.broadcast %broadcast_in_dim3A_350 : i32 to vector<16xi32>
      %parallel_loop3A_352 = arith.constant 0 : i32
      %parallel_loop3A_353 = arith.constant 8 : i32
      %parallel_loop3A_354 = arith.constant 1 : i32
      scf.for %parallel_loop3A_512 = %parallel_loop3A_352 to %parallel_loop3A_353 step %parallel_loop3A_354  : i32 {
        %parallel_loop3A_513 = arith.constant 16 : i32
        %parallel_loop3A_514 = arith.muli %parallel_loop3A_512, %parallel_loop3A_513 : i32
        %parallel_loop3A_515 = arith.index_cast %parallel_loop3A_514 : i32 to index
        %parallel_loop3A_516 = tpu.vector_load %arg9[%parallel_loop3A_515] {strides = array<i32>} : memref<128xi32, #tpu.memory_space<vmem>>, vector<16xi32>,
        %parallel_loop3A_517 = arith.constant 16 : i32
        %parallel_loop3A_518 = arith.muli %parallel_loop3A_512, %parallel_loop3A_517 : i32
        %parallel_loop3A_519 = vector.broadcast %parallel_loop3A_518 : i32 to vector<16xi32>
        %parallel_loop3A_520 = arith.addi %iota3A, %parallel_loop3A_519 : vector<16xi32>
        %parallel_loop3A_521 = arith.addi %parallel_loop3A_516, %broadcast_in_dim3A_351 : vector<16xi32>
        %parallel_loop3A_522 = tpu.vector_load_idx %arg11[%parallel_loop3A_520, %parallel_loop3A_521] : memref<128x128xf32, #tpu.memory_space<vmem>>[vector<16xi32>, vector<16xi32>], vector<16xf32>,
        %parallel_loop3A_523 = arith.constant 16 : i32
        %parallel_loop3A_524 = arith.muli %parallel_loop3A_512, %parallel_loop3A_523 : i32
        %parallel_loop3A_525 = arith.constant 11 : i32
        %parallel_loop3A_526 = arith.index_cast %parallel_loop3A_525 : i32 to index
        %parallel_loop3A_527 = arith.index_cast %parallel_loop3A_524 : i32 to index
        %parallel_loop3A_528 = tpu.vector_load %arg13[%parallel_loop3A_526, %parallel_loop3A_527] {strides = array<i32>} : memref<32x128xf32, #tpu.memory_space<vmem>>, vector<16xf32>,
        tpu.vector_store %arg13[%parallel_loop3A_526, %parallel_loop3A_527], %parallel_loop3A_522 {strides = array<i32>} : memref<32x128xf32, #tpu.memory_space<vmem>>, vector<16xf32>,
      } {sc.loop_unroll_factor = 8 : i64, sc.parallel_access}
      %broadcast_in_dim3A_355 = arith.constant 12 : i32
      %broadcast_in_dim3A_356 = vector.broadcast %broadcast_in_dim3A_355 : i32 to vector<16xi32>
      %parallel_loop3A_357 = arith.constant 0 : i32
      %parallel_loop3A_358 = arith.constant 8 : i32
      %parallel_loop3A_359 = arith.constant 1 : i32
      scf.for %parallel_loop3A_512 = %parallel_loop3A_357 to %parallel_loop3A_358 step %parallel_loop3A_359  : i32 {
        %parallel_loop3A_513 = arith.constant 16 : i32
        %parallel_loop3A_514 = arith.muli %parallel_loop3A_512, %parallel_loop3A_513 : i32
        %parallel_loop3A_515 = arith.index_cast %parallel_loop3A_514 : i32 to index
        %parallel_loop3A_516 = tpu.vector_load %arg9[%parallel_loop3A_515] {strides = array<i32>} : memref<128xi32, #tpu.memory_space<vmem>>, vector<16xi32>,
        %parallel_loop3A_517 = arith.constant 16 : i32
        %parallel_loop3A_518 = arith.muli %parallel_loop3A_512, %parallel_loop3A_517 : i32
        %parallel_loop3A_519 = vector.broadcast %parallel_loop3A_518 : i32 to vector<16xi32>
        %parallel_loop3A_520 = arith.addi %iota3A, %parallel_loop3A_519 : vector<16xi32>
        %parallel_loop3A_521 = arith.addi %parallel_loop3A_516, %broadcast_in_dim3A_356 : vector<16xi32>
        %parallel_loop3A_522 = tpu.vector_load_idx %arg11[%parallel_loop3A_520, %parallel_loop3A_521] : memref<128x128xf32, #tpu.memory_space<vmem>>[vector<16xi32>, vector<16xi32>], vector<16xf32>,
        %parallel_loop3A_523 = arith.constant 16 : i32
        %parallel_loop3A_524 = arith.muli %parallel_loop3A_512, %parallel_loop3A_523 : i32
        %parallel_loop3A_525 = arith.constant 12 : i32
        %parallel_loop3A_526 = arith.index_cast %parallel_loop3A_525 : i32 to index
        %parallel_loop3A_527 = arith.index_cast %parallel_loop3A_524 : i32 to index
        %parallel_loop3A_528 = tpu.vector_load %arg13[%parallel_loop3A_526, %parallel_loop3A_527] {strides = array<i32>} : memref<32x128xf32, #tpu.memory_space<vmem>>, vector<16xf32>,
        tpu.vector_store %arg13[%parallel_loop3A_526, %parallel_loop3A_527], %parallel_loop3A_522 {strides = array<i32>} : memref<32x128xf32, #tpu.memory_space<vmem>>, vector<16xf32>,
      } {sc.loop_unroll_factor = 8 : i64, sc.parallel_access}
      %broadcast_in_dim3A_360 = arith.constant 13 : i32
      %broadcast_in_dim3A_361 = vector.broadcast %broadcast_in_dim3A_360 : i32 to vector<16xi32>
      %parallel_loop3A_362 = arith.constant 0 : i32
      %parallel_loop3A_363 = arith.constant 8 : i32
      %parallel_loop3A_364 = arith.constant 1 : i32
      scf.for %parallel_loop3A_512 = %parallel_loop3A_362 to %parallel_loop3A_363 step %parallel_loop3A_364  : i32 {
        %parallel_loop3A_513 = arith.constant 16 : i32
        %parallel_loop3A_514 = arith.muli %parallel_loop3A_512, %parallel_loop3A_513 : i32
        %parallel_loop3A_515 = arith.index_cast %parallel_loop3A_514 : i32 to index
        %parallel_loop3A_516 = tpu.vector_load %arg9[%parallel_loop3A_515] {strides = array<i32>} : memref<128xi32, #tpu.memory_space<vmem>>, vector<16xi32>,
        %parallel_loop3A_517 = arith.constant 16 : i32
        %parallel_loop3A_518 = arith.muli %parallel_loop3A_512, %parallel_loop3A_517 : i32
        %parallel_loop3A_519 = vector.broadcast %parallel_loop3A_518 : i32 to vector<16xi32>
        %parallel_loop3A_520 = arith.addi %iota3A, %parallel_loop3A_519 : vector<16xi32>
        %parallel_loop3A_521 = arith.addi %parallel_loop3A_516, %broadcast_in_dim3A_361 : vector<16xi32>
        %parallel_loop3A_522 = tpu.vector_load_idx %arg11[%parallel_loop3A_520, %parallel_loop3A_521] : memref<128x128xf32, #tpu.memory_space<vmem>>[vector<16xi32>, vector<16xi32>], vector<16xf32>,
        %parallel_loop3A_523 = arith.constant 16 : i32
        %parallel_loop3A_524 = arith.muli %parallel_loop3A_512, %parallel_loop3A_523 : i32
        %parallel_loop3A_525 = arith.constant 13 : i32
        %parallel_loop3A_526 = arith.index_cast %parallel_loop3A_525 : i32 to index
        %parallel_loop3A_527 = arith.index_cast %parallel_loop3A_524 : i32 to index
        %parallel_loop3A_528 = tpu.vector_load %arg13[%parallel_loop3A_526, %parallel_loop3A_527] {strides = array<i32>} : memref<32x128xf32, #tpu.memory_space<vmem>>, vector<16xf32>,
        tpu.vector_store %arg13[%parallel_loop3A_526, %parallel_loop3A_527], %parallel_loop3A_522 {strides = array<i32>} : memref<32x128xf32, #tpu.memory_space<vmem>>, vector<16xf32>,
      } {sc.loop_unroll_factor = 8 : i64, sc.parallel_access}
      %broadcast_in_dim3A_365 = arith.constant 14 : i32
      %broadcast_in_dim3A_366 = vector.broadcast %broadcast_in_dim3A_365 : i32 to vector<16xi32>
      %parallel_loop3A_367 = arith.constant 0 : i32
      %parallel_loop3A_368 = arith.constant 8 : i32
      %parallel_loop3A_369 = arith.constant 1 : i32
      scf.for %parallel_loop3A_512 = %parallel_loop3A_367 to %parallel_loop3A_368 step %parallel_loop3A_369  : i32 {
        %parallel_loop3A_513 = arith.constant 16 : i32
        %parallel_loop3A_514 = arith.muli %parallel_loop3A_512, %parallel_loop3A_513 : i32
        %parallel_loop3A_515 = arith.index_cast %parallel_loop3A_514 : i32 to index
        %parallel_loop3A_516 = tpu.vector_load %arg9[%parallel_loop3A_515] {strides = array<i32>} : memref<128xi32, #tpu.memory_space<vmem>>, vector<16xi32>,
        %parallel_loop3A_517 = arith.constant 16 : i32
        %parallel_loop3A_518 = arith.muli %parallel_loop3A_512, %parallel_loop3A_517 : i32
        %parallel_loop3A_519 = vector.broadcast %parallel_loop3A_518 : i32 to vector<16xi32>
        %parallel_loop3A_520 = arith.addi %iota3A, %parallel_loop3A_519 : vector<16xi32>
        %parallel_loop3A_521 = arith.addi %parallel_loop3A_516, %broadcast_in_dim3A_366 : vector<16xi32>
        %parallel_loop3A_522 = tpu.vector_load_idx %arg11[%parallel_loop3A_520, %parallel_loop3A_521] : memref<128x128xf32, #tpu.memory_space<vmem>>[vector<16xi32>, vector<16xi32>], vector<16xf32>,
        %parallel_loop3A_523 = arith.constant 16 : i32
        %parallel_loop3A_524 = arith.muli %parallel_loop3A_512, %parallel_loop3A_523 : i32
        %parallel_loop3A_525 = arith.constant 14 : i32
        %parallel_loop3A_526 = arith.index_cast %parallel_loop3A_525 : i32 to index
        %parallel_loop3A_527 = arith.index_cast %parallel_loop3A_524 : i32 to index
        %parallel_loop3A_528 = tpu.vector_load %arg13[%parallel_loop3A_526, %parallel_loop3A_527] {strides = array<i32>} : memref<32x128xf32, #tpu.memory_space<vmem>>, vector<16xf32>,
        tpu.vector_store %arg13[%parallel_loop3A_526, %parallel_loop3A_527], %parallel_loop3A_522 {strides = array<i32>} : memref<32x128xf32, #tpu.memory_space<vmem>>, vector<16xf32>,
      } {sc.loop_unroll_factor = 8 : i64, sc.parallel_access}
      %broadcast_in_dim3A_370 = arith.constant 15 : i32
      %broadcast_in_dim3A_371 = vector.broadcast %broadcast_in_dim3A_370 : i32 to vector<16xi32>
      %parallel_loop3A_372 = arith.constant 0 : i32
      %parallel_loop3A_373 = arith.constant 8 : i32
      %parallel_loop3A_374 = arith.constant 1 : i32
      scf.for %parallel_loop3A_512 = %parallel_loop3A_372 to %parallel_loop3A_373 step %parallel_loop3A_374  : i32 {
        %parallel_loop3A_513 = arith.constant 16 : i32
        %parallel_loop3A_514 = arith.muli %parallel_loop3A_512, %parallel_loop3A_513 : i32
        %parallel_loop3A_515 = arith.index_cast %parallel_loop3A_514 : i32 to index
        %parallel_loop3A_516 = tpu.vector_load %arg9[%parallel_loop3A_515] {strides = array<i32>} : memref<128xi32, #tpu.memory_space<vmem>>, vector<16xi32>,
        %parallel_loop3A_517 = arith.constant 16 : i32
        %parallel_loop3A_518 = arith.muli %parallel_loop3A_512, %parallel_loop3A_517 : i32
        %parallel_loop3A_519 = vector.broadcast %parallel_loop3A_518 : i32 to vector<16xi32>
        %parallel_loop3A_520 = arith.addi %iota3A, %parallel_loop3A_519 : vector<16xi32>
        %parallel_loop3A_521 = arith.addi %parallel_loop3A_516, %broadcast_in_dim3A_371 : vector<16xi32>
        %parallel_loop3A_522 = tpu.vector_load_idx %arg11[%parallel_loop3A_520, %parallel_loop3A_521] : memref<128x128xf32, #tpu.memory_space<vmem>>[vector<16xi32>, vector<16xi32>], vector<16xf32>,
        %parallel_loop3A_523 = arith.constant 16 : i32
        %parallel_loop3A_524 = arith.muli %parallel_loop3A_512, %parallel_loop3A_523 : i32
        %parallel_loop3A_525 = arith.constant 15 : i32
        %parallel_loop3A_526 = arith.index_cast %parallel_loop3A_525 : i32 to index
        %parallel_loop3A_527 = arith.index_cast %parallel_loop3A_524 : i32 to index
        %parallel_loop3A_528 = tpu.vector_load %arg13[%parallel_loop3A_526, %parallel_loop3A_527] {strides = array<i32>} : memref<32x128xf32, #tpu.memory_space<vmem>>, vector<16xf32>,
        tpu.vector_store %arg13[%parallel_loop3A_526, %parallel_loop3A_527], %parallel_loop3A_522 {strides = array<i32>} : memref<32x128xf32, #tpu.memory_space<vmem>>, vector<16xf32>,
      } {sc.loop_unroll_factor = 8 : i64, sc.parallel_access}
      %broadcast_in_dim3A_375 = arith.constant 16 : i32
      %broadcast_in_dim3A_376 = vector.broadcast %broadcast_in_dim3A_375 : i32 to vector<16xi32>
      %parallel_loop3A_377 = arith.constant 0 : i32
      %parallel_loop3A_378 = arith.constant 8 : i32
      %parallel_loop3A_379 = arith.constant 1 : i32
      scf.for %parallel_loop3A_512 = %parallel_loop3A_377 to %parallel_loop3A_378 step %parallel_loop3A_379  : i32 {
        %parallel_loop3A_513 = arith.constant 16 : i32
        %parallel_loop3A_514 = arith.muli %parallel_loop3A_512, %parallel_loop3A_513 : i32
        %parallel_loop3A_515 = arith.index_cast %parallel_loop3A_514 : i32 to index
        %parallel_loop3A_516 = tpu.vector_load %arg9[%parallel_loop3A_515] {strides = array<i32>} : memref<128xi32, #tpu.memory_space<vmem>>, vector<16xi32>,
        %parallel_loop3A_517 = arith.constant 16 : i32
        %parallel_loop3A_518 = arith.muli %parallel_loop3A_512, %parallel_loop3A_517 : i32
        %parallel_loop3A_519 = vector.broadcast %parallel_loop3A_518 : i32 to vector<16xi32>
        %parallel_loop3A_520 = arith.addi %iota3A, %parallel_loop3A_519 : vector<16xi32>
        %parallel_loop3A_521 = arith.addi %parallel_loop3A_516, %broadcast_in_dim3A_376 : vector<16xi32>
        %parallel_loop3A_522 = tpu.vector_load_idx %arg11[%parallel_loop3A_520, %parallel_loop3A_521] : memref<128x128xf32, #tpu.memory_space<vmem>>[vector<16xi32>, vector<16xi32>], vector<16xf32>,
        %parallel_loop3A_523 = arith.constant 16 : i32
        %parallel_loop3A_524 = arith.muli %parallel_loop3A_512, %parallel_loop3A_523 : i32
        %parallel_loop3A_525 = arith.constant 16 : i32
        %parallel_loop3A_526 = arith.index_cast %parallel_loop3A_525 : i32 to index
        %parallel_loop3A_527 = arith.index_cast %parallel_loop3A_524 : i32 to index
        %parallel_loop3A_528 = tpu.vector_load %arg13[%parallel_loop3A_526, %parallel_loop3A_527] {strides = array<i32>} : memref<32x128xf32, #tpu.memory_space<vmem>>, vector<16xf32>,
        tpu.vector_store %arg13[%parallel_loop3A_526, %parallel_loop3A_527], %parallel_loop3A_522 {strides = array<i32>} : memref<32x128xf32, #tpu.memory_space<vmem>>, vector<16xf32>,
      } {sc.loop_unroll_factor = 8 : i64, sc.parallel_access}
      %broadcast_in_dim3A_380 = arith.constant 17 : i32
      %broadcast_in_dim3A_381 = vector.broadcast %broadcast_in_dim3A_380 : i32 to vector<16xi32>
      %parallel_loop3A_382 = arith.constant 0 : i32
      %parallel_loop3A_383 = arith.constant 8 : i32
      %parallel_loop3A_384 = arith.constant 1 : i32
      scf.for %parallel_loop3A_512 = %parallel_loop3A_382 to %parallel_loop3A_383 step %parallel_loop3A_384  : i32 {
        %parallel_loop3A_513 = arith.constant 16 : i32
        %parallel_loop3A_514 = arith.muli %parallel_loop3A_512, %parallel_loop3A_513 : i32
        %parallel_loop3A_515 = arith.index_cast %parallel_loop3A_514 : i32 to index
        %parallel_loop3A_516 = tpu.vector_load %arg9[%parallel_loop3A_515] {strides = array<i32>} : memref<128xi32, #tpu.memory_space<vmem>>, vector<16xi32>,
        %parallel_loop3A_517 = arith.constant 16 : i32
        %parallel_loop3A_518 = arith.muli %parallel_loop3A_512, %parallel_loop3A_517 : i32
        %parallel_loop3A_519 = vector.broadcast %parallel_loop3A_518 : i32 to vector<16xi32>
        %parallel_loop3A_520 = arith.addi %iota3A, %parallel_loop3A_519 : vector<16xi32>
        %parallel_loop3A_521 = arith.addi %parallel_loop3A_516, %broadcast_in_dim3A_381 : vector<16xi32>
        %parallel_loop3A_522 = tpu.vector_load_idx %arg11[%parallel_loop3A_520, %parallel_loop3A_521] : memref<128x128xf32, #tpu.memory_space<vmem>>[vector<16xi32>, vector<16xi32>], vector<16xf32>,
        %parallel_loop3A_523 = arith.constant 16 : i32
        %parallel_loop3A_524 = arith.muli %parallel_loop3A_512, %parallel_loop3A_523 : i32
        %parallel_loop3A_525 = arith.constant 17 : i32
        %parallel_loop3A_526 = arith.index_cast %parallel_loop3A_525 : i32 to index
        %parallel_loop3A_527 = arith.index_cast %parallel_loop3A_524 : i32 to index
        %parallel_loop3A_528 = tpu.vector_load %arg13[%parallel_loop3A_526, %parallel_loop3A_527] {strides = array<i32>} : memref<32x128xf32, #tpu.memory_space<vmem>>, vector<16xf32>,
        tpu.vector_store %arg13[%parallel_loop3A_526, %parallel_loop3A_527], %parallel_loop3A_522 {strides = array<i32>} : memref<32x128xf32, #tpu.memory_space<vmem>>, vector<16xf32>,
      } {sc.loop_unroll_factor = 8 : i64, sc.parallel_access}
      %broadcast_in_dim3A_385 = arith.constant 18 : i32
      %broadcast_in_dim3A_386 = vector.broadcast %broadcast_in_dim3A_385 : i32 to vector<16xi32>
      %parallel_loop3A_387 = arith.constant 0 : i32
      %parallel_loop3A_388 = arith.constant 8 : i32
      %parallel_loop3A_389 = arith.constant 1 : i32
      scf.for %parallel_loop3A_512 = %parallel_loop3A_387 to %parallel_loop3A_388 step %parallel_loop3A_389  : i32 {
        %parallel_loop3A_513 = arith.constant 16 : i32
        %parallel_loop3A_514 = arith.muli %parallel_loop3A_512, %parallel_loop3A_513 : i32
        %parallel_loop3A_515 = arith.index_cast %parallel_loop3A_514 : i32 to index
        %parallel_loop3A_516 = tpu.vector_load %arg9[%parallel_loop3A_515] {strides = array<i32>} : memref<128xi32, #tpu.memory_space<vmem>>, vector<16xi32>,
        %parallel_loop3A_517 = arith.constant 16 : i32
        %parallel_loop3A_518 = arith.muli %parallel_loop3A_512, %parallel_loop3A_517 : i32
        %parallel_loop3A_519 = vector.broadcast %parallel_loop3A_518 : i32 to vector<16xi32>
        %parallel_loop3A_520 = arith.addi %iota3A, %parallel_loop3A_519 : vector<16xi32>
        %parallel_loop3A_521 = arith.addi %parallel_loop3A_516, %broadcast_in_dim3A_386 : vector<16xi32>
        %parallel_loop3A_522 = tpu.vector_load_idx %arg11[%parallel_loop3A_520, %parallel_loop3A_521] : memref<128x128xf32, #tpu.memory_space<vmem>>[vector<16xi32>, vector<16xi32>], vector<16xf32>,
        %parallel_loop3A_523 = arith.constant 16 : i32
        %parallel_loop3A_524 = arith.muli %parallel_loop3A_512, %parallel_loop3A_523 : i32
        %parallel_loop3A_525 = arith.constant 18 : i32
        %parallel_loop3A_526 = arith.index_cast %parallel_loop3A_525 : i32 to index
        %parallel_loop3A_527 = arith.index_cast %parallel_loop3A_524 : i32 to index
        %parallel_loop3A_528 = tpu.vector_load %arg13[%parallel_loop3A_526, %parallel_loop3A_527] {strides = array<i32>} : memref<32x128xf32, #tpu.memory_space<vmem>>, vector<16xf32>,
        tpu.vector_store %arg13[%parallel_loop3A_526, %parallel_loop3A_527], %parallel_loop3A_522 {strides = array<i32>} : memref<32x128xf32, #tpu.memory_space<vmem>>, vector<16xf32>,
      } {sc.loop_unroll_factor = 8 : i64, sc.parallel_access}
      %broadcast_in_dim3A_390 = arith.constant 19 : i32
      %broadcast_in_dim3A_391 = vector.broadcast %broadcast_in_dim3A_390 : i32 to vector<16xi32>
      %parallel_loop3A_392 = arith.constant 0 : i32
      %parallel_loop3A_393 = arith.constant 8 : i32
      %parallel_loop3A_394 = arith.constant 1 : i32
      scf.for %parallel_loop3A_512 = %parallel_loop3A_392 to %parallel_loop3A_393 step %parallel_loop3A_394  : i32 {
        %parallel_loop3A_513 = arith.constant 16 : i32
        %parallel_loop3A_514 = arith.muli %parallel_loop3A_512, %parallel_loop3A_513 : i32
        %parallel_loop3A_515 = arith.index_cast %parallel_loop3A_514 : i32 to index
        %parallel_loop3A_516 = tpu.vector_load %arg9[%parallel_loop3A_515] {strides = array<i32>} : memref<128xi32, #tpu.memory_space<vmem>>, vector<16xi32>,
        %parallel_loop3A_517 = arith.constant 16 : i32
        %parallel_loop3A_518 = arith.muli %parallel_loop3A_512, %parallel_loop3A_517 : i32
        %parallel_loop3A_519 = vector.broadcast %parallel_loop3A_518 : i32 to vector<16xi32>
        %parallel_loop3A_520 = arith.addi %iota3A, %parallel_loop3A_519 : vector<16xi32>
        %parallel_loop3A_521 = arith.addi %parallel_loop3A_516, %broadcast_in_dim3A_391 : vector<16xi32>
        %parallel_loop3A_522 = tpu.vector_load_idx %arg11[%parallel_loop3A_520, %parallel_loop3A_521] : memref<128x128xf32, #tpu.memory_space<vmem>>[vector<16xi32>, vector<16xi32>], vector<16xf32>,
        %parallel_loop3A_523 = arith.constant 16 : i32
        %parallel_loop3A_524 = arith.muli %parallel_loop3A_512, %parallel_loop3A_523 : i32
        %parallel_loop3A_525 = arith.constant 19 : i32
        %parallel_loop3A_526 = arith.index_cast %parallel_loop3A_525 : i32 to index
        %parallel_loop3A_527 = arith.index_cast %parallel_loop3A_524 : i32 to index
        %parallel_loop3A_528 = tpu.vector_load %arg13[%parallel_loop3A_526, %parallel_loop3A_527] {strides = array<i32>} : memref<32x128xf32, #tpu.memory_space<vmem>>, vector<16xf32>,
        tpu.vector_store %arg13[%parallel_loop3A_526, %parallel_loop3A_527], %parallel_loop3A_522 {strides = array<i32>} : memref<32x128xf32, #tpu.memory_space<vmem>>, vector<16xf32>,
      } {sc.loop_unroll_factor = 8 : i64, sc.parallel_access}
      %broadcast_in_dim3A_395 = arith.constant 20 : i32
      %broadcast_in_dim3A_396 = vector.broadcast %broadcast_in_dim3A_395 : i32 to vector<16xi32>
      %parallel_loop3A_397 = arith.constant 0 : i32
      %parallel_loop3A_398 = arith.constant 8 : i32
      %parallel_loop3A_399 = arith.constant 1 : i32
      scf.for %parallel_loop3A_512 = %parallel_loop3A_397 to %parallel_loop3A_398 step %parallel_loop3A_399  : i32 {
        %parallel_loop3A_513 = arith.constant 16 : i32
        %parallel_loop3A_514 = arith.muli %parallel_loop3A_512, %parallel_loop3A_513 : i32
        %parallel_loop3A_515 = arith.index_cast %parallel_loop3A_514 : i32 to index
        %parallel_loop3A_516 = tpu.vector_load %arg9[%parallel_loop3A_515] {strides = array<i32>} : memref<128xi32, #tpu.memory_space<vmem>>, vector<16xi32>,
        %parallel_loop3A_517 = arith.constant 16 : i32
        %parallel_loop3A_518 = arith.muli %parallel_loop3A_512, %parallel_loop3A_517 : i32
        %parallel_loop3A_519 = vector.broadcast %parallel_loop3A_518 : i32 to vector<16xi32>
        %parallel_loop3A_520 = arith.addi %iota3A, %parallel_loop3A_519 : vector<16xi32>
        %parallel_loop3A_521 = arith.addi %parallel_loop3A_516, %broadcast_in_dim3A_396 : vector<16xi32>
        %parallel_loop3A_522 = tpu.vector_load_idx %arg11[%parallel_loop3A_520, %parallel_loop3A_521] : memref<128x128xf32, #tpu.memory_space<vmem>>[vector<16xi32>, vector<16xi32>], vector<16xf32>,
        %parallel_loop3A_523 = arith.constant 16 : i32
        %parallel_loop3A_524 = arith.muli %parallel_loop3A_512, %parallel_loop3A_523 : i32
        %parallel_loop3A_525 = arith.constant 20 : i32
        %parallel_loop3A_526 = arith.index_cast %parallel_loop3A_525 : i32 to index
        %parallel_loop3A_527 = arith.index_cast %parallel_loop3A_524 : i32 to index
        %parallel_loop3A_528 = tpu.vector_load %arg13[%parallel_loop3A_526, %parallel_loop3A_527] {strides = array<i32>} : memref<32x128xf32, #tpu.memory_space<vmem>>, vector<16xf32>,
        tpu.vector_store %arg13[%parallel_loop3A_526, %parallel_loop3A_527], %parallel_loop3A_522 {strides = array<i32>} : memref<32x128xf32, #tpu.memory_space<vmem>>, vector<16xf32>,
      } {sc.loop_unroll_factor = 8 : i64, sc.parallel_access}
      %broadcast_in_dim3A_400 = arith.constant 21 : i32
      %broadcast_in_dim3A_401 = vector.broadcast %broadcast_in_dim3A_400 : i32 to vector<16xi32>
      %parallel_loop3A_402 = arith.constant 0 : i32
      %parallel_loop3A_403 = arith.constant 8 : i32
      %parallel_loop3A_404 = arith.constant 1 : i32
      scf.for %parallel_loop3A_512 = %parallel_loop3A_402 to %parallel_loop3A_403 step %parallel_loop3A_404  : i32 {
        %parallel_loop3A_513 = arith.constant 16 : i32
        %parallel_loop3A_514 = arith.muli %parallel_loop3A_512, %parallel_loop3A_513 : i32
        %parallel_loop3A_515 = arith.index_cast %parallel_loop3A_514 : i32 to index
        %parallel_loop3A_516 = tpu.vector_load %arg9[%parallel_loop3A_515] {strides = array<i32>} : memref<128xi32, #tpu.memory_space<vmem>>, vector<16xi32>,
        %parallel_loop3A_517 = arith.constant 16 : i32
        %parallel_loop3A_518 = arith.muli %parallel_loop3A_512, %parallel_loop3A_517 : i32
        %parallel_loop3A_519 = vector.broadcast %parallel_loop3A_518 : i32 to vector<16xi32>
        %parallel_loop3A_520 = arith.addi %iota3A, %parallel_loop3A_519 : vector<16xi32>
        %parallel_loop3A_521 = arith.addi %parallel_loop3A_516, %broadcast_in_dim3A_401 : vector<16xi32>
        %parallel_loop3A_522 = tpu.vector_load_idx %arg11[%parallel_loop3A_520, %parallel_loop3A_521] : memref<128x128xf32, #tpu.memory_space<vmem>>[vector<16xi32>, vector<16xi32>], vector<16xf32>,
        %parallel_loop3A_523 = arith.constant 16 : i32
        %parallel_loop3A_524 = arith.muli %parallel_loop3A_512, %parallel_loop3A_523 : i32
        %parallel_loop3A_525 = arith.constant 21 : i32
        %parallel_loop3A_526 = arith.index_cast %parallel_loop3A_525 : i32 to index
        %parallel_loop3A_527 = arith.index_cast %parallel_loop3A_524 : i32 to index
        %parallel_loop3A_528 = tpu.vector_load %arg13[%parallel_loop3A_526, %parallel_loop3A_527] {strides = array<i32>} : memref<32x128xf32, #tpu.memory_space<vmem>>, vector<16xf32>,
        tpu.vector_store %arg13[%parallel_loop3A_526, %parallel_loop3A_527], %parallel_loop3A_522 {strides = array<i32>} : memref<32x128xf32, #tpu.memory_space<vmem>>, vector<16xf32>,
      } {sc.loop_unroll_factor = 8 : i64, sc.parallel_access}
      %broadcast_in_dim3A_405 = arith.constant 22 : i32
      %broadcast_in_dim3A_406 = vector.broadcast %broadcast_in_dim3A_405 : i32 to vector<16xi32>
      %parallel_loop3A_407 = arith.constant 0 : i32
      %parallel_loop3A_408 = arith.constant 8 : i32
      %parallel_loop3A_409 = arith.constant 1 : i32
      scf.for %parallel_loop3A_512 = %parallel_loop3A_407 to %parallel_loop3A_408 step %parallel_loop3A_409  : i32 {
        %parallel_loop3A_513 = arith.constant 16 : i32
        %parallel_loop3A_514 = arith.muli %parallel_loop3A_512, %parallel_loop3A_513 : i32
        %parallel_loop3A_515 = arith.index_cast %parallel_loop3A_514 : i32 to index
        %parallel_loop3A_516 = tpu.vector_load %arg9[%parallel_loop3A_515] {strides = array<i32>} : memref<128xi32, #tpu.memory_space<vmem>>, vector<16xi32>,
        %parallel_loop3A_517 = arith.constant 16 : i32
        %parallel_loop3A_518 = arith.muli %parallel_loop3A_512, %parallel_loop3A_517 : i32
        %parallel_loop3A_519 = vector.broadcast %parallel_loop3A_518 : i32 to vector<16xi32>
        %parallel_loop3A_520 = arith.addi %iota3A, %parallel_loop3A_519 : vector<16xi32>
        %parallel_loop3A_521 = arith.addi %parallel_loop3A_516, %broadcast_in_dim3A_406 : vector<16xi32>
        %parallel_loop3A_522 = tpu.vector_load_idx %arg11[%parallel_loop3A_520, %parallel_loop3A_521] : memref<128x128xf32, #tpu.memory_space<vmem>>[vector<16xi32>, vector<16xi32>], vector<16xf32>,
        %parallel_loop3A_523 = arith.constant 16 : i32
        %parallel_loop3A_524 = arith.muli %parallel_loop3A_512, %parallel_loop3A_523 : i32
        %parallel_loop3A_525 = arith.constant 22 : i32
        %parallel_loop3A_526 = arith.index_cast %parallel_loop3A_525 : i32 to index
        %parallel_loop3A_527 = arith.index_cast %parallel_loop3A_524 : i32 to index
        %parallel_loop3A_528 = tpu.vector_load %arg13[%parallel_loop3A_526, %parallel_loop3A_527] {strides = array<i32>} : memref<32x128xf32, #tpu.memory_space<vmem>>, vector<16xf32>,
        tpu.vector_store %arg13[%parallel_loop3A_526, %parallel_loop3A_527], %parallel_loop3A_522 {strides = array<i32>} : memref<32x128xf32, #tpu.memory_space<vmem>>, vector<16xf32>,
      } {sc.loop_unroll_factor = 8 : i64, sc.parallel_access}
      %broadcast_in_dim3A_410 = arith.constant 23 : i32
      %broadcast_in_dim3A_411 = vector.broadcast %broadcast_in_dim3A_410 : i32 to vector<16xi32>
      %parallel_loop3A_412 = arith.constant 0 : i32
      %parallel_loop3A_413 = arith.constant 8 : i32
      %parallel_loop3A_414 = arith.constant 1 : i32
      scf.for %parallel_loop3A_512 = %parallel_loop3A_412 to %parallel_loop3A_413 step %parallel_loop3A_414  : i32 {
        %parallel_loop3A_513 = arith.constant 16 : i32
        %parallel_loop3A_514 = arith.muli %parallel_loop3A_512, %parallel_loop3A_513 : i32
        %parallel_loop3A_515 = arith.index_cast %parallel_loop3A_514 : i32 to index
        %parallel_loop3A_516 = tpu.vector_load %arg9[%parallel_loop3A_515] {strides = array<i32>} : memref<128xi32, #tpu.memory_space<vmem>>, vector<16xi32>,
        %parallel_loop3A_517 = arith.constant 16 : i32
        %parallel_loop3A_518 = arith.muli %parallel_loop3A_512, %parallel_loop3A_517 : i32
        %parallel_loop3A_519 = vector.broadcast %parallel_loop3A_518 : i32 to vector<16xi32>
        %parallel_loop3A_520 = arith.addi %iota3A, %parallel_loop3A_519 : vector<16xi32>
        %parallel_loop3A_521 = arith.addi %parallel_loop3A_516, %broadcast_in_dim3A_411 : vector<16xi32>
        %parallel_loop3A_522 = tpu.vector_load_idx %arg11[%parallel_loop3A_520, %parallel_loop3A_521] : memref<128x128xf32, #tpu.memory_space<vmem>>[vector<16xi32>, vector<16xi32>], vector<16xf32>,
        %parallel_loop3A_523 = arith.constant 16 : i32
        %parallel_loop3A_524 = arith.muli %parallel_loop3A_512, %parallel_loop3A_523 : i32
        %parallel_loop3A_525 = arith.constant 23 : i32
        %parallel_loop3A_526 = arith.index_cast %parallel_loop3A_525 : i32 to index
        %parallel_loop3A_527 = arith.index_cast %parallel_loop3A_524 : i32 to index
        %parallel_loop3A_528 = tpu.vector_load %arg13[%parallel_loop3A_526, %parallel_loop3A_527] {strides = array<i32>} : memref<32x128xf32, #tpu.memory_space<vmem>>, vector<16xf32>,
        tpu.vector_store %arg13[%parallel_loop3A_526, %parallel_loop3A_527], %parallel_loop3A_522 {strides = array<i32>} : memref<32x128xf32, #tpu.memory_space<vmem>>, vector<16xf32>,
      } {sc.loop_unroll_factor = 8 : i64, sc.parallel_access}
      %broadcast_in_dim3A_415 = arith.constant 24 : i32
      %broadcast_in_dim3A_416 = vector.broadcast %broadcast_in_dim3A_415 : i32 to vector<16xi32>
      %parallel_loop3A_417 = arith.constant 0 : i32
      %parallel_loop3A_418 = arith.constant 8 : i32
      %parallel_loop3A_419 = arith.constant 1 : i32
      scf.for %parallel_loop3A_512 = %parallel_loop3A_417 to %parallel_loop3A_418 step %parallel_loop3A_419  : i32 {
        %parallel_loop3A_513 = arith.constant 16 : i32
        %parallel_loop3A_514 = arith.muli %parallel_loop3A_512, %parallel_loop3A_513 : i32
        %parallel_loop3A_515 = arith.index_cast %parallel_loop3A_514 : i32 to index
        %parallel_loop3A_516 = tpu.vector_load %arg9[%parallel_loop3A_515] {strides = array<i32>} : memref<128xi32, #tpu.memory_space<vmem>>, vector<16xi32>,
        %parallel_loop3A_517 = arith.constant 16 : i32
        %parallel_loop3A_518 = arith.muli %parallel_loop3A_512, %parallel_loop3A_517 : i32
        %parallel_loop3A_519 = vector.broadcast %parallel_loop3A_518 : i32 to vector<16xi32>
        %parallel_loop3A_520 = arith.addi %iota3A, %parallel_loop3A_519 : vector<16xi32>
        %parallel_loop3A_521 = arith.addi %parallel_loop3A_516, %broadcast_in_dim3A_416 : vector<16xi32>
        %parallel_loop3A_522 = tpu.vector_load_idx %arg11[%parallel_loop3A_520, %parallel_loop3A_521] : memref<128x128xf32, #tpu.memory_space<vmem>>[vector<16xi32>, vector<16xi32>], vector<16xf32>,
        %parallel_loop3A_523 = arith.constant 16 : i32
        %parallel_loop3A_524 = arith.muli %parallel_loop3A_512, %parallel_loop3A_523 : i32
        %parallel_loop3A_525 = arith.constant 24 : i32
        %parallel_loop3A_526 = arith.index_cast %parallel_loop3A_525 : i32 to index
        %parallel_loop3A_527 = arith.index_cast %parallel_loop3A_524 : i32 to index
        %parallel_loop3A_528 = tpu.vector_load %arg13[%parallel_loop3A_526, %parallel_loop3A_527] {strides = array<i32>} : memref<32x128xf32, #tpu.memory_space<vmem>>, vector<16xf32>,
        tpu.vector_store %arg13[%parallel_loop3A_526, %parallel_loop3A_527], %parallel_loop3A_522 {strides = array<i32>} : memref<32x128xf32, #tpu.memory_space<vmem>>, vector<16xf32>,
      } {sc.loop_unroll_factor = 8 : i64, sc.parallel_access}
      %broadcast_in_dim3A_420 = arith.constant 25 : i32
      %broadcast_in_dim3A_421 = vector.broadcast %broadcast_in_dim3A_420 : i32 to vector<16xi32>
      %parallel_loop3A_422 = arith.constant 0 : i32
      %parallel_loop3A_423 = arith.constant 8 : i32
      %parallel_loop3A_424 = arith.constant 1 : i32
      scf.for %parallel_loop3A_512 = %parallel_loop3A_422 to %parallel_loop3A_423 step %parallel_loop3A_424  : i32 {
        %parallel_loop3A_513 = arith.constant 16 : i32
        %parallel_loop3A_514 = arith.muli %parallel_loop3A_512, %parallel_loop3A_513 : i32
        %parallel_loop3A_515 = arith.index_cast %parallel_loop3A_514 : i32 to index
        %parallel_loop3A_516 = tpu.vector_load %arg9[%parallel_loop3A_515] {strides = array<i32>} : memref<128xi32, #tpu.memory_space<vmem>>, vector<16xi32>,
        %parallel_loop3A_517 = arith.constant 16 : i32
        %parallel_loop3A_518 = arith.muli %parallel_loop3A_512, %parallel_loop3A_517 : i32
        %parallel_loop3A_519 = vector.broadcast %parallel_loop3A_518 : i32 to vector<16xi32>
        %parallel_loop3A_520 = arith.addi %iota3A, %parallel_loop3A_519 : vector<16xi32>
        %parallel_loop3A_521 = arith.addi %parallel_loop3A_516, %broadcast_in_dim3A_421 : vector<16xi32>
        %parallel_loop3A_522 = tpu.vector_load_idx %arg11[%parallel_loop3A_520, %parallel_loop3A_521] : memref<128x128xf32, #tpu.memory_space<vmem>>[vector<16xi32>, vector<16xi32>], vector<16xf32>,
        %parallel_loop3A_523 = arith.constant 16 : i32
        %parallel_loop3A_524 = arith.muli %parallel_loop3A_512, %parallel_loop3A_523 : i32
        %parallel_loop3A_525 = arith.constant 25 : i32
        %parallel_loop3A_526 = arith.index_cast %parallel_loop3A_525 : i32 to index
        %parallel_loop3A_527 = arith.index_cast %parallel_loop3A_524 : i32 to index
        %parallel_loop3A_528 = tpu.vector_load %arg13[%parallel_loop3A_526, %parallel_loop3A_527] {strides = array<i32>} : memref<32x128xf32, #tpu.memory_space<vmem>>, vector<16xf32>,
        tpu.vector_store %arg13[%parallel_loop3A_526, %parallel_loop3A_527], %parallel_loop3A_522 {strides = array<i32>} : memref<32x128xf32, #tpu.memory_space<vmem>>, vector<16xf32>,
      } {sc.loop_unroll_factor = 8 : i64, sc.parallel_access}
      %broadcast_in_dim3A_425 = arith.constant 26 : i32
      %broadcast_in_dim3A_426 = vector.broadcast %broadcast_in_dim3A_425 : i32 to vector<16xi32>
      %parallel_loop3A_427 = arith.constant 0 : i32
      %parallel_loop3A_428 = arith.constant 8 : i32
      %parallel_loop3A_429 = arith.constant 1 : i32
      scf.for %parallel_loop3A_512 = %parallel_loop3A_427 to %parallel_loop3A_428 step %parallel_loop3A_429  : i32 {
        %parallel_loop3A_513 = arith.constant 16 : i32
        %parallel_loop3A_514 = arith.muli %parallel_loop3A_512, %parallel_loop3A_513 : i32
        %parallel_loop3A_515 = arith.index_cast %parallel_loop3A_514 : i32 to index
        %parallel_loop3A_516 = tpu.vector_load %arg9[%parallel_loop3A_515] {strides = array<i32>} : memref<128xi32, #tpu.memory_space<vmem>>, vector<16xi32>,
        %parallel_loop3A_517 = arith.constant 16 : i32
        %parallel_loop3A_518 = arith.muli %parallel_loop3A_512, %parallel_loop3A_517 : i32
        %parallel_loop3A_519 = vector.broadcast %parallel_loop3A_518 : i32 to vector<16xi32>
        %parallel_loop3A_520 = arith.addi %iota3A, %parallel_loop3A_519 : vector<16xi32>
        %parallel_loop3A_521 = arith.addi %parallel_loop3A_516, %broadcast_in_dim3A_426 : vector<16xi32>
        %parallel_loop3A_522 = tpu.vector_load_idx %arg11[%parallel_loop3A_520, %parallel_loop3A_521] : memref<128x128xf32, #tpu.memory_space<vmem>>[vector<16xi32>, vector<16xi32>], vector<16xf32>,
        %parallel_loop3A_523 = arith.constant 16 : i32
        %parallel_loop3A_524 = arith.muli %parallel_loop3A_512, %parallel_loop3A_523 : i32
        %parallel_loop3A_525 = arith.constant 26 : i32
        %parallel_loop3A_526 = arith.index_cast %parallel_loop3A_525 : i32 to index
        %parallel_loop3A_527 = arith.index_cast %parallel_loop3A_524 : i32 to index
        %parallel_loop3A_528 = tpu.vector_load %arg13[%parallel_loop3A_526, %parallel_loop3A_527] {strides = array<i32>} : memref<32x128xf32, #tpu.memory_space<vmem>>, vector<16xf32>,
        tpu.vector_store %arg13[%parallel_loop3A_526, %parallel_loop3A_527], %parallel_loop3A_522 {strides = array<i32>} : memref<32x128xf32, #tpu.memory_space<vmem>>, vector<16xf32>,
      } {sc.loop_unroll_factor = 8 : i64, sc.parallel_access}
      %broadcast_in_dim3A_430 = arith.constant 27 : i32
      %broadcast_in_dim3A_431 = vector.broadcast %broadcast_in_dim3A_430 : i32 to vector<16xi32>
      %parallel_loop3A_432 = arith.constant 0 : i32
      %parallel_loop3A_433 = arith.constant 8 : i32
      %parallel_loop3A_434 = arith.constant 1 : i32
      scf.for %parallel_loop3A_512 = %parallel_loop3A_432 to %parallel_loop3A_433 step %parallel_loop3A_434  : i32 {
        %parallel_loop3A_513 = arith.constant 16 : i32
        %parallel_loop3A_514 = arith.muli %parallel_loop3A_512, %parallel_loop3A_513 : i32
        %parallel_loop3A_515 = arith.index_cast %parallel_loop3A_514 : i32 to index
        %parallel_loop3A_516 = tpu.vector_load %arg9[%parallel_loop3A_515] {strides = array<i32>} : memref<128xi32, #tpu.memory_space<vmem>>, vector<16xi32>,
        %parallel_loop3A_517 = arith.constant 16 : i32
        %parallel_loop3A_518 = arith.muli %parallel_loop3A_512, %parallel_loop3A_517 : i32
        %parallel_loop3A_519 = vector.broadcast %parallel_loop3A_518 : i32 to vector<16xi32>
        %parallel_loop3A_520 = arith.addi %iota3A, %parallel_loop3A_519 : vector<16xi32>
        %parallel_loop3A_521 = arith.addi %parallel_loop3A_516, %broadcast_in_dim3A_431 : vector<16xi32>
        %parallel_loop3A_522 = tpu.vector_load_idx %arg11[%parallel_loop3A_520, %parallel_loop3A_521] : memref<128x128xf32, #tpu.memory_space<vmem>>[vector<16xi32>, vector<16xi32>], vector<16xf32>,
        %parallel_loop3A_523 = arith.constant 16 : i32
        %parallel_loop3A_524 = arith.muli %parallel_loop3A_512, %parallel_loop3A_523 : i32
        %parallel_loop3A_525 = arith.constant 27 : i32
        %parallel_loop3A_526 = arith.index_cast %parallel_loop3A_525 : i32 to index
        %parallel_loop3A_527 = arith.index_cast %parallel_loop3A_524 : i32 to index
        %parallel_loop3A_528 = tpu.vector_load %arg13[%parallel_loop3A_526, %parallel_loop3A_527] {strides = array<i32>} : memref<32x128xf32, #tpu.memory_space<vmem>>, vector<16xf32>,
        tpu.vector_store %arg13[%parallel_loop3A_526, %parallel_loop3A_527], %parallel_loop3A_522 {strides = array<i32>} : memref<32x128xf32, #tpu.memory_space<vmem>>, vector<16xf32>,
      } {sc.loop_unroll_factor = 8 : i64, sc.parallel_access}
      %broadcast_in_dim3A_435 = arith.constant 28 : i32
      %broadcast_in_dim3A_436 = vector.broadcast %broadcast_in_dim3A_435 : i32 to vector<16xi32>
      %parallel_loop3A_437 = arith.constant 0 : i32
      %parallel_loop3A_438 = arith.constant 8 : i32
      %parallel_loop3A_439 = arith.constant 1 : i32
      scf.for %parallel_loop3A_512 = %parallel_loop3A_437 to %parallel_loop3A_438 step %parallel_loop3A_439  : i32 {
        %parallel_loop3A_513 = arith.constant 16 : i32
        %parallel_loop3A_514 = arith.muli %parallel_loop3A_512, %parallel_loop3A_513 : i32
        %parallel_loop3A_515 = arith.index_cast %parallel_loop3A_514 : i32 to index
        %parallel_loop3A_516 = tpu.vector_load %arg9[%parallel_loop3A_515] {strides = array<i32>} : memref<128xi32, #tpu.memory_space<vmem>>, vector<16xi32>,
        %parallel_loop3A_517 = arith.constant 16 : i32
        %parallel_loop3A_518 = arith.muli %parallel_loop3A_512, %parallel_loop3A_517 : i32
        %parallel_loop3A_519 = vector.broadcast %parallel_loop3A_518 : i32 to vector<16xi32>
        %parallel_loop3A_520 = arith.addi %iota3A, %parallel_loop3A_519 : vector<16xi32>
        %parallel_loop3A_521 = arith.addi %parallel_loop3A_516, %broadcast_in_dim3A_436 : vector<16xi32>
        %parallel_loop3A_522 = tpu.vector_load_idx %arg11[%parallel_loop3A_520, %parallel_loop3A_521] : memref<128x128xf32, #tpu.memory_space<vmem>>[vector<16xi32>, vector<16xi32>], vector<16xf32>,
        %parallel_loop3A_523 = arith.constant 16 : i32
        %parallel_loop3A_524 = arith.muli %parallel_loop3A_512, %parallel_loop3A_523 : i32
        %parallel_loop3A_525 = arith.constant 28 : i32
        %parallel_loop3A_526 = arith.index_cast %parallel_loop3A_525 : i32 to index
        %parallel_loop3A_527 = arith.index_cast %parallel_loop3A_524 : i32 to index
        %parallel_loop3A_528 = tpu.vector_load %arg13[%parallel_loop3A_526, %parallel_loop3A_527] {strides = array<i32>} : memref<32x128xf32, #tpu.memory_space<vmem>>, vector<16xf32>,
        tpu.vector_store %arg13[%parallel_loop3A_526, %parallel_loop3A_527], %parallel_loop3A_522 {strides = array<i32>} : memref<32x128xf32, #tpu.memory_space<vmem>>, vector<16xf32>,
      } {sc.loop_unroll_factor = 8 : i64, sc.parallel_access}
      %broadcast_in_dim3A_440 = arith.constant 29 : i32
      %broadcast_in_dim3A_441 = vector.broadcast %broadcast_in_dim3A_440 : i32 to vector<16xi32>
      %parallel_loop3A_442 = arith.constant 0 : i32
      %parallel_loop3A_443 = arith.constant 8 : i32
      %parallel_loop3A_444 = arith.constant 1 : i32
      scf.for %parallel_loop3A_512 = %parallel_loop3A_442 to %parallel_loop3A_443 step %parallel_loop3A_444  : i32 {
        %parallel_loop3A_513 = arith.constant 16 : i32
        %parallel_loop3A_514 = arith.muli %parallel_loop3A_512, %parallel_loop3A_513 : i32
        %parallel_loop3A_515 = arith.index_cast %parallel_loop3A_514 : i32 to index
        %parallel_loop3A_516 = tpu.vector_load %arg9[%parallel_loop3A_515] {strides = array<i32>} : memref<128xi32, #tpu.memory_space<vmem>>, vector<16xi32>,
        %parallel_loop3A_517 = arith.constant 16 : i32
        %parallel_loop3A_518 = arith.muli %parallel_loop3A_512, %parallel_loop3A_517 : i32
        %parallel_loop3A_519 = vector.broadcast %parallel_loop3A_518 : i32 to vector<16xi32>
        %parallel_loop3A_520 = arith.addi %iota3A, %parallel_loop3A_519 : vector<16xi32>
        %parallel_loop3A_521 = arith.addi %parallel_loop3A_516, %broadcast_in_dim3A_441 : vector<16xi32>
        %parallel_loop3A_522 = tpu.vector_load_idx %arg11[%parallel_loop3A_520, %parallel_loop3A_521] : memref<128x128xf32, #tpu.memory_space<vmem>>[vector<16xi32>, vector<16xi32>], vector<16xf32>,
        %parallel_loop3A_523 = arith.constant 16 : i32
        %parallel_loop3A_524 = arith.muli %parallel_loop3A_512, %parallel_loop3A_523 : i32
        %parallel_loop3A_525 = arith.constant 29 : i32
        %parallel_loop3A_526 = arith.index_cast %parallel_loop3A_525 : i32 to index
        %parallel_loop3A_527 = arith.index_cast %parallel_loop3A_524 : i32 to index
        %parallel_loop3A_528 = tpu.vector_load %arg13[%parallel_loop3A_526, %parallel_loop3A_527] {strides = array<i32>} : memref<32x128xf32, #tpu.memory_space<vmem>>, vector<16xf32>,
        tpu.vector_store %arg13[%parallel_loop3A_526, %parallel_loop3A_527], %parallel_loop3A_522 {strides = array<i32>} : memref<32x128xf32, #tpu.memory_space<vmem>>, vector<16xf32>,
      } {sc.loop_unroll_factor = 8 : i64, sc.parallel_access}
      %broadcast_in_dim3A_445 = arith.constant 30 : i32
      %broadcast_in_dim3A_446 = vector.broadcast %broadcast_in_dim3A_445 : i32 to vector<16xi32>
      %parallel_loop3A_447 = arith.constant 0 : i32
      %parallel_loop3A_448 = arith.constant 8 : i32
      %parallel_loop3A_449 = arith.constant 1 : i32
      scf.for %parallel_loop3A_512 = %parallel_loop3A_447 to %parallel_loop3A_448 step %parallel_loop3A_449  : i32 {
        %parallel_loop3A_513 = arith.constant 16 : i32
        %parallel_loop3A_514 = arith.muli %parallel_loop3A_512, %parallel_loop3A_513 : i32
        %parallel_loop3A_515 = arith.index_cast %parallel_loop3A_514 : i32 to index
        %parallel_loop3A_516 = tpu.vector_load %arg9[%parallel_loop3A_515] {strides = array<i32>} : memref<128xi32, #tpu.memory_space<vmem>>, vector<16xi32>,
        %parallel_loop3A_517 = arith.constant 16 : i32
        %parallel_loop3A_518 = arith.muli %parallel_loop3A_512, %parallel_loop3A_517 : i32
        %parallel_loop3A_519 = vector.broadcast %parallel_loop3A_518 : i32 to vector<16xi32>
        %parallel_loop3A_520 = arith.addi %iota3A, %parallel_loop3A_519 : vector<16xi32>
        %parallel_loop3A_521 = arith.addi %parallel_loop3A_516, %broadcast_in_dim3A_446 : vector<16xi32>
        %parallel_loop3A_522 = tpu.vector_load_idx %arg11[%parallel_loop3A_520, %parallel_loop3A_521] : memref<128x128xf32, #tpu.memory_space<vmem>>[vector<16xi32>, vector<16xi32>], vector<16xf32>,
        %parallel_loop3A_523 = arith.constant 16 : i32
        %parallel_loop3A_524 = arith.muli %parallel_loop3A_512, %parallel_loop3A_523 : i32
        %parallel_loop3A_525 = arith.constant 30 : i32
        %parallel_loop3A_526 = arith.index_cast %parallel_loop3A_525 : i32 to index
        %parallel_loop3A_527 = arith.index_cast %parallel_loop3A_524 : i32 to index
        %parallel_loop3A_528 = tpu.vector_load %arg13[%parallel_loop3A_526, %parallel_loop3A_527] {strides = array<i32>} : memref<32x128xf32, #tpu.memory_space<vmem>>, vector<16xf32>,
        tpu.vector_store %arg13[%parallel_loop3A_526, %parallel_loop3A_527], %parallel_loop3A_522 {strides = array<i32>} : memref<32x128xf32, #tpu.memory_space<vmem>>, vector<16xf32>,
      } {sc.loop_unroll_factor = 8 : i64, sc.parallel_access}
      %broadcast_in_dim3A_450 = arith.constant 31 : i32
      %broadcast_in_dim3A_451 = vector.broadcast %broadcast_in_dim3A_450 : i32 to vector<16xi32>
      %parallel_loop3A_452 = arith.constant 0 : i32
      %parallel_loop3A_453 = arith.constant 8 : i32
      %parallel_loop3A_454 = arith.constant 1 : i32
      scf.for %parallel_loop3A_512 = %parallel_loop3A_452 to %parallel_loop3A_453 step %parallel_loop3A_454  : i32 {
        %parallel_loop3A_513 = arith.constant 16 : i32
        %parallel_loop3A_514 = arith.muli %parallel_loop3A_512, %parallel_loop3A_513 : i32
        %parallel_loop3A_515 = arith.index_cast %parallel_loop3A_514 : i32 to index
        %parallel_loop3A_516 = tpu.vector_load %arg9[%parallel_loop3A_515] {strides = array<i32>} : memref<128xi32, #tpu.memory_space<vmem>>, vector<16xi32>,
        %parallel_loop3A_517 = arith.constant 16 : i32
        %parallel_loop3A_518 = arith.muli %parallel_loop3A_512, %parallel_loop3A_517 : i32
        %parallel_loop3A_519 = vector.broadcast %parallel_loop3A_518 : i32 to vector<16xi32>
        %parallel_loop3A_520 = arith.addi %iota3A, %parallel_loop3A_519 : vector<16xi32>
        %parallel_loop3A_521 = arith.addi %parallel_loop3A_516, %broadcast_in_dim3A_451 : vector<16xi32>
        %parallel_loop3A_522 = tpu.vector_load_idx %arg11[%parallel_loop3A_520, %parallel_loop3A_521] : memref<128x128xf32, #tpu.memory_space<vmem>>[vector<16xi32>, vector<16xi32>], vector<16xf32>,
        %parallel_loop3A_523 = arith.constant 16 : i32
        %parallel_loop3A_524 = arith.muli %parallel_loop3A_512, %parallel_loop3A_523 : i32
        %parallel_loop3A_525 = arith.constant 31 : i32
        %parallel_loop3A_526 = arith.index_cast %parallel_loop3A_525 : i32 to index
        %parallel_loop3A_527 = arith.index_cast %parallel_loop3A_524 : i32 to index
        %parallel_loop3A_528 = tpu.vector_load %arg13[%parallel_loop3A_526, %parallel_loop3A_527] {strides = array<i32>} : memref<32x128xf32, #tpu.memory_space<vmem>>, vector<16xf32>,
        tpu.vector_store %arg13[%parallel_loop3A_526, %parallel_loop3A_527], %parallel_loop3A_522 {strides = array<i32>} : memref<32x128xf32, #tpu.memory_space<vmem>>, vector<16xf32>,
      } {sc.loop_unroll_factor = 8 : i64, sc.parallel_access}
      %lt3A_455 = arith.constant 200 : i32
      %lt3A_456 = arith.cmpi slt, %add3A_283, %lt3A_455 : i32
      %convert_element_type3A_457 = arith.extui %lt3A_456 : i1 to i32
      %cond3A_458 = arith.constant 0 : i32
      %cond3A_459 = arith.cmpi ne, %convert_element_type3A_457, %cond3A_458 : i32
      scf.if %cond3A_459 {
        %jit3A_512 = arith.constant 4 : i32
        %div3A_513 = arith.divsi %add3A_283, %jit3A_512 : i32
        %sign3A_514 = arith.constant 0 : i32
        %sign3A_515 = arith.cmpi sgt, %add3A_283, %sign3A_514 : i32
        %sign3A_516 = arith.extui %sign3A_515 : i1 to i32
        %sign3A_517 = arith.constant 0 : i32
        %sign3A_518 = arith.cmpi slt, %add3A_283, %sign3A_517 : i32
        %sign3A_519 = arith.extui %sign3A_518 : i1 to i32
        %sign3A_520 = arith.subi %sign3A_516, %sign3A_519 : i32
        %sign3A_521 = arith.constant 0 : i32
        %sign3A_522 = arith.cmpi sgt, %jit3A_512, %sign3A_521 : i32
        %sign3A_523 = arith.extui %sign3A_522 : i1 to i32
        %sign3A_524 = arith.constant 0 : i32
        %sign3A_525 = arith.cmpi slt, %jit3A_512, %sign3A_524 : i32
        %sign3A_526 = arith.extui %sign3A_525 : i1 to i32
        %sign3A_527 = arith.subi %sign3A_523, %sign3A_526 : i32
        %ne3A_528 = arith.cmpi ne, %sign3A_520, %sign3A_527 : i32
        %rem3A_529 = arith.remsi %add3A_283, %jit3A_512 : i32
        %ne3A_530 = arith.constant 0 : i32
        %ne3A_531 = arith.cmpi ne, %rem3A_529, %ne3A_530 : i32
        %and3A_532 = arith.andi %ne3A_528, %ne3A_531 : i1
        %sub3A_533 = arith.constant 1 : i32
        %sub3A_534 = arith.subi %div3A_513, %sub3A_533 : i32
        %select_n3A_535 = arith.select %and3A_532, %sub3A_534, %div3A_513 : i32
        %jit3A_536 = arith.constant 4 : i32
        %eq3A_537 = arith.constant 0 : i32
        %eq3A_538 = arith.cmpi eq, %jit3A_536, %eq3A_537 : i32
        %jit3A_539 = arith.constant 1 : i32
        %select_n3A_540 = arith.select %eq3A_538, %jit3A_539, %jit3A_536 : i32
        %rem3A_541 = arith.remsi %add3A_283, %select_n3A_540 : i32
        %ne3A_542 = arith.constant 0 : i32
        %ne3A_543 = arith.cmpi ne, %rem3A_541, %ne3A_542 : i32
        %lt3A_544 = arith.constant 0 : i32
        %lt3A_545 = arith.cmpi slt, %rem3A_541, %lt3A_544 : i32
        %lt3A_546 = arith.constant 0 : i32
        %lt3A_547 = arith.cmpi slt, %select_n3A_540, %lt3A_546 : i32
        %ne3A_548 = arith.xori %lt3A_545, %lt3A_547 : i1
        %and3A_549 = arith.andi %ne3A_548, %ne3A_543 : i1
        %add3A_550 = arith.addi %rem3A_541, %select_n3A_540 : i32
        %select_n3A_551 = arith.select %and3A_549, %add3A_550, %rem3A_541 : i32
        %parallel_loop3A_552 = arith.constant 0 : i32
        %parallel_loop3A_553 = arith.constant 8 : i32
        %parallel_loop3A_554 = arith.constant 1 : i32
        scf.for %parallel_loop3A_561 = %parallel_loop3A_552 to %parallel_loop3A_553 step %parallel_loop3A_554  : i32 {
          %parallel_loop3A_562 = arith.constant 128 : i32
          %parallel_loop3A_563 = arith.muli %select_n3A_551, %parallel_loop3A_562 : i32
          %parallel_loop3A_564 = arith.constant 16 : i32
          %parallel_loop3A_565 = arith.muli %parallel_loop3A_561, %parallel_loop3A_564 : i32
          %parallel_loop3A_566 = arith.addi %parallel_loop3A_563, %parallel_loop3A_565 : i32
          %parallel_loop3A_567 = arith.constant 50 : i32
          %parallel_loop3A_568 = arith.muli %parallel_loop3A_566, %parallel_loop3A_567 : i32
          %parallel_loop3A_569 = arith.addi %parallel_loop3A_568, %select_n3A_535 : i32
          %parallel_loop3A_570 = vector.broadcast %parallel_loop3A_569 : i32 to vector<16xi32>
          %parallel_loop3A_571 = arith.addi %mul3A_8, %parallel_loop3A_570 : vector<16xi32>
          %parallel_loop3A_572 = tpu.vector_load_idx %arg5[%parallel_loop3A_571] : memref<25600xi32, #tpu.memory_space<vmem>>[vector<16xi32>], vector<16xi32>,
          %parallel_loop3A_573 = arith.constant 2 : i32
          %parallel_loop3A_574 = vector.broadcast %parallel_loop3A_573 : i32 to vector<16xi32>
          %parallel_loop3A_575 = arith.shrui %parallel_loop3A_572, %parallel_loop3A_574 : vector<16xi32>
          %parallel_loop3A_576 = arith.constant 16 : i32
          %parallel_loop3A_577 = arith.muli %parallel_loop3A_561, %parallel_loop3A_576 : i32
          %parallel_loop3A_578 = arith.index_cast %parallel_loop3A_577 : i32 to index
          %parallel_loop3A_579 = tpu.vector_load %arg7[%parallel_loop3A_578] {strides = array<i32>} : memref<128xi32, #tpu.memory_space<vmem>>, vector<16xi32>,
          tpu.vector_store %arg7[%parallel_loop3A_578], %parallel_loop3A_575 {strides = array<i32>} : memref<128xi32, #tpu.memory_space<vmem>>, vector<16xi32>,
          %parallel_loop3A_580 = arith.constant 3 : i32
          %parallel_loop3A_581 = vector.broadcast %parallel_loop3A_580 : i32 to vector<16xi32>
          %parallel_loop3A_582 = arith.andi %parallel_loop3A_572, %parallel_loop3A_581 : vector<16xi32>
          %parallel_loop3A_583 = arith.constant 5 : i32
          %parallel_loop3A_584 = vector.broadcast %parallel_loop3A_583 : i32 to vector<16xi32>
          %parallel_loop3A_585 = arith.shli %parallel_loop3A_582, %parallel_loop3A_584 : vector<16xi32>
          %parallel_loop3A_586 = arith.constant 16 : i32
          %parallel_loop3A_587 = arith.muli %parallel_loop3A_561, %parallel_loop3A_586 : i32
          %parallel_loop3A_588 = arith.index_cast %parallel_loop3A_587 : i32 to index
          %parallel_loop3A_589 = tpu.vector_load %arg9[%parallel_loop3A_588] {strides = array<i32>} : memref<128xi32, #tpu.memory_space<vmem>>, vector<16xi32>,
          tpu.vector_store %arg9[%parallel_loop3A_588], %parallel_loop3A_585 {strides = array<i32>} : memref<128xi32, #tpu.memory_space<vmem>>, vector<16xi32>,
        } {sc.loop_unroll_factor = 8 : i64, sc.parallel_access}
        %dma_start3A_555 = arith.constant 1 : i32
        %dma_start3A_556 = arith.constant 0 : i32
        %dma_start3A_557 = arith.constant 0 : i32
        %dma_start3A_558 = tpu.memref_slice %arg3[%dma_start3A_556, %dma_start3A_557] : memref<250000x128xf32, #tpu.memory_space<hbm>> -> memref<250000x128xf32, #tpu.memory_space<hbm>>
        %dma_start3A_559 = tpu.memref_slice %arg15[%dma_start3A_555] : memref<2x!tpu.dma_semaphore, #tpu.memory_space<semaphore_mem>> -> memref<1x!tpu.dma_semaphore, #tpu.memory_space<semaphore_mem>>
        %dma_start3A_560 = tpu.memref_squeeze %dma_start3A_559 : memref<1x!tpu.dma_semaphore, #tpu.memory_space<semaphore_mem>> -> memref<!tpu.dma_semaphore, #tpu.memory_space<semaphore_mem>>
        tpu.enqueue_indirect_dma source(%dma_start3A_558 : memref<250000x128xf32, #tpu.memory_space<hbm>>) target(%arg11 : memref<128x128xf32, #tpu.memory_space<vmem>>) offsets(%arg7 : memref<128xi32, #tpu.memory_space<vmem>>) semaphore(%dma_start3A_560 : memref<!tpu.dma_semaphore, #tpu.memory_space<semaphore_mem>>)
      } else {
      }
      %jit3A_460 = arith.constant 4 : i32
      %div3A_461 = arith.divsi %add3A_281, %jit3A_460 : i32
      %sign3A_462 = arith.constant 0 : i32
      %sign3A_463 = arith.cmpi sgt, %add3A_281, %sign3A_462 : i32
      %sign3A_464 = arith.extui %sign3A_463 : i1 to i32
      %sign3A_465 = arith.constant 0 : i32
      %sign3A_466 = arith.cmpi slt, %add3A_281, %sign3A_465 : i32
      %sign3A_467 = arith.extui %sign3A_466 : i1 to i32
      %sign3A_468 = arith.subi %sign3A_464, %sign3A_467 : i32
      %sign3A_469 = arith.constant 0 : i32
      %sign3A_470 = arith.cmpi sgt, %jit3A_460, %sign3A_469 : i32
      %sign3A_471 = arith.extui %sign3A_470 : i1 to i32
      %sign3A_472 = arith.constant 0 : i32
      %sign3A_473 = arith.cmpi slt, %jit3A_460, %sign3A_472 : i32
      %sign3A_474 = arith.extui %sign3A_473 : i1 to i32
      %sign3A_475 = arith.subi %sign3A_471, %sign3A_474 : i32
      %ne3A_476 = arith.cmpi ne, %sign3A_468, %sign3A_475 : i32
      %rem3A_477 = arith.remsi %add3A_281, %jit3A_460 : i32
      %ne3A_478 = arith.constant 0 : i32
      %ne3A_479 = arith.cmpi ne, %rem3A_477, %ne3A_478 : i32
      %and3A_480 = arith.andi %ne3A_476, %ne3A_479 : i1
      %sub3A_481 = arith.constant 1 : i32
      %sub3A_482 = arith.subi %div3A_461, %sub3A_481 : i32
      %select_n3A_483 = arith.select %and3A_480, %sub3A_482, %div3A_461 : i32
      %jit3A_484 = arith.constant 4 : i32
      %eq3A_485 = arith.constant 0 : i32
      %eq3A_486 = arith.cmpi eq, %jit3A_484, %eq3A_485 : i32
      %jit3A_487 = arith.constant 1 : i32
      %select_n3A_488 = arith.select %eq3A_486, %jit3A_487, %jit3A_484 : i32
      %rem3A_489 = arith.remsi %add3A_281, %select_n3A_488 : i32
      %ne3A_490 = arith.constant 0 : i32
      %ne3A_491 = arith.cmpi ne, %rem3A_489, %ne3A_490 : i32
      %lt3A_492 = arith.constant 0 : i32
      %lt3A_493 = arith.cmpi slt, %rem3A_489, %lt3A_492 : i32
      %lt3A_494 = arith.constant 0 : i32
      %lt3A_495 = arith.cmpi slt, %select_n3A_488, %lt3A_494 : i32
      %ne3A_496 = arith.xori %lt3A_493, %lt3A_495 : i1
      %and3A_497 = arith.andi %ne3A_496, %ne3A_491 : i1
      %add3A_498 = arith.addi %rem3A_489, %select_n3A_488 : i32
      %select_n3A_499 = arith.select %and3A_497, %add3A_498, %rem3A_489 : i32
      %mul3A_500 = arith.constant 128 : i32
      %mul3A_501 = arith.muli %select_n3A_499, %mul3A_500 : i32
      %add3A_502 = arith.addi %mul3A_2, %mul3A_501 : i32
      %dma_start3A_503 = arith.constant 1 : i32
      %dma_start3A_504 = arith.constant 0 : i32
      %dma_start3A_505 = tpu.memref_slice %arg4[%select_n3A_483, %dma_start3A_504, %add3A_502] : memref<50x32x16384xf32, #tpu.memory_space<hbm>> -> memref<1x32x128xf32, #tpu.memory_space<hbm>>
      %dma_start3A_506 = tpu.memref_squeeze %dma_start3A_505 : memref<1x32x128xf32, #tpu.memory_space<hbm>> -> memref<32x128xf32, #tpu.memory_space<hbm>>
      %dma_start3A_507 = tpu.memref_slice %arg16[%dma_start3A_503] : memref<2x!tpu.dma_semaphore, #tpu.memory_space<semaphore_mem>> -> memref<1x!tpu.dma_semaphore, #tpu.memory_space<semaphore_mem>>
      %dma_start3A_508 = tpu.memref_squeeze %dma_start3A_507 : memref<1x!tpu.dma_semaphore, #tpu.memory_space<semaphore_mem>> -> memref<!tpu.dma_semaphore, #tpu.memory_space<semaphore_mem>>
      %dma_start3A_509 = arith.constant 0 : i32
      %dma_start3A_510 = tpu.memref_slice %arg4[%select_n3A_483, %dma_start3A_509, %add3A_502] : memref<50x32x16384xf32, #tpu.memory_space<hbm>> -> memref<1x32x128xf32, #tpu.memory_space<hbm>>
      %dma_start3A_511 = tpu.memref_squeeze %dma_start3A_510 : memref<1x32x128xf32, #tpu.memory_space<hbm>> -> memref<32x128xf32, #tpu.memory_space<hbm>>
      tpu.enqueue_dma source(%arg13 : memref<32x128xf32, #tpu.memory_space<vmem>>) target(%dma_start3A_511 : memref<32x128xf32, #tpu.memory_space<hbm>>) target_semaphore(%dma_start3A_508 : memref<!tpu.dma_semaphore, #tpu.memory_space<semaphore_mem>>)
    }
    %scan3A_32 = arith.constant 100 : i32
    %add3A_33 = arith.constant 256 : i32
    %add3A_34 = arith.addi %mul3A_2, %add3A_33 : i32
    %dma_wait3A_35 = arith.constant 49 : i32
    %dma_wait3A_36 = arith.constant 0 : i32
    %dma_wait3A_37 = arith.constant 0 : i32
    %dma_wait3A_38 = tpu.memref_slice %arg4[%dma_wait3A_35, %dma_wait3A_37, %add3A_34] : memref<50x32x16384xf32, #tpu.memory_space<hbm>> -> memref<1x32x128xf32, #tpu.memory_space<hbm>>
    %dma_wait3A_39 = tpu.memref_squeeze %dma_wait3A_38 : memref<1x32x128xf32, #tpu.memory_space<hbm>> -> memref<32x128xf32, #tpu.memory_space<hbm>>
    %dma_wait3A_40 = tpu.memref_slice %arg16[%dma_wait3A_36] : memref<2x!tpu.dma_semaphore, #tpu.memory_space<semaphore_mem>> -> memref<1x!tpu.dma_semaphore, #tpu.memory_space<semaphore_mem>>
    %dma_wait3A_41 = tpu.memref_squeeze %dma_wait3A_40 : memref<1x!tpu.dma_semaphore, #tpu.memory_space<semaphore_mem>> -> memref<!tpu.dma_semaphore, #tpu.memory_space<semaphore_mem>>
    %dma_wait3A_42 = arith.constant 0 : i32
    %dma_wait3A_43 = tpu.memref_slice %arg4[%dma_wait3A_35, %dma_wait3A_42, %add3A_34] : memref<50x32x16384xf32, #tpu.memory_space<hbm>> -> memref<1x32x128xf32, #tpu.memory_space<hbm>>
    %dma_wait3A_44 = tpu.memref_squeeze %dma_wait3A_43 : memref<1x32x128xf32, #tpu.memory_space<hbm>> -> memref<32x128xf32, #tpu.memory_space<hbm>>
    tpu.wait_dma2 semaphore(%dma_wait3A_41 : memref<!tpu.dma_semaphore, #tpu.memory_space<semaphore_mem>>) src(%arg12 : memref<32x128xf32, #tpu.memory_space<vmem>>) dst(%dma_wait3A_44 : memref<32x128xf32, #tpu.memory_space<hbm>>)
    %add3A_45 = arith.constant 384 : i32
    %add3A_46 = arith.addi %mul3A_2, %add3A_45 : i32
    %dma_wait3A_47 = arith.constant 49 : i32
    %dma_wait3A_48 = arith.constant 1 : i32
    %dma_wait3A_49 = arith.constant 0 : i32
    %dma_wait3A_50 = tpu.memref_slice %arg4[%dma_wait3A_47, %dma_wait3A_49, %add3A_46] : memref<50x32x16384xf32, #tpu.memory_space<hbm>> -> memref<1x32x128xf32, #tpu.memory_space<hbm>>
    %dma_wait3A_51 = tpu.memref_squeeze %dma_wait3A_50 : memref<1x32x128xf32, #tpu.memory_space<hbm>> -> memref<32x128xf32, #tpu.memory_space<hbm>>
    %dma_wait3A_52 = tpu.memref_slice %arg16[%dma_wait3A_48] : memref<2x!tpu.dma_semaphore, #tpu.memory_space<semaphore_mem>> -> memref<1x!tpu.dma_semaphore, #tpu.memory_space<semaphore_mem>>
    %dma_wait3A_53 = tpu.memref_squeeze %dma_wait3A_52 : memref<1x!tpu.dma_semaphore, #tpu.memory_space<semaphore_mem>> -> memref<!tpu.dma_semaphore, #tpu.memory_space<semaphore_mem>>
    %dma_wait3A_54 = arith.constant 0 : i32
    %dma_wait3A_55 = tpu.memref_slice %arg4[%dma_wait3A_47, %dma_wait3A_54, %add3A_46] : memref<50x32x16384xf32, #tpu.memory_space<hbm>> -> memref<1x32x128xf32, #tpu.memory_space<hbm>>
    %dma_wait3A_56 = tpu.memref_squeeze %dma_wait3A_55 : memref<1x32x128xf32, #tpu.memory_space<hbm>> -> memref<32x128xf32, #tpu.memory_space<hbm>>
    tpu.wait_dma2 semaphore(%dma_wait3A_53 : memref<!tpu.dma_semaphore, #tpu.memory_space<semaphore_mem>>) src(%arg13 : memref<32x128xf32, #tpu.memory_space<vmem>>) dst(%dma_wait3A_56 : memref<32x128xf32, #tpu.memory_space<hbm>>)
    return
  }
}

</mosaic_0001>

<sc_bundles>
// kernel: _embed.3.cloned.1.call-start
scs
__scs_entry_jumppad:
0x0: {  	(pc) =	sbr.rel $0x88, $3  }
0x1: {  	(tag) =	ssettag $0x0;
	lr =	simm.s32 $0x1  }
0x2: {  	[smem:$0x3F9F] =	sst lr;
	_ =	strace $0xD0000000  }
0x3: {  	_ = 	snop  }
0x4: {  	_ = 	snop  }
0x5: {  	_ = 	snop  }
0x6: {  	_ = 	snop  }
0x7: {  	_ = 	snop  }
__scs_overlays_trampoline_lowered:
0x8: {  	[smem:$0x3FAE] =	sst s0  }
0x9: {  	[smem:$0x3FAF] =	sst s1  }
0xa: {  	[smem:$0x3FB0] =	sst s2  }
0xb: {  	[smem:$0x3FB1] =	sst s3  }
0xc: {  	[smem:$0x3FB2] =	sst s4  }
0xd: {  	[smem:$0x3FB3] =	sst s5  }
0xe: {  	[smem:$0x3FB4] =	sst s6  }
0xf: {  	[smem:$0x3FB5] =	sst s7  }
0x10: {  	[smem:$0x3FB6] =	sst s8  }
0x11: {  	[smem:$0x3FB7] =	sst s9;
	s0 =	simm.s32 @!p0 $0x0  }
0x12: {  	s1 =	sld [smem:$0x3F9D];
	s0 =	simm.s32 @p0 $0x1  }
0x13: {  	[smem:$0x3FB8] =	sst s0;
	s0 =	simm.s32 @!p1 $0x0  }
0x14: {  	s2 =	sld [smem:$0x3F9C];
	s0 =	simm.s32 @p1 $0x1  }
0x15: {  	[smem:$0x3FB9] =	sst s0;
	s0 =	simm.s32 @!p2 $0x0  }
0x16: {  	s3 =	sld [smem:$0x3FDB];
	s0 =	simm.s32 @p2 $0x1  }
0x17: {  	s4 =	simm.s32 $0x1BF5;
	[smem:$0x3FBB] =	sst s0  }
0x18: {  	s0 =	sld [smem:$0x3F9E];
	_ =	swait.ge [sflag:s4], $0x0  }
0x19: {  	s7 =	sld [smem:$0x3F9F]  }
0x1a: {  	s8 =	sadd.s32 $0xFFFFE003, lr  }
0x1b: {  	s9 =	sadd.s32 $0xFFFFFEF7, lr;
	s5 =	simm.s32 $0xFFFFFFFF;
	p2 =	slt.u32 s8, $0xFFFFF086  }
0x1c: {  	p1 =	slt.u32 s9, $0xF7A;
	s5 =	simm.s32 @!p2 $0x0  }
0x1d: {  	s5 =	simm.s32 @p1 $0x1;
	p0 =	seq.s32 s7, s2  }
0x1e: {  	s7 =	smul.u32 @!p0 $0xF7A, s2;
	p2 =	seq.s32 @!p0 s5, $0x0  }
0x1f: {  	s9 =	smul.u32 $0xF7A, s1;
	s8 =	simm.s32 @!p0 $0x1BF5;
	p2 =	por !p2, p0  }
0x20: {  	[sflag:s8] =	ssyncset.s32 @!p0 $0xFFFFF086;
	s6 =	sadd.s32 @!p0 s3, s7;
	s7 =	simm.s32 @!p0 $0x108  }
0x21: {  	s3 =	sadd.s32 s3, s9;
	s6 =	sadd.s32 @!p0 $0x88, s6;
	s7 =	simm.s32 @p2 $0x1082  }
0x22: {  	[simem:s7], [sflag:s8] =	dma.local @!p0 [hbm:s6], $0xF7A  }
0x23: {  	s9 =	sor.u32 $0xD0000000, s2;
	s6 =	simm.s32 $0x108;
	_ =	swait.ge @!p0 [sflag:s8], $0x0  }
0x24: {  	s3 =	sadd.s32 $0x88, s3;
	s6 =	simm.s32 @!p1 $0x1082;
	[sflag:s4] =	ssyncset.s32 $0xFFFFF086  }
0x25: {  	[simem:s6], [sflag:s4] =	dma.local [hbm:s3], $0xF7A  }
0x26: {  	[smem:$0x3F9F] =	sst s1;
	(tag) =	ssettag s2;
	_ =	strace s9  }
0x27: {  	s1 =	sld [smem:$0x3FAF]  }
0x28: {  	s2 =	sld [smem:$0x3FB0]  }
0x29: {  	s4 =	sld [smem:$0x3FB2]  }
0x2a: {  	p0 =	seq.s32 s5, $0x0;
	s5 =	sld [smem:$0x3FB3]  }
0x2b: {  	s6 =	sld [smem:$0x3FB4]  }
0x2c: {  	s7 =	sld [smem:$0x3FB5]  }
0x2d: {  	s3 =	simm.s32 $0x108;
	s8 =	sld [smem:$0x3FB6]  }
0x2e: {  	s3 =	simm.s32 @!p0 $0x1082;
	s9 =	sld [smem:$0x3FB7]  }
0x2f: {  	lr =	sadd.s32 s0, s3;
	s0 =	sld [smem:$0x3FAE]  }
0x30: {  	s3 =	sld [smem:$0x3FB1]  }
0x31: {  	[smem:$0x3FBA] =	sst s10  }
0x32: {  	s10 =	sld [smem:$0x3FB8];
	_ =	sdelay $0x3  }
0x33: {  	p0 =	seq.s32 s10, $0x1;
	s10 =	sld [smem:$0x3FBA];
	_ =	sdelay $0x3  }
0x34: {  	[smem:$0x3FBA] =	sst s10  }
0x35: {  	s10 =	sld [smem:$0x3FB9];
	_ =	sdelay $0x3  }
0x36: {  	p1 =	seq.s32 s10, $0x1;
	s10 =	sld [smem:$0x3FBA];
	_ =	sdelay $0x3  }
0x37: {  	[smem:$0x3FBA] =	sst s10  }
0x38: {  	s10 =	sld [smem:$0x3FBB]  }
0x39: {  	_ = 	snop;
	(pc) =	sbr.ind lr, $3  }
0x3a: {  	_ = 	snop  }
0x3b: {  	_ = 	snop  }
0x3c: {  	p2 =	seq.s32 s10, $0x1;
	s10 =	sld [smem:$0x3FBA]  }
0x3d: {  	_ =	shalt  }
0x3e: {  	_ =	shalt  }
0x3f: {  	_ =	shalt  }
0x40: {  	_ =	shalt  }
0x41: {  	_ =	shalt  }
0x42: {  	_ =	shalt  }
0x43: {  	_ =	shalt  }
0x44: {  	_ =	shalt  }
0x45: {  	_ =	shalt  }
0x46: {  	_ =	shalt  }
0x47: {  	_ =	shalt  }
0x48: {  	_ =	shalt  }
0x49: {  	_ =	shalt  }
0x4a: {  	_ =	shalt  }
0x4b: {  	_ =	shalt  }
0x4c: {  	_ =	shalt  }
0x4d: {  	_ =	shalt  }
0x4e: {  	_ =	shalt  }
0x4f: {  	_ =	shalt  }
0x50: {  	_ =	shalt  }
0x51: {  	_ =	shalt  }
0x52: {  	_ =	shalt  }
0x53: {  	_ =	shalt  }
0x54: {  	_ =	shalt  }
0x55: {  	_ =	shalt  }
0x56: {  	_ =	shalt  }
0x57: {  	_ =	shalt  }
0x58: {  	_ =	shalt  }
0x59: {  	_ =	shalt  }
0x5a: {  	_ =	shalt  }
0x5b: {  	_ =	shalt  }
0x5c: {  	_ =	shalt  }
0x5d: {  	_ =	shalt  }
0x5e: {  	_ =	shalt  }
0x5f: {  	_ =	shalt  }
0x60: {  	_ =	shalt  }
0x61: {  	_ =	shalt  }
0x62: {  	_ =	shalt  }
0x63: {  	_ =	shalt  }
0x64: {  	_ =	shalt  }
0x65: {  	_ =	shalt  }
0x66: {  	_ =	shalt  }
0x67: {  	_ =	shalt  }
0x68: {  	_ =	shalt  }
0x69: {  	_ =	shalt  }
0x6a: {  	_ =	shalt  }
0x6b: {  	_ =	shalt  }
0x6c: {  	_ =	shalt  }
0x6d: {  	_ =	shalt  }
0x6e: {  	_ =	shalt  }
0x6f: {  	_ =	shalt  }
0x70: {  	_ =	shalt  }
0x71: {  	_ =	shalt  }
0x72: {  	_ =	shalt  }
0x73: {  	_ =	shalt  }
0x74: {  	_ =	shalt  }
0x75: {  	_ =	shalt  }
0x76: {  	_ =	shalt  }
0x77: {  	_ =	shalt  }
0x78: {  	_ =	shalt  }
0x79: {  	_ =	shalt  }
0x7a: {  	_ =	shalt  }
0x7b: {  	_ =	shalt  }
0x7c: {  	_ =	shalt  }
0x7d: {  	_ =	shalt  }
0x7e: {  	_ =	shalt  }
0x7f: {  	_ =	shalt  }
0x80: {  	_ =	shalt  }
0x81: {  	_ =	shalt  }
0x82: {  	_ =	shalt  }
0x83: {  	_ =	shalt  }
0x84: {  	_ =	shalt  }
0x85: {  	_ =	shalt  }
0x86: {  	_ =	shalt  }
0x87: {  	_ =	shalt  }
.Lfunc_end0:
.L_simem_size_0:
called_computation_lowered:
.L_overlay_start_0:
0x88: {  	s2 =	sld [smem:$0x3FD9]  }
0x89: {  	s3 =	sld [smem:$0x3FFE];
	_ =	sdelay $0x1  }
0x8a: {  	s1 =	srdreg.scid  }
0x8b: {  	s0 =	sand.u32 $0x1, s1  }
0x8c: {  	s18 =	sshll.u32 s0, $0xA;
	s2 =	sadd.s32 s3, s2  }
0x8d: {  	s2 =	sadd.s32 s2, s18  }
0x8e: {  	[smem:$0x3FC6] =	sst s2  }
0x8f: {  	_ = 	snop  }
0x90: {  	s2 =	sld [smem:$0x3FC9]  }
0x91: {  	s19 =	sld [smem:$0x3FC8]  }
0x92: {  	s4 =	sld [smem:$0x3FD0];
	(tm) =	ssettm $0x1  }
0x93: {  	s5 =	sld [smem:$0x3FFB];
	_ =	sdelay $0x3  }
0x94: {  	_ =	strace s5  }
0x95: {  	s5 =	sld [smem:$0x3FFC];
	_ =	sdelay $0x3  }
0x96: {  	_ =	strace s5  }
0x97: {  	s5 =	sld [smem:$0x3FFD];
	_ =	sdelay $0x3  }
0x98: {  	_ =	strace s5  }
0x99: {  	_ =	strace $0x8FFFFFFF  }
0x9a: {  	s20 =	sld [smem:$0x3FDB];
	_ =	sdelay $0x1  }
0x9b: {  	s6 =	simm.s32 $_scs_section_size  }
0x9c: {  	s7 =	simm.s32 $_size__tile_overlayer_lowered;
	s8 =	simm.s32 $_tile_overlayer_lowered  }
0x9d: {  	s23 =	simm.s32 $0x1BFF;
	s22 =	sshll.u32 s8, $0x1;
	s5 =	sadd.s32 s6, s20  }
0x9e: {  	s9 =	simm.s32 $0x0;
	s21 =	sshll.u32 s7, $0x1;
	s7 =	sadd.s32 s22, s5  }
0x9f: {  	[timem:s9], [sflag:s23] =	dma.local [hbm:s7], s21  }
0xa0: {  	_ =	swait.ge [sflag:s23], s21  }
0xa1: {  	s6 =	ssub.s32 $0x0, s21;
	[sflag:s23] =	ssyncset.done $0x0  }
0xa2: {  	[sflag:s23] =	ssyncadd.s32 s6;
	_ =	sdelay $0x1  }
0xa3: {  	s24 =	simm.s32 $0x1B8B  }
0xa4: {  	_ =	swait.ge [sflag:s24], $0x1  }
0xa5: {  	[sflag:s24] =	ssyncset.done $0x0  }
0xa6: {  	s25 =	simm.s32 $0x1B8E;
	[sflag:s24] =	ssyncadd.s32 $0xFFFFFFFF  }
0xa7: {  	s26 =	simm.s32 $execute0_lowered;
	[smem:$0x3FD2] =	sst s25  }
0xa8: {  	s6 =	sshll.u32 s26, $0x1;
	_ =	strace $0x80000046;
	[dreg:$0x1] =	wrdreg $0xFFFFFFFF  }
0xa9: {  	s28 =	simm.s32 $_size_execute0_lowered;
	s5 =	sadd.s32 s5, s6;
	[dreg:$0x0] =	wrdreg $0x0  }
0xaa: {  	s6 =	sshll.u32 s28, $0x1;
	[dreg:$0x2] =	wrdreg s5  }
0xab: {  	[dreg:$0x3] =	wrdreg s6  }
0xac: {  	[dreg:$0x4] =	wrdreg $0xC0  }
0xad: {  	_ =	task [dreg:s9], $0x5FFFF  }
0xae: {  	[dreg:$0x1] =	wrdreg $0xFFFFFFFF  }
0xaf: {  	[dreg:$0x0] =	wrdreg $0x60  }
0xb0: {  	[dreg:$0x2] =	wrdreg s2  }
0xb1: {  	[dreg:$0x3] =	wrdreg s19  }
0xb2: {  	[dreg:$0x4] =	wrdreg s4  }
0xb3: {  	[dreg:$0x5] =	wrdreg $0x9  }
0xb4: {  	_ =	task.clear_ibuf [dreg:s9], $0x6FFFF;
	_ =	strace $0x90000046  }
0xb5: {  	s29 =	simm.s32 $0x9;
	_ =	strace $0x80000048  }
0xb6: {  	_ =	swait.ge [sflag:s29], $0x1  }
0xb7: {  	[sflag:s29] =	ssyncadd.s32 $0xFFFFFFFF  }
0xb8: {  	_ =	strace $0x90000048  }
0xb9: {  	_ =	sfence  }
0xba: {  	s30 =	sld [smem:$0x0];
	_ =	sdelay $0x2  }
0xbb: {  	s31 =	sshll.u32 s1, $0xD;
	s1 =	sshrl.u32 s1, $0x2  }
0xbc: {  	s3 =	sand.u32 $0x4000, s31;
	s1 =	sadd.s32 s1, s30  }
0xbd: {  	s0 =	sor.u32 s3, s0;
	s1 =	sshll.u32 s1, $0x11  }
0xbe: {  	s0 =	sor.u32 s1, s0  }
0xbf: {  	s0 =	sadd.s32 $0x8F2B, s0  }
0xc0: {  	[sflag:s0] =	ssyncadd.remote.s32 $0x1  }
0xc1: {  	_ =	sfence.sel $0xFFFF  }
0xc2: {  	[dreg:$0x0] =	wrdreg $0xFFFFFFFF;
	(pc) =	sbr.abs _section_cstart, $3  }
0xc3: {  	[dreg:$0x1] =	wrdreg $0xFFFFFFFF  }
0xc4: {  	_ =	task.clear_ibuf [dreg:s9], $0x2FFFF;
	_ =	strace $0x9FFFFFFF  }
0xc5: {  	(tm) =	ssettm $0x7FFFFFFF  }
tec
execute0_lowered:
.L_overlay_start_1:
0x0: {  	(tag) =	ssettag $0x1  }
0x1: {  	v1 =	vlaneseq.u32  }
0x2: {  	v0 =	vmul.u32 $0x32, v1;
	_ =	sdelay $0x1  }
0x3: {  	v2 =	vadd.s32 $0x320, v0  }
0x4: {  	v11 =	vmul.u32 $0x80, v1;
	v1 =	vadd.s32 $0x2260, v0;
	[tilespmem:$0x1FC30] =	vst v2  }
0x5: {  	v2 =	vadd.s32 $0x640, v0;
	[tilespmem:$0x1FCD0] =	vst v1  }
0x6: {  	v1 =	vadd.s32 $0x2580, v0;
	[tilespmem:$0x1FC40] =	vst v2  }
0x7: {  	v2 =	vadd.s32 $0x960, v0;
	[tilespmem:$0x1FCE0] =	vst v1  }
0x8: {  	v1 =	vadd.s32 $0x28A0, v0;
	[tilespmem:$0x1FC50] =	vst v2  }
0x9: {  	v2 =	vadd.s32 $0xC80, v0;
	[tilespmem:$0x1FCF0] =	vst v1  }
0xa: {  	v1 =	vadd.s32 $0x2BC0, v0;
	[tilespmem:$0x1FC60] =	vst v2  }
0xb: {  	v2 =	vadd.s32 $0xFA0, v0;
	[tilespmem:$0x1FD00] =	vst v1  }
0xc: {  	v1 =	vadd.s32 $0x2EE0, v0;
	[tilespmem:$0x1FC70] =	vst v2  }
0xd: {  	v2 =	vadd.s32 $0x12C0, v0;
	[tilespmem:$0x1FD10] =	vst v1  }
0xe: {  	v1 =	vor.u32 $0x1000, v11;
	[tilespmem:$0x1FC80] =	vst v2  }
0xf: {  	v2 =	vadd.s32 $0x15E0, v0;
	[tilespmem:$0x1FD20] =	vst v1  }
0x10: {  	v1 =	vor.u32 $0x1800, v11;
	[tilespmem:$0x1FC90] =	vst v2  }
0x11: {  	v2 =	vadd.s32 $0x1900, v0;
	[tilespmem:$0x1FD30] =	vst v1  }
0x12: {  	v1 =	vor.u32 $0x2000, v11;
	[tilespmem:$0x1FCA0] =	vst v2  }
0x13: {  	v2 =	vadd.s32 $0x1C20, v0;
	[tilespmem:$0x1FD40] =	vst v1  }
0x14: {  	v1 =	vor.u32 $0x2800, v11;
	[tilespmem:$0x1FCB0] =	vst v2  }
0x15: {  	v2 =	vadd.s32 $0x1F40, v0;
	[tilespmem:$0x1FD50] =	vst v1  }
0x16: {  	v1 =	vor.u32 $0x3000, v11;
	[tilespmem:$0x1FCC0] =	vst v2  }
0x17: {  	[tilespmem:$0x1FD60] =	vst v1;
	v1 =	vor.u32 $0x3800, v11  }
0x18: {  	[tilespmem:$0x1FD70] =	vst v1;
	v1 =	vor.u32 $0x1, v11  }
0x19: {  	[tilespmem:$0x1FD80] =	vst v1;
	v1 =	vor.u32 $0x801, v11  }
0x1a: {  	[tilespmem:$0x1FD90] =	vst v1;
	v1 =	vor.u32 $0x1001, v11  }
0x1b: {  	[tilespmem:$0x1FDA0] =	vst v1;
	v1 =	vor.u32 $0x1801, v11  }
0x1c: {  	[tilespmem:$0x1FDB0] =	vst v1;
	v1 =	vor.u32 $0x2001, v11  }
0x1d: {  	[tilespmem:$0x1FDC0] =	vst v1;
	v1 =	vor.u32 $0x2801, v11  }
0x1e: {  	[tilespmem:$0x1FDD0] =	vst v1;
	v1 =	vor.u32 $0x3001, v11  }
0x1f: {  	[tilespmem:$0x1FDE0] =	vst v1;
	v1 =	vor.u32 $0x3801, v11  }
0x20: {  	[tilespmem:$0x1FDF0] =	vst v1;
	v1 =	vor.u32 $0x2, v11  }
0x21: {  	[tilespmem:$0x1FE00] =	vst v1;
	v1 =	vor.u32 $0x802, v11  }
0x22: {  	[tilespmem:$0x1FE10] =	vst v1;
	v1 =	vor.u32 $0x1002, v11  }
0x23: {  	[tilespmem:$0x1FE20] =	vst v1;
	v1 =	vor.u32 $0x1802, v11  }
0x24: {  	[tilespmem:$0x1FE30] =	vst v1;
	v1 =	vor.u32 $0x2002, v11  }
0x25: {  	[tilespmem:$0x1FE40] =	vst v1;
	v1 =	vor.u32 $0x2802, v11  }
0x26: {  	[tilespmem:$0x1FE50] =	vst v1;
	v1 =	vor.u32 $0x3002, v11  }
0x27: {  	s6 =	rddreg [dreg:$0x0];
	[tilespmem:$0x1FE60] =	vst v1;
	v1 =	vor.u32 $0x3802, v11  }
0x28: {  	s0 =	rddreg [dreg:$0x1];
	s4 =	srdreg.scid;
	[tilespmem:$0x1FE70] =	vst v1;
	v1 =	vor.u32 $0x3, v11  }
0x29: {  	s1 =	rddreg [dreg:$0x2];
	s5 =	sand.u32 $0x1, s4;
	s4 =	simm.s32 $0x0;
	[tilespmem:$0x1FE80] =	vst v1;
	v1 =	vor.u32 $0x803, v11  }
0x2a: {  	[smem:$0x7FF] =	sst s4;
	[tilespmem:$0x1FE90] =	vst v1;
	v1 =	vor.u32 $0x1003, v11  }
0x2b: {  	s3 =	rddreg [dreg:$0x3];
	v33 =	vor.u32 $0x800, v11;
	_ =	strace $0x80000047;
	[tilespmem:$0x1FEA0] =	vst v1  }
0x2c: {  	v1 =	vor.u32 $0x1803, v11;
	[tilespmem:$0x1FFF0] =	vst v33  }
0x2d: {  	[tilespmem:$0x1FEB0] =	vst v1;
	v1 =	vor.u32 $0x2003, v11  }
0x2e: {  	[tilespmem:$0x1FEC0] =	vst v1;
	v1 =	vor.u32 $0x2803, v11  }
0x2f: {  	[tilespmem:$0x1FED0] =	vst v1;
	v1 =	vor.u32 $0x3003, v11  }
0x30: {  	[tilespmem:$0x1FEE0] =	vst v1;
	v1 =	vor.u32 $0x3803, v11  }
0x31: {  	[tilespmem:$0x1FEF0] =	vst v1;
	v1 =	vor.u32 $0x4, v11  }
0x32: {  	[tilespmem:$0x1FF00] =	vst v1;
	v1 =	vor.u32 $0x804, v11  }
0x33: {  	[tilespmem:$0x1FF10] =	vst v1;
	v1 =	vor.u32 $0x1004, v11  }
0x34: {  	[tilespmem:$0x1FF20] =	vst v1;
	v1 =	vor.u32 $0x1804, v11  }
0x35: {  	[tilespmem:$0x1FF30] =	vst v1;
	v1 =	vor.u32 $0x2004, v11  }
0x36: {  	[tilespmem:$0x1FF40] =	vst v1;
	v1 =	vor.u32 $0x2804, v11  }
0x37: {  	[tilespmem:$0x1FF50] =	vst v1;
	v1 =	vor.u32 $0x3004, v11  }
0x38: {  	s2 =	stileid.u32;
	s10 =	simm.s32 $0x80;
	s11 =	simm.s32 $0x6400;
	[tilespmem:$0x1FF60] =	vst v1;
	v1 =	vor.u32 $0x3804, v11  }
0x39: {  	s12 =	simm.s32 $0x6600;
	s13 =	simm.s32 $0x6480;
	s14 =	simm.s32 $0xA600;
	[tilespmem:$0x1FF70] =	vst v1;
	v1 =	vor.u32 $0x5, v11  }
0x3a: {  	s15 =	simm.s32 $0x2;
	s16 =	simm.s32 $0x400;
	s17 =	simm.s32 $0x20000;
	[tilespmem:$0x1FF80] =	vst v1;
	v1 =	vor.u32 $0x805, v11  }
0x3b: {  	s18 =	simm.s32 $0xE600;
	s19 =	simm.s32 $0x3;
	s20 =	simm.s32 $0xF600;
	[tilespmem:$0x1FF90] =	vst v1;
	v1 =	vor.u32 $0x1005, v11  }
.Ltmp0:
0x3c: {  	s21 =	simm.s32 $0x4;
	s7 =	sshll.u32 s2, $0x1;
	[tilespmem:$0x1FFA0] =	vst v1;
	v1 =	vor.u32 $0x1805, v11;
	(pc) =	sbr.rel .LBB2_1-.Ltmp0, $4  }
0x3d: {  	s22 =	simm.s32 $0x5;
	s8 =	ssub.s32 $0x2, s5;
	s5 =	sor.u32 s5, s7;
	[tilespmem:$0x1FFB0] =	vst v1;
	v1 =	vor.u32 $0x2005, v11  }
0x3e: {  	s23 =	simm.s32 $0x0;
	s31 =	sshrl.u32 s8, $0x1;
	s9 =	smul.u32 $0xC80, s5;
	[tilespmem:$0x1FFC0] =	vst v1;
	v1 =	vor.u32 $0x2805, v11  }
0x3f: {  	s7 =	sadd.s32 $0x80, s1;
	s5 =	sshll.u32 s5, $0x9;
	s8 =	ssub.s32 s8, s31;
	[tilespmem:$0x1FFD0] =	vst v1;
	v1 =	vor.u32 $0x3005, v11  }
0x40: {  	s6 =	sadd.s32 s6, s9;
	s8 =	smax.u32 s8, $0x1;
	s9 =	simm.s32 $0x1;
	[tilespmem:$0x1FFE0] =	vst v1  }
.LBB2_7:
0x41: {  	s23 =	sadd.s32 $0x1, s23  }
0x42: {  	_ =	swait.ge [sflag:s21], $0x1000;
	p0 =	sne.s32 s23, s8  }
.Ltmp1:
0x43: {  	[sflag:s21] =	ssyncset.done $0x0;
	(pc) =	sbr.rel @!p0 .LBB2_8-.Ltmp1, $4  }
0x44: {  	[sflag:s21] =	ssyncadd.s32 $0xFFFFF000  }
0x45: {  	_ =	swait.ge [sflag:s22], $0x1000  }
0x46: {  	[sflag:s22] =	ssyncset.done $0x0  }
0x47: {  	[sflag:s22] =	ssyncadd.s32 $0xFFFFF000  }
.LBB2_1:
0x48: {  	[tilespmem:s4], [sflag:$0x1] =	stream.linear.gather [hbm4b:s6+s4], $0x6400, $0x38;
	[tilespmem:$0x10600] =	vst v63  }
0x49: {  	_ =	swait.ge [sflag:s9], $0x6400  }
0x4a: {  	v2 =	vld [tilespmem:$0x1FC30];
	_ =	sdelay $0x3  }
0x4b: {  	[sflag:s9] =	ssyncset.done $0x0  }
0x4c: {  	[sflag:s9] =	ssyncadd.s32 $0xFFFF9C00  }
0x4d: {  	v1 =	vld.idx.msk [tilespmem:v0+s4+$0x0], $0xffff;
	_ =	sdelay $0x1  }
0x4e: {  	v2 =	vld.idx.msk [tilespmem:v2+s4+$0x0], $0xffff;
	_ =	sdelay $0x1  }
0x4f: {  	v3 =	vld [tilespmem:$0x1FC40]  }
0x50: {  	v4 =	vshrl.u32 v1, $0x2;
	v1 =	vshll.u32 v1, $0x5  }
0x51: {  	v59 =	vld [tilespmem:$0x1FC50];
	v1 =	vand.u32 $0x60, v1  }
0x52: {  	[tilespmem:$0x6500] =	vst v1;
	v1 =	vshrl.u32 v2, $0x2;
	v2 =	vshll.u32 v2, $0x5  }
0x53: {  	[tilespmem:$0x6410] =	vst v1;
	v1 =	vand.u32 $0x60, v2;
	v2 =	vld [tilespmem:$0x1FC60];
	_ =	sdelay $0x3  }
0x54: {  	v3 =	vld.idx.msk [tilespmem:v3+s4+$0x0], $0xffff;
	_ =	sdelay $0x1  }
0x55: {  	[tilespmem:$0x6400] =	vst v4;
	v4 =	vld.idx.msk [tilespmem:v59+s4+$0x0], $0xffff;
	_ =	sdelay $0x1  }
0x56: {  	v2 =	vld.idx.msk [tilespmem:v2+s4+$0x0], $0xffff  }
0x57: {  	[tilespmem:$0x6510] =	vst v1;
	v1 =	vshrl.u32 v3, $0x2;
	v3 =	vshll.u32 v3, $0x5  }
0x58: {  	[tilespmem:$0x6420] =	vst v1;
	v1 =	vand.u32 $0x60, v3;
	v3 =	vld [tilespmem:$0x1FC70]  }
0x59: {  	[tilespmem:$0x6520] =	vst v1;
	v1 =	vshrl.u32 v4, $0x2;
	v4 =	vshll.u32 v4, $0x5  }
0x5a: {  	v60 =	vld [tilespmem:$0x1FC80];
	[tilespmem:$0x6430] =	vst v1;
	v1 =	vand.u32 $0x60, v4  }
0x5b: {  	[tilespmem:$0x6530] =	vst v1;
	v1 =	vshrl.u32 v2, $0x2;
	v2 =	vshll.u32 v2, $0x5  }
0x5c: {  	[tilespmem:$0x6440] =	vst v1;
	v1 =	vand.u32 $0x60, v2;
	v2 =	vld [tilespmem:$0x1FC90];
	_ =	sdelay $0x3  }
0x5d: {  	v3 =	vld.idx.msk [tilespmem:v3+s4+$0x0], $0xffff;
	_ =	sdelay $0x1  }
0x5e: {  	v4 =	vld.idx.msk [tilespmem:v60+s4+$0x0], $0xffff;
	_ =	sdelay $0x1  }
0x5f: {  	v2 =	vld.idx.msk [tilespmem:v2+s4+$0x0], $0xffff  }
0x60: {  	[tilespmem:$0x6540] =	vst v1;
	v1 =	vshrl.u32 v3, $0x2;
	v3 =	vshll.u32 v3, $0x5  }
0x61: {  	[tilespmem:$0x6450] =	vst v1;
	v1 =	vand.u32 $0x60, v3  }
0x62: {  	v3 =	vshll.u32 v4, $0x5;
	[tilespmem:$0x6550] =	vst v1;
	v1 =	vshrl.u32 v4, $0x2  }
0x63: {  	[tilespmem:$0x6460] =	vst v1;
	v1 =	vand.u32 $0x60, v3  }
0x64: {  	[tilespmem:$0x6560] =	vst v1;
	v1 =	vshrl.u32 v2, $0x2;
	v2 =	vshll.u32 v2, $0x5  }
0x65: {  	[tilespmem:$0x6470] =	vst v1;
	v1 =	vand.u32 $0x60, v2  }
0x66: {  	[tilespmem:$0x6570] =	vst v1;
	v1 =	vld [tilespmem:$0x1FCA0];
	_ =	sdelay $0x1  }
0x67: {  	v2 =	vld [tilespmem:$0x1FCB0];
	_ =	sdelay $0x4  }
0x68: {  	[tilespmem:s12], [sflag:$0x2] =	stream.indirect.gather [hbm4b:s0+s10], $0x80, s11, s10, $0xb8;
	[tilespmem:$0x10600] =	vst v63  }
0x69: {  	v1 =	vld.idx.msk [tilespmem:v1+s4+$0x0], $0xffff;
	_ =	sdelay $0x1  }
0x6a: {  	v2 =	vld.idx.msk [tilespmem:v2+s4+$0x0], $0xffff;
	_ =	sdelay $0x1  }
0x6b: {  	v3 =	vld [tilespmem:$0x1FCC0]  }
0x6c: {  	v61 =	vshrl.u32 v1, $0x2;
	v1 =	vshll.u32 v1, $0x5  }
0x6d: {  	v62 =	vld [tilespmem:$0x1FCD0];
	v1 =	vand.u32 $0x60, v1  }
0x6e: {  	[tilespmem:$0x6580] =	vst v1;
	v1 =	vshrl.u32 v2, $0x2;
	v2 =	vshll.u32 v2, $0x5  }
0x6f: {  	[tilespmem:$0x6490] =	vst v1;
	v1 =	vand.u32 $0x60, v2;
	v2 =	vld [tilespmem:$0x1FCE0];
	_ =	sdelay $0x3  }
0x70: {  	v3 =	vld.idx.msk [tilespmem:v3+s4+$0x0], $0xffff;
	_ =	sdelay $0x1  }
0x71: {  	v4 =	vld.idx.msk [tilespmem:v62+s4+$0x0], $0xffff;
	_ =	sdelay $0x1  }
0x72: {  	v2 =	vld.idx.msk [tilespmem:v2+s4+$0x0], $0xffff  }
0x73: {  	[tilespmem:$0x6590] =	vst v1;
	v1 =	vshrl.u32 v3, $0x2;
	v3 =	vshll.u32 v3, $0x5  }
0x74: {  	[tilespmem:$0x64A0] =	vst v1;
	v1 =	vand.u32 $0x60, v3;
	v3 =	vld [tilespmem:$0x1FCF0]  }
0x75: {  	[tilespmem:$0x65A0] =	vst v1;
	v1 =	vshrl.u32 v4, $0x2;
	v4 =	vshll.u32 v4, $0x5  }
0x76: {  	v63 =	vld [tilespmem:$0x1FD00];
	[tilespmem:$0x64B0] =	vst v1;
	v1 =	vand.u32 $0x60, v4  }
0x77: {  	[tilespmem:$0x65B0] =	vst v1;
	v1 =	vshrl.u32 v2, $0x2;
	v2 =	vshll.u32 v2, $0x5  }
0x78: {  	[tilespmem:$0x64C0] =	vst v1;
	v1 =	vand.u32 $0x60, v2;
	v2 =	vld [tilespmem:$0x1FD10];
	_ =	sdelay $0x3  }
0x79: {  	v3 =	vld.idx.msk [tilespmem:v3+s4+$0x0], $0xffff;
	_ =	sdelay $0x1  }
0x7a: {  	v4 =	vld.idx.msk [tilespmem:v63+s4+$0x0], $0xffff;
	_ =	sdelay $0x1  }
0x7b: {  	[tilespmem:$0x6480] =	vst v61;
	v2 =	vld.idx.msk [tilespmem:v2+s4+$0x0], $0xffff  }
0x7c: {  	[tilespmem:$0x65C0] =	vst v1;
	v1 =	vshrl.u32 v3, $0x2;
	v3 =	vshll.u32 v3, $0x5  }
0x7d: {  	[tilespmem:$0x64D0] =	vst v1;
	v1 =	vand.u32 $0x60, v3  }
0x7e: {  	v3 =	vshll.u32 v4, $0x5;
	[tilespmem:$0x65D0] =	vst v1;
	v1 =	vshrl.u32 v4, $0x2  }
.Ltmp2:
0x7f: {  	[tilespmem:$0x64E0] =	vst v1;
	v1 =	vand.u32 $0x60, v3;
	(pc) =	sbr.rel .LBB2_2-.Ltmp2, $4  }
0x80: {  	[tilespmem:$0x65E0] =	vst v1;
	v1 =	vshrl.u32 v2, $0x2;
	v2 =	vshll.u32 v2, $0x5  }
0x81: {  	[tilespmem:$0x64F0] =	vst v1;
	v1 =	vand.u32 $0x60, v2  }
0x82: {  	s24 =	simm.s32 $0x180;
	s25 =	simm.s32 $0x0;
	s26 =	simm.s32 $0x3;
	[tilespmem:$0x65F0] =	vst v1  }
0x83: {  	[tilespmem:s14], [sflag:$0x3] =	stream.indirect.gather [hbm4b:s0+s10], $0x80, s13, s10, $0xb8;
	[tilespmem:$0x10600] =	vst v63  }
.LBB2_6:
0x84: {  	s24 =	sadd.s32 $0x100, s24  }
0x85: {  	p0 =	sne.s32 s24, $0x6580  }
.Ltmp3:
0x86: {  	_ = 	snop;
	(pc) =	sbr.rel @!p0 .LBB2_7-.Ltmp3, $3  }
0x87: {  	_ =	sdelay $0x1  }
0x88: {  	s28 =	sadd.s32 s28, s7;
	s26 =	sadd.s32 $0x2, s26;
	s25 =	sadd.s32 $0x8000, s25  }
0x89: {  	v33 =	vld [tilespmem:$0x1FFF0];
	[hbm4b:s28+s16] =	stream.strided.scatter [tilespmem:s20], [sflag:$0x5], $0x1000, s17, s16, $0x38  }
.LBB2_2:
0x8a: {  	_ =	swait.ge [sflag:s15], $0x4000  }
0x8b: {  	p0 =	seq.s32 s24, $0x180;
	[sflag:s15] =	ssyncset.done $0x0  }
0x8c: {  	s28 =	simm.s32 @!p0 $0x4;
	[sflag:s15] =	ssyncadd.s32 $0xFFFFC000  }
0x8d: {  	_ =	swait.ge @!p0 [sflag:s28], $0x1000  }
0x8e: {  	[sflag:s28] =	ssyncset.done @!p0 $0x0  }
0x8f: {  	v9 =	vld [tilespmem:$0x1FD30];
	[sflag:s28] =	ssyncadd.s32 @!p0 $0xFFFFF000  }
0x90: {  	v4 =	vld [tilespmem:$0x6530];
	_ =	sdelay $0x2  }
0x91: {  	v8 =	vld [tilespmem:$0x1FD20]  }
0x92: {  	v5 =	vld [tilespmem:$0x6540]  }
0x93: {  	v4 =	vadd.s32 v9, v4;
	v9 =	vld [tilespmem:$0x1FD40]  }
0x94: {  	v1 =	vld [tilespmem:$0x6500]  }
0x95: {  	v2 =	vld [tilespmem:$0x6510]  }
0x96: {  	v3 =	vld [tilespmem:$0x6520]  }
0x97: {  	v6 =	vld [tilespmem:$0x6550]  }
0x98: {  	v5 =	vadd.s32 v9, v5;
	v9 =	vld [tilespmem:$0x1FD50];
	_ =	sdelay $0x1  }
0x99: {  	v1 =	vadd.s32 v11, v1  }
0x9a: {  	v7 =	vld [tilespmem:$0x6560];
	v2 =	vadd.s32 v33, v2  }
0x9b: {  	v10 =	vld [tilespmem:$0x6510];
	v3 =	vadd.s32 v8, v3  }
0x9c: {  	v6 =	vadd.s32 v9, v6;
	v9 =	vld [tilespmem:$0x1FD60]  }
0x9d: {  	v8 =	vld [tilespmem:$0x6570]  }
0x9e: {  	v1 =	vld.idx.msk [tilespmem:v1+s12+$0x0], $0xffff  }
0x9f: {  	v2 =	vld.idx.msk [tilespmem:v2+s12+$0x0], $0xffff  }
0xa0: {  	v3 =	vld.idx.msk [tilespmem:v3+s12+$0x0], $0xffff  }
0xa1: {  	v4 =	vld.idx.msk [tilespmem:v4+s12+$0x0], $0xffff;
	v7 =	vadd.s32 v9, v7  }
0xa2: {  	v5 =	vld.idx.msk [tilespmem:v5+s12+$0x0], $0xffff  }
0xa3: {  	[tilespmem:$0xE600] =	vst v1;
	v1 =	vld [tilespmem:$0x6520]  }
0xa4: {  	v9 =	vld [tilespmem:$0x1FD70]  }
0xa5: {  	[tilespmem:$0xE610] =	vst v2;
	v2 =	vld [tilespmem:$0x6530]  }
0xa6: {  	v7 =	vld.idx.msk [tilespmem:v7+s12+$0x0], $0xffff  }
0xa7: {  	[tilespmem:$0xE630] =	vst v4;
	v4 =	vld [tilespmem:$0x1FD80]  }
0xa8: {  	v6 =	vld.idx.msk [tilespmem:v6+s12+$0x0], $0xffff  }
0xa9: {  	[tilespmem:$0xE640] =	vst v5;
	v5 =	vld [tilespmem:$0x1FD90];
	v8 =	vadd.s32 v9, v8  }
0xaa: {  	v9 =	vld [tilespmem:$0x6500]  }
0xab: {  	[tilespmem:$0xE660] =	vst v7;
	v7 =	vld [tilespmem:$0x1FDB0]  }
0xac: {  	[tilespmem:$0xE620] =	vst v3;
	v3 =	vld [tilespmem:$0x6540]  }
0xad: {  	[tilespmem:$0xE650] =	vst v6;
	v6 =	vld [tilespmem:$0x1FDA0]  }
0xae: {  	v8 =	vld.idx.msk [tilespmem:v8+s12+$0x0], $0xffff  }
0xaf: {  	v5 =	vadd.s32 v5, v10;
	v10 =	vld [tilespmem:$0x6560];
	v4 =	vadd.s32 v4, v9  }
0xb0: {  	v2 =	vadd.s32 v7, v2;
	v7 =	vld [tilespmem:$0x1FDC0]  }
0xb1: {  	v9 =	vld [tilespmem:$0x6550]  }
0xb2: {  	v1 =	vadd.s32 v6, v1;
	v6 =	vld [tilespmem:$0x6570]  }
0xb3: {  	[tilespmem:$0xE670] =	vst v8;
	v8 =	vld [tilespmem:$0x1FDE0]  }
0xb4: {  	v4 =	vld.idx.msk [tilespmem:v4+s12+$0x0], $0xffff  }
0xb5: {  	v3 =	vadd.s32 v7, v3;
	v7 =	vld [tilespmem:$0x1FDD0]  }
0xb6: {  	v5 =	vld.idx.msk [tilespmem:v5+s12+$0x0], $0xffff  }
0xb7: {  	v1 =	vld.idx.msk [tilespmem:v1+s12+$0x0], $0xffff  }
0xb8: {  	v2 =	vld.idx.msk [tilespmem:v2+s12+$0x0], $0xffff  }
0xb9: {  	v8 =	vadd.s32 v8, v10;
	v10 =	vld [tilespmem:$0x6510]  }
0xba: {  	v7 =	vadd.s32 v7, v9;
	v9 =	vld [tilespmem:$0x1FDF0]  }
0xbb: {  	[tilespmem:$0xE680] =	vst v4;
	v4 =	vld [tilespmem:$0x6520]  }
0xbc: {  	v3 =	vld.idx.msk [tilespmem:v3+s12+$0x0], $0xffff  }
0xbd: {  	[tilespmem:$0xE690] =	vst v5;
	v5 =	vld [tilespmem:$0x6530]  }
0xbe: {  	v8 =	vld.idx.msk [tilespmem:v8+s12+$0x0], $0xffff  }
0xbf: {  	[tilespmem:$0xE6A0] =	vst v1;
	v1 =	vld [tilespmem:$0x6540];
	v6 =	vadd.s32 v9, v6  }
0xc0: {  	[tilespmem:$0xE6B0] =	vst v2;
	v2 =	vld [tilespmem:$0x1FE00]  }
0xc1: {  	[tilespmem:$0xE6C0] =	vst v3;
	v3 =	vld [tilespmem:$0x1FE10]  }
0xc2: {  	v7 =	vld.idx.msk [tilespmem:v7+s12+$0x0], $0xffff  }
0xc3: {  	[tilespmem:$0xE6E0] =	vst v8;
	v8 =	vld [tilespmem:$0x1FE30]  }
0xc4: {  	v6 =	vld.idx.msk [tilespmem:v6+s12+$0x0], $0xffff  }
0xc5: {  	v9 =	vld [tilespmem:$0x6500]  }
0xc6: {  	v3 =	vadd.s32 v3, v10;
	v10 =	vld [tilespmem:$0x6560]  }
0xc7: {  	[tilespmem:$0xE6D0] =	vst v7;
	v7 =	vld [tilespmem:$0x1FE20]  }
0xc8: {  	v5 =	vadd.s32 v8, v5;
	v8 =	vld [tilespmem:$0x1FE60]  }
0xc9: {  	[tilespmem:$0xE6F0] =	vst v6;
	v6 =	vld [tilespmem:$0x1FE40]  }
0xca: {  	v2 =	vadd.s32 v2, v9  }
0xcb: {  	v9 =	vld [tilespmem:$0x6550]  }
0xcc: {  	v4 =	vadd.s32 v7, v4;
	v7 =	vld [tilespmem:$0x6570]  }
0xcd: {  	v8 =	vadd.s32 v8, v10;
	v10 =	vld [tilespmem:$0x6510]  }
0xce: {  	v1 =	vadd.s32 v6, v1;
	v6 =	vld [tilespmem:$0x1FE50]  }
0xcf: {  	v2 =	vld.idx.msk [tilespmem:v2+s12+$0x0], $0xffff  }
0xd0: {  	v3 =	vld.idx.msk [tilespmem:v3+s12+$0x0], $0xffff  }
0xd1: {  	v5 =	vld.idx.msk [tilespmem:v5+s12+$0x0], $0xffff  }
0xd2: {  	v4 =	vld.idx.msk [tilespmem:v4+s12+$0x0], $0xffff  }
0xd3: {  	v6 =	vadd.s32 v6, v9;
	v9 =	vld [tilespmem:$0x1FE70]  }
0xd4: {  	v8 =	vld.idx.msk [tilespmem:v8+s12+$0x0], $0xffff  }
0xd5: {  	[tilespmem:$0xE700] =	vst v2;
	v2 =	vld [tilespmem:$0x6520]  }
0xd6: {  	[tilespmem:$0xE710] =	vst v3;
	v3 =	vld [tilespmem:$0x6530]  }
0xd7: {  	v1 =	vld.idx.msk [tilespmem:v1+s12+$0x0], $0xffff  }
0xd8: {  	[tilespmem:$0xE730] =	vst v5;
	v5 =	vld [tilespmem:$0x1FE80];
	v7 =	vadd.s32 v9, v7  }
0xd9: {  	[tilespmem:$0xE720] =	vst v4;
	v4 =	vld [tilespmem:$0x6540]  }
0xda: {  	[tilespmem:$0xE760] =	vst v8;
	v8 =	vld [tilespmem:$0x1FEB0]  }
0xdb: {  	v6 =	vld.idx.msk [tilespmem:v6+s12+$0x0], $0xffff  }
0xdc: {  	[tilespmem:$0xE740] =	vst v1;
	v1 =	vld [tilespmem:$0x1FE90]  }
0xdd: {  	v7 =	vld.idx.msk [tilespmem:v7+s12+$0x0], $0xffff  }
0xde: {  	v9 =	vld [tilespmem:$0x6500]  }
0xdf: {  	v3 =	vadd.s32 v8, v3;
	v8 =	vld [tilespmem:$0x1FEE0]  }
0xe0: {  	[tilespmem:$0xE750] =	vst v6;
	v6 =	vld [tilespmem:$0x1FEA0]  }
0xe1: {  	v1 =	vadd.s32 v1, v10;
	v10 =	vld [tilespmem:$0x6560]  }
0xe2: {  	[tilespmem:$0xE770] =	vst v7;
	v7 =	vld [tilespmem:$0x1FEC0]  }
0xe3: {  	v5 =	vadd.s32 v5, v9  }
0xe4: {  	v9 =	vld [tilespmem:$0x6550]  }
0xe5: {  	v2 =	vadd.s32 v6, v2;
	v6 =	vld [tilespmem:$0x6570]  }
0xe6: {  	v8 =	vadd.s32 v8, v10;
	v10 =	vld [tilespmem:$0x6510]  }
0xe7: {  	v4 =	vadd.s32 v7, v4;
	v7 =	vld [tilespmem:$0x1FED0]  }
0xe8: {  	v5 =	vld.idx.msk [tilespmem:v5+s12+$0x0], $0xffff  }
0xe9: {  	v1 =	vld.idx.msk [tilespmem:v1+s12+$0x0], $0xffff  }
0xea: {  	v3 =	vld.idx.msk [tilespmem:v3+s12+$0x0], $0xffff  }
0xeb: {  	v2 =	vld.idx.msk [tilespmem:v2+s12+$0x0], $0xffff  }
0xec: {  	v7 =	vadd.s32 v7, v9;
	v9 =	vld [tilespmem:$0x1FEF0]  }
0xed: {  	v8 =	vld.idx.msk [tilespmem:v8+s12+$0x0], $0xffff  }
0xee: {  	[tilespmem:$0xE780] =	vst v5;
	v5 =	vld [tilespmem:$0x6520]  }
0xef: {  	[tilespmem:$0xE790] =	vst v1;
	v1 =	vld [tilespmem:$0x6530]  }
0xf0: {  	v4 =	vld.idx.msk [tilespmem:v4+s12+$0x0], $0xffff  }
0xf1: {  	[tilespmem:$0xE7B0] =	vst v3;
	v3 =	vld [tilespmem:$0x1FF00];
	v6 =	vadd.s32 v9, v6  }
0xf2: {  	[tilespmem:$0xE7A0] =	vst v2;
	v2 =	vld [tilespmem:$0x6540]  }
0xf3: {  	[tilespmem:$0xE7E0] =	vst v8;
	v8 =	vld [tilespmem:$0x1FF30]  }
0xf4: {  	v7 =	vld.idx.msk [tilespmem:v7+s12+$0x0], $0xffff  }
0xf5: {  	[tilespmem:$0xE7C0] =	vst v4;
	v4 =	vld [tilespmem:$0x1FF10]  }
0xf6: {  	v6 =	vld.idx.msk [tilespmem:v6+s12+$0x0], $0xffff  }
0xf7: {  	v9 =	vld [tilespmem:$0x6500]  }
0xf8: {  	v1 =	vadd.s32 v8, v1;
	v8 =	vld [tilespmem:$0x1FF60]  }
0xf9: {  	[tilespmem:$0xE7D0] =	vst v7;
	v7 =	vld [tilespmem:$0x1FF20]  }
0xfa: {  	v4 =	vadd.s32 v4, v10;
	v10 =	vld [tilespmem:$0x6560]  }
0xfb: {  	[tilespmem:$0xE7F0] =	vst v6;
	v6 =	vld [tilespmem:$0x1FF40]  }
0xfc: {  	v3 =	vadd.s32 v3, v9  }
0xfd: {  	v9 =	vld [tilespmem:$0x6550]  }
0xfe: {  	v5 =	vadd.s32 v7, v5;
	v7 =	vld [tilespmem:$0x6570]  }
0xff: {  	v8 =	vadd.s32 v8, v10;
	v10 =	vld [tilespmem:$0x6510]  }
0x100: {  	v2 =	vadd.s32 v6, v2;
	v6 =	vld [tilespmem:$0x1FF50]  }
0x101: {  	v3 =	vld.idx.msk [tilespmem:v3+s12+$0x0], $0xffff  }
0x102: {  	v4 =	vld.idx.msk [tilespmem:v4+s12+$0x0], $0xffff  }
0x103: {  	v1 =	vld.idx.msk [tilespmem:v1+s12+$0x0], $0xffff  }
0x104: {  	v5 =	vld.idx.msk [tilespmem:v5+s12+$0x0], $0xffff  }
0x105: {  	v6 =	vadd.s32 v6, v9;
	v9 =	vld [tilespmem:$0x1FF70]  }
0x106: {  	v8 =	vld.idx.msk [tilespmem:v8+s12+$0x0], $0xffff  }
0x107: {  	[tilespmem:$0xE800] =	vst v3;
	v3 =	vld [tilespmem:$0x6520]  }
0x108: {  	[tilespmem:$0xE810] =	vst v4;
	v4 =	vld [tilespmem:$0x6530]  }
0x109: {  	v2 =	vld.idx.msk [tilespmem:v2+s12+$0x0], $0xffff  }
0x10a: {  	[tilespmem:$0xE830] =	vst v1;
	v1 =	vld [tilespmem:$0x1FF80];
	v7 =	vadd.s32 v9, v7  }
0x10b: {  	[tilespmem:$0xE820] =	vst v5;
	v5 =	vld [tilespmem:$0x6540]  }
0x10c: {  	[tilespmem:$0xE860] =	vst v8;
	v8 =	vld [tilespmem:$0x1FFB0]  }
0x10d: {  	v6 =	vld.idx.msk [tilespmem:v6+s12+$0x0], $0xffff  }
0x10e: {  	[tilespmem:$0xE840] =	vst v2;
	v2 =	vld [tilespmem:$0x1FF90]  }
0x10f: {  	v7 =	vld.idx.msk [tilespmem:v7+s12+$0x0], $0xffff  }
0x110: {  	v9 =	vld [tilespmem:$0x6500]  }
0x111: {  	v4 =	vadd.s32 v8, v4;
	v8 =	vld [tilespmem:$0x1FFE0]  }
0x112: {  	[tilespmem:$0xE850] =	vst v6;
	v6 =	vld [tilespmem:$0x1FFA0]  }
0x113: {  	v2 =	vadd.s32 v2, v10;
	v10 =	vld [tilespmem:$0x6560]  }
0x114: {  	[tilespmem:$0xE870] =	vst v7;
	v7 =	vld [tilespmem:$0x1FFC0]  }
0x115: {  	v1 =	vadd.s32 v1, v9  }
0x116: {  	v9 =	vld [tilespmem:$0x6550]  }
0x117: {  	v3 =	vadd.s32 v6, v3;
	v6 =	vld [tilespmem:$0x6570]  }
0x118: {  	v8 =	vadd.s32 v8, v10;
	v10 =	vld [tilespmem:$0x6510]  }
0x119: {  	v5 =	vadd.s32 v7, v5;
	v7 =	vld [tilespmem:$0x1FFD0]  }
0x11a: {  	v1 =	vld.idx.msk [tilespmem:v1+s12+$0x0], $0xffff  }
0x11b: {  	v2 =	vld.idx.msk [tilespmem:v2+s12+$0x0], $0xffff  }
0x11c: {  	v4 =	vld.idx.msk [tilespmem:v4+s12+$0x0], $0xffff  }
0x11d: {  	v12 =	vor.u32 $0x6, v11;
	v3 =	vld.idx.msk [tilespmem:v3+s12+$0x0], $0xffff  }
0x11e: {  	[tilespmem:$0x1F270] =	vst v12;
	v8 =	vld.idx.msk [tilespmem:v8+s12+$0x0], $0xffff;
	v7 =	vadd.s32 v7, v9;
	v9 =	vor.u32 $0x3805, v11  }
0x11f: {  	[tilespmem:$0xE880] =	vst v1;
	v5 =	vld.idx.msk [tilespmem:v5+s12+$0x0], $0xffff;
	v6 =	vadd.s32 v9, v6  }
0x120: {  	[tilespmem:$0x1F260] =	vst v9;
	v9 =	vld [tilespmem:$0x6500]  }
0x121: {  	v1 =	vld [tilespmem:$0x6520];
	[tilespmem:$0xE890] =	vst v2  }
0x122: {  	[tilespmem:$0xE8A0] =	vst v3;
	v3 =	vld [tilespmem:$0x6540]  }
0x123: {  	[tilespmem:$0xE8B0] =	vst v4;
	v7 =	vld.idx.msk [tilespmem:v7+s12+$0x0], $0xffff  }
0x124: {  	[tilespmem:$0xE8E0] =	vst v8;
	v6 =	vld.idx.msk [tilespmem:v6+s12+$0x0], $0xffff  }
0x125: {  	v2 =	vld [tilespmem:$0x6530];
	[tilespmem:$0xE8C0] =	vst v5;
	v4 =	vadd.s32 v12, v9;
	v12 =	vor.u32 $0x806, v11  }
0x126: {  	v8 =	vor.u32 $0x2006, v11;
	[tilespmem:$0x1F280] =	vst v12;
	v5 =	vadd.s32 v12, v10;
	v12 =	vor.u32 $0x1006, v11  }
0x127: {  	v3 =	vadd.s32 v8, v3;
	v9 =	vld [tilespmem:$0x6550];
	[tilespmem:$0x1F290] =	vst v12  }
0x128: {  	v10 =	vld [tilespmem:$0x6560];
	[tilespmem:$0xE8D0] =	vst v7  }
0x129: {  	v1 =	vadd.s32 v12, v1;
	v12 =	vor.u32 $0x1806, v11;
	v7 =	vld [tilespmem:$0x6570];
	[tilespmem:$0xE8F0] =	vst v6  }
0x12a: {  	v2 =	vadd.s32 v12, v2;
	v4 =	vld.idx.msk [tilespmem:v4+s12+$0x0], $0xffff  }
0x12b: {  	[tilespmem:$0x1F2B0] =	vst v8;
	v6 =	vor.u32 $0x2806, v11;
	v5 =	vld.idx.msk [tilespmem:v5+s12+$0x0], $0xffff  }
0x12c: {  	v8 =	vor.u32 $0x3006, v11;
	[tilespmem:$0x1F2C0] =	vst v6;
	v6 =	vadd.s32 v6, v9;
	v3 =	vld.idx.msk [tilespmem:v3+s12+$0x0], $0xffff  }
0x12d: {  	[tilespmem:$0x1F2D0] =	vst v8;
	v8 =	vadd.s32 v8, v10;
	v10 =	vld [tilespmem:$0x6510]  }
0x12e: {  	[tilespmem:$0x1F2A0] =	vst v12;
	v12 =	vor.u32 $0x7, v11;
	v1 =	vld.idx.msk [tilespmem:v1+s12+$0x0], $0xffff  }
0x12f: {  	[tilespmem:$0x1F2F0] =	vst v12;
	v9 =	vor.u32 $0x3806, v11;
	v2 =	vld.idx.msk [tilespmem:v2+s12+$0x0], $0xffff  }
0x130: {  	[tilespmem:$0x1F2E0] =	vst v9;
	v7 =	vadd.s32 v9, v7;
	v9 =	vld [tilespmem:$0x6500]  }
0x131: {  	v6 =	vld.idx.msk [tilespmem:v6+s12+$0x0], $0xffff;
	[tilespmem:$0xE900] =	vst v4  }
0x132: {  	v8 =	vld.idx.msk [tilespmem:v8+s12+$0x0], $0xffff;
	[tilespmem:$0xE910] =	vst v5  }
0x133: {  	v4 =	vld [tilespmem:$0x6520];
	[tilespmem:$0xE940] =	vst v3  }
0x134: {  	v5 =	vld [tilespmem:$0x6530];
	[tilespmem:$0xE920] =	vst v1  }
0x135: {  	[tilespmem:$0xE930] =	vst v2;
	v7 =	vld.idx.msk [tilespmem:v7+s12+$0x0], $0xffff;
	v2 =	vadd.s32 v12, v9;
	v12 =	vor.u32 $0x807, v11  }
0x136: {  	v1 =	vld [tilespmem:$0x6540];
	[tilespmem:$0x1F300] =	vst v12  }
0x137: {  	v9 =	vld [tilespmem:$0x6550];
	v3 =	vadd.s32 v12, v10;
	v12 =	vor.u32 $0x1007, v11;
	[tilespmem:$0xE950] =	vst v6  }
0x138: {  	v10 =	vld [tilespmem:$0x6560];
	[tilespmem:$0x1F310] =	vst v12  }
0x139: {  	v4 =	vadd.s32 v12, v4;
	[tilespmem:$0xE960] =	vst v8  }
0x13a: {  	v12 =	vor.u32 $0x1807, v11;
	v6 =	vld [tilespmem:$0x6570];
	v8 =	vor.u32 $0x2007, v11;
	[tilespmem:$0xE970] =	vst v7  }
0x13b: {  	v5 =	vadd.s32 v12, v5;
	[tilespmem:$0x1F330] =	vst v8;
	v1 =	vadd.s32 v8, v1;
	v8 =	vor.u32 $0x3007, v11;
	v2 =	vld.idx.msk [tilespmem:v2+s12+$0x0], $0xffff  }
0x13c: {  	[tilespmem:$0x1F350] =	vst v8;
	v7 =	vor.u32 $0x2807, v11;
	v3 =	vld.idx.msk [tilespmem:v3+s12+$0x0], $0xffff  }
0x13d: {  	[tilespmem:$0x1F340] =	vst v7;
	v7 =	vadd.s32 v7, v9;
	v8 =	vadd.s32 v8, v10;
	v10 =	vld [tilespmem:$0x6510]  }
0x13e: {  	v9 =	vor.u32 $0x3807, v11;
	v4 =	vld.idx.msk [tilespmem:v4+s12+$0x0], $0xffff  }
0x13f: {  	[tilespmem:$0x1F360] =	vst v9;
	v6 =	vadd.s32 v9, v6;
	v9 =	vld [tilespmem:$0x6500]  }
0x140: {  	[tilespmem:$0x1F320] =	vst v12;
	v12 =	vor.u32 $0x8, v11;
	v5 =	vld.idx.msk [tilespmem:v5+s12+$0x0], $0xffff  }
0x141: {  	[tilespmem:$0x1F370] =	vst v12;
	v1 =	vld.idx.msk [tilespmem:v1+s12+$0x0], $0xffff  }
0x142: {  	v7 =	vld.idx.msk [tilespmem:v7+s12+$0x0], $0xffff;
	[tilespmem:$0xE980] =	vst v2  }
0x143: {  	v8 =	vld.idx.msk [tilespmem:v8+s12+$0x0], $0xffff;
	[tilespmem:$0xE990] =	vst v3  }
0x144: {  	v2 =	vld [tilespmem:$0x6520];
	[tilespmem:$0xE9A0] =	vst v4  }
0x145: {  	v3 =	vld [tilespmem:$0x6530];
	[tilespmem:$0xE9B0] =	vst v5  }
0x146: {  	v6 =	vld.idx.msk [tilespmem:v6+s12+$0x0], $0xffff;
	v5 =	vadd.s32 v12, v9;
	v12 =	vor.u32 $0x808, v11;
	[tilespmem:$0xE9C0] =	vst v1  }
0x147: {  	v4 =	vld [tilespmem:$0x6540];
	[tilespmem:$0x1F380] =	vst v12  }
0x148: {  	v9 =	vld [tilespmem:$0x6550];
	v1 =	vadd.s32 v12, v10;
	[tilespmem:$0xE9D0] =	vst v7  }
0x149: {  	v12 =	vor.u32 $0x1008, v11;
	v10 =	vld [tilespmem:$0x6560];
	v7 =	vor.u32 $0x1808, v11;
	[tilespmem:$0xE9E0] =	vst v8  }
0x14a: {  	v2 =	vadd.s32 v12, v2;
	[tilespmem:$0x1F3A0] =	vst v7  }
0x14b: {  	v8 =	vor.u32 $0x3008, v11;
	v3 =	vadd.s32 v7, v3;
	[tilespmem:$0xE9F0] =	vst v6;
	v6 =	vld [tilespmem:$0x6570]  }
0x14c: {  	v7 =	vor.u32 $0x2008, v11;
	[tilespmem:$0x1F3D0] =	vst v8;
	v5 =	vld.idx.msk [tilespmem:v5+s12+$0x0], $0xffff  }
0x14d: {  	[tilespmem:$0x1F3B0] =	vst v7;
	v4 =	vadd.s32 v7, v4;
	v7 =	vor.u32 $0x2808, v11;
	v1 =	vld.idx.msk [tilespmem:v1+s12+$0x0], $0xffff  }
0x14e: {  	[tilespmem:$0x1F3C0] =	vst v7;
	v7 =	vadd.s32 v7, v9;
	v8 =	vadd.s32 v8, v10;
	v10 =	vld [tilespmem:$0x6510]  }
0x14f: {  	v9 =	vor.u32 $0x3808, v11;
	v2 =	vld.idx.msk [tilespmem:v2+s12+$0x0], $0xffff  }
0x150: {  	v3 =	vld.idx.msk [tilespmem:v3+s12+$0x0], $0xffff;
	v6 =	vadd.s32 v9, v6  }
0x151: {  	[tilespmem:$0x1F3E0] =	vst v9;
	v9 =	vld [tilespmem:$0x6500]  }
0x152: {  	v4 =	vld.idx.msk [tilespmem:v4+s12+$0x0], $0xffff;
	[tilespmem:$0xEA00] =	vst v5  }
0x153: {  	v7 =	vld.idx.msk [tilespmem:v7+s12+$0x0], $0xffff;
	[tilespmem:$0xEA10] =	vst v1  }
0x154: {  	v8 =	vld.idx.msk [tilespmem:v8+s12+$0x0], $0xffff;
	[tilespmem:$0xEA20] =	vst v2  }
0x155: {  	v5 =	vld.idx.msk [tilespmem:v6+s12+$0x0], $0xffff;
	v6 =	vor.u32 $0x9, v11;
	[tilespmem:$0xEA30] =	vst v3  }
0x156: {  	v1 =	vld [tilespmem:$0x6520];
	[tilespmem:$0x1F3F0] =	vst v6  }
0x157: {  	v2 =	vld [tilespmem:$0x6530];
	v3 =	vadd.s32 v6, v9;
	v9 =	vor.u32 $0x809, v11;
	[tilespmem:$0xEA40] =	vst v4  }
0x158: {  	v6 =	vld [tilespmem:$0x6540];
	[tilespmem:$0x1F400] =	vst v9  }
0x159: {  	v4 =	vadd.s32 v9, v10;
	v9 =	vld [tilespmem:$0x6550];
	[tilespmem:$0xEA50] =	vst v7  }
0x15a: {  	v10 =	vor.u32 $0x1009, v11;
	v7 =	vld [tilespmem:$0x6560];
	[tilespmem:$0xEA60] =	vst v8;
	v8 =	vor.u32 $0x1809, v11  }
0x15b: {  	v1 =	vadd.s32 v10, v1;
	[tilespmem:$0x1F420] =	vst v8  }
0x15c: {  	v2 =	vadd.s32 v8, v2;
	[tilespmem:$0xEA70] =	vst v5;
	v5 =	vor.u32 $0x2009, v11  }
0x15d: {  	v3 =	vld.idx.msk [tilespmem:v3+s12+$0x0], $0xffff;
	[tilespmem:$0x1F430] =	vst v5;
	v5 =	vadd.s32 v5, v6;
	v6 =	vor.u32 $0x2809, v11  }
0x15e: {  	v8 =	vor.u32 $0x3009, v11;
	v4 =	vld.idx.msk [tilespmem:v4+s12+$0x0], $0xffff;
	[tilespmem:$0x1F440] =	vst v6;
	v6 =	vadd.s32 v6, v9  }
0x15f: {  	[tilespmem:$0x1F450] =	vst v8;
	v7 =	vadd.s32 v8, v7;
	v8 =	vld [tilespmem:$0x6570]  }
0x160: {  	v1 =	vld.idx.msk [tilespmem:v1+s12+$0x0], $0xffff  }
0x161: {  	[tilespmem:$0x1F410] =	vst v10;
	v9 =	vor.u32 $0x3809, v11;
	v2 =	vld.idx.msk [tilespmem:v2+s12+$0x0], $0xffff  }
0x162: {  	[tilespmem:$0x1F460] =	vst v9;
	v5 =	vld.idx.msk [tilespmem:v5+s12+$0x0], $0xffff  }
0x163: {  	[tilespmem:$0xEA80] =	vst v3;
	v6 =	vld.idx.msk [tilespmem:v6+s12+$0x0], $0xffff  }
0x164: {  	v7 =	vld.idx.msk [tilespmem:v7+s12+$0x0], $0xffff;
	v8 =	vadd.s32 v9, v8;
	[tilespmem:$0xEA90] =	vst v4  }
0x165: {  	v9 =	vld [tilespmem:$0x6500];
	[tilespmem:$0xEAA0] =	vst v1  }
0x166: {  	v10 =	vld [tilespmem:$0x6510];
	[tilespmem:$0xEAB0] =	vst v2  }
0x167: {  	v3 =	vld [tilespmem:$0x6520];
	[tilespmem:$0xEAC0] =	vst v5  }
0x168: {  	v4 =	vld [tilespmem:$0x6530];
	[tilespmem:$0xEAD0] =	vst v6  }
0x169: {  	v1 =	vld.idx.msk [tilespmem:v8+s12+$0x0], $0xffff;
	v8 =	vor.u32 $0xA, v11;
	[tilespmem:$0xEAE0] =	vst v7  }
0x16a: {  	[tilespmem:$0x1F470] =	vst v8;
	v2 =	vadd.s32 v8, v9;
	v9 =	vor.u32 $0x80A, v11;
	v8 =	vld [tilespmem:$0x6540]  }
0x16b: {  	[tilespmem:$0x1F480] =	vst v9;
	v5 =	vadd.s32 v9, v10;
	v10 =	vor.u32 $0x100A, v11  }
0x16c: {  	v9 =	vld [tilespmem:$0x6550];
	[tilespmem:$0x1F490] =	vst v10;
	v3 =	vadd.s32 v10, v3;
	v10 =	vor.u32 $0x180A, v11  }
0x16d: {  	v6 =	vld [tilespmem:$0x6560];
	[tilespmem:$0x1F4A0] =	vst v10;
	v4 =	vadd.s32 v10, v4  }
0x16e: {  	v7 =	vld [tilespmem:$0x6570];
	v10 =	vor.u32 $0x200A, v11;
	[tilespmem:$0xEAF0] =	vst v1  }
0x16f: {  	v1 =	vld.idx.msk [tilespmem:v2+s12+$0x0], $0xffff;
	v2 =	vadd.s32 v10, v8  }
0x170: {  	v8 =	vor.u32 $0x280A, v11;
	v5 =	vld.idx.msk [tilespmem:v5+s12+$0x0], $0xffff  }
0x171: {  	[tilespmem:$0x1F4C0] =	vst v8;
	v8 =	vadd.s32 v8, v9;
	v9 =	vor.u32 $0x300A, v11;
	v3 =	vld.idx.msk [tilespmem:v3+s12+$0x0], $0xffff  }
0x172: {  	[tilespmem:$0x1F4D0] =	vst v9;
	v6 =	vadd.s32 v9, v6;
	v9 =	vor.u32 $0x380A, v11;
	v4 =	vld.idx.msk [tilespmem:v4+s12+$0x0], $0xffff  }
0x173: {  	[tilespmem:$0x1F4E0] =	vst v9;
	v7 =	vadd.s32 v9, v7;
	v9 =	vld [tilespmem:$0x6500]  }
0x174: {  	v2 =	vld.idx.msk [tilespmem:v2+s12+$0x0], $0xffff  }
0x175: {  	[tilespmem:$0xEB00] =	vst v1  }
0x176: {  	v1 =	vld.idx.msk [tilespmem:v8+s12+$0x0], $0xffff;
	[tilespmem:$0xEB10] =	vst v5  }
0x177: {  	v5 =	vld.idx.msk [tilespmem:v6+s12+$0x0], $0xffff;
	[tilespmem:$0xEB20] =	vst v3  }
0x178: {  	v6 =	vor.u32 $0xB, v11;
	v3 =	vld.idx.msk [tilespmem:v7+s12+$0x0], $0xffff;
	[tilespmem:$0xEB30] =	vst v4  }
0x179: {  	v4 =	vadd.s32 v6, v9;
	[tilespmem:$0xEB40] =	vst v2;
	v2 =	vld [tilespmem:$0x6510];
	_ =	sdelay $0x1  }
0x17a: {  	[tilespmem:$0xEB50] =	vst v1  }
0x17b: {  	[tilespmem:$0xEB60] =	vst v5  }
0x17c: {  	[tilespmem:$0xEB70] =	vst v3;
	v3 =	vor.u32 $0x80B, v11  }
0x17d: {  	v1 =	vld.idx.msk [tilespmem:v4+s12+$0x0], $0xffff;
	v2 =	vadd.s32 v3, v2;
	_ =	sdelay $0x1  }
0x17e: {  	v5 =	vld [tilespmem:$0x6550]  }
0x17f: {  	[tilespmem:$0x1F500] =	vst v3;
	v3 =	vld [tilespmem:$0x6530]  }
0x180: {  	v4 =	vld [tilespmem:$0x6540]  }
0x181: {  	[tilespmem:$0xEB80] =	vst v1;
	v1 =	vld.idx.msk [tilespmem:v2+s12+$0x0], $0xffff  }
0x182: {  	v8 =	vor.u32 $0x180B, v11;
	v2 =	vld [tilespmem:$0x6520]  }
0x183: {  	[tilespmem:$0x1F520] =	vst v8  }
0x184: {  	[tilespmem:$0x1F4F0] =	vst v6;
	v6 =	vld [tilespmem:$0x6560];
	v3 =	vadd.s32 v8, v3;
	v8 =	vor.u32 $0x200B, v11  }
0x185: {  	[tilespmem:$0x1F530] =	vst v8;
	v4 =	vadd.s32 v8, v4;
	v8 =	vor.u32 $0x280B, v11  }
0x186: {  	v7 =	vor.u32 $0x100B, v11;
	v5 =	vadd.s32 v8, v5  }
0x187: {  	[tilespmem:$0x1F510] =	vst v7;
	v2 =	vadd.s32 v7, v2;
	v7 =	vld [tilespmem:$0x6570]  }
0x188: {  	v9 =	vld [tilespmem:$0x6510];
	[tilespmem:$0x1F540] =	vst v8;
	v8 =	vor.u32 $0x300B, v11  }
0x189: {  	[tilespmem:$0x1F390] =	vst v12;
	v12 =	vor.u32 $0xC, v11;
	v6 =	vadd.s32 v8, v6;
	v3 =	vld.idx.msk [tilespmem:v3+s12+$0x0], $0xffff  }
0x18a: {  	[tilespmem:$0x1F570] =	vst v12;
	v4 =	vld.idx.msk [tilespmem:v4+s12+$0x0], $0xffff  }
0x18b: {  	[tilespmem:$0x1F550] =	vst v8;
	v8 =	vor.u32 $0x380B, v11;
	v5 =	vld.idx.msk [tilespmem:v5+s12+$0x0], $0xffff  }
0x18c: {  	[tilespmem:$0x1F4B0] =	vst v10;
	v2 =	vld.idx.msk [tilespmem:v2+s12+$0x0], $0xffff;
	v7 =	vadd.s32 v8, v7  }
0x18d: {  	[tilespmem:$0x1F560] =	vst v8;
	v8 =	vld [tilespmem:$0x6500]  }
0x18e: {  	[tilespmem:$0xEB90] =	vst v1;
	v6 =	vld.idx.msk [tilespmem:v6+s12+$0x0], $0xffff  }
0x18f: {  	v10 =	vld [tilespmem:$0x6520];
	[tilespmem:$0xEBB0] =	vst v3  }
0x190: {  	v1 =	vld [tilespmem:$0x6530];
	[tilespmem:$0xEBC0] =	vst v4  }
0x191: {  	[tilespmem:$0xEBD0] =	vst v5;
	v7 =	vld.idx.msk [tilespmem:v7+s12+$0x0], $0xffff  }
0x192: {  	[tilespmem:$0xEBA0] =	vst v2;
	v2 =	vld [tilespmem:$0x6540];
	v3 =	vadd.s32 v12, v8;
	v12 =	vor.u32 $0x80C, v11  }
0x193: {  	[tilespmem:$0xEBE0] =	vst v6;
	v8 =	vld [tilespmem:$0x6550];
	v4 =	vadd.s32 v12, v9  }
0x194: {  	[tilespmem:$0x1F580] =	vst v12;
	v12 =	vor.u32 $0x100C, v11;
	v9 =	vld [tilespmem:$0x6560]  }
0x195: {  	[tilespmem:$0x1F590] =	vst v12;
	v5 =	vadd.s32 v12, v10  }
0x196: {  	v6 =	vor.u32 $0x200C, v11;
	v12 =	vor.u32 $0x180C, v11;
	v10 =	vld [tilespmem:$0x6570];
	[tilespmem:$0xEBF0] =	vst v7  }
0x197: {  	[tilespmem:$0x1F5B0] =	vst v6;
	v1 =	vadd.s32 v12, v1;
	v2 =	vadd.s32 v6, v2;
	v6 =	vor.u32 $0x280C, v11;
	v3 =	vld.idx.msk [tilespmem:v3+s12+$0x0], $0xffff  }
0x198: {  	v7 =	vor.u32 $0x300C, v11;
	[tilespmem:$0x1F5C0] =	vst v6;
	v4 =	vld.idx.msk [tilespmem:v4+s12+$0x0], $0xffff  }
0x199: {  	v6 =	vadd.s32 v6, v8;
	[tilespmem:$0x1F5D0] =	vst v7;
	v7 =	vadd.s32 v7, v9;
	v9 =	vld [tilespmem:$0x6500]  }
0x19a: {  	v8 =	vor.u32 $0x380C, v11;
	v5 =	vld.idx.msk [tilespmem:v5+s12+$0x0], $0xffff  }
0x19b: {  	[tilespmem:$0x1F5E0] =	vst v8;
	v8 =	vadd.s32 v8, v10;
	v10 =	vld [tilespmem:$0x6510]  }
0x19c: {  	[tilespmem:$0x1F5A0] =	vst v12;
	v12 =	vor.u32 $0xD, v11;
	v1 =	vld.idx.msk [tilespmem:v1+s12+$0x0], $0xffff  }
0x19d: {  	[tilespmem:$0x1F5F0] =	vst v12;
	v2 =	vld.idx.msk [tilespmem:v2+s12+$0x0], $0xffff  }
0x19e: {  	v6 =	vld.idx.msk [tilespmem:v6+s12+$0x0], $0xffff;
	[tilespmem:$0xEC00] =	vst v3  }
0x19f: {  	v7 =	vld.idx.msk [tilespmem:v7+s12+$0x0], $0xffff;
	[tilespmem:$0xEC10] =	vst v4  }
0x1a0: {  	v3 =	vld [tilespmem:$0x6520];
	[tilespmem:$0xEC20] =	vst v5  }
0x1a1: {  	v4 =	vld [tilespmem:$0x6530];
	[tilespmem:$0xEC30] =	vst v1;
	v1 =	vadd.s32 v12, v9;
	v12 =	vor.u32 $0x80D, v11  }
0x1a2: {  	v8 =	vld.idx.msk [tilespmem:v8+s12+$0x0], $0xffff;
	[tilespmem:$0x1F600] =	vst v12  }
0x1a3: {  	v5 =	vld [tilespmem:$0x6540];
	[tilespmem:$0xEC40] =	vst v2  }
0x1a4: {  	v9 =	vld [tilespmem:$0x6550];
	v2 =	vadd.s32 v12, v10;
	v12 =	vor.u32 $0x100D, v11;
	[tilespmem:$0xEC50] =	vst v6  }
0x1a5: {  	v10 =	vld [tilespmem:$0x6560];
	[tilespmem:$0x1F610] =	vst v12  }
0x1a6: {  	v3 =	vadd.s32 v12, v3;
	[tilespmem:$0xEC60] =	vst v7  }
0x1a7: {  	v12 =	vor.u32 $0x180D, v11;
	v6 =	vld [tilespmem:$0x6570];
	v7 =	vor.u32 $0x200D, v11;
	[tilespmem:$0xEC70] =	vst v8  }
0x1a8: {  	v4 =	vadd.s32 v12, v4;
	[tilespmem:$0x1F630] =	vst v7;
	v5 =	vadd.s32 v7, v5;
	v7 =	vor.u32 $0x280D, v11;
	v1 =	vld.idx.msk [tilespmem:v1+s12+$0x0], $0xffff  }
0x1a9: {  	v8 =	vor.u32 $0x300D, v11;
	[tilespmem:$0x1F640] =	vst v7;
	v2 =	vld.idx.msk [tilespmem:v2+s12+$0x0], $0xffff  }
0x1aa: {  	v7 =	vadd.s32 v7, v9;
	[tilespmem:$0x1F650] =	vst v8;
	v8 =	vadd.s32 v8, v10;
	v10 =	vld [tilespmem:$0x6510]  }
0x1ab: {  	v9 =	vor.u32 $0x380D, v11;
	v3 =	vld.idx.msk [tilespmem:v3+s12+$0x0], $0xffff  }
0x1ac: {  	[tilespmem:$0x1F660] =	vst v9;
	v6 =	vadd.s32 v9, v6;
	v9 =	vld [tilespmem:$0x6500]  }
0x1ad: {  	[tilespmem:$0x1F620] =	vst v12;
	v12 =	vor.u32 $0xE, v11;
	v4 =	vld.idx.msk [tilespmem:v4+s12+$0x0], $0xffff  }
0x1ae: {  	[tilespmem:$0x1F670] =	vst v12;
	v5 =	vld.idx.msk [tilespmem:v5+s12+$0x0], $0xffff  }
0x1af: {  	v7 =	vld.idx.msk [tilespmem:v7+s12+$0x0], $0xffff;
	[tilespmem:$0xEC80] =	vst v1  }
0x1b0: {  	v1 =	vld [tilespmem:$0x6520];
	[tilespmem:$0xEC90] =	vst v2  }
0x1b1: {  	v8 =	vld.idx.msk [tilespmem:v8+s12+$0x0], $0xffff;
	[tilespmem:$0xECA0] =	vst v3  }
0x1b2: {  	v2 =	vld [tilespmem:$0x6530];
	[tilespmem:$0xECB0] =	vst v4  }
0x1b3: {  	v6 =	vld.idx.msk [tilespmem:v6+s12+$0x0], $0xffff;
	v4 =	vadd.s32 v12, v9;
	v12 =	vor.u32 $0x80E, v11;
	[tilespmem:$0xECC0] =	vst v5  }
0x1b4: {  	v3 =	vld [tilespmem:$0x6540];
	[tilespmem:$0x1F680] =	vst v12  }
0x1b5: {  	v9 =	vld [tilespmem:$0x6550];
	v5 =	vadd.s32 v12, v10;
	v12 =	vor.u32 $0x100E, v11;
	[tilespmem:$0xECD0] =	vst v7  }
0x1b6: {  	v10 =	vld [tilespmem:$0x6560];
	[tilespmem:$0x1F690] =	vst v12  }
0x1b7: {  	v7 =	vld [tilespmem:$0x6570];
	v1 =	vadd.s32 v12, v1;
	v12 =	vor.u32 $0x180E, v11;
	[tilespmem:$0xECE0] =	vst v8  }
0x1b8: {  	v2 =	vadd.s32 v12, v2;
	v8 =	vor.u32 $0x200E, v11;
	[tilespmem:$0xECF0] =	vst v6  }
0x1b9: {  	[tilespmem:$0x1F6B0] =	vst v8;
	v3 =	vadd.s32 v8, v3;
	v6 =	vor.u32 $0x280E, v11  }
0x1ba: {  	v8 =	vor.u32 $0x300E, v11;
	v4 =	vld.idx.msk [tilespmem:v4+s12+$0x0], $0xffff;
	[tilespmem:$0x1F6C0] =	vst v6;
	v6 =	vadd.s32 v6, v9  }
0x1bb: {  	[tilespmem:$0x1F6D0] =	vst v8;
	v9 =	vor.u32 $0x380E, v11;
	v5 =	vld.idx.msk [tilespmem:v5+s12+$0x0], $0xffff;
	v8 =	vadd.s32 v8, v10  }
0x1bc: {  	v7 =	vadd.s32 v9, v7;
	v1 =	vld.idx.msk [tilespmem:v1+s12+$0x0], $0xffff  }
0x1bd: {  	v2 =	vld.idx.msk [tilespmem:v2+s12+$0x0], $0xffff  }
0x1be: {  	v3 =	vld.idx.msk [tilespmem:v3+s12+$0x0], $0xffff  }
0x1bf: {  	v6 =	vld.idx.msk [tilespmem:v6+s12+$0x0], $0xffff  }
0x1c0: {  	[tilespmem:$0x1F6A0] =	vst v12;
	v8 =	vld.idx.msk [tilespmem:v8+s12+$0x0], $0xffff  }
0x1c1: {  	[tilespmem:$0x1F6E0] =	vst v9;
	v7 =	vld.idx.msk [tilespmem:v7+s12+$0x0], $0xffff  }
0x1c2: {  	v9 =	vld [tilespmem:$0x6500];
	[tilespmem:$0xED00] =	vst v4  }
0x1c3: {  	v10 =	vld [tilespmem:$0x6510];
	[tilespmem:$0xED10] =	vst v5  }
0x1c4: {  	v12 =	vor.u32 $0xF, v11;
	[tilespmem:$0xED20] =	vst v1;
	v1 =	vld [tilespmem:$0x6540]  }
0x1c5: {  	[tilespmem:$0x1F6F0] =	vst v12  }
0x1c6: {  	[tilespmem:$0xED30] =	vst v2  }
0x1c7: {  	v4 =	vld [tilespmem:$0x6520];
	[tilespmem:$0xED40] =	vst v3;
	v2 =	vadd.s32 v12, v9;
	v12 =	vor.u32 $0x80F, v11  }
0x1c8: {  	v5 =	vld [tilespmem:$0x6530];
	[tilespmem:$0xED60] =	vst v8;
	v8 =	vor.u32 $0x200F, v11;
	v3 =	vadd.s32 v12, v10  }
0x1c9: {  	[tilespmem:$0xED50] =	vst v6;
	v9 =	vld [tilespmem:$0x6550];
	v1 =	vadd.s32 v8, v1  }
0x1ca: {  	v6 =	vld [tilespmem:$0x6570];
	[tilespmem:$0xED70] =	vst v7  }
0x1cb: {  	[tilespmem:$0x1F700] =	vst v12;
	v12 =	vor.u32 $0x100F, v11;
	v10 =	vld [tilespmem:$0x6560]  }
0x1cc: {  	[tilespmem:$0x1F710] =	vst v12;
	v4 =	vadd.s32 v12, v4;
	v12 =	vor.u32 $0x180F, v11;
	v2 =	vld.idx.msk [tilespmem:v2+s12+$0x0], $0xffff  }
0x1cd: {  	v7 =	vor.u32 $0x280F, v11;
	[tilespmem:$0x1F730] =	vst v8;
	v5 =	vadd.s32 v12, v5;
	v3 =	vld.idx.msk [tilespmem:v3+s12+$0x0], $0xffff  }
0x1ce: {  	[tilespmem:$0x1F740] =	vst v7;
	v7 =	vadd.s32 v7, v9;
	v9 =	vor.u32 $0x380F, v11;
	v1 =	vld.idx.msk [tilespmem:v1+s12+$0x0], $0xffff  }
0x1cf: {  	v8 =	vor.u32 $0x300F, v11;
	[tilespmem:$0x1F760] =	vst v9;
	v6 =	vadd.s32 v9, v6;
	v9 =	vld [tilespmem:$0x6500]  }
0x1d0: {  	[tilespmem:$0x1F750] =	vst v8;
	v8 =	vadd.s32 v8, v10;
	v10 =	vld [tilespmem:$0x6510]  }
0x1d1: {  	[tilespmem:$0x1F720] =	vst v12;
	v12 =	vor.u32 $0x10, v11;
	v4 =	vld.idx.msk [tilespmem:v4+s12+$0x0], $0xffff  }
0x1d2: {  	[tilespmem:$0x1F770] =	vst v12;
	v5 =	vld.idx.msk [tilespmem:v5+s12+$0x0], $0xffff  }
0x1d3: {  	v7 =	vld.idx.msk [tilespmem:v7+s12+$0x0], $0xffff;
	[tilespmem:$0xED80] =	vst v2  }
0x1d4: {  	v2 =	vld [tilespmem:$0x6520];
	[tilespmem:$0xED90] =	vst v3  }
0x1d5: {  	v8 =	vld.idx.msk [tilespmem:v8+s12+$0x0], $0xffff;
	[tilespmem:$0xEDC0] =	vst v1  }
0x1d6: {  	v6 =	vld.idx.msk [tilespmem:v6+s12+$0x0], $0xffff;
	[tilespmem:$0xEDA0] =	vst v4  }
0x1d7: {  	v3 =	vld [tilespmem:$0x6530];
	[tilespmem:$0xEDB0] =	vst v5;
	v5 =	vadd.s32 v12, v9;
	v12 =	vor.u32 $0x810, v11  }
0x1d8: {  	v4 =	vld [tilespmem:$0x6540];
	[tilespmem:$0x1F780] =	vst v12  }
0x1d9: {  	v9 =	vld [tilespmem:$0x6550];
	v1 =	vadd.s32 v12, v10;
	v12 =	vor.u32 $0x1010, v11;
	[tilespmem:$0xEDD0] =	vst v7  }
0x1da: {  	v10 =	vld [tilespmem:$0x6560];
	[tilespmem:$0x1F790] =	vst v12  }
0x1db: {  	v2 =	vadd.s32 v12, v2;
	[tilespmem:$0xEDE0] =	vst v8  }
0x1dc: {  	v12 =	vor.u32 $0x1810, v11;
	v7 =	vld [tilespmem:$0x6570];
	v8 =	vor.u32 $0x2010, v11;
	[tilespmem:$0xEDF0] =	vst v6  }
0x1dd: {  	v3 =	vadd.s32 v12, v3;
	v6 =	vor.u32 $0x2810, v11;
	[tilespmem:$0x1F7B0] =	vst v8;
	v5 =	vld.idx.msk [tilespmem:v5+s12+$0x0], $0xffff  }
0x1de: {  	v4 =	vadd.s32 v8, v4;
	[tilespmem:$0x1F7C0] =	vst v6;
	v8 =	vor.u32 $0x3010, v11;
	v1 =	vld.idx.msk [tilespmem:v1+s12+$0x0], $0xffff  }
0x1df: {  	v6 =	vadd.s32 v6, v9;
	[tilespmem:$0x1F7D0] =	vst v8;
	v8 =	vadd.s32 v8, v10;
	v10 =	vld [tilespmem:$0x6510]  }
0x1e0: {  	v9 =	vor.u32 $0x3810, v11;
	v2 =	vld.idx.msk [tilespmem:v2+s12+$0x0], $0xffff  }
0x1e1: {  	[tilespmem:$0x1F7E0] =	vst v9;
	v7 =	vadd.s32 v9, v7;
	v9 =	vld [tilespmem:$0x6500]  }
0x1e2: {  	[tilespmem:$0x1F7A0] =	vst v12;
	v12 =	vor.u32 $0x11, v11;
	v3 =	vld.idx.msk [tilespmem:v3+s12+$0x0], $0xffff  }
0x1e3: {  	[tilespmem:$0x1F7F0] =	vst v12;
	v4 =	vld.idx.msk [tilespmem:v4+s12+$0x0], $0xffff  }
0x1e4: {  	v6 =	vld.idx.msk [tilespmem:v6+s12+$0x0], $0xffff;
	[tilespmem:$0xEE00] =	vst v5  }
0x1e5: {  	v5 =	vld [tilespmem:$0x6520];
	[tilespmem:$0xEE10] =	vst v1  }
0x1e6: {  	v8 =	vld.idx.msk [tilespmem:v8+s12+$0x0], $0xffff;
	[tilespmem:$0xEE20] =	vst v2  }
0x1e7: {  	v1 =	vld [tilespmem:$0x6530];
	[tilespmem:$0xEE30] =	vst v3  }
0x1e8: {  	v7 =	vld.idx.msk [tilespmem:v7+s12+$0x0], $0xffff;
	v3 =	vadd.s32 v12, v9;
	v12 =	vor.u32 $0x811, v11;
	[tilespmem:$0xEE40] =	vst v4  }
0x1e9: {  	v2 =	vld [tilespmem:$0x6540];
	[tilespmem:$0x1F800] =	vst v12  }
0x1ea: {  	v9 =	vld [tilespmem:$0x6550];
	v4 =	vadd.s32 v12, v10;
	v12 =	vor.u32 $0x1011, v11;
	[tilespmem:$0xEE50] =	vst v6  }
0x1eb: {  	v10 =	vld [tilespmem:$0x6560];
	[tilespmem:$0x1F810] =	vst v12  }
0x1ec: {  	v5 =	vadd.s32 v12, v5;
	[tilespmem:$0xEE60] =	vst v8  }
0x1ed: {  	v12 =	vor.u32 $0x1811, v11;
	v6 =	vld [tilespmem:$0x6570];
	v8 =	vor.u32 $0x2011, v11;
	[tilespmem:$0xEE70] =	vst v7  }
0x1ee: {  	v1 =	vadd.s32 v12, v1;
	[tilespmem:$0x1F830] =	vst v8;
	v7 =	vor.u32 $0x2811, v11;
	v3 =	vld.idx.msk [tilespmem:v3+s12+$0x0], $0xffff  }
0x1ef: {  	v2 =	vadd.s32 v8, v2;
	v8 =	vor.u32 $0x3011, v11;
	[tilespmem:$0x1F840] =	vst v7;
	v4 =	vld.idx.msk [tilespmem:v4+s12+$0x0], $0xffff  }
0x1f0: {  	v7 =	vadd.s32 v7, v9;
	[tilespmem:$0x1F850] =	vst v8;
	v8 =	vadd.s32 v8, v10;
	v10 =	vld [tilespmem:$0x6510]  }
0x1f1: {  	v9 =	vor.u32 $0x3811, v11;
	v5 =	vld.idx.msk [tilespmem:v5+s12+$0x0], $0xffff  }
0x1f2: {  	[tilespmem:$0x1F860] =	vst v9;
	v6 =	vadd.s32 v9, v6;
	v9 =	vld [tilespmem:$0x6500]  }
0x1f3: {  	[tilespmem:$0x1F820] =	vst v12;
	v12 =	vor.u32 $0x12, v11;
	v1 =	vld.idx.msk [tilespmem:v1+s12+$0x0], $0xffff  }
0x1f4: {  	[tilespmem:$0x1F870] =	vst v12;
	v2 =	vld.idx.msk [tilespmem:v2+s12+$0x0], $0xffff  }
0x1f5: {  	v7 =	vld.idx.msk [tilespmem:v7+s12+$0x0], $0xffff;
	[tilespmem:$0xEE80] =	vst v3  }
0x1f6: {  	v3 =	vld [tilespmem:$0x6520];
	[tilespmem:$0xEE90] =	vst v4  }
0x1f7: {  	v8 =	vld.idx.msk [tilespmem:v8+s12+$0x0], $0xffff;
	[tilespmem:$0xEEA0] =	vst v5  }
0x1f8: {  	v4 =	vld [tilespmem:$0x6530];
	[tilespmem:$0xEEB0] =	vst v1  }
0x1f9: {  	v6 =	vld.idx.msk [tilespmem:v6+s12+$0x0], $0xffff;
	v1 =	vadd.s32 v12, v9;
	v12 =	vor.u32 $0x812, v11;
	[tilespmem:$0xEEC0] =	vst v2  }
0x1fa: {  	v5 =	vld [tilespmem:$0x6540];
	[tilespmem:$0x1F880] =	vst v12  }
0x1fb: {  	v9 =	vld [tilespmem:$0x6550];
	v2 =	vadd.s32 v12, v10;
	v12 =	vor.u32 $0x1012, v11;
	[tilespmem:$0xEED0] =	vst v7  }
0x1fc: {  	v10 =	vld [tilespmem:$0x6560];
	[tilespmem:$0x1F890] =	vst v12  }
0x1fd: {  	v3 =	vadd.s32 v12, v3;
	[tilespmem:$0xEEE0] =	vst v8  }
0x1fe: {  	v12 =	vor.u32 $0x1812, v11;
	v7 =	vld [tilespmem:$0x6570];
	v8 =	vor.u32 $0x2012, v11;
	[tilespmem:$0xEEF0] =	vst v6  }
0x1ff: {  	v4 =	vadd.s32 v12, v4;
	[tilespmem:$0x1F8B0] =	vst v8;
	v6 =	vor.u32 $0x2812, v11;
	v1 =	vld.idx.msk [tilespmem:v1+s12+$0x0], $0xffff  }
0x200: {  	v5 =	vadd.s32 v8, v5;
	v8 =	vor.u32 $0x3012, v11;
	[tilespmem:$0x1F8C0] =	vst v6;
	v2 =	vld.idx.msk [tilespmem:v2+s12+$0x0], $0xffff  }
0x201: {  	v6 =	vadd.s32 v6, v9;
	[tilespmem:$0x1F8D0] =	vst v8;
	v8 =	vadd.s32 v8, v10;
	v10 =	vld [tilespmem:$0x6510]  }
0x202: {  	v9 =	vor.u32 $0x3812, v11;
	v3 =	vld.idx.msk [tilespmem:v3+s12+$0x0], $0xffff  }
0x203: {  	[tilespmem:$0x1F8E0] =	vst v9;
	v7 =	vadd.s32 v9, v7;
	v9 =	vld [tilespmem:$0x6500]  }
0x204: {  	[tilespmem:$0x1F8A0] =	vst v12;
	v12 =	vor.u32 $0x13, v11;
	v4 =	vld.idx.msk [tilespmem:v4+s12+$0x0], $0xffff  }
0x205: {  	[tilespmem:$0x1F8F0] =	vst v12;
	v5 =	vld.idx.msk [tilespmem:v5+s12+$0x0], $0xffff  }
0x206: {  	v6 =	vld.idx.msk [tilespmem:v6+s12+$0x0], $0xffff;
	[tilespmem:$0xEF00] =	vst v1  }
0x207: {  	v1 =	vld [tilespmem:$0x6520];
	[tilespmem:$0xEF10] =	vst v2  }
0x208: {  	v8 =	vld.idx.msk [tilespmem:v8+s12+$0x0], $0xffff;
	[tilespmem:$0xEF20] =	vst v3  }
0x209: {  	v2 =	vld [tilespmem:$0x6530];
	[tilespmem:$0xEF30] =	vst v4  }
0x20a: {  	v7 =	vld.idx.msk [tilespmem:v7+s12+$0x0], $0xffff;
	v4 =	vadd.s32 v12, v9;
	v12 =	vor.u32 $0x813, v11;
	[tilespmem:$0xEF40] =	vst v5  }
0x20b: {  	v3 =	vld [tilespmem:$0x6540];
	[tilespmem:$0x1F900] =	vst v12  }
0x20c: {  	v9 =	vld [tilespmem:$0x6550];
	v5 =	vadd.s32 v12, v10;
	v12 =	vor.u32 $0x1013, v11;
	[tilespmem:$0xEF50] =	vst v6  }
0x20d: {  	v10 =	vld [tilespmem:$0x6560];
	[tilespmem:$0x1F910] =	vst v12  }
0x20e: {  	v1 =	vadd.s32 v12, v1;
	[tilespmem:$0xEF60] =	vst v8  }
0x20f: {  	v12 =	vor.u32 $0x1813, v11;
	v6 =	vld [tilespmem:$0x6570];
	v8 =	vor.u32 $0x2013, v11;
	[tilespmem:$0xEF70] =	vst v7  }
0x210: {  	v2 =	vadd.s32 v12, v2;
	[tilespmem:$0x1F930] =	vst v8;
	v7 =	vor.u32 $0x2813, v11;
	v4 =	vld.idx.msk [tilespmem:v4+s12+$0x0], $0xffff  }
0x211: {  	v3 =	vadd.s32 v8, v3;
	v8 =	vor.u32 $0x3013, v11;
	[tilespmem:$0x1F940] =	vst v7;
	v5 =	vld.idx.msk [tilespmem:v5+s12+$0x0], $0xffff  }
0x212: {  	v7 =	vadd.s32 v7, v9;
	[tilespmem:$0x1F950] =	vst v8;
	v8 =	vadd.s32 v8, v10;
	v10 =	vld [tilespmem:$0x6510]  }
0x213: {  	v9 =	vor.u32 $0x3813, v11;
	v1 =	vld.idx.msk [tilespmem:v1+s12+$0x0], $0xffff  }
0x214: {  	[tilespmem:$0x1F960] =	vst v9;
	v6 =	vadd.s32 v9, v6;
	v9 =	vld [tilespmem:$0x6500]  }
0x215: {  	[tilespmem:$0x1F920] =	vst v12;
	v12 =	vor.u32 $0x14, v11;
	v2 =	vld.idx.msk [tilespmem:v2+s12+$0x0], $0xffff  }
0x216: {  	[tilespmem:$0x1F970] =	vst v12;
	v3 =	vld.idx.msk [tilespmem:v3+s12+$0x0], $0xffff  }
0x217: {  	v7 =	vld.idx.msk [tilespmem:v7+s12+$0x0], $0xffff;
	[tilespmem:$0xEF80] =	vst v4  }
0x218: {  	v4 =	vld [tilespmem:$0x6520];
	[tilespmem:$0xEF90] =	vst v5  }
0x219: {  	v8 =	vld.idx.msk [tilespmem:v8+s12+$0x0], $0xffff;
	[tilespmem:$0xEFA0] =	vst v1  }
0x21a: {  	v5 =	vld [tilespmem:$0x6530];
	[tilespmem:$0xEFB0] =	vst v2  }
0x21b: {  	v6 =	vld.idx.msk [tilespmem:v6+s12+$0x0], $0xffff;
	v2 =	vadd.s32 v12, v9;
	v12 =	vor.u32 $0x814, v11;
	[tilespmem:$0xEFC0] =	vst v3  }
0x21c: {  	v1 =	vld [tilespmem:$0x6540];
	[tilespmem:$0x1F980] =	vst v12  }
0x21d: {  	v9 =	vld [tilespmem:$0x6550];
	v3 =	vadd.s32 v12, v10;
	v12 =	vor.u32 $0x1014, v11;
	[tilespmem:$0xEFD0] =	vst v7  }
0x21e: {  	v10 =	vld [tilespmem:$0x6560];
	[tilespmem:$0x1F990] =	vst v12  }
0x21f: {  	v4 =	vadd.s32 v12, v4;
	[tilespmem:$0xEFE0] =	vst v8  }
0x220: {  	v12 =	vor.u32 $0x1814, v11;
	v7 =	vld [tilespmem:$0x6570];
	v8 =	vor.u32 $0x2014, v11;
	[tilespmem:$0xEFF0] =	vst v6  }
0x221: {  	v5 =	vadd.s32 v12, v5;
	[tilespmem:$0x1F9B0] =	vst v8;
	v6 =	vor.u32 $0x2814, v11;
	v2 =	vld.idx.msk [tilespmem:v2+s12+$0x0], $0xffff  }
0x222: {  	v1 =	vadd.s32 v8, v1;
	v8 =	vor.u32 $0x3014, v11;
	[tilespmem:$0x1F9C0] =	vst v6;
	v3 =	vld.idx.msk [tilespmem:v3+s12+$0x0], $0xffff  }
0x223: {  	v6 =	vadd.s32 v6, v9;
	[tilespmem:$0x1F9D0] =	vst v8;
	v8 =	vadd.s32 v8, v10;
	v10 =	vld [tilespmem:$0x6510]  }
0x224: {  	v9 =	vor.u32 $0x3814, v11;
	v4 =	vld.idx.msk [tilespmem:v4+s12+$0x0], $0xffff  }
0x225: {  	[tilespmem:$0x1F9E0] =	vst v9;
	v7 =	vadd.s32 v9, v7;
	v9 =	vld [tilespmem:$0x6500]  }
0x226: {  	[tilespmem:$0x1F9A0] =	vst v12;
	v12 =	vor.u32 $0x15, v11;
	v5 =	vld.idx.msk [tilespmem:v5+s12+$0x0], $0xffff  }
0x227: {  	[tilespmem:$0x1F9F0] =	vst v12;
	v1 =	vld.idx.msk [tilespmem:v1+s12+$0x0], $0xffff  }
0x228: {  	v6 =	vld.idx.msk [tilespmem:v6+s12+$0x0], $0xffff;
	[tilespmem:$0xF000] =	vst v2  }
0x229: {  	v2 =	vld [tilespmem:$0x6520];
	[tilespmem:$0xF010] =	vst v3  }
0x22a: {  	v8 =	vld.idx.msk [tilespmem:v8+s12+$0x0], $0xffff;
	[tilespmem:$0xF020] =	vst v4  }
0x22b: {  	v3 =	vld [tilespmem:$0x6530];
	[tilespmem:$0xF030] =	vst v5  }
0x22c: {  	v7 =	vld.idx.msk [tilespmem:v7+s12+$0x0], $0xffff;
	v5 =	vadd.s32 v12, v9;
	v12 =	vor.u32 $0x815, v11;
	[tilespmem:$0xF040] =	vst v1  }
0x22d: {  	v4 =	vld [tilespmem:$0x6540];
	[tilespmem:$0x1FA00] =	vst v12  }
0x22e: {  	v9 =	vld [tilespmem:$0x6550];
	v1 =	vadd.s32 v12, v10;
	v12 =	vor.u32 $0x1015, v11;
	[tilespmem:$0xF050] =	vst v6  }
0x22f: {  	v10 =	vld [tilespmem:$0x6560];
	[tilespmem:$0x1FA10] =	vst v12  }
0x230: {  	v2 =	vadd.s32 v12, v2;
	[tilespmem:$0xF060] =	vst v8  }
0x231: {  	v12 =	vor.u32 $0x1815, v11;
	v6 =	vld [tilespmem:$0x6570];
	v8 =	vor.u32 $0x2015, v11;
	[tilespmem:$0xF070] =	vst v7  }
0x232: {  	v3 =	vadd.s32 v12, v3;
	[tilespmem:$0x1FA30] =	vst v8;
	v7 =	vor.u32 $0x2815, v11;
	v5 =	vld.idx.msk [tilespmem:v5+s12+$0x0], $0xffff  }
0x233: {  	v4 =	vadd.s32 v8, v4;
	v8 =	vor.u32 $0x3015, v11;
	[tilespmem:$0x1FA40] =	vst v7;
	v1 =	vld.idx.msk [tilespmem:v1+s12+$0x0], $0xffff  }
0x234: {  	v7 =	vadd.s32 v7, v9;
	[tilespmem:$0x1FA50] =	vst v8;
	v8 =	vadd.s32 v8, v10;
	v10 =	vld [tilespmem:$0x6510]  }
0x235: {  	v9 =	vor.u32 $0x3815, v11;
	v2 =	vld.idx.msk [tilespmem:v2+s12+$0x0], $0xffff  }
0x236: {  	[tilespmem:$0x1FA60] =	vst v9;
	v6 =	vadd.s32 v9, v6;
	v9 =	vld [tilespmem:$0x6500]  }
0x237: {  	[tilespmem:$0x1FA20] =	vst v12;
	v12 =	vor.u32 $0x16, v11;
	v3 =	vld.idx.msk [tilespmem:v3+s12+$0x0], $0xffff  }
0x238: {  	[tilespmem:$0x1FA70] =	vst v12;
	v4 =	vld.idx.msk [tilespmem:v4+s12+$0x0], $0xffff  }
0x239: {  	v7 =	vld.idx.msk [tilespmem:v7+s12+$0x0], $0xffff;
	[tilespmem:$0xF080] =	vst v5  }
0x23a: {  	v5 =	vld [tilespmem:$0x6520];
	[tilespmem:$0xF090] =	vst v1  }
0x23b: {  	v8 =	vld.idx.msk [tilespmem:v8+s12+$0x0], $0xffff;
	[tilespmem:$0xF0A0] =	vst v2  }
0x23c: {  	v1 =	vld [tilespmem:$0x6530];
	[tilespmem:$0xF0B0] =	vst v3  }
0x23d: {  	v6 =	vld.idx.msk [tilespmem:v6+s12+$0x0], $0xffff;
	v3 =	vadd.s32 v12, v9;
	v12 =	vor.u32 $0x816, v11;
	[tilespmem:$0xF0C0] =	vst v4  }
0x23e: {  	v2 =	vld [tilespmem:$0x6540];
	[tilespmem:$0x1FA80] =	vst v12  }
0x23f: {  	v9 =	vld [tilespmem:$0x6550];
	v4 =	vadd.s32 v12, v10;
	v12 =	vor.u32 $0x1016, v11;
	[tilespmem:$0xF0D0] =	vst v7  }
0x240: {  	v10 =	vld [tilespmem:$0x6560];
	[tilespmem:$0x1FA90] =	vst v12  }
0x241: {  	v13 =	vld [tilespmem:$0x6530];
	v5 =	vadd.s32 v12, v5;
	[tilespmem:$0xF0E0] =	vst v8  }
0x242: {  	v12 =	vor.u32 $0x1816, v11;
	v7 =	vld [tilespmem:$0x6570];
	v8 =	vor.u32 $0x2016, v11;
	[tilespmem:$0xF0F0] =	vst v6  }
0x243: {  	v1 =	vadd.s32 v12, v1;
	[tilespmem:$0x1FAB0] =	vst v8;
	v6 =	vor.u32 $0x2816, v11;
	v3 =	vld.idx.msk [tilespmem:v3+s12+$0x0], $0xffff  }
0x244: {  	v2 =	vadd.s32 v8, v2;
	v8 =	vor.u32 $0x3016, v11;
	[tilespmem:$0x1FAC0] =	vst v6;
	v4 =	vld.idx.msk [tilespmem:v4+s12+$0x0], $0xffff  }
0x245: {  	v6 =	vadd.s32 v6, v9;
	[tilespmem:$0x1FAD0] =	vst v8;
	v8 =	vadd.s32 v8, v10;
	v10 =	vld [tilespmem:$0x6510]  }
0x246: {  	v9 =	vor.u32 $0x3816, v11;
	v5 =	vld.idx.msk [tilespmem:v5+s12+$0x0], $0xffff  }
0x247: {  	[tilespmem:$0x1FAE0] =	vst v9;
	v7 =	vadd.s32 v9, v7;
	v9 =	vld [tilespmem:$0x6500]  }
0x248: {  	[tilespmem:$0x1FAA0] =	vst v12;
	v12 =	vor.u32 $0x17, v11;
	v1 =	vld.idx.msk [tilespmem:v1+s12+$0x0], $0xffff  }
0x249: {  	[tilespmem:$0x1FAF0] =	vst v12;
	v2 =	vld.idx.msk [tilespmem:v2+s12+$0x0], $0xffff  }
0x24a: {  	v6 =	vld.idx.msk [tilespmem:v6+s12+$0x0], $0xffff;
	[tilespmem:$0xF100] =	vst v3  }
0x24b: {  	v3 =	vld [tilespmem:$0x6520];
	[tilespmem:$0xF110] =	vst v4  }
0x24c: {  	v8 =	vld.idx.msk [tilespmem:v8+s12+$0x0], $0xffff;
	[tilespmem:$0xF120] =	vst v5  }
0x24d: {  	v4 =	vld [tilespmem:$0x6530];
	[tilespmem:$0xF130] =	vst v1  }
0x24e: {  	v7 =	vld.idx.msk [tilespmem:v7+s12+$0x0], $0xffff;
	v1 =	vadd.s32 v12, v9;
	v12 =	vor.u32 $0x817, v11;
	[tilespmem:$0xF140] =	vst v2  }
0x24f: {  	v5 =	vld [tilespmem:$0x6540];
	[tilespmem:$0x1FB00] =	vst v12  }
0x250: {  	v9 =	vld [tilespmem:$0x6550];
	v2 =	vadd.s32 v12, v10;
	v12 =	vor.u32 $0x1017, v11;
	[tilespmem:$0xF150] =	vst v6  }
0x251: {  	v10 =	vld [tilespmem:$0x6560];
	[tilespmem:$0x1FB10] =	vst v12  }
0x252: {  	v14 =	vld [tilespmem:$0x6540];
	v3 =	vadd.s32 v12, v3;
	[tilespmem:$0xF160] =	vst v8  }
0x253: {  	v12 =	vor.u32 $0x1817, v11;
	v6 =	vld [tilespmem:$0x6570];
	v8 =	vor.u32 $0x2017, v11;
	[tilespmem:$0xF170] =	vst v7  }
0x254: {  	v4 =	vadd.s32 v12, v4;
	[tilespmem:$0x1FB30] =	vst v8;
	v7 =	vor.u32 $0x2817, v11;
	v1 =	vld.idx.msk [tilespmem:v1+s12+$0x0], $0xffff  }
0x255: {  	v5 =	vadd.s32 v8, v5;
	v8 =	vor.u32 $0x3017, v11;
	[tilespmem:$0x1FB40] =	vst v7;
	v2 =	vld.idx.msk [tilespmem:v2+s12+$0x0], $0xffff  }
0x256: {  	v7 =	vadd.s32 v7, v9;
	[tilespmem:$0x1FB50] =	vst v8;
	v8 =	vadd.s32 v8, v10;
	v10 =	vld [tilespmem:$0x6510]  }
0x257: {  	v9 =	vor.u32 $0x3817, v11;
	v3 =	vld.idx.msk [tilespmem:v3+s12+$0x0], $0xffff  }
0x258: {  	[tilespmem:$0x1FB60] =	vst v9;
	v6 =	vadd.s32 v9, v6;
	v9 =	vld [tilespmem:$0x6500]  }
0x259: {  	[tilespmem:$0x1FB20] =	vst v12;
	v12 =	vor.u32 $0x18, v11;
	v4 =	vld.idx.msk [tilespmem:v4+s12+$0x0], $0xffff  }
0x25a: {  	[tilespmem:$0x1FB70] =	vst v12;
	v5 =	vld.idx.msk [tilespmem:v5+s12+$0x0], $0xffff  }
0x25b: {  	v7 =	vld.idx.msk [tilespmem:v7+s12+$0x0], $0xffff;
	[tilespmem:$0xF180] =	vst v1  }
0x25c: {  	v1 =	vld [tilespmem:$0x6520];
	[tilespmem:$0xF190] =	vst v2  }
0x25d: {  	v8 =	vld.idx.msk [tilespmem:v8+s12+$0x0], $0xffff;
	[tilespmem:$0xF1A0] =	vst v3  }
0x25e: {  	v2 =	vld [tilespmem:$0x6530];
	[tilespmem:$0xF1B0] =	vst v4  }
0x25f: {  	v6 =	vld.idx.msk [tilespmem:v6+s12+$0x0], $0xffff;
	v4 =	vadd.s32 v12, v9;
	v12 =	vor.u32 $0x818, v11;
	[tilespmem:$0xF1C0] =	vst v5  }
0x260: {  	v3 =	vld [tilespmem:$0x6540];
	[tilespmem:$0x1FB80] =	vst v12  }
0x261: {  	v9 =	vld [tilespmem:$0x6550];
	v5 =	vadd.s32 v12, v10;
	v12 =	vor.u32 $0x1018, v11;
	[tilespmem:$0xF1D0] =	vst v7  }
0x262: {  	v10 =	vld [tilespmem:$0x6560];
	[tilespmem:$0x1FB90] =	vst v12  }
0x263: {  	v15 =	vld [tilespmem:$0x6550];
	v1 =	vadd.s32 v12, v1;
	[tilespmem:$0xF1E0] =	vst v8  }
0x264: {  	v12 =	vor.u32 $0x1818, v11;
	v7 =	vld [tilespmem:$0x6570];
	v8 =	vor.u32 $0x2018, v11;
	[tilespmem:$0xF1F0] =	vst v6  }
0x265: {  	v2 =	vadd.s32 v12, v2;
	[tilespmem:$0x1FBB0] =	vst v8;
	v6 =	vor.u32 $0x2818, v11;
	v4 =	vld.idx.msk [tilespmem:v4+s12+$0x0], $0xffff  }
0x266: {  	v3 =	vadd.s32 v8, v3;
	v8 =	vor.u32 $0x3018, v11;
	[tilespmem:$0x1FBC0] =	vst v6;
	v5 =	vld.idx.msk [tilespmem:v5+s12+$0x0], $0xffff  }
0x267: {  	v6 =	vadd.s32 v6, v9;
	[tilespmem:$0x1FBD0] =	vst v8;
	v8 =	vadd.s32 v8, v10;
	v10 =	vld [tilespmem:$0x6510]  }
0x268: {  	v9 =	vor.u32 $0x3818, v11;
	v1 =	vld.idx.msk [tilespmem:v1+s12+$0x0], $0xffff  }
0x269: {  	[tilespmem:$0x1FBE0] =	vst v9;
	v7 =	vadd.s32 v9, v7;
	v9 =	vld [tilespmem:$0x6500]  }
0x26a: {  	[tilespmem:$0x1FBA0] =	vst v12;
	v12 =	vor.u32 $0x19, v11;
	v2 =	vld.idx.msk [tilespmem:v2+s12+$0x0], $0xffff  }
0x26b: {  	[tilespmem:$0x1FBF0] =	vst v12;
	v3 =	vld.idx.msk [tilespmem:v3+s12+$0x0], $0xffff  }
0x26c: {  	v6 =	vld.idx.msk [tilespmem:v6+s12+$0x0], $0xffff;
	[tilespmem:$0xF200] =	vst v4  }
0x26d: {  	v4 =	vld [tilespmem:$0x6520];
	[tilespmem:$0xF210] =	vst v5  }
0x26e: {  	v8 =	vld.idx.msk [tilespmem:v8+s12+$0x0], $0xffff;
	[tilespmem:$0xF220] =	vst v1  }
0x26f: {  	v5 =	vld [tilespmem:$0x6530];
	[tilespmem:$0xF230] =	vst v2  }
0x270: {  	v7 =	vld.idx.msk [tilespmem:v7+s12+$0x0], $0xffff;
	v2 =	vadd.s32 v12, v9;
	v12 =	vor.u32 $0x819, v11;
	[tilespmem:$0xF240] =	vst v3  }
0x271: {  	v1 =	vld [tilespmem:$0x6540];
	[tilespmem:$0x1FC00] =	vst v12  }
0x272: {  	v9 =	vld [tilespmem:$0x6550];
	v3 =	vadd.s32 v12, v10;
	v12 =	vor.u32 $0x1019, v11;
	[tilespmem:$0xF250] =	vst v6  }
0x273: {  	v16 =	vld [tilespmem:$0x6560];
	[tilespmem:$0x1FC10] =	vst v12  }
0x274: {  	v10 =	vld [tilespmem:$0x6560];
	[tilespmem:$0xF260] =	vst v8  }
0x275: {  	v4 =	vadd.s32 v12, v4;
	v12 =	vor.u32 $0x1819, v11;
	v6 =	vld [tilespmem:$0x6570];
	[tilespmem:$0xF270] =	vst v7  }
0x276: {  	v34 =	vor.u32 $0x2019, v11;
	v35 =	vor.u32 $0x2819, v11;
	v5 =	vadd.s32 v12, v5;
	v2 =	vld.idx.msk [tilespmem:v2+s12+$0x0], $0xffff  }
0x277: {  	v1 =	vadd.s32 v34, v1;
	v7 =	vadd.s32 v35, v9;
	v9 =	vld [tilespmem:$0x6500]  }
0x278: {  	v36 =	vor.u32 $0x3019, v11;
	v3 =	vld.idx.msk [tilespmem:v3+s12+$0x0], $0xffff  }
0x279: {  	v8 =	vadd.s32 v36, v10;
	v10 =	vld [tilespmem:$0x6510]  }
0x27a: {  	v4 =	vld.idx.msk [tilespmem:v4+s12+$0x0], $0xffff  }
0x27b: {  	v37 =	vor.u32 $0x3819, v11;
	v5 =	vld.idx.msk [tilespmem:v5+s12+$0x0], $0xffff  }
0x27c: {  	v6 =	vadd.s32 v37, v6;
	v1 =	vld.idx.msk [tilespmem:v1+s12+$0x0], $0xffff  }
0x27d: {  	v7 =	vld.idx.msk [tilespmem:v7+s12+$0x0], $0xffff  }
0x27e: {  	[tilespmem:$0xF280] =	vst v2;
	v2 =	vld [tilespmem:$0x6520]  }
0x27f: {  	v8 =	vld.idx.msk [tilespmem:v8+s12+$0x0], $0xffff  }
0x280: {  	[tilespmem:$0xF290] =	vst v3;
	v3 =	vld [tilespmem:$0x6530]  }
0x281: {  	v38 =	vor.u32 $0x1A, v11;
	v6 =	vld.idx.msk [tilespmem:v6+s12+$0x0], $0xffff;
	[tilespmem:$0xF2A0] =	vst v4  }
0x282: {  	v4 =	vld [tilespmem:$0x6540];
	[tilespmem:$0xF2B0] =	vst v5;
	v5 =	vadd.s32 v38, v9  }
0x283: {  	v39 =	vor.u32 $0x81A, v11;
	v9 =	vld [tilespmem:$0x6550];
	[tilespmem:$0xF2C0] =	vst v1  }
0x284: {  	v17 =	vld [tilespmem:$0x6570];
	v1 =	vadd.s32 v39, v10;
	[tilespmem:$0xF2D0] =	vst v7  }
0x285: {  	v40 =	vor.u32 $0x101A, v11;
	v10 =	vld [tilespmem:$0x6560];
	[tilespmem:$0xF2E0] =	vst v8  }
0x286: {  	v41 =	vor.u32 $0x181A, v11;
	v2 =	vadd.s32 v40, v2;
	v7 =	vld [tilespmem:$0x6570];
	[tilespmem:$0xF2F0] =	vst v6  }
0x287: {  	v42 =	vor.u32 $0x201A, v11;
	v43 =	vor.u32 $0x281A, v11;
	v3 =	vadd.s32 v41, v3;
	v5 =	vld.idx.msk [tilespmem:v5+s12+$0x0], $0xffff  }
0x288: {  	v4 =	vadd.s32 v42, v4;
	v6 =	vadd.s32 v43, v9;
	v9 =	vld [tilespmem:$0x6500]  }
0x289: {  	v44 =	vor.u32 $0x301A, v11;
	v1 =	vld.idx.msk [tilespmem:v1+s12+$0x0], $0xffff  }
0x28a: {  	v8 =	vadd.s32 v44, v10;
	v10 =	vld [tilespmem:$0x6510]  }
0x28b: {  	v2 =	vld.idx.msk [tilespmem:v2+s12+$0x0], $0xffff  }
0x28c: {  	v45 =	vor.u32 $0x381A, v11;
	v3 =	vld.idx.msk [tilespmem:v3+s12+$0x0], $0xffff  }
0x28d: {  	v7 =	vadd.s32 v45, v7;
	v4 =	vld.idx.msk [tilespmem:v4+s12+$0x0], $0xffff  }
0x28e: {  	v6 =	vld.idx.msk [tilespmem:v6+s12+$0x0], $0xffff  }
0x28f: {  	[tilespmem:$0xF300] =	vst v5;
	v5 =	vld [tilespmem:$0x6520]  }
0x290: {  	[tilespmem:$0x1FC20] =	vst v12;
	v8 =	vld.idx.msk [tilespmem:v8+s12+$0x0], $0xffff  }
0x291: {  	[tilespmem:$0xF310] =	vst v1;
	v1 =	vld [tilespmem:$0x6530]  }
0x292: {  	v46 =	vor.u32 $0x1B, v11;
	v7 =	vld.idx.msk [tilespmem:v7+s12+$0x0], $0xffff;
	[tilespmem:$0xF320] =	vst v2  }
0x293: {  	v2 =	vld [tilespmem:$0x6540];
	[tilespmem:$0xF330] =	vst v3;
	v3 =	vadd.s32 v46, v9  }
0x294: {  	v47 =	vor.u32 $0x81B, v11;
	v9 =	vld [tilespmem:$0x6550];
	[tilespmem:$0xF340] =	vst v4  }
0x295: {  	v12 =	vld [tilespmem:$0x6520];
	v4 =	vadd.s32 v47, v10;
	[tilespmem:$0xF350] =	vst v6  }
0x296: {  	v48 =	vor.u32 $0x101B, v11;
	v10 =	vld [tilespmem:$0x6560];
	[tilespmem:$0xF360] =	vst v8  }
0x297: {  	v49 =	vor.u32 $0x181B, v11;
	v5 =	vadd.s32 v48, v5;
	v6 =	vld [tilespmem:$0x6570];
	[tilespmem:$0xF370] =	vst v7  }
0x298: {  	v50 =	vor.u32 $0x201B, v11;
	v51 =	vor.u32 $0x281B, v11;
	v1 =	vadd.s32 v49, v1;
	v3 =	vld.idx.msk [tilespmem:v3+s12+$0x0], $0xffff  }
0x299: {  	v2 =	vadd.s32 v50, v2;
	v7 =	vadd.s32 v51, v9;
	v9 =	vld [tilespmem:$0x6500]  }
0x29a: {  	v52 =	vor.u32 $0x301B, v11;
	v4 =	vld.idx.msk [tilespmem:v4+s12+$0x0], $0xffff  }
0x29b: {  	v8 =	vadd.s32 v52, v10;
	v10 =	vld [tilespmem:$0x6510]  }
0x29c: {  	v53 =	vor.u32 $0x381B, v11;
	v5 =	vld.idx.msk [tilespmem:v5+s12+$0x0], $0xffff  }
0x29d: {  	v6 =	vadd.s32 v53, v6;
	v1 =	vld.idx.msk [tilespmem:v1+s12+$0x0], $0xffff  }
0x29e: {  	v2 =	vld.idx.msk [tilespmem:v2+s12+$0x0], $0xffff  }
0x29f: {  	v7 =	vld.idx.msk [tilespmem:v7+s12+$0x0], $0xffff  }
0x2a0: {  	[tilespmem:$0xF380] =	vst v3;
	v3 =	vld [tilespmem:$0x6520]  }
0x2a1: {  	v8 =	vld.idx.msk [tilespmem:v8+s12+$0x0], $0xffff;
	[tilespmem:$0xF390] =	vst v4  }
0x2a2: {  	v54 =	vor.u32 $0x1C, v11;
	v6 =	vld.idx.msk [tilespmem:v6+s12+$0x0], $0xffff;
	[tilespmem:$0xF3A0] =	vst v5  }
0x2a3: {  	v4 =	vld [tilespmem:$0x6530];
	[tilespmem:$0xF3B0] =	vst v1;
	v1 =	vadd.s32 v54, v9  }
0x2a4: {  	v55 =	vor.u32 $0x81C, v11;
	v9 =	vld [tilespmem:$0x6550];
	[tilespmem:$0xF3C0] =	vst v2  }
0x2a5: {  	v2 =	vadd.s32 v55, v10;
	v10 =	vld [tilespmem:$0x6560];
	[tilespmem:$0xF3D0] =	vst v7  }
0x2a6: {  	v56 =	vor.u32 $0x101C, v11;
	v7 =	vld [tilespmem:$0x6570];
	[tilespmem:$0xF3E0] =	vst v8  }
0x2a7: {  	v57 =	vor.u32 $0x181C, v11;
	v5 =	vld [tilespmem:$0x6540];
	v3 =	vadd.s32 v56, v3;
	[tilespmem:$0xF3F0] =	vst v6  }
0x2a8: {  	v59 =	vor.u32 $0x281C, v11;
	v4 =	vadd.s32 v57, v4;
	v1 =	vld.idx.msk [tilespmem:v1+s12+$0x0], $0xffff  }
0x2a9: {  	v60 =	vor.u32 $0x301C, v11;
	v6 =	vadd.s32 v59, v9;
	v9 =	vld [tilespmem:$0x6500]  }
0x2aa: {  	v61 =	vor.u32 $0x381C, v11;
	v2 =	vld.idx.msk [tilespmem:v2+s12+$0x0], $0xffff;
	v8 =	vadd.s32 v60, v10  }
0x2ab: {  	v58 =	vor.u32 $0x201C, v11;
	v10 =	vld [tilespmem:$0x6510];
	v7 =	vadd.s32 v61, v7  }
0x2ac: {  	v5 =	vadd.s32 v58, v5;
	v3 =	vld.idx.msk [tilespmem:v3+s12+$0x0], $0xffff  }
0x2ad: {  	v4 =	vld.idx.msk [tilespmem:v4+s12+$0x0], $0xffff  }
0x2ae: {  	v6 =	vld.idx.msk [tilespmem:v6+s12+$0x0], $0xffff  }
0x2af: {  	[tilespmem:$0xF400] =	vst v1;
	v8 =	vld.idx.msk [tilespmem:v8+s12+$0x0], $0xffff  }
0x2b0: {  	[tilespmem:$0xF410] =	vst v2;
	v7 =	vld.idx.msk [tilespmem:v7+s12+$0x0], $0xffff  }
0x2b1: {  	v62 =	vor.u32 $0x1D, v11;
	v5 =	vld.idx.msk [tilespmem:v5+s12+$0x0], $0xffff;
	[tilespmem:$0xF420] =	vst v3  }
0x2b2: {  	v63 =	vor.u32 $0x81D, v11;
	v18 =	vld [tilespmem:$0x6510];
	v9 =	vadd.s32 v62, v9;
	[tilespmem:$0xF430] =	vst v4  }
0x2b3: {  	v19 =	vld [tilespmem:$0x6520];
	v10 =	vadd.s32 v63, v10;
	v2 =	vor.u32 $0x181D, v11;
	[tilespmem:$0xF450] =	vst v6  }
0x2b4: {  	v20 =	vld [tilespmem:$0x6530];
	v1 =	vor.u32 $0x101D, v11;
	v3 =	vor.u32 $0x201D, v11;
	[tilespmem:$0xF460] =	vst v8;
	v8 =	vadd.s32 v2, v13  }
0x2b5: {  	v21 =	vld [tilespmem:$0x6540];
	v4 =	vor.u32 $0x281D, v11;
	v6 =	vor.u32 $0x381D, v11;
	[tilespmem:$0xF470] =	vst v7;
	v7 =	vadd.s32 v3, v14  }
0x2b6: {  	v12 =	vadd.s32 v1, v12;
	[tilespmem:$0xF440] =	vst v5;
	v13 =	vadd.s32 v4, v15;
	v15 =	vadd.s32 v6, v17;
	v17 =	vld [tilespmem:$0x6500]  }
0x2b7: {  	v9 =	vld.idx.msk [tilespmem:v9+s12+$0x0], $0xffff  }
0x2b8: {  	v5 =	vor.u32 $0x301D, v11;
	v10 =	vld.idx.msk [tilespmem:v10+s12+$0x0], $0xffff  }
0x2b9: {  	v14 =	vadd.s32 v5, v16;
	v8 =	vld.idx.msk [tilespmem:v8+s12+$0x0], $0xffff  }
0x2ba: {  	v16 =	vld.idx.msk [tilespmem:v7+s12+$0x0], $0xffff  }
0x2bb: {  	v12 =	vld.idx.msk [tilespmem:v12+s12+$0x0], $0xffff  }
0x2bc: {  	v13 =	vld.idx.msk [tilespmem:v13+s12+$0x0], $0xffff  }
0x2bd: {  	v15 =	vld.idx.msk [tilespmem:v15+s12+$0x0], $0xffff;
	[tilespmem:$0xF480] =	vst v9  }
0x2be: {  	v14 =	vld.idx.msk [tilespmem:v14+s12+$0x0], $0xffff;
	[tilespmem:$0xF4B0] =	vst v8;
	v8 =	vor.u32 $0x81E, v11  }
0x2bf: {  	v7 =	vor.u32 $0x1E, v11;
	[tilespmem:$0xF4C0] =	vst v16;
	v16 =	vadd.s32 v8, v18;
	v18 =	vld [tilespmem:$0x6560]  }
0x2c0: {  	v22 =	vld [tilespmem:$0x6550];
	[tilespmem:$0xF490] =	vst v10;
	v17 =	vadd.s32 v7, v17;
	v9 =	vor.u32 $0x101E, v11  }
0x2c1: {  	v23 =	vld [tilespmem:$0x6570];
	[tilespmem:$0xF4A0] =	vst v12;
	v10 =	vor.u32 $0x181E, v11;
	v19 =	vadd.s32 v9, v19  }
0x2c2: {  	v25 =	vld [tilespmem:$0x6510];
	v20 =	vadd.s32 v10, v20;
	[tilespmem:$0xF4D0] =	vst v13  }
0x2c3: {  	v26 =	vld [tilespmem:$0x6520];
	[tilespmem:$0xF4E0] =	vst v14;
	v14 =	vor.u32 $0x301E, v11  }
0x2c4: {  	v27 =	vld [tilespmem:$0x6530];
	[tilespmem:$0xF4F0] =	vst v15;
	v18 =	vadd.s32 v14, v18  }
0x2c5: {  	v12 =	vor.u32 $0x201E, v11;
	v17 =	vld.idx.msk [tilespmem:v17+s12+$0x0], $0xffff  }
0x2c6: {  	v21 =	vadd.s32 v12, v21;
	v19 =	vld.idx.msk [tilespmem:v19+s12+$0x0], $0xffff  }
0x2c7: {  	v13 =	vor.u32 $0x281E, v11;
	v20 =	vld.idx.msk [tilespmem:v20+s12+$0x0], $0xffff  }
0x2c8: {  	v15 =	vor.u32 $0x381E, v11;
	v22 =	vadd.s32 v13, v22;
	v16 =	vld.idx.msk [tilespmem:v16+s12+$0x0], $0xffff  }
0x2c9: {  	v23 =	vadd.s32 v15, v23;
	v24 =	vld.idx.msk [tilespmem:v18+s12+$0x0], $0xffff  }
0x2ca: {  	v18 =	vld [tilespmem:$0x6500]  }
0x2cb: {  	v21 =	vld.idx.msk [tilespmem:v21+s12+$0x0], $0xffff  }
0x2cc: {  	v28 =	vld [tilespmem:$0x6540];
	[tilespmem:$0xF500] =	vst v17  }
0x2cd: {  	v22 =	vld.idx.msk [tilespmem:v22+s12+$0x0], $0xffff;
	[tilespmem:$0xF520] =	vst v19  }
0x2ce: {  	v23 =	vld.idx.msk [tilespmem:v23+s12+$0x0], $0xffff;
	[tilespmem:$0xF510] =	vst v16;
	v16 =	vor.u32 $0x1F, v11  }
0x2cf: {  	v30 =	vld [tilespmem:$0x6550];
	v17 =	vor.u32 $0x81F, v11;
	[tilespmem:$0xF530] =	vst v20;
	v29 =	vadd.s32 v16, v18  }
0x2d0: {  	v31 =	vld [tilespmem:$0x6560];
	[tilespmem:$0xF540] =	vst v21;
	v25 =	vadd.s32 v17, v25;
	v19 =	vor.u32 $0x181F, v11  }
0x2d1: {  	v32 =	vld [tilespmem:$0x6570];
	v20 =	vor.u32 $0x201F, v11;
	[tilespmem:$0xF560] =	vst v24;
	v24 =	vadd.s32 v19, v27  }
0x2d2: {  	[tilespmem:$0xF550] =	vst v22;
	v18 =	vor.u32 $0x101F, v11;
	v27 =	vadd.s32 v20, v28  }
0x2d3: {  	v21 =	vor.u32 $0x281F, v11;
	[tilespmem:$0xF570] =	vst v23;
	v26 =	vadd.s32 v18, v26  }
0x2d4: {  	v22 =	vor.u32 $0x301F, v11;
	v28 =	vld.idx.msk [tilespmem:v29+s12+$0x0], $0xffff;
	v29 =	vadd.s32 v21, v30  }
0x2d5: {  	v23 =	vor.u32 $0x381F, v11;
	v25 =	vld.idx.msk [tilespmem:v25+s12+$0x0], $0xffff;
	v30 =	vadd.s32 v22, v31  }
0x2d6: {  	v31 =	vadd.s32 v23, v32;
	v24 =	vld.idx.msk [tilespmem:v24+s12+$0x0], $0xffff  }
0x2d7: {  	v27 =	vld.idx.msk [tilespmem:v27+s12+$0x0], $0xffff  }
0x2d8: {  	v26 =	vld.idx.msk [tilespmem:v26+s12+$0x0], $0xffff  }
0x2d9: {  	[tilespmem:$0xF580] =	vst v28;
	v28 =	vld.idx.msk [tilespmem:v29+s12+$0x0], $0xffff  }
0x2da: {  	[tilespmem:$0xF590] =	vst v25;
	v30 =	vld.idx.msk [tilespmem:v30+s12+$0x0], $0xffff  }
0x2db: {  	p1 =	seq.s32 s24, $0x6480;
	v32 =	vld.idx.msk [tilespmem:v31+s12+$0x0], $0xffff;
	[tilespmem:$0xF5B0] =	vst v24  }
.Ltmp4:
0x2dc: {  	[tilespmem:$0xF5C0] =	vst v27;
	(pc) =	sbr.rel @p1 .LBB2_4-.Ltmp4, $4  }
0x2dd: {  	[tilespmem:$0xF5A0] =	vst v26  }
0x2de: {  	[tilespmem:$0xF5D0] =	vst v28  }
0x2df: {  	[tilespmem:$0xF5E0] =	vst v30  }
0x2e0: {  	[tilespmem:$0xF5F0] =	vst v32  }
0x2e1: {  	s28 =	sadd.s32 $0xFFFFFF80, s24  }
0x2e2: {  	s28 =	sand.u32 $0x100, s28  }
0x2e3: {  	s29 =	sadd.s32 $0xFFFFFFFF, s26;
	s28 =	smul.u32 $0x32, s28  }
0x2e4: {  	s29 =	sshrl.u32 s29, $0x2  }
0x2e5: {  	s30 =	sor.u32 s29, s28  }
0x2e6: {  	s28 =	sadd.s32 s29, s28;
	v24 =	vadd.s32 s30, v0  }
0x2e7: {  	s29 =	sadd.s32 $0x320, s28  }
0x2e8: {  	v25 =	vadd.s32 s29, v0  }
0x2e9: {  	s31 =	sadd.s32 $0x640, s28  }
0x2ea: {  	v26 =	vadd.s32 s31, v0  }
0x2eb: {  	s30 =	sadd.s32 $0x960, s28;
	v24 =	vld.idx.msk [tilespmem:v24+s4+$0x0], $0xffff  }
0x2ec: {  	v27 =	vadd.s32 s30, v0  }
0x2ed: {  	s31 =	sadd.s32 $0xC80, s28;
	v25 =	vld.idx.msk [tilespmem:v25+s4+$0x0], $0xffff  }
0x2ee: {  	v28 =	vadd.s32 s31, v0  }
0x2ef: {  	s30 =	sadd.s32 $0xFA0, s28;
	v26 =	vld.idx.msk [tilespmem:v26+s4+$0x0], $0xffff  }
0x2f0: {  	v30 =	vadd.s32 s30, v0;
	v29 =	vshrl.u32 v24, $0x2;
	v24 =	vshll.u32 v24, $0x5  }
0x2f1: {  	s31 =	sadd.s32 $0x12C0, s28;
	v27 =	vld.idx.msk [tilespmem:v27+s4+$0x0], $0xffff;
	[tilespmem:$0x6400] =	vst v29;
	v24 =	vand.u32 $0x60, v24  }
0x2f2: {  	v32 =	vshrl.u32 v25, $0x2;
	v25 =	vshll.u32 v25, $0x5;
	v29 =	vadd.s32 s31, v0;
	[tilespmem:$0x6500] =	vst v24  }
0x2f3: {  	s28 =	sadd.s32 $0x15E0, s28;
	[tilespmem:$0x6410] =	vst v32;
	v31 =	vand.u32 $0x60, v25;
	v25 =	vld.idx.msk [tilespmem:v28+s4+$0x0], $0xffff  }
0x2f4: {  	v32 =	vshrl.u32 v26, $0x2;
	v26 =	vshll.u32 v26, $0x5;
	v28 =	vadd.s32 s28, v0;
	[tilespmem:$0x6510] =	vst v31  }
0x2f5: {  	[tilespmem:$0x6420] =	vst v32;
	v32 =	vand.u32 $0x60, v26;
	v26 =	vld.idx.msk [tilespmem:v30+s4+$0x0], $0xffff  }
0x2f6: {  	v31 =	vshrl.u32 v27, $0x2;
	v27 =	vshll.u32 v27, $0x5;
	[tilespmem:$0x6520] =	vst v32  }
0x2f7: {  	[tilespmem:$0x6430] =	vst v31;
	v32 =	vand.u32 $0x60, v27;
	v27 =	vld.idx.msk [tilespmem:v29+s4+$0x0], $0xffff  }
0x2f8: {  	[tilespmem:$0x6530] =	vst v32;
	v29 =	vshrl.u32 v25, $0x2;
	v25 =	vshll.u32 v25, $0x5  }
0x2f9: {  	[tilespmem:$0x6440] =	vst v29;
	v30 =	vand.u32 $0x60, v25;
	v25 =	vld.idx.msk [tilespmem:v28+s4+$0x0], $0xffff  }
0x2fa: {  	v31 =	vshrl.u32 v26, $0x2;
	v26 =	vshll.u32 v26, $0x5;
	[tilespmem:$0x6540] =	vst v30  }
0x2fb: {  	[tilespmem:$0x6450] =	vst v31;
	v32 =	vand.u32 $0x60, v26  }
0x2fc: {  	[tilespmem:$0x6550] =	vst v32;
	v28 =	vshrl.u32 v27, $0x2;
	v29 =	vshll.u32 v27, $0x5  }
0x2fd: {  	[tilespmem:$0x6460] =	vst v28;
	v30 =	vand.u32 $0x60, v29  }
0x2fe: {  	[tilespmem:$0x6560] =	vst v30;
	v31 =	vshrl.u32 v25, $0x2;
	v25 =	vshll.u32 v25, $0x5  }
0x2ff: {  	[tilespmem:$0x6470] =	vst v31;
	v32 =	vand.u32 $0x60, v25  }
0x300: {  	[tilespmem:$0x6570] =	vst v32  }
0x301: {  	[tilespmem:s12], [sflag:$0x2] =	stream.indirect.gather [hbm4b:s0+s10], $0x80, s11, s10, $0xb8;
	[tilespmem:$0x10600] =	vst v63  }
.LBB2_4:
0x302: {  	s28 =	sadd.s32 $0xFFFFFE80, s24  }
0x303: {  	s29 =	sand.u32 $0x3F0000, s25;
	s28 =	sand.u32 $0x100, s28  }
0x304: {  	s28 =	sor.u32 s29, s28  }
0x305: {  	s28 =	sor.u32 s5, s28  }
0x306: {  	s31 =	sadd.s32 s1, s28  }
0x307: {  	[hbm4b:s31+s16] =	stream.strided.scatter [tilespmem:s18], [sflag:$0x4], $0x1000, s17, s16, $0x38;
	[tilespmem:$0x10600] =	vst v63  }
0x308: {  	_ =	swait.ge [sflag:s19], $0x4000  }
0x309: {  	[sflag:s19] =	ssyncset.done $0x0  }
0x30a: {  	s29 =	simm.s32 @!p0 $0x5;
	[sflag:s19] =	ssyncadd.s32 $0xFFFFC000  }
0x30b: {  	_ =	swait.ge @!p0 [sflag:s29], $0x1000  }
0x30c: {  	[sflag:s29] =	ssyncset.done @!p0 $0x0  }
0x30d: {  	v32 =	vld [tilespmem:$0x1FD30];
	[sflag:s29] =	ssyncadd.s32 @!p0 $0xFFFFF000  }
0x30e: {  	v27 =	vld [tilespmem:$0x65B0];
	_ =	sdelay $0x3  }
0x30f: {  	v28 =	vld [tilespmem:$0x65C0]  }
0x310: {  	v27 =	vadd.s32 v32, v27;
	v32 =	vld [tilespmem:$0x1FD40];
	_ =	sdelay $0x1  }
0x311: {  	v31 =	vld [tilespmem:$0x1FD20]  }
0x312: {  	v24 =	vld [tilespmem:$0x6580]  }
0x313: {  	v29 =	vld [tilespmem:$0x65D0]  }
0x314: {  	v28 =	vadd.s32 v32, v28;
	v32 =	vld [tilespmem:$0x1FD50]  }
0x315: {  	v25 =	vld [tilespmem:$0x6590]  }
0x316: {  	v26 =	vld [tilespmem:$0x65A0];
	_ =	sdelay $0x1  }
0x317: {  	v30 =	vld [tilespmem:$0x65E0]  }
0x318: {  	v24 =	vadd.s32 v11, v24;
	v29 =	vadd.s32 v32, v29;
	v32 =	vld [tilespmem:$0x1FD60]  }
0x319: {  	v25 =	vadd.s32 v33, v25  }
0x31a: {  	v26 =	vadd.s32 v31, v26  }
0x31b: {  	v31 =	vld [tilespmem:$0x65F0]  }
0x31c: {  	v33 =	vld [tilespmem:$0x6590]  }
0x31d: {  	v24 =	vld.idx.msk [tilespmem:v24+s14+$0x0], $0xffff;
	v30 =	vadd.s32 v32, v30  }
0x31e: {  	v25 =	vld.idx.msk [tilespmem:v25+s14+$0x0], $0xffff  }
0x31f: {  	v26 =	vld.idx.msk [tilespmem:v26+s14+$0x0], $0xffff  }
0x320: {  	v27 =	vld.idx.msk [tilespmem:v27+s14+$0x0], $0xffff  }
0x321: {  	v28 =	vld.idx.msk [tilespmem:v28+s14+$0x0], $0xffff  }
0x322: {  	v30 =	vld.idx.msk [tilespmem:v30+s14+$0x0], $0xffff  }
0x323: {  	[tilespmem:$0xF600] =	vst v24;
	v24 =	vld [tilespmem:$0x65A0]  }
0x324: {  	v32 =	vld [tilespmem:$0x1FD70]  }
0x325: {  	[tilespmem:$0xF610] =	vst v25;
	v25 =	vld [tilespmem:$0x65B0]  }
0x326: {  	[tilespmem:$0xF630] =	vst v27;
	v27 =	vld [tilespmem:$0x1FD80]  }
0x327: {  	[tilespmem:$0xF660] =	vst v30;
	v30 =	vld [tilespmem:$0x1FDB0]  }
0x328: {  	v29 =	vld.idx.msk [tilespmem:v29+s14+$0x0], $0xffff  }
0x329: {  	[tilespmem:$0xF640] =	vst v28;
	v28 =	vld [tilespmem:$0x1FD90];
	v31 =	vadd.s32 v32, v31  }
0x32a: {  	v32 =	vld [tilespmem:$0x6580]  }
0x32b: {  	[tilespmem:$0xF620] =	vst v26;
	v26 =	vld [tilespmem:$0x65C0]  }
0x32c: {  	v25 =	vadd.s32 v30, v25;
	v30 =	vld [tilespmem:$0x1FDC0]  }
0x32d: {  	[tilespmem:$0xF650] =	vst v29;
	v29 =	vld [tilespmem:$0x1FDA0]  }
0x32e: {  	v31 =	vld.idx.msk [tilespmem:v31+s14+$0x0], $0xffff  }
0x32f: {  	v28 =	vadd.s32 v28, v33;
	v33 =	vld [tilespmem:$0x65E0];
	v27 =	vadd.s32 v27, v32  }
0x330: {  	v32 =	vld [tilespmem:$0x65D0]  }
0x331: {  	v26 =	vadd.s32 v30, v26;
	v30 =	vld [tilespmem:$0x1FDD0]  }
0x332: {  	v24 =	vadd.s32 v29, v24;
	v29 =	vld [tilespmem:$0x65F0]  }
0x333: {  	[tilespmem:$0xF670] =	vst v31;
	v31 =	vld [tilespmem:$0x1FDE0]  }
0x334: {  	v27 =	vld.idx.msk [tilespmem:v27+s14+$0x0], $0xffff  }
0x335: {  	v28 =	vld.idx.msk [tilespmem:v28+s14+$0x0], $0xffff  }
0x336: {  	v30 =	vadd.s32 v30, v32;
	v32 =	vld [tilespmem:$0x1FDF0]  }
0x337: {  	v24 =	vld.idx.msk [tilespmem:v24+s14+$0x0], $0xffff  }
0x338: {  	v25 =	vld.idx.msk [tilespmem:v25+s14+$0x0], $0xffff  }
0x339: {  	v31 =	vadd.s32 v31, v33;
	v33 =	vld [tilespmem:$0x6590]  }
0x33a: {  	[tilespmem:$0xF680] =	vst v27;
	v27 =	vld [tilespmem:$0x65A0]  }
0x33b: {  	[tilespmem:$0xF690] =	vst v28;
	v28 =	vld [tilespmem:$0x65B0];
	v29 =	vadd.s32 v32, v29  }
0x33c: {  	v26 =	vld.idx.msk [tilespmem:v26+s14+$0x0], $0xffff  }
0x33d: {  	[tilespmem:$0xF6A0] =	vst v24;
	v24 =	vld [tilespmem:$0x65C0]  }
0x33e: {  	v31 =	vld.idx.msk [tilespmem:v31+s14+$0x0], $0xffff  }
0x33f: {  	[tilespmem:$0xF6B0] =	vst v25;
	v25 =	vld [tilespmem:$0x1FE00]  }
0x340: {  	v29 =	vld.idx.msk [tilespmem:v29+s14+$0x0], $0xffff  }
0x341: {  	[tilespmem:$0xF6C0] =	vst v26;
	v26 =	vld [tilespmem:$0x1FE10]  }
0x342: {  	v30 =	vld.idx.msk [tilespmem:v30+s14+$0x0], $0xffff  }
0x343: {  	[tilespmem:$0xF6E0] =	vst v31;
	v31 =	vld [tilespmem:$0x1FE30]  }
0x344: {  	v32 =	vld [tilespmem:$0x6580]  }
0x345: {  	[tilespmem:$0xF6F0] =	vst v29;
	v29 =	vld [tilespmem:$0x1FE40]  }
0x346: {  	v26 =	vadd.s32 v26, v33;
	v33 =	vld [tilespmem:$0x65E0]  }
0x347: {  	[tilespmem:$0xF6D0] =	vst v30;
	v30 =	vld [tilespmem:$0x1FE20]  }
0x348: {  	v28 =	vadd.s32 v31, v28;
	v31 =	vld [tilespmem:$0x1FE60]  }
0x349: {  	v25 =	vadd.s32 v25, v32;
	v32 =	vld [tilespmem:$0x65D0]  }
0x34a: {  	v24 =	vadd.s32 v29, v24;
	v29 =	vld [tilespmem:$0x1FE50];
	_ =	sdelay $0x1  }
0x34b: {  	v27 =	vadd.s32 v30, v27;
	v30 =	vld [tilespmem:$0x65F0]  }
0x34c: {  	v31 =	vadd.s32 v31, v33;
	v33 =	vld [tilespmem:$0x6590]  }
0x34d: {  	v25 =	vld.idx.msk [tilespmem:v25+s14+$0x0], $0xffff  }
0x34e: {  	v29 =	vadd.s32 v29, v32;
	v32 =	vld [tilespmem:$0x1FE70]  }
0x34f: {  	v26 =	vld.idx.msk [tilespmem:v26+s14+$0x0], $0xffff  }
0x350: {  	v28 =	vld.idx.msk [tilespmem:v28+s14+$0x0], $0xffff  }
0x351: {  	v27 =	vld.idx.msk [tilespmem:v27+s14+$0x0], $0xffff  }
0x352: {  	v31 =	vld.idx.msk [tilespmem:v31+s14+$0x0], $0xffff  }
0x353: {  	[tilespmem:$0xF700] =	vst v25;
	v25 =	vld [tilespmem:$0x65A0];
	v30 =	vadd.s32 v32, v30  }
0x354: {  	[tilespmem:$0xF710] =	vst v26;
	v26 =	vld [tilespmem:$0x65B0]  }
0x355: {  	[tilespmem:$0xF730] =	vst v28;
	v28 =	vld [tilespmem:$0x1FE80]  }
0x356: {  	v24 =	vld.idx.msk [tilespmem:v24+s14+$0x0], $0xffff  }
0x357: {  	[tilespmem:$0xF720] =	vst v27;
	v27 =	vld [tilespmem:$0x65C0]  }
0x358: {  	v30 =	vld.idx.msk [tilespmem:v30+s14+$0x0], $0xffff  }
0x359: {  	[tilespmem:$0xF760] =	vst v31;
	v31 =	vld [tilespmem:$0x1FEB0]  }
0x35a: {  	v29 =	vld.idx.msk [tilespmem:v29+s14+$0x0], $0xffff  }
0x35b: {  	[tilespmem:$0xF740] =	vst v24;
	v24 =	vld [tilespmem:$0x1FE90]  }
0x35c: {  	v32 =	vld [tilespmem:$0x6580]  }
0x35d: {  	[tilespmem:$0xF770] =	vst v30;
	v30 =	vld [tilespmem:$0x1FEC0]  }
0x35e: {  	v26 =	vadd.s32 v31, v26;
	v31 =	vld [tilespmem:$0x1FEE0]  }
0x35f: {  	[tilespmem:$0xF750] =	vst v29;
	v29 =	vld [tilespmem:$0x1FEA0]  }
0x360: {  	v24 =	vadd.s32 v24, v33;
	v33 =	vld [tilespmem:$0x65E0]  }
0x361: {  	v28 =	vadd.s32 v28, v32;
	v32 =	vld [tilespmem:$0x65D0]  }
0x362: {  	v27 =	vadd.s32 v30, v27;
	v30 =	vld [tilespmem:$0x1FED0];
	_ =	sdelay $0x1  }
0x363: {  	v25 =	vadd.s32 v29, v25;
	v29 =	vld [tilespmem:$0x65F0]  }
0x364: {  	v31 =	vadd.s32 v31, v33;
	v33 =	vld [tilespmem:$0x6590]  }
0x365: {  	v28 =	vld.idx.msk [tilespmem:v28+s14+$0x0], $0xffff  }
0x366: {  	v30 =	vadd.s32 v30, v32;
	v32 =	vld [tilespmem:$0x1FEF0]  }
0x367: {  	v24 =	vld.idx.msk [tilespmem:v24+s14+$0x0], $0xffff  }
0x368: {  	v26 =	vld.idx.msk [tilespmem:v26+s14+$0x0], $0xffff  }
0x369: {  	v25 =	vld.idx.msk [tilespmem:v25+s14+$0x0], $0xffff  }
0x36a: {  	v31 =	vld.idx.msk [tilespmem:v31+s14+$0x0], $0xffff  }
0x36b: {  	[tilespmem:$0xF780] =	vst v28;
	v28 =	vld [tilespmem:$0x65A0];
	v29 =	vadd.s32 v32, v29  }
0x36c: {  	[tilespmem:$0xF790] =	vst v24;
	v24 =	vld [tilespmem:$0x65B0]  }
0x36d: {  	[tilespmem:$0xF7B0] =	vst v26;
	v26 =	vld [tilespmem:$0x1FF00]  }
0x36e: {  	v27 =	vld.idx.msk [tilespmem:v27+s14+$0x0], $0xffff  }
0x36f: {  	[tilespmem:$0xF7A0] =	vst v25;
	v25 =	vld [tilespmem:$0x65C0]  }
0x370: {  	v29 =	vld.idx.msk [tilespmem:v29+s14+$0x0], $0xffff  }
0x371: {  	[tilespmem:$0xF7E0] =	vst v31;
	v31 =	vld [tilespmem:$0x1FF30]  }
0x372: {  	v32 =	vld [tilespmem:$0x6580]  }
0x373: {  	v30 =	vld.idx.msk [tilespmem:v30+s14+$0x0], $0xffff  }
0x374: {  	[tilespmem:$0xF7C0] =	vst v27;
	v27 =	vld [tilespmem:$0x1FF10]  }
0x375: {  	[tilespmem:$0xF7F0] =	vst v29;
	v29 =	vld [tilespmem:$0x1FF40]  }
0x376: {  	v24 =	vadd.s32 v31, v24;
	v31 =	vld [tilespmem:$0x1FF60]  }
0x377: {  	v26 =	vadd.s32 v26, v32;
	v32 =	vld [tilespmem:$0x65D0]  }
0x378: {  	[tilespmem:$0xF7D0] =	vst v30;
	v30 =	vld [tilespmem:$0x1FF20]  }
0x379: {  	v27 =	vadd.s32 v27, v33;
	v33 =	vld [tilespmem:$0x65E0]  }
0x37a: {  	v25 =	vadd.s32 v29, v25;
	v29 =	vld [tilespmem:$0x1FF50];
	_ =	sdelay $0x2  }
0x37b: {  	v28 =	vadd.s32 v30, v28;
	v30 =	vld [tilespmem:$0x65F0]  }
0x37c: {  	v31 =	vadd.s32 v31, v33;
	v33 =	vld [tilespmem:$0x6590]  }
0x37d: {  	v29 =	vadd.s32 v29, v32;
	v32 =	vld [tilespmem:$0x1FF70]  }
0x37e: {  	v26 =	vld.idx.msk [tilespmem:v26+s14+$0x0], $0xffff  }
0x37f: {  	v27 =	vld.idx.msk [tilespmem:v27+s14+$0x0], $0xffff  }
0x380: {  	v24 =	vld.idx.msk [tilespmem:v24+s14+$0x0], $0xffff  }
0x381: {  	v28 =	vld.idx.msk [tilespmem:v28+s14+$0x0], $0xffff  }
0x382: {  	v31 =	vld.idx.msk [tilespmem:v31+s14+$0x0], $0xffff;
	v30 =	vadd.s32 v32, v30  }
0x383: {  	[tilespmem:$0xF800] =	vst v26;
	v26 =	vld [tilespmem:$0x65A0]  }
0x384: {  	[tilespmem:$0xF810] =	vst v27;
	v27 =	vld [tilespmem:$0x65B0]  }
0x385: {  	[tilespmem:$0xF830] =	vst v24;
	v24 =	vld [tilespmem:$0x1FF80]  }
0x386: {  	v25 =	vld.idx.msk [tilespmem:v25+s14+$0x0], $0xffff  }
0x387: {  	v30 =	vld.idx.msk [tilespmem:v30+s14+$0x0], $0xffff  }
0x388: {  	[tilespmem:$0xF820] =	vst v28;
	v28 =	vld [tilespmem:$0x65C0]  }
0x389: {  	[tilespmem:$0xF860] =	vst v31;
	v31 =	vld [tilespmem:$0x1FFB0]  }
0x38a: {  	v32 =	vld [tilespmem:$0x6580]  }
0x38b: {  	v29 =	vld.idx.msk [tilespmem:v29+s14+$0x0], $0xffff  }
0x38c: {  	[tilespmem:$0xF870] =	vst v30;
	v30 =	vld [tilespmem:$0x1FFC0]  }
0x38d: {  	[tilespmem:$0xF840] =	vst v25;
	v25 =	vld [tilespmem:$0x1FF90]  }
0x38e: {  	v27 =	vadd.s32 v31, v27;
	v31 =	vld [tilespmem:$0x1FFE0]  }
0x38f: {  	v24 =	vadd.s32 v24, v32;
	v32 =	vld [tilespmem:$0x65D0]  }
0x390: {  	[tilespmem:$0xF850] =	vst v29;
	v29 =	vld [tilespmem:$0x1FFA0]  }
0x391: {  	v28 =	vadd.s32 v30, v28;
	v30 =	vld [tilespmem:$0x1FFD0]  }
0x392: {  	v25 =	vadd.s32 v25, v33;
	v33 =	vld [tilespmem:$0x65E0];
	_ =	sdelay $0x2  }
0x393: {  	v26 =	vadd.s32 v29, v26;
	v29 =	vld [tilespmem:$0x65F0]  }
0x394: {  	v30 =	vadd.s32 v30, v32;
	v32 =	vld [tilespmem:$0x1F260]  }
0x395: {  	v31 =	vadd.s32 v31, v33;
	v33 =	vld [tilespmem:$0x6590]  }
0x396: {  	v24 =	vld.idx.msk [tilespmem:v24+s14+$0x0], $0xffff  }
0x397: {  	v25 =	vld.idx.msk [tilespmem:v25+s14+$0x0], $0xffff  }
0x398: {  	v27 =	vld.idx.msk [tilespmem:v27+s14+$0x0], $0xffff  }
0x399: {  	v26 =	vld.idx.msk [tilespmem:v26+s14+$0x0], $0xffff;
	v29 =	vadd.s32 v32, v29  }
0x39a: {  	v31 =	vld.idx.msk [tilespmem:v31+s14+$0x0], $0xffff  }
0x39b: {  	[tilespmem:$0xF880] =	vst v24;
	v24 =	vld [tilespmem:$0x65A0]  }
0x39c: {  	[tilespmem:$0xF890] =	vst v25;
	v25 =	vld [tilespmem:$0x65B0]  }
0x39d: {  	[tilespmem:$0xF8B0] =	vst v27;
	v27 =	vld [tilespmem:$0x1F270]  }
0x39e: {  	v29 =	vld.idx.msk [tilespmem:v29+s14+$0x0], $0xffff  }
0x39f: {  	v28 =	vld.idx.msk [tilespmem:v28+s14+$0x0], $0xffff  }
0x3a0: {  	[tilespmem:$0xF8A0] =	vst v26;
	v26 =	vld [tilespmem:$0x65C0]  }
0x3a1: {  	v32 =	vld [tilespmem:$0x6580]  }
0x3a2: {  	v30 =	vld.idx.msk [tilespmem:v30+s14+$0x0], $0xffff  }
0x3a3: {  	[tilespmem:$0xF8F0] =	vst v29;
	v29 =	vld [tilespmem:$0x1F2B0]  }
0x3a4: {  	[tilespmem:$0xF8E0] =	vst v31;
	v31 =	vld [tilespmem:$0x1F2A0]  }
0x3a5: {  	[tilespmem:$0xF8C0] =	vst v28;
	v28 =	vld [tilespmem:$0x1F280]  }
0x3a6: {  	v27 =	vadd.s32 v27, v32;
	v32 =	vld [tilespmem:$0x65D0]  }
0x3a7: {  	[tilespmem:$0xF8D0] =	vst v30;
	v30 =	vld [tilespmem:$0x1F290]  }
0x3a8: {  	v26 =	vadd.s32 v29, v26;
	v29 =	vld [tilespmem:$0x1F2C0];
	_ =	sdelay $0x1  }
0x3a9: {  	v25 =	vadd.s32 v31, v25;
	v31 =	vld [tilespmem:$0x1F2D0]  }
0x3aa: {  	v28 =	vadd.s32 v28, v33;
	v33 =	vld [tilespmem:$0x65E0]  }
0x3ab: {  	v24 =	vadd.s32 v30, v24;
	v30 =	vld [tilespmem:$0x65F0]  }
0x3ac: {  	v29 =	vadd.s32 v29, v32;
	v32 =	vld [tilespmem:$0x1F2E0];
	_ =	sdelay $0x2  }
0x3ad: {  	v31 =	vadd.s32 v31, v33;
	v33 =	vld [tilespmem:$0x6590]  }
0x3ae: {  	v27 =	vld.idx.msk [tilespmem:v27+s14+$0x0], $0xffff  }
0x3af: {  	v28 =	vld.idx.msk [tilespmem:v28+s14+$0x0], $0xffff;
	v30 =	vadd.s32 v32, v30  }
0x3b0: {  	v25 =	vld.idx.msk [tilespmem:v25+s14+$0x0], $0xffff  }
0x3b1: {  	v24 =	vld.idx.msk [tilespmem:v24+s14+$0x0], $0xffff  }
0x3b2: {  	v31 =	vld.idx.msk [tilespmem:v31+s14+$0x0], $0xffff  }
0x3b3: {  	[tilespmem:$0xF900] =	vst v27;
	v27 =	vld [tilespmem:$0x65A0]  }
0x3b4: {  	v30 =	vld.idx.msk [tilespmem:v30+s14+$0x0], $0xffff  }
0x3b5: {  	[tilespmem:$0xF910] =	vst v28;
	v28 =	vld [tilespmem:$0x65B0]  }
0x3b6: {  	[tilespmem:$0xF930] =	vst v25;
	v25 =	vld [tilespmem:$0x1F2F0]  }
0x3b7: {  	[tilespmem:$0xF920] =	vst v24;
	v24 =	vld [tilespmem:$0x65C0]  }
0x3b8: {  	v32 =	vld [tilespmem:$0x6580]  }
0x3b9: {  	[tilespmem:$0xF970] =	vst v30;
	v30 =	vld [tilespmem:$0x1F330]  }
0x3ba: {  	v26 =	vld.idx.msk [tilespmem:v26+s14+$0x0], $0xffff  }
0x3bb: {  	v29 =	vld.idx.msk [tilespmem:v29+s14+$0x0], $0xffff  }
0x3bc: {  	[tilespmem:$0xF960] =	vst v31;
	v31 =	vld [tilespmem:$0x1F320]  }
0x3bd: {  	v25 =	vadd.s32 v25, v32;
	v32 =	vld [tilespmem:$0x65D0]  }
0x3be: {  	v24 =	vadd.s32 v30, v24;
	v30 =	vld [tilespmem:$0x1F340]  }
0x3bf: {  	[tilespmem:$0xF940] =	vst v26;
	v26 =	vld [tilespmem:$0x1F300]  }
0x3c0: {  	[tilespmem:$0xF950] =	vst v29;
	v29 =	vld [tilespmem:$0x1F310];
	_ =	sdelay $0x2  }
0x3c1: {  	v28 =	vadd.s32 v31, v28;
	v31 =	vld [tilespmem:$0x1F350];
	v30 =	vadd.s32 v30, v32  }
0x3c2: {  	v26 =	vadd.s32 v26, v33;
	v33 =	vld [tilespmem:$0x65E0]  }
0x3c3: {  	v27 =	vadd.s32 v29, v27;
	v29 =	vld [tilespmem:$0x65F0]  }
0x3c4: {  	v25 =	vld.idx.msk [tilespmem:v25+s14+$0x0], $0xffff  }
0x3c5: {  	v32 =	vld [tilespmem:$0x1F360]  }
0x3c6: {  	v30 =	vld.idx.msk [tilespmem:v30+s14+$0x0], $0xffff  }
0x3c7: {  	v26 =	vld.idx.msk [tilespmem:v26+s14+$0x0], $0xffff  }
0x3c8: {  	v28 =	vld.idx.msk [tilespmem:v28+s14+$0x0], $0xffff  }
0x3c9: {  	v27 =	vld.idx.msk [tilespmem:v27+s14+$0x0], $0xffff  }
0x3ca: {  	[tilespmem:$0xF980] =	vst v25;
	v25 =	vld [tilespmem:$0x65A0];
	v29 =	vadd.s32 v32, v29  }
0x3cb: {  	[tilespmem:$0xF9D0] =	vst v30;
	v30 =	vld [tilespmem:$0x1F390]  }
0x3cc: {  	[tilespmem:$0xF990] =	vst v26;
	v26 =	vld [tilespmem:$0x65B0]  }
0x3cd: {  	[tilespmem:$0xF9B0] =	vst v28;
	v28 =	vld [tilespmem:$0x1F370]  }
0x3ce: {  	v32 =	vld [tilespmem:$0x6580]  }
0x3cf: {  	v29 =	vld.idx.msk [tilespmem:v29+s14+$0x0], $0xffff  }
0x3d0: {  	v25 =	vadd.s32 v30, v25;
	v30 =	vld [tilespmem:$0x1F3A0];
	_ =	sdelay $0x1  }
0x3d1: {  	[tilespmem:$0xF9A0] =	vst v27;
	v27 =	vld [tilespmem:$0x65C0]  }
0x3d2: {  	v31 =	vadd.s32 v31, v33;
	v28 =	vadd.s32 v28, v32;
	v32 =	vld [tilespmem:$0x65D0]  }
0x3d3: {  	[tilespmem:$0xF9F0] =	vst v29;
	v29 =	vld [tilespmem:$0x1F3B0]  }
0x3d4: {  	v26 =	vadd.s32 v30, v26;
	v30 =	vld [tilespmem:$0x1F3C0];
	_ =	sdelay $0x1  }
0x3d5: {  	v24 =	vld.idx.msk [tilespmem:v24+s14+$0x0], $0xffff  }
0x3d6: {  	v31 =	vld.idx.msk [tilespmem:v31+s14+$0x0], $0xffff  }
0x3d7: {  	v27 =	vadd.s32 v29, v27;
	v29 =	vld [tilespmem:$0x65F0]  }
0x3d8: {  	v30 =	vadd.s32 v30, v32;
	v32 =	vld [tilespmem:$0x1F3E0]  }
0x3d9: {  	v33 =	vld [tilespmem:$0x6590]  }
0x3da: {  	[tilespmem:$0xF9C0] =	vst v24;
	v24 =	vld [tilespmem:$0x1F380];
	_ =	sdelay $0x1  }
0x3db: {  	[tilespmem:$0xF9E0] =	vst v31  }
0x3dc: {  	v28 =	vld.idx.msk [tilespmem:v28+s14+$0x0], $0xffff;
	v29 =	vadd.s32 v32, v29  }
0x3dd: {  	v31 =	vld [tilespmem:$0x1F3D0]  }
0x3de: {  	v24 =	vadd.s32 v24, v33;
	v33 =	vld [tilespmem:$0x65E0]  }
0x3df: {  	v26 =	vld.idx.msk [tilespmem:v26+s14+$0x0], $0xffff  }
0x3e0: {  	v32 =	vld [tilespmem:$0x6580]  }
0x3e1: {  	[tilespmem:$0xFA00] =	vst v28;
	v28 =	vld.idx.msk [tilespmem:v29+s14+$0x0], $0xffff  }
0x3e2: {  	v29 =	vld [tilespmem:$0x1F3F0];
	_ =	sdelay $0x1  }
0x3e3: {  	v31 =	vadd.s32 v31, v33;
	v33 =	vld [tilespmem:$0x6590]  }
0x3e4: {  	v24 =	vld.idx.msk [tilespmem:v24+s14+$0x0], $0xffff  }
0x3e5: {  	v27 =	vld.idx.msk [tilespmem:v27+s14+$0x0], $0xffff  }
0x3e6: {  	[tilespmem:$0xFA30] =	vst v26;
	v26 =	vadd.s32 v29, v32;
	v32 =	vld [tilespmem:$0x1F400];
	_ =	sdelay $0x2  }
0x3e7: {  	v25 =	vld.idx.msk [tilespmem:v25+s14+$0x0], $0xffff  }
0x3e8: {  	[tilespmem:$0xFA10] =	vst v24;
	v24 =	vld [tilespmem:$0x65A0]  }
0x3e9: {  	[tilespmem:$0xFA40] =	vst v27;
	v27 =	vadd.s32 v32, v33;
	v33 =	vld [tilespmem:$0x1F410];
	_ =	sdelay $0x3  }
0x3ea: {  	[tilespmem:$0xFA20] =	vst v25;
	v25 =	vld [tilespmem:$0x65B0]  }
0x3eb: {  	v24 =	vadd.s32 v33, v24;
	v33 =	vld [tilespmem:$0x1F420];
	_ =	sdelay $0x3  }
0x3ec: {  	v29 =	vld [tilespmem:$0x65C0]  }
0x3ed: {  	v25 =	vadd.s32 v33, v25;
	v33 =	vld [tilespmem:$0x1F430];
	_ =	sdelay $0x2  }
0x3ee: {  	v31 =	vld.idx.msk [tilespmem:v31+s14+$0x0], $0xffff  }
0x3ef: {  	v32 =	vld [tilespmem:$0x65D0]  }
0x3f0: {  	[tilespmem:$0xFA70] =	vst v28;
	v28 =	vadd.s32 v33, v29;
	v33 =	vld [tilespmem:$0x1F440];
	_ =	sdelay $0x2  }
0x3f1: {  	[tilespmem:$0xFA60] =	vst v31;
	v31 =	vld [tilespmem:$0x65F0]  }
0x3f2: {  	v30 =	vld.idx.msk [tilespmem:v30+s14+$0x0], $0xffff  }
0x3f3: {  	v29 =	vadd.s32 v33, v32;
	v32 =	vld [tilespmem:$0x1F460];
	_ =	sdelay $0x3  }
0x3f4: {  	[tilespmem:$0xFA50] =	vst v30  }
0x3f5: {  	v24 =	vld.idx.msk [tilespmem:v24+s14+$0x0], $0xffff;
	v31 =	vadd.s32 v32, v31  }
0x3f6: {  	v30 =	vld [tilespmem:$0x65E0]  }
0x3f7: {  	v25 =	vld.idx.msk [tilespmem:v25+s14+$0x0], $0xffff  }
0x3f8: {  	v33 =	vld [tilespmem:$0x1F450]  }
0x3f9: {  	v32 =	vld [tilespmem:$0x6580]  }
0x3fa: {  	[tilespmem:$0xFAA0] =	vst v24;
	v24 =	vld.idx.msk [tilespmem:v31+s14+$0x0], $0xffff  }
0x3fb: {  	v31 =	vld [tilespmem:$0x1F470];
	_ =	sdelay $0x1  }
0x3fc: {  	v26 =	vld.idx.msk [tilespmem:v26+s14+$0x0], $0xffff  }
0x3fd: {  	v28 =	vld.idx.msk [tilespmem:v28+s14+$0x0], $0xffff  }
0x3fe: {  	v30 =	vadd.s32 v33, v30;
	v33 =	vld [tilespmem:$0x6590]  }
0x3ff: {  	[tilespmem:$0xFAB0] =	vst v25;
	v25 =	vadd.s32 v31, v32;
	v32 =	vld [tilespmem:$0x1F480];
	_ =	sdelay $0x2  }
0x400: {  	v27 =	vld.idx.msk [tilespmem:v27+s14+$0x0], $0xffff  }
0x401: {  	[tilespmem:$0xFA80] =	vst v26;
	v26 =	vld [tilespmem:$0x65A0]  }
0x402: {  	[tilespmem:$0xFAC0] =	vst v28;
	v28 =	vadd.s32 v32, v33;
	v33 =	vld [tilespmem:$0x1F490];
	_ =	sdelay $0x3  }
0x403: {  	[tilespmem:$0xFA90] =	vst v27;
	v27 =	vld [tilespmem:$0x65B0]  }
0x404: {  	v26 =	vadd.s32 v33, v26;
	v33 =	vld [tilespmem:$0x1F4A0];
	_ =	sdelay $0x3  }
0x405: {  	v31 =	vld [tilespmem:$0x65C0]  }
0x406: {  	v27 =	vadd.s32 v33, v27;
	v33 =	vld [tilespmem:$0x1F4B0];
	_ =	sdelay $0x2  }
0x407: {  	v29 =	vld.idx.msk [tilespmem:v29+s14+$0x0], $0xffff  }
0x408: {  	v32 =	vld [tilespmem:$0x65D0]  }
0x409: {  	[tilespmem:$0xFAF0] =	vst v24;
	v24 =	vadd.s32 v33, v31;
	v33 =	vld [tilespmem:$0x1F4C0];
	_ =	sdelay $0x2  }
0x40a: {  	v30 =	vld.idx.msk [tilespmem:v30+s14+$0x0], $0xffff  }
0x40b: {  	[tilespmem:$0xFAD0] =	vst v29;
	v29 =	vld [tilespmem:$0x65E0]  }
0x40c: {  	v31 =	vadd.s32 v33, v32;
	v32 =	vld [tilespmem:$0x1F4D0];
	_ =	sdelay $0x3  }
0x40d: {  	[tilespmem:$0xFAE0] =	vst v30;
	v30 =	vld [tilespmem:$0x65F0]  }
0x40e: {  	v29 =	vadd.s32 v32, v29;
	v32 =	vld [tilespmem:$0x1F4E0];
	_ =	sdelay $0x4  }
0x40f: {  	v25 =	vld.idx.msk [tilespmem:v25+s14+$0x0], $0xffff;
	v30 =	vadd.s32 v32, v30  }
0x410: {  	v28 =	vld.idx.msk [tilespmem:v28+s14+$0x0], $0xffff  }
0x411: {  	v26 =	vld.idx.msk [tilespmem:v26+s14+$0x0], $0xffff  }
0x412: {  	v27 =	vld.idx.msk [tilespmem:v27+s14+$0x0], $0xffff  }
0x413: {  	v32 =	vld [tilespmem:$0x6580]  }
0x414: {  	v33 =	vld.idx.msk [tilespmem:v30+s14+$0x0], $0xffff  }
0x415: {  	v30 =	vld [tilespmem:$0x1F4F0]  }
0x416: {  	v24 =	vld.idx.msk [tilespmem:v24+s14+$0x0], $0xffff  }
0x417: {  	[tilespmem:$0xFB00] =	vst v25;
	v25 =	vld.idx.msk [tilespmem:v31+s14+$0x0], $0xffff  }
0x418: {  	[tilespmem:$0xFB10] =	vst v28;
	v28 =	vld.idx.msk [tilespmem:v29+s14+$0x0], $0xffff  }
0x419: {  	[tilespmem:$0xFB20] =	vst v26  }
0x41a: {  	[tilespmem:$0xFB30] =	vst v27;
	v27 =	vadd.s32 v30, v32  }
0x41b: {  	[tilespmem:$0xFB40] =	vst v24  }
0x41c: {  	[tilespmem:$0xFB50] =	vst v25  }
0x41d: {  	[tilespmem:$0xFB60] =	vst v28  }
0x41e: {  	[tilespmem:$0xFB70] =	vst v33  }
0x41f: {  	v25 =	vld.idx.msk [tilespmem:v27+s14+$0x0], $0xffff;
	_ =	sdelay $0x3  }
0x420: {  	v33 =	vld [tilespmem:$0x1F510]  }
0x421: {  	[tilespmem:$0xFB80] =	vst v25;
	v25 =	vld [tilespmem:$0x65A0];
	_ =	sdelay $0x3  }
0x422: {  	v26 =	vld [tilespmem:$0x65B0]  }
0x423: {  	v25 =	vadd.s32 v33, v25;
	v33 =	vld [tilespmem:$0x1F520];
	_ =	sdelay $0x3  }
0x424: {  	v27 =	vld [tilespmem:$0x65C0]  }
0x425: {  	v26 =	vadd.s32 v33, v26;
	v33 =	vld [tilespmem:$0x1F530]  }
0x426: {  	v31 =	vld [tilespmem:$0x6590]  }
0x427: {  	v32 =	vld [tilespmem:$0x1F500];
	_ =	sdelay $0x1  }
0x428: {  	v28 =	vld [tilespmem:$0x65D0]  }
0x429: {  	v27 =	vadd.s32 v33, v27;
	v33 =	vld [tilespmem:$0x1F540];
	_ =	sdelay $0x1  }
0x42a: {  	v24 =	vadd.s32 v32, v31;
	_ =	sdelay $0x1  }
0x42b: {  	v29 =	vld [tilespmem:$0x65E0]  }
0x42c: {  	v28 =	vadd.s32 v33, v28;
	v33 =	vld [tilespmem:$0x1F550]  }
0x42d: {  	v30 =	vld [tilespmem:$0x65F0]  }
0x42e: {  	v24 =	vld.idx.msk [tilespmem:v24+s14+$0x0], $0xffff  }
0x42f: {  	v31 =	vld [tilespmem:$0x6580]  }
0x430: {  	v26 =	vld.idx.msk [tilespmem:v26+s14+$0x0], $0xffff  }
0x431: {  	v29 =	vadd.s32 v33, v29;
	v33 =	vld [tilespmem:$0x1F560]  }
0x432: {  	v32 =	vld [tilespmem:$0x6590]  }
0x433: {  	[tilespmem:$0xFB90] =	vst v24;
	v24 =	vld [tilespmem:$0x65B0]  }
0x434: {  	v27 =	vld.idx.msk [tilespmem:v27+s14+$0x0], $0xffff  }
0x435: {  	v25 =	vld.idx.msk [tilespmem:v25+s14+$0x0], $0xffff  }
0x436: {  	[tilespmem:$0xFBB0] =	vst v26;
	v26 =	vld [tilespmem:$0x1F570];
	v30 =	vadd.s32 v33, v30  }
0x437: {  	v28 =	vld.idx.msk [tilespmem:v28+s14+$0x0], $0xffff  }
0x438: {  	v29 =	vld.idx.msk [tilespmem:v29+s14+$0x0], $0xffff  }
0x439: {  	[tilespmem:$0xFBC0] =	vst v27;
	v27 =	vld [tilespmem:$0x1F580]  }
0x43a: {  	v33 =	vld [tilespmem:$0x65A0]  }
0x43b: {  	v30 =	vld.idx.msk [tilespmem:v30+s14+$0x0], $0xffff  }
0x43c: {  	[tilespmem:$0xFBD0] =	vst v28;
	v28 =	vld [tilespmem:$0x1F590]  }
0x43d: {  	[tilespmem:$0xFBE0] =	vst v29;
	v29 =	vld [tilespmem:$0x1F5A0]  }
0x43e: {  	[tilespmem:$0xFBA0] =	vst v25;
	v25 =	vld [tilespmem:$0x65C0]  }
0x43f: {  	v26 =	vadd.s32 v26, v31;
	v27 =	vadd.s32 v27, v32;
	v32 =	vld [tilespmem:$0x65E0]  }
0x440: {  	[tilespmem:$0xFBF0] =	vst v30;
	v30 =	vld [tilespmem:$0x1F5D0]  }
0x441: {  	v31 =	vld [tilespmem:$0x65D0];
	v28 =	vadd.s32 v28, v33  }
0x442: {  	v24 =	vadd.s32 v29, v24;
	v29 =	vld [tilespmem:$0x1F5B0]  }
0x443: {  	v33 =	vld [tilespmem:$0x65F0]  }
0x444: {  	v26 =	vld.idx.msk [tilespmem:v26+s14+$0x0], $0xffff  }
0x445: {  	v27 =	vld.idx.msk [tilespmem:v27+s14+$0x0], $0xffff;
	v30 =	vadd.s32 v30, v32  }
0x446: {  	v28 =	vld.idx.msk [tilespmem:v28+s14+$0x0], $0xffff  }
0x447: {  	v25 =	vadd.s32 v29, v25;
	v29 =	vld [tilespmem:$0x1F5C0]  }
0x448: {  	v24 =	vld.idx.msk [tilespmem:v24+s14+$0x0], $0xffff  }
0x449: {  	v32 =	vld [tilespmem:$0x6580]  }
0x44a: {  	v30 =	vld.idx.msk [tilespmem:v30+s14+$0x0], $0xffff  }
0x44b: {  	[tilespmem:$0xFC00] =	vst v26;
	v26 =	vld [tilespmem:$0x65A0]  }
0x44c: {  	[tilespmem:$0xFC10] =	vst v27;
	v27 =	vld [tilespmem:$0x65B0]  }
0x44d: {  	[tilespmem:$0xFC20] =	vst v28;
	v28 =	vld [tilespmem:$0x65C0];
	v29 =	vadd.s32 v29, v31  }
0x44e: {  	v31 =	vld [tilespmem:$0x1F5E0]  }
0x44f: {  	[tilespmem:$0xFC60] =	vst v30;
	v30 =	vld [tilespmem:$0x1F620]  }
0x450: {  	[tilespmem:$0xFC30] =	vst v24;
	v24 =	vld [tilespmem:$0x1F5F0]  }
0x451: {  	v25 =	vld.idx.msk [tilespmem:v25+s14+$0x0], $0xffff  }
0x452: {  	v29 =	vld.idx.msk [tilespmem:v29+s14+$0x0], $0xffff  }
0x453: {  	v31 =	vadd.s32 v31, v33;
	v33 =	vld [tilespmem:$0x6590]  }
0x454: {  	v27 =	vadd.s32 v30, v27;
	v30 =	vld [tilespmem:$0x1F630]  }
0x455: {  	v24 =	vadd.s32 v24, v32;
	v32 =	vld [tilespmem:$0x65D0]  }
0x456: {  	[tilespmem:$0xFC40] =	vst v25;
	v25 =	vld [tilespmem:$0x1F600]  }
0x457: {  	[tilespmem:$0xFC50] =	vst v29;
	v29 =	vld [tilespmem:$0x1F610]  }
0x458: {  	v31 =	vld.idx.msk [tilespmem:v31+s14+$0x0], $0xffff  }
0x459: {  	v28 =	vadd.s32 v30, v28;
	v30 =	vld [tilespmem:$0x1F640];
	_ =	sdelay $0x1  }
0x45a: {  	v25 =	vadd.s32 v25, v33;
	v33 =	vld [tilespmem:$0x65E0]  }
0x45b: {  	v26 =	vadd.s32 v29, v26;
	v29 =	vld [tilespmem:$0x65F0]  }
0x45c: {  	[tilespmem:$0xFC70] =	vst v31;
	v31 =	vld [tilespmem:$0x1F650]  }
0x45d: {  	v30 =	vadd.s32 v30, v32;
	v32 =	vld [tilespmem:$0x1F660]  }
0x45e: {  	v24 =	vld.idx.msk [tilespmem:v24+s14+$0x0], $0xffff  }
0x45f: {  	v25 =	vld.idx.msk [tilespmem:v25+s14+$0x0], $0xffff  }
0x460: {  	v27 =	vld.idx.msk [tilespmem:v27+s14+$0x0], $0xffff  }
0x461: {  	v26 =	vld.idx.msk [tilespmem:v26+s14+$0x0], $0xffff  }
0x462: {  	v28 =	vld.idx.msk [tilespmem:v28+s14+$0x0], $0xffff;
	v29 =	vadd.s32 v32, v29  }
0x463: {  	v31 =	vadd.s32 v31, v33;
	v33 =	vld [tilespmem:$0x6590]  }
0x464: {  	[tilespmem:$0xFC80] =	vst v24;
	v24 =	vld [tilespmem:$0x65A0]  }
0x465: {  	[tilespmem:$0xFC90] =	vst v25;
	v25 =	vld [tilespmem:$0x65B0]  }
0x466: {  	[tilespmem:$0xFCB0] =	vst v27;
	v27 =	vld [tilespmem:$0x1F670]  }
0x467: {  	v29 =	vld.idx.msk [tilespmem:v29+s14+$0x0], $0xffff  }
0x468: {  	v30 =	vld.idx.msk [tilespmem:v30+s14+$0x0], $0xffff  }
0x469: {  	v32 =	vld [tilespmem:$0x6580]  }
0x46a: {  	v31 =	vld.idx.msk [tilespmem:v31+s14+$0x0], $0xffff  }
0x46b: {  	[tilespmem:$0xFCA0] =	vst v26;
	v26 =	vld [tilespmem:$0x65C0]  }
0x46c: {  	[tilespmem:$0xFCF0] =	vst v29;
	v29 =	vld [tilespmem:$0x1F6B0]  }
0x46d: {  	[tilespmem:$0xFCC0] =	vst v28;
	v28 =	vld [tilespmem:$0x1F680]  }
0x46e: {  	v27 =	vadd.s32 v27, v32;
	v32 =	vld [tilespmem:$0x65D0]  }
0x46f: {  	[tilespmem:$0xFCE0] =	vst v31;
	v31 =	vld [tilespmem:$0x1F6A0]  }
0x470: {  	[tilespmem:$0xFCD0] =	vst v30;
	v30 =	vld [tilespmem:$0x1F690]  }
0x471: {  	v26 =	vadd.s32 v29, v26;
	v29 =	vld [tilespmem:$0x1F6C0];
	_ =	sdelay $0x1  }
0x472: {  	v28 =	vadd.s32 v28, v33;
	v33 =	vld [tilespmem:$0x65E0]  }
0x473: {  	v25 =	vadd.s32 v31, v25;
	v31 =	vld [tilespmem:$0x1F6D0]  }
0x474: {  	v24 =	vadd.s32 v30, v24;
	v30 =	vld [tilespmem:$0x65F0]  }
0x475: {  	v29 =	vadd.s32 v29, v32;
	v32 =	vld [tilespmem:$0x1F6E0];
	_ =	sdelay $0x2  }
0x476: {  	v27 =	vld.idx.msk [tilespmem:v27+s14+$0x0], $0xffff;
	v31 =	vadd.s32 v31, v33  }
0x477: {  	v28 =	vld.idx.msk [tilespmem:v28+s14+$0x0], $0xffff  }
0x478: {  	v24 =	vld.idx.msk [tilespmem:v24+s14+$0x0], $0xffff;
	v30 =	vadd.s32 v32, v30  }
0x479: {  	v25 =	vld.idx.msk [tilespmem:v25+s14+$0x0], $0xffff  }
0x47a: {  	v26 =	vld.idx.msk [tilespmem:v26+s14+$0x0], $0xffff  }
0x47b: {  	v31 =	vld.idx.msk [tilespmem:v31+s14+$0x0], $0xffff  }
0x47c: {  	v29 =	vld.idx.msk [tilespmem:v29+s14+$0x0], $0xffff  }
0x47d: {  	v30 =	vld.idx.msk [tilespmem:v30+s14+$0x0], $0xffff  }
0x47e: {  	v32 =	vld [tilespmem:$0x6580]  }
0x47f: {  	v33 =	vld [tilespmem:$0x6590]  }
0x480: {  	[tilespmem:$0xFD00] =	vst v27;
	v27 =	vld [tilespmem:$0x65A0]  }
0x481: {  	[tilespmem:$0xFD10] =	vst v28;
	v28 =	vld [tilespmem:$0x65B0]  }
0x482: {  	[tilespmem:$0xFD30] =	vst v25;
	v25 =	vld [tilespmem:$0x1F6F0]  }
0x483: {  	[tilespmem:$0xFD40] =	vst v26;
	v26 =	vld [tilespmem:$0x1F700]  }
0x484: {  	[tilespmem:$0xFD50] =	vst v29;
	v29 =	vld [tilespmem:$0x1F710]  }
0x485: {  	[tilespmem:$0xFD60] =	vst v31;
	v31 =	vld [tilespmem:$0x1F720]  }
0x486: {  	[tilespmem:$0xFD20] =	vst v24;
	v24 =	vld [tilespmem:$0x65C0]  }
0x487: {  	[tilespmem:$0xFD70] =	vst v30;
	v30 =	vld [tilespmem:$0x1F730]  }
0x488: {  	v25 =	vadd.s32 v25, v32;
	v32 =	vld [tilespmem:$0x65D0]  }
0x489: {  	v26 =	vadd.s32 v26, v33;
	v33 =	vld [tilespmem:$0x65E0]  }
0x48a: {  	v27 =	vadd.s32 v29, v27;
	v28 =	vadd.s32 v31, v28;
	v31 =	vld [tilespmem:$0x1F750]  }
0x48b: {  	v29 =	vld [tilespmem:$0x65F0]  }
0x48c: {  	v24 =	vadd.s32 v30, v24;
	v30 =	vld [tilespmem:$0x1F740]  }
0x48d: {  	v25 =	vld.idx.msk [tilespmem:v25+s14+$0x0], $0xffff  }
0x48e: {  	v26 =	vld.idx.msk [tilespmem:v26+s14+$0x0], $0xffff  }
0x48f: {  	v31 =	vadd.s32 v31, v33;
	v27 =	vld.idx.msk [tilespmem:v27+s14+$0x0], $0xffff  }
0x490: {  	v28 =	vld.idx.msk [tilespmem:v28+s14+$0x0], $0xffff  }
0x491: {  	v33 =	vld [tilespmem:$0x6590]  }
0x492: {  	v30 =	vadd.s32 v30, v32;
	v32 =	vld [tilespmem:$0x1F760]  }
0x493: {  	v24 =	vld.idx.msk [tilespmem:v24+s14+$0x0], $0xffff  }
0x494: {  	v31 =	vld.idx.msk [tilespmem:v31+s14+$0x0], $0xffff  }
0x495: {  	[tilespmem:$0xFD80] =	vst v25;
	v25 =	vld [tilespmem:$0x65A0]  }
0x496: {  	[tilespmem:$0xFD90] =	vst v26;
	v26 =	vld [tilespmem:$0x65B0]  }
0x497: {  	[tilespmem:$0xFDA0] =	vst v27;
	v27 =	vld [tilespmem:$0x65C0];
	v29 =	vadd.s32 v32, v29  }
0x498: {  	[tilespmem:$0xFDB0] =	vst v28;
	v28 =	vld [tilespmem:$0x1F770]  }
0x499: {  	[tilespmem:$0xFDC0] =	vst v24;
	v24 =	vld [tilespmem:$0x1F780]  }
0x49a: {  	v30 =	vld.idx.msk [tilespmem:v30+s14+$0x0], $0xffff  }
0x49b: {  	[tilespmem:$0xFDE0] =	vst v31;
	v31 =	vld [tilespmem:$0x1F7A0]  }
0x49c: {  	v29 =	vld.idx.msk [tilespmem:v29+s14+$0x0], $0xffff  }
0x49d: {  	v32 =	vld [tilespmem:$0x6580]  }
0x49e: {  	v24 =	vadd.s32 v24, v33;
	v33 =	vld [tilespmem:$0x65E0]  }
0x49f: {  	[tilespmem:$0xFDD0] =	vst v30;
	v30 =	vld [tilespmem:$0x1F790]  }
0x4a0: {  	v26 =	vadd.s32 v31, v26;
	v31 =	vld [tilespmem:$0x1F7D0]  }
0x4a1: {  	[tilespmem:$0xFDF0] =	vst v29;
	v29 =	vld [tilespmem:$0x1F7B0]  }
0x4a2: {  	v28 =	vadd.s32 v28, v32  }
0x4a3: {  	v32 =	vld [tilespmem:$0x65D0]  }
0x4a4: {  	v25 =	vadd.s32 v30, v25;
	v30 =	vld [tilespmem:$0x65F0]  }
0x4a5: {  	v31 =	vadd.s32 v31, v33;
	v33 =	vld [tilespmem:$0x6590]  }
0x4a6: {  	v27 =	vadd.s32 v29, v27;
	v29 =	vld [tilespmem:$0x1F7C0]  }
0x4a7: {  	v28 =	vld.idx.msk [tilespmem:v28+s14+$0x0], $0xffff  }
0x4a8: {  	v24 =	vld.idx.msk [tilespmem:v24+s14+$0x0], $0xffff  }
0x4a9: {  	v26 =	vld.idx.msk [tilespmem:v26+s14+$0x0], $0xffff  }
0x4aa: {  	v25 =	vld.idx.msk [tilespmem:v25+s14+$0x0], $0xffff  }
0x4ab: {  	v29 =	vadd.s32 v29, v32;
	v32 =	vld [tilespmem:$0x1F7E0]  }
0x4ac: {  	v31 =	vld.idx.msk [tilespmem:v31+s14+$0x0], $0xffff  }
0x4ad: {  	[tilespmem:$0xFE00] =	vst v28;
	v28 =	vld [tilespmem:$0x65A0]  }
0x4ae: {  	[tilespmem:$0xFE10] =	vst v24;
	v24 =	vld [tilespmem:$0x65B0]  }
0x4af: {  	v27 =	vld.idx.msk [tilespmem:v27+s14+$0x0], $0xffff  }
0x4b0: {  	[tilespmem:$0xFE30] =	vst v26;
	v26 =	vld [tilespmem:$0x1F7F0];
	v30 =	vadd.s32 v32, v30  }
0x4b1: {  	[tilespmem:$0xFE20] =	vst v25;
	v25 =	vld [tilespmem:$0x65C0]  }
0x4b2: {  	[tilespmem:$0xFE60] =	vst v31;
	v31 =	vld [tilespmem:$0x1F820]  }
0x4b3: {  	v29 =	vld.idx.msk [tilespmem:v29+s14+$0x0], $0xffff  }
0x4b4: {  	[tilespmem:$0xFE40] =	vst v27;
	v27 =	vld [tilespmem:$0x1F800]  }
0x4b5: {  	v30 =	vld.idx.msk [tilespmem:v30+s14+$0x0], $0xffff  }
0x4b6: {  	v32 =	vld [tilespmem:$0x6580]  }
0x4b7: {  	v24 =	vadd.s32 v31, v24;
	v31 =	vld [tilespmem:$0x1F850]  }
0x4b8: {  	[tilespmem:$0xFE50] =	vst v29;
	v29 =	vld [tilespmem:$0x1F810]  }
0x4b9: {  	v27 =	vadd.s32 v27, v33;
	v33 =	vld [tilespmem:$0x65E0]  }
0x4ba: {  	[tilespmem:$0xFE70] =	vst v30;
	v30 =	vld [tilespmem:$0x1F830]  }
0x4bb: {  	v26 =	vadd.s32 v26, v32  }
0x4bc: {  	v32 =	vld [tilespmem:$0x65D0]  }
0x4bd: {  	v28 =	vadd.s32 v29, v28;
	v29 =	vld [tilespmem:$0x65F0]  }
0x4be: {  	v31 =	vadd.s32 v31, v33;
	v33 =	vld [tilespmem:$0x6590]  }
0x4bf: {  	v25 =	vadd.s32 v30, v25;
	v30 =	vld [tilespmem:$0x1F840]  }
0x4c0: {  	v26 =	vld.idx.msk [tilespmem:v26+s14+$0x0], $0xffff  }
0x4c1: {  	v27 =	vld.idx.msk [tilespmem:v27+s14+$0x0], $0xffff  }
0x4c2: {  	v24 =	vld.idx.msk [tilespmem:v24+s14+$0x0], $0xffff  }
0x4c3: {  	v28 =	vld.idx.msk [tilespmem:v28+s14+$0x0], $0xffff  }
0x4c4: {  	v30 =	vadd.s32 v30, v32;
	v32 =	vld [tilespmem:$0x1F860]  }
0x4c5: {  	v31 =	vld.idx.msk [tilespmem:v31+s14+$0x0], $0xffff  }
0x4c6: {  	[tilespmem:$0xFE80] =	vst v26;
	v26 =	vld [tilespmem:$0x65A0]  }
0x4c7: {  	[tilespmem:$0xFE90] =	vst v27;
	v27 =	vld [tilespmem:$0x65B0]  }
0x4c8: {  	v25 =	vld.idx.msk [tilespmem:v25+s14+$0x0], $0xffff  }
0x4c9: {  	[tilespmem:$0xFEB0] =	vst v24;
	v24 =	vld [tilespmem:$0x1F870];
	v29 =	vadd.s32 v32, v29  }
0x4ca: {  	[tilespmem:$0xFEA0] =	vst v28;
	v28 =	vld [tilespmem:$0x65C0]  }
0x4cb: {  	[tilespmem:$0xFEE0] =	vst v31;
	v31 =	vld [tilespmem:$0x1F8A0]  }
0x4cc: {  	v30 =	vld.idx.msk [tilespmem:v30+s14+$0x0], $0xffff  }
0x4cd: {  	[tilespmem:$0xFEC0] =	vst v25;
	v25 =	vld [tilespmem:$0x1F880]  }
0x4ce: {  	v29 =	vld.idx.msk [tilespmem:v29+s14+$0x0], $0xffff  }
0x4cf: {  	v32 =	vld [tilespmem:$0x6580]  }
0x4d0: {  	v27 =	vadd.s32 v31, v27;
	v31 =	vld [tilespmem:$0x1F8D0]  }
0x4d1: {  	[tilespmem:$0xFED0] =	vst v30;
	v30 =	vld [tilespmem:$0x1F890]  }
0x4d2: {  	v25 =	vadd.s32 v25, v33;
	v33 =	vld [tilespmem:$0x65E0]  }
0x4d3: {  	[tilespmem:$0xFEF0] =	vst v29;
	v29 =	vld [tilespmem:$0x1F8B0]  }
0x4d4: {  	v24 =	vadd.s32 v24, v32  }
0x4d5: {  	v32 =	vld [tilespmem:$0x65D0]  }
0x4d6: {  	v26 =	vadd.s32 v30, v26;
	v30 =	vld [tilespmem:$0x65F0]  }
0x4d7: {  	v31 =	vadd.s32 v31, v33;
	v33 =	vld [tilespmem:$0x6590]  }
0x4d8: {  	v28 =	vadd.s32 v29, v28;
	v29 =	vld [tilespmem:$0x1F8C0]  }
0x4d9: {  	v24 =	vld.idx.msk [tilespmem:v24+s14+$0x0], $0xffff  }
0x4da: {  	v25 =	vld.idx.msk [tilespmem:v25+s14+$0x0], $0xffff  }
0x4db: {  	v27 =	vld.idx.msk [tilespmem:v27+s14+$0x0], $0xffff  }
0x4dc: {  	v26 =	vld.idx.msk [tilespmem:v26+s14+$0x0], $0xffff  }
0x4dd: {  	v29 =	vadd.s32 v29, v32;
	v32 =	vld [tilespmem:$0x1F8E0]  }
0x4de: {  	v31 =	vld.idx.msk [tilespmem:v31+s14+$0x0], $0xffff  }
0x4df: {  	[tilespmem:$0xFF00] =	vst v24;
	v24 =	vld [tilespmem:$0x65A0]  }
0x4e0: {  	[tilespmem:$0xFF10] =	vst v25;
	v25 =	vld [tilespmem:$0x65B0]  }
0x4e1: {  	v28 =	vld.idx.msk [tilespmem:v28+s14+$0x0], $0xffff  }
0x4e2: {  	[tilespmem:$0xFF30] =	vst v27;
	v27 =	vld [tilespmem:$0x1F8F0];
	v30 =	vadd.s32 v32, v30  }
0x4e3: {  	[tilespmem:$0xFF20] =	vst v26;
	v26 =	vld [tilespmem:$0x65C0]  }
0x4e4: {  	[tilespmem:$0xFF60] =	vst v31;
	v31 =	vld [tilespmem:$0x1F920]  }
0x4e5: {  	v29 =	vld.idx.msk [tilespmem:v29+s14+$0x0], $0xffff  }
0x4e6: {  	[tilespmem:$0xFF40] =	vst v28;
	v28 =	vld [tilespmem:$0x1F900]  }
0x4e7: {  	v30 =	vld.idx.msk [tilespmem:v30+s14+$0x0], $0xffff  }
0x4e8: {  	v32 =	vld [tilespmem:$0x6580]  }
0x4e9: {  	v25 =	vadd.s32 v31, v25;
	v31 =	vld [tilespmem:$0x1F950]  }
0x4ea: {  	[tilespmem:$0xFF50] =	vst v29;
	v29 =	vld [tilespmem:$0x1F910]  }
0x4eb: {  	v28 =	vadd.s32 v28, v33;
	v33 =	vld [tilespmem:$0x65E0]  }
0x4ec: {  	[tilespmem:$0xFF70] =	vst v30;
	v30 =	vld [tilespmem:$0x1F930]  }
0x4ed: {  	v27 =	vadd.s32 v27, v32  }
0x4ee: {  	v32 =	vld [tilespmem:$0x65D0]  }
0x4ef: {  	v24 =	vadd.s32 v29, v24;
	v29 =	vld [tilespmem:$0x65F0]  }
0x4f0: {  	v31 =	vadd.s32 v31, v33;
	v33 =	vld [tilespmem:$0x6590]  }
0x4f1: {  	v26 =	vadd.s32 v30, v26;
	v30 =	vld [tilespmem:$0x1F940]  }
0x4f2: {  	v27 =	vld.idx.msk [tilespmem:v27+s14+$0x0], $0xffff  }
0x4f3: {  	v28 =	vld.idx.msk [tilespmem:v28+s14+$0x0], $0xffff  }
0x4f4: {  	v25 =	vld.idx.msk [tilespmem:v25+s14+$0x0], $0xffff  }
0x4f5: {  	v24 =	vld.idx.msk [tilespmem:v24+s14+$0x0], $0xffff  }
0x4f6: {  	v30 =	vadd.s32 v30, v32;
	v32 =	vld [tilespmem:$0x1F960]  }
0x4f7: {  	v31 =	vld.idx.msk [tilespmem:v31+s14+$0x0], $0xffff  }
0x4f8: {  	[tilespmem:$0xFF80] =	vst v27;
	v27 =	vld [tilespmem:$0x65A0]  }
0x4f9: {  	[tilespmem:$0xFF90] =	vst v28;
	v28 =	vld [tilespmem:$0x65B0]  }
0x4fa: {  	v26 =	vld.idx.msk [tilespmem:v26+s14+$0x0], $0xffff  }
0x4fb: {  	[tilespmem:$0xFFB0] =	vst v25;
	v25 =	vld [tilespmem:$0x1F970];
	v29 =	vadd.s32 v32, v29  }
0x4fc: {  	[tilespmem:$0xFFA0] =	vst v24;
	v24 =	vld [tilespmem:$0x65C0]  }
0x4fd: {  	[tilespmem:$0xFFE0] =	vst v31;
	v31 =	vld [tilespmem:$0x1F9A0]  }
0x4fe: {  	v30 =	vld.idx.msk [tilespmem:v30+s14+$0x0], $0xffff  }
0x4ff: {  	[tilespmem:$0xFFC0] =	vst v26;
	v26 =	vld [tilespmem:$0x1F980]  }
0x500: {  	v29 =	vld.idx.msk [tilespmem:v29+s14+$0x0], $0xffff  }
0x501: {  	v32 =	vld [tilespmem:$0x6580]  }
0x502: {  	v28 =	vadd.s32 v31, v28;
	v31 =	vld [tilespmem:$0x1F9D0]  }
0x503: {  	[tilespmem:$0xFFD0] =	vst v30;
	v30 =	vld [tilespmem:$0x1F990]  }
0x504: {  	v26 =	vadd.s32 v26, v33;
	v33 =	vld [tilespmem:$0x65E0]  }
0x505: {  	[tilespmem:$0xFFF0] =	vst v29;
	v29 =	vld [tilespmem:$0x1F9B0]  }
0x506: {  	v25 =	vadd.s32 v25, v32  }
0x507: {  	v32 =	vld [tilespmem:$0x65D0]  }
0x508: {  	v27 =	vadd.s32 v30, v27;
	v30 =	vld [tilespmem:$0x65F0]  }
0x509: {  	v31 =	vadd.s32 v31, v33;
	v33 =	vld [tilespmem:$0x6590]  }
0x50a: {  	v24 =	vadd.s32 v29, v24;
	v29 =	vld [tilespmem:$0x1F9C0]  }
0x50b: {  	v25 =	vld.idx.msk [tilespmem:v25+s14+$0x0], $0xffff  }
0x50c: {  	v26 =	vld.idx.msk [tilespmem:v26+s14+$0x0], $0xffff  }
0x50d: {  	v28 =	vld.idx.msk [tilespmem:v28+s14+$0x0], $0xffff  }
0x50e: {  	v27 =	vld.idx.msk [tilespmem:v27+s14+$0x0], $0xffff  }
0x50f: {  	v29 =	vadd.s32 v29, v32;
	v32 =	vld [tilespmem:$0x1F9E0]  }
0x510: {  	v31 =	vld.idx.msk [tilespmem:v31+s14+$0x0], $0xffff  }
0x511: {  	[tilespmem:$0x10000] =	vst v25;
	v25 =	vld [tilespmem:$0x65A0]  }
0x512: {  	[tilespmem:$0x10010] =	vst v26;
	v26 =	vld [tilespmem:$0x65B0]  }
0x513: {  	v24 =	vld.idx.msk [tilespmem:v24+s14+$0x0], $0xffff  }
0x514: {  	[tilespmem:$0x10030] =	vst v28;
	v28 =	vld [tilespmem:$0x1F9F0];
	v30 =	vadd.s32 v32, v30  }
0x515: {  	[tilespmem:$0x10020] =	vst v27;
	v27 =	vld [tilespmem:$0x65C0]  }
0x516: {  	[tilespmem:$0x10060] =	vst v31;
	v31 =	vld [tilespmem:$0x1FA20]  }
0x517: {  	v29 =	vld.idx.msk [tilespmem:v29+s14+$0x0], $0xffff  }
0x518: {  	[tilespmem:$0x10040] =	vst v24;
	v24 =	vld [tilespmem:$0x1FA00]  }
0x519: {  	v30 =	vld.idx.msk [tilespmem:v30+s14+$0x0], $0xffff  }
0x51a: {  	v32 =	vld [tilespmem:$0x6580]  }
0x51b: {  	v26 =	vadd.s32 v31, v26;
	v31 =	vld [tilespmem:$0x1FA50]  }
0x51c: {  	[tilespmem:$0x10050] =	vst v29;
	v29 =	vld [tilespmem:$0x1FA10]  }
0x51d: {  	v24 =	vadd.s32 v24, v33;
	v33 =	vld [tilespmem:$0x65E0]  }
0x51e: {  	[tilespmem:$0x10070] =	vst v30;
	v30 =	vld [tilespmem:$0x1FA30]  }
0x51f: {  	v28 =	vadd.s32 v28, v32  }
0x520: {  	v32 =	vld [tilespmem:$0x65D0]  }
0x521: {  	v25 =	vadd.s32 v29, v25;
	v29 =	vld [tilespmem:$0x65F0]  }
0x522: {  	v31 =	vadd.s32 v31, v33;
	v33 =	vld [tilespmem:$0x6590]  }
0x523: {  	v27 =	vadd.s32 v30, v27;
	v30 =	vld [tilespmem:$0x1FA40]  }
0x524: {  	v28 =	vld.idx.msk [tilespmem:v28+s14+$0x0], $0xffff  }
0x525: {  	v24 =	vld.idx.msk [tilespmem:v24+s14+$0x0], $0xffff  }
0x526: {  	v26 =	vld.idx.msk [tilespmem:v26+s14+$0x0], $0xffff  }
0x527: {  	v25 =	vld.idx.msk [tilespmem:v25+s14+$0x0], $0xffff  }
0x528: {  	v30 =	vadd.s32 v30, v32;
	v32 =	vld [tilespmem:$0x1FA60]  }
0x529: {  	v31 =	vld.idx.msk [tilespmem:v31+s14+$0x0], $0xffff  }
0x52a: {  	[tilespmem:$0x10080] =	vst v28;
	v28 =	vld [tilespmem:$0x65A0]  }
0x52b: {  	[tilespmem:$0x10090] =	vst v24;
	v24 =	vld [tilespmem:$0x65B0]  }
0x52c: {  	v27 =	vld.idx.msk [tilespmem:v27+s14+$0x0], $0xffff  }
0x52d: {  	[tilespmem:$0x100B0] =	vst v26;
	v26 =	vld [tilespmem:$0x1FA70];
	v29 =	vadd.s32 v32, v29  }
0x52e: {  	[tilespmem:$0x100A0] =	vst v25;
	v25 =	vld [tilespmem:$0x65C0]  }
0x52f: {  	[tilespmem:$0x100E0] =	vst v31;
	v31 =	vld [tilespmem:$0x1FAA0]  }
0x530: {  	v30 =	vld.idx.msk [tilespmem:v30+s14+$0x0], $0xffff  }
0x531: {  	[tilespmem:$0x100C0] =	vst v27;
	v27 =	vld [tilespmem:$0x1FA80]  }
0x532: {  	v29 =	vld.idx.msk [tilespmem:v29+s14+$0x0], $0xffff  }
0x533: {  	v32 =	vld [tilespmem:$0x6580]  }
0x534: {  	v24 =	vadd.s32 v31, v24;
	v31 =	vld [tilespmem:$0x1FAD0]  }
0x535: {  	[tilespmem:$0x100D0] =	vst v30;
	v30 =	vld [tilespmem:$0x1FA90]  }
0x536: {  	v27 =	vadd.s32 v27, v33;
	v33 =	vld [tilespmem:$0x65E0]  }
0x537: {  	[tilespmem:$0x100F0] =	vst v29;
	v29 =	vld [tilespmem:$0x1FAB0]  }
0x538: {  	v26 =	vadd.s32 v26, v32  }
0x539: {  	v32 =	vld [tilespmem:$0x65D0]  }
0x53a: {  	v28 =	vadd.s32 v30, v28;
	v30 =	vld [tilespmem:$0x65F0]  }
0x53b: {  	v31 =	vadd.s32 v31, v33;
	v33 =	vld [tilespmem:$0x6590]  }
0x53c: {  	v25 =	vadd.s32 v29, v25;
	v29 =	vld [tilespmem:$0x1FAC0]  }
0x53d: {  	v26 =	vld.idx.msk [tilespmem:v26+s14+$0x0], $0xffff  }
0x53e: {  	v27 =	vld.idx.msk [tilespmem:v27+s14+$0x0], $0xffff  }
0x53f: {  	v24 =	vld.idx.msk [tilespmem:v24+s14+$0x0], $0xffff  }
0x540: {  	v28 =	vld.idx.msk [tilespmem:v28+s14+$0x0], $0xffff  }
0x541: {  	v29 =	vadd.s32 v29, v32;
	v32 =	vld [tilespmem:$0x1FAE0]  }
0x542: {  	v31 =	vld.idx.msk [tilespmem:v31+s14+$0x0], $0xffff  }
0x543: {  	[tilespmem:$0x10100] =	vst v26;
	v26 =	vld [tilespmem:$0x65A0]  }
0x544: {  	[tilespmem:$0x10110] =	vst v27;
	v27 =	vld [tilespmem:$0x65B0]  }
0x545: {  	v25 =	vld.idx.msk [tilespmem:v25+s14+$0x0], $0xffff  }
0x546: {  	[tilespmem:$0x10130] =	vst v24;
	v24 =	vld [tilespmem:$0x1FAF0];
	v30 =	vadd.s32 v32, v30  }
0x547: {  	[tilespmem:$0x10120] =	vst v28;
	v28 =	vld [tilespmem:$0x65C0]  }
0x548: {  	[tilespmem:$0x10160] =	vst v31;
	v31 =	vld [tilespmem:$0x1FB20]  }
0x549: {  	v29 =	vld.idx.msk [tilespmem:v29+s14+$0x0], $0xffff  }
0x54a: {  	[tilespmem:$0x10140] =	vst v25;
	v25 =	vld [tilespmem:$0x1FB00]  }
0x54b: {  	v30 =	vld.idx.msk [tilespmem:v30+s14+$0x0], $0xffff  }
0x54c: {  	v32 =	vld [tilespmem:$0x6580]  }
0x54d: {  	v27 =	vadd.s32 v31, v27;
	v31 =	vld [tilespmem:$0x1FB50]  }
0x54e: {  	[tilespmem:$0x10150] =	vst v29;
	v29 =	vld [tilespmem:$0x1FB10]  }
0x54f: {  	v25 =	vadd.s32 v25, v33;
	v33 =	vld [tilespmem:$0x65E0]  }
0x550: {  	[tilespmem:$0x10170] =	vst v30;
	v30 =	vld [tilespmem:$0x1FB30]  }
0x551: {  	v24 =	vadd.s32 v24, v32  }
0x552: {  	v32 =	vld [tilespmem:$0x65D0]  }
0x553: {  	v26 =	vadd.s32 v29, v26;
	v29 =	vld [tilespmem:$0x65F0]  }
0x554: {  	v31 =	vadd.s32 v31, v33;
	v33 =	vld [tilespmem:$0x6590]  }
0x555: {  	v28 =	vadd.s32 v30, v28;
	v30 =	vld [tilespmem:$0x1FB40]  }
0x556: {  	v24 =	vld.idx.msk [tilespmem:v24+s14+$0x0], $0xffff  }
0x557: {  	v25 =	vld.idx.msk [tilespmem:v25+s14+$0x0], $0xffff  }
0x558: {  	v27 =	vld.idx.msk [tilespmem:v27+s14+$0x0], $0xffff  }
0x559: {  	v26 =	vld.idx.msk [tilespmem:v26+s14+$0x0], $0xffff  }
0x55a: {  	v30 =	vadd.s32 v30, v32;
	v32 =	vld [tilespmem:$0x1FB60]  }
0x55b: {  	v31 =	vld.idx.msk [tilespmem:v31+s14+$0x0], $0xffff  }
0x55c: {  	[tilespmem:$0x10180] =	vst v24;
	v24 =	vld [tilespmem:$0x65A0]  }
0x55d: {  	v28 =	vld.idx.msk [tilespmem:v28+s14+$0x0], $0xffff  }
0x55e: {  	[tilespmem:$0x10190] =	vst v25;
	v25 =	vld [tilespmem:$0x65B0]  }
0x55f: {  	[tilespmem:$0x101B0] =	vst v27;
	v27 =	vld [tilespmem:$0x1FB70];
	v29 =	vadd.s32 v32, v29  }
0x560: {  	[tilespmem:$0x101E0] =	vst v31;
	v31 =	vld [tilespmem:$0x1FBA0]  }
0x561: {  	v30 =	vld.idx.msk [tilespmem:v30+s14+$0x0], $0xffff  }
0x562: {  	[tilespmem:$0x101C0] =	vst v28;
	v28 =	vld [tilespmem:$0x1FB80]  }
0x563: {  	v32 =	vld [tilespmem:$0x6580]  }
0x564: {  	v29 =	vld.idx.msk [tilespmem:v29+s14+$0x0], $0xffff  }
0x565: {  	v25 =	vadd.s32 v31, v25;
	v31 =	vld [tilespmem:$0x1FBD0]  }
0x566: {  	[tilespmem:$0x101D0] =	vst v30;
	v30 =	vld [tilespmem:$0x1FB90]  }
0x567: {  	v28 =	vadd.s32 v28, v33;
	v33 =	vld [tilespmem:$0x65E0]  }
0x568: {  	[tilespmem:$0x101A0] =	vst v26;
	v26 =	vld [tilespmem:$0x65C0];
	v27 =	vadd.s32 v27, v32  }
0x569: {  	[tilespmem:$0x101F0] =	vst v29;
	v29 =	vld [tilespmem:$0x1FBB0]  }
0x56a: {  	v32 =	vld [tilespmem:$0x65D0]  }
0x56b: {  	v24 =	vadd.s32 v30, v24;
	v30 =	vld [tilespmem:$0x65F0]  }
0x56c: {  	v31 =	vadd.s32 v31, v33;
	v33 =	vld [tilespmem:$0x6590]  }
0x56d: {  	v27 =	vld.idx.msk [tilespmem:v27+s14+$0x0], $0xffff  }
0x56e: {  	v26 =	vadd.s32 v29, v26;
	v29 =	vld [tilespmem:$0x1FBC0]  }
0x56f: {  	v28 =	vld.idx.msk [tilespmem:v28+s14+$0x0], $0xffff  }
0x570: {  	v25 =	vld.idx.msk [tilespmem:v25+s14+$0x0], $0xffff  }
0x571: {  	v24 =	vld.idx.msk [tilespmem:v24+s14+$0x0], $0xffff  }
0x572: {  	v31 =	vld.idx.msk [tilespmem:v31+s14+$0x0], $0xffff  }
0x573: {  	v29 =	vadd.s32 v29, v32;
	v32 =	vld [tilespmem:$0x1FBE0]  }
0x574: {  	[tilespmem:$0x10200] =	vst v27;
	v27 =	vld [tilespmem:$0x65A0]  }
0x575: {  	v26 =	vld.idx.msk [tilespmem:v26+s14+$0x0], $0xffff  }
0x576: {  	[tilespmem:$0x10210] =	vst v28;
	v28 =	vld [tilespmem:$0x65B0]  }
0x577: {  	[tilespmem:$0x10230] =	vst v25;
	v25 =	vld [tilespmem:$0x1FBF0]  }
0x578: {  	[tilespmem:$0x10220] =	vst v24;
	v24 =	vld [tilespmem:$0x65C0];
	v30 =	vadd.s32 v32, v30  }
0x579: {  	v29 =	vld.idx.msk [tilespmem:v29+s14+$0x0], $0xffff  }
0x57a: {  	[tilespmem:$0x10240] =	vst v26;
	v26 =	vld [tilespmem:$0x1FC00]  }
0x57b: {  	v32 =	vld [tilespmem:$0x6580]  }
0x57c: {  	[tilespmem:$0x10260] =	vst v31;
	v31 =	vld [tilespmem:$0x1FC20]  }
0x57d: {  	v30 =	vld.idx.msk [tilespmem:v30+s14+$0x0], $0xffff  }
0x57e: {  	[tilespmem:$0x10250] =	vst v29;
	v29 =	vld [tilespmem:$0x1FC10]  }
0x57f: {  	v26 =	vadd.s32 v26, v33;
	v33 =	vld [tilespmem:$0x65E0]  }
0x580: {  	v25 =	vadd.s32 v25, v32;
	v32 =	vld [tilespmem:$0x65D0];
	_ =	sdelay $0x1  }
0x581: {  	v28 =	vadd.s32 v31, v28  }
0x582: {  	v24 =	vadd.s32 v34, v24;
	v27 =	vadd.s32 v29, v27;
	v29 =	vld [tilespmem:$0x65F0]  }
0x583: {  	[tilespmem:$0x10270] =	vst v30;
	v36 =	vadd.s32 v36, v33;
	v33 =	vld [tilespmem:$0x6590]  }
0x584: {  	v35 =	vadd.s32 v35, v32;
	v25 =	vld.idx.msk [tilespmem:v25+s14+$0x0], $0xffff  }
0x585: {  	v26 =	vld.idx.msk [tilespmem:v26+s14+$0x0], $0xffff  }
0x586: {  	v28 =	vld.idx.msk [tilespmem:v28+s14+$0x0], $0xffff  }
0x587: {  	v24 =	vld.idx.msk [tilespmem:v24+s14+$0x0], $0xffff  }
0x588: {  	v27 =	vld.idx.msk [tilespmem:v27+s14+$0x0], $0xffff  }
0x589: {  	v30 =	vld.idx.msk [tilespmem:v35+s14+$0x0], $0xffff  }
0x58a: {  	v29 =	vadd.s32 v37, v29;
	v31 =	vld.idx.msk [tilespmem:v36+s14+$0x0], $0xffff  }
0x58b: {  	v37 =	vld [tilespmem:$0x6580]  }
0x58c: {  	v35 =	vld [tilespmem:$0x65F0]  }
0x58d: {  	[tilespmem:$0x10280] =	vst v25;
	v25 =	vld [tilespmem:$0x65A0]  }
0x58e: {  	[tilespmem:$0x10290] =	vst v26;
	v26 =	vld [tilespmem:$0x65B0]  }
0x58f: {  	v29 =	vld.idx.msk [tilespmem:v29+s14+$0x0], $0xffff  }
0x590: {  	v36 =	vadd.s32 v38, v37;
	v37 =	vld [tilespmem:$0x65D0]  }
0x591: {  	[tilespmem:$0x102B0] =	vst v28;
	v38 =	vadd.s32 v39, v33;
	v39 =	vld [tilespmem:$0x65E0]  }
0x592: {  	[tilespmem:$0x102A0] =	vst v27;
	v27 =	vld [tilespmem:$0x65C0]  }
0x593: {  	[tilespmem:$0x102C0] =	vst v24;
	v25 =	vadd.s32 v40, v25;
	v40 =	vld [tilespmem:$0x65F0]  }
0x594: {  	[tilespmem:$0x102D0] =	vst v30;
	v26 =	vadd.s32 v41, v26;
	v41 =	vld [tilespmem:$0x65D0]  }
0x595: {  	[tilespmem:$0x102E0] =	vst v31;
	v43 =	vadd.s32 v43, v37;
	v37 =	vld [tilespmem:$0x65A0]  }
0x596: {  	[tilespmem:$0x102F0] =	vst v29;
	v44 =	vadd.s32 v44, v39;
	v39 =	vld [tilespmem:$0x65C0]  }
0x597: {  	v28 =	vld.idx.msk [tilespmem:v36+s14+$0x0], $0xffff  }
0x598: {  	v24 =	vld.idx.msk [tilespmem:v38+s14+$0x0], $0xffff  }
0x599: {  	v27 =	vadd.s32 v42, v27;
	v25 =	vld.idx.msk [tilespmem:v25+s14+$0x0], $0xffff  }
0x59a: {  	v26 =	vld.idx.msk [tilespmem:v26+s14+$0x0], $0xffff  }
0x59b: {  	v30 =	vadd.s32 v45, v40;
	v45 =	vld [tilespmem:$0x6580]  }
0x59c: {  	v36 =	vld [tilespmem:$0x6590]  }
0x59d: {  	v38 =	vld [tilespmem:$0x65B0]  }
0x59e: {  	v27 =	vld.idx.msk [tilespmem:v27+s14+$0x0], $0xffff  }
0x59f: {  	v29 =	vld.idx.msk [tilespmem:v43+s14+$0x0], $0xffff  }
0x5a0: {  	v31 =	vld.idx.msk [tilespmem:v44+s14+$0x0], $0xffff  }
0x5a1: {  	v43 =	vld [tilespmem:$0x65E0]  }
0x5a2: {  	v44 =	vld [tilespmem:$0x65F0]  }
0x5a3: {  	v30 =	vld.idx.msk [tilespmem:v30+s14+$0x0], $0xffff  }
0x5a4: {  	v42 =	vadd.s32 v47, v36;
	v47 =	vld [tilespmem:$0x6580]  }
0x5a5: {  	[tilespmem:$0x10300] =	vst v28;
	v28 =	vadd.s32 v48, v37;
	v48 =	vld [tilespmem:$0x6590]  }
0x5a6: {  	[tilespmem:$0x10310] =	vst v24;
	v24 =	vadd.s32 v49, v38;
	v49 =	vld [tilespmem:$0x65A0]  }
0x5a7: {  	[tilespmem:$0x10320] =	vst v25;
	v25 =	vadd.s32 v50, v39;
	v50 =	vld [tilespmem:$0x65B0]  }
0x5a8: {  	v40 =	vadd.s32 v46, v45;
	v45 =	vadd.s32 v51, v41;
	v51 =	vld [tilespmem:$0x65C0]  }
0x5a9: {  	[tilespmem:$0x10330] =	vst v26;
	v38 =	vld [tilespmem:$0x6580]  }
0x5aa: {  	v39 =	vld [tilespmem:$0x6590];
	[tilespmem:$0x10340] =	vst v27  }
0x5ab: {  	v41 =	vld [tilespmem:$0x65B0];
	[tilespmem:$0x10350] =	vst v29  }
0x5ac: {  	[tilespmem:$0x10360] =	vst v31;
	v29 =	vadd.s32 v53, v44;
	v53 =	vld [tilespmem:$0x65D0]  }
0x5ad: {  	v46 =	vadd.s32 v52, v43;
	[tilespmem:$0x10370] =	vst v30;
	v52 =	vadd.s32 v54, v47;
	v54 =	vadd.s32 v55, v48;
	v55 =	vld [tilespmem:$0x65E0]  }
0x5ae: {  	v26 =	vld.idx.msk [tilespmem:v40+s14+$0x0], $0xffff  }
0x5af: {  	v27 =	vld.idx.msk [tilespmem:v42+s14+$0x0], $0xffff  }
0x5b0: {  	v28 =	vld.idx.msk [tilespmem:v28+s14+$0x0], $0xffff  }
0x5b1: {  	v24 =	vld.idx.msk [tilespmem:v24+s14+$0x0], $0xffff  }
0x5b2: {  	v25 =	vld.idx.msk [tilespmem:v25+s14+$0x0], $0xffff  }
0x5b3: {  	v30 =	vld.idx.msk [tilespmem:v45+s14+$0x0], $0xffff;
	[tilespmem:$0x10380] =	vst v26  }
0x5b4: {  	v31 =	vld.idx.msk [tilespmem:v46+s14+$0x0], $0xffff;
	[tilespmem:$0x10390] =	vst v27  }
0x5b5: {  	v29 =	vld.idx.msk [tilespmem:v29+s14+$0x0], $0xffff;
	[tilespmem:$0x103A0] =	vst v28  }
0x5b6: {  	v44 =	vld [tilespmem:$0x65D0];
	[tilespmem:$0x103B0] =	vst v24  }
0x5b7: {  	v47 =	vld [tilespmem:$0x65F0];
	[tilespmem:$0x103C0] =	vst v25  }
0x5b8: {  	v40 =	vld [tilespmem:$0x65A0];
	v36 =	vadd.s32 v59, v53;
	[tilespmem:$0x103D0] =	vst v30  }
0x5b9: {  	v42 =	vld [tilespmem:$0x65C0];
	v37 =	vadd.s32 v60, v55;
	[tilespmem:$0x103E0] =	vst v31  }
0x5ba: {  	v46 =	vld [tilespmem:$0x65E0];
	v26 =	vadd.s32 v56, v49;
	[tilespmem:$0x103F0] =	vst v29  }
0x5bb: {  	v27 =	vadd.s32 v57, v50;
	v24 =	vld.idx.msk [tilespmem:v52+s14+$0x0], $0xffff  }
0x5bc: {  	v28 =	vadd.s32 v58, v51;
	v25 =	vld.idx.msk [tilespmem:v54+s14+$0x0], $0xffff  }
0x5bd: {  	v30 =	vadd.s32 v61, v35;
	v29 =	vld.idx.msk [tilespmem:v36+s14+$0x0], $0xffff  }
0x5be: {  	v31 =	vld.idx.msk [tilespmem:v37+s14+$0x0], $0xffff  }
0x5bf: {  	v26 =	vld.idx.msk [tilespmem:v26+s14+$0x0], $0xffff  }
0x5c0: {  	v27 =	vld.idx.msk [tilespmem:v27+s14+$0x0], $0xffff;
	[tilespmem:$0x10400] =	vst v24  }
0x5c1: {  	v28 =	vld.idx.msk [tilespmem:v28+s14+$0x0], $0xffff;
	[tilespmem:$0x10410] =	vst v25  }
0x5c2: {  	v30 =	vld.idx.msk [tilespmem:v30+s14+$0x0], $0xffff;
	[tilespmem:$0x10450] =	vst v29  }
0x5c3: {  	v43 =	vadd.s32 v62, v38;
	v53 =	vld [tilespmem:$0x65B0];
	[tilespmem:$0x10460] =	vst v31  }
0x5c4: {  	v45 =	vadd.s32 v63, v39;
	v50 =	vld [tilespmem:$0x6580];
	[tilespmem:$0x10420] =	vst v26  }
0x5c5: {  	v1 =	vadd.s32 v1, v40;
	v51 =	vld [tilespmem:$0x6590];
	[tilespmem:$0x10430] =	vst v27  }
0x5c6: {  	v2 =	vadd.s32 v2, v41;
	v52 =	vld [tilespmem:$0x65A0];
	[tilespmem:$0x10440] =	vst v28  }
0x5c7: {  	v3 =	vadd.s32 v3, v42;
	v54 =	vld [tilespmem:$0x65D0];
	[tilespmem:$0x10470] =	vst v30  }
0x5c8: {  	v4 =	vadd.s32 v4, v44;
	v48 =	vld.idx.msk [tilespmem:v43+s14+$0x0], $0xffff  }
0x5c9: {  	v5 =	vadd.s32 v5, v46;
	v49 =	vld.idx.msk [tilespmem:v45+s14+$0x0], $0xffff  }
0x5ca: {  	v6 =	vadd.s32 v6, v47;
	v1 =	vld.idx.msk [tilespmem:v1+s14+$0x0], $0xffff  }
0x5cb: {  	v2 =	vld.idx.msk [tilespmem:v2+s14+$0x0], $0xffff  }
0x5cc: {  	v3 =	vld.idx.msk [tilespmem:v3+s14+$0x0], $0xffff  }
0x5cd: {  	v4 =	vld.idx.msk [tilespmem:v4+s14+$0x0], $0xffff;
	[tilespmem:$0x10480] =	vst v48  }
0x5ce: {  	v5 =	vld.idx.msk [tilespmem:v5+s14+$0x0], $0xffff;
	[tilespmem:$0x10490] =	vst v49  }
0x5cf: {  	v6 =	vld.idx.msk [tilespmem:v6+s14+$0x0], $0xffff;
	[tilespmem:$0x104A0] =	vst v1  }
0x5d0: {  	v59 =	vld [tilespmem:$0x65C0];
	v55 =	vadd.s32 v9, v52;
	[tilespmem:$0x104B0] =	vst v2  }
0x5d1: {  	v56 =	vadd.s32 v10, v53;
	v1 =	vld [tilespmem:$0x65C0];
	[tilespmem:$0x104C0] =	vst v3  }
0x5d2: {  	v57 =	vadd.s32 v13, v54;
	v3 =	vadd.s32 v8, v51;
	v8 =	vld [tilespmem:$0x65E0];
	[tilespmem:$0x104D0] =	vst v4  }
0x5d3: {  	v10 =	vld [tilespmem:$0x6590];
	v2 =	vadd.s32 v7, v50;
	[tilespmem:$0x104E0] =	vst v5  }
0x5d4: {  	v9 =	vld [tilespmem:$0x65F0];
	[tilespmem:$0x104F0] =	vst v6  }
0x5d5: {  	v4 =	vld.idx.msk [tilespmem:v55+s14+$0x0], $0xffff  }
0x5d6: {  	v5 =	vld.idx.msk [tilespmem:v56+s14+$0x0], $0xffff;
	v1 =	vadd.s32 v12, v1  }
0x5d7: {  	v6 =	vld.idx.msk [tilespmem:v57+s14+$0x0], $0xffff;
	v58 =	vadd.s32 v14, v8  }
0x5d8: {  	v2 =	vld.idx.msk [tilespmem:v2+s14+$0x0], $0xffff  }
0x5d9: {  	v3 =	vld.idx.msk [tilespmem:v3+s14+$0x0], $0xffff;
	v8 =	vadd.s32 v15, v9  }
0x5da: {  	v9 =	vld [tilespmem:$0x6580]  }
0x5db: {  	v1 =	vld.idx.msk [tilespmem:v1+s14+$0x0], $0xffff  }
0x5dc: {  	v7 =	vld.idx.msk [tilespmem:v58+s14+$0x0], $0xffff  }
0x5dd: {  	[tilespmem:$0x10500] =	vst v2;
	v2 =	vld [tilespmem:$0x65A0]  }
0x5de: {  	[tilespmem:$0x10520] =	vst v4;
	v8 =	vld.idx.msk [tilespmem:v8+s14+$0x0], $0xffff  }
0x5df: {  	[tilespmem:$0x10510] =	vst v3;
	v3 =	vld [tilespmem:$0x65B0]  }
0x5e0: {  	[tilespmem:$0x10530] =	vst v5;
	v60 =	vadd.s32 v16, v9;
	v9 =	vld [tilespmem:$0x65D0]  }
0x5e1: {  	[tilespmem:$0x10540] =	vst v1;
	v1 =	vadd.s32 v17, v10;
	v10 =	vld [tilespmem:$0x65E0]  }
0x5e2: {  	v61 =	vld [tilespmem:$0x65F0];
	[tilespmem:$0x10550] =	vst v6;
	v2 =	vadd.s32 v18, v2  }
0x5e3: {  	v4 =	vadd.s32 v20, v59;
	[tilespmem:$0x10560] =	vst v7  }
0x5e4: {  	v3 =	vadd.s32 v19, v3;
	[tilespmem:$0x10570] =	vst v8  }
0x5e5: {  	v62 =	vadd.s32 v21, v9;
	v5 =	vld.idx.msk [tilespmem:v60+s14+$0x0], $0xffff  }
0x5e6: {  	v8 =	vadd.s32 v22, v10;
	v1 =	vld.idx.msk [tilespmem:v1+s14+$0x0], $0xffff  }
0x5e7: {  	v6 =	vadd.s32 v23, v61;
	v2 =	vld.idx.msk [tilespmem:v2+s14+$0x0], $0xffff  }
0x5e8: {  	v4 =	vld.idx.msk [tilespmem:v4+s14+$0x0], $0xffff  }
0x5e9: {  	v3 =	vld.idx.msk [tilespmem:v3+s14+$0x0], $0xffff  }
0x5ea: {  	v63 =	vld.idx.msk [tilespmem:v62+s14+$0x0], $0xffff;
	[tilespmem:$0x10580] =	vst v5  }
0x5eb: {  	[tilespmem:$0x10590] =	vst v1;
	v1 =	vld.idx.msk [tilespmem:v8+s14+$0x0], $0xffff  }
0x5ec: {  	[tilespmem:$0x105A0] =	vst v2;
	v2 =	vld.idx.msk [tilespmem:v6+s14+$0x0], $0xffff  }
.Ltmp5:
0x5ed: {  	[tilespmem:$0x105C0] =	vst v4;
	(pc) =	sbr.rel @p1 .LBB2_6-.Ltmp5, $4  }
0x5ee: {  	[tilespmem:$0x105B0] =	vst v3  }
0x5ef: {  	[tilespmem:$0x105D0] =	vst v63  }
0x5f0: {  	[tilespmem:$0x105E0] =	vst v1  }
0x5f1: {  	[tilespmem:$0x105F0] =	vst v2  }
0x5f2: {  	s29 =	sand.u32 $0x180, s24  }
0x5f3: {  	s29 =	smul.u32 $0x32, s29  }
0x5f4: {  	s30 =	sshrl.u32 s26, $0x2  }
0x5f5: {  	s31 =	sor.u32 s30, s29  }
0x5f6: {  	s29 =	sadd.s32 s30, s29;
	v1 =	vadd.s32 s31, v0  }
0x5f7: {  	s30 =	sadd.s32 $0x320, s29  }
0x5f8: {  	v2 =	vadd.s32 s30, v0  }
0x5f9: {  	s31 =	sadd.s32 $0x640, s29  }
0x5fa: {  	v3 =	vadd.s32 s31, v0  }
0x5fb: {  	s31 =	sadd.s32 $0x960, s29;
	v1 =	vld.idx.msk [tilespmem:v1+s4+$0x0], $0xffff  }
0x5fc: {  	v4 =	vadd.s32 s31, v0  }
0x5fd: {  	s31 =	sadd.s32 $0xC80, s29;
	v2 =	vld.idx.msk [tilespmem:v2+s4+$0x0], $0xffff  }
0x5fe: {  	v5 =	vadd.s32 s31, v0  }
0x5ff: {  	s31 =	sadd.s32 $0xFA0, s29;
	v3 =	vld.idx.msk [tilespmem:v3+s4+$0x0], $0xffff  }
0x600: {  	v7 =	vadd.s32 s31, v0;
	v6 =	vshrl.u32 v1, $0x2;
	v1 =	vshll.u32 v1, $0x5  }
0x601: {  	s31 =	sadd.s32 $0x12C0, s29;
	v4 =	vld.idx.msk [tilespmem:v4+s4+$0x0], $0xffff;
	[tilespmem:$0x6480] =	vst v6;
	v1 =	vand.u32 $0x60, v1  }
0x602: {  	v61 =	vadd.s32 s31, v0;
	[tilespmem:$0x6580] =	vst v1;
	v1 =	vshrl.u32 v2, $0x2;
	v2 =	vshll.u32 v2, $0x5  }
0x603: {  	s29 =	sadd.s32 $0x15E0, s29;
	[tilespmem:$0x6490] =	vst v1;
	v1 =	vand.u32 $0x60, v2;
	v2 =	vld.idx.msk [tilespmem:v5+s4+$0x0], $0xffff  }
0x604: {  	v62 =	vadd.s32 s29, v0;
	[tilespmem:$0x6590] =	vst v1;
	v1 =	vshrl.u32 v3, $0x2;
	v3 =	vshll.u32 v3, $0x5  }
0x605: {  	[tilespmem:$0x64A0] =	vst v1;
	v1 =	vand.u32 $0x60, v3;
	v3 =	vld.idx.msk [tilespmem:v7+s4+$0x0], $0xffff  }
0x606: {  	[tilespmem:$0x65A0] =	vst v1;
	v1 =	vshrl.u32 v4, $0x2;
	v4 =	vshll.u32 v4, $0x5  }
0x607: {  	v63 =	vld.idx.msk [tilespmem:v61+s4+$0x0], $0xffff;
	[tilespmem:$0x64B0] =	vst v1;
	v1 =	vand.u32 $0x60, v4  }
0x608: {  	[tilespmem:$0x65B0] =	vst v1;
	v1 =	vshrl.u32 v2, $0x2;
	v2 =	vshll.u32 v2, $0x5  }
0x609: {  	[tilespmem:$0x64C0] =	vst v1;
	v1 =	vand.u32 $0x60, v2;
	v2 =	vld.idx.msk [tilespmem:v62+s4+$0x0], $0xffff  }
0x60a: {  	[tilespmem:$0x65C0] =	vst v1;
	v1 =	vshrl.u32 v3, $0x2;
	v3 =	vshll.u32 v3, $0x5  }
0x60b: {  	[tilespmem:$0x64D0] =	vst v1;
	v1 =	vand.u32 $0x60, v3  }
0x60c: {  	v3 =	vshll.u32 v63, $0x5;
	[tilespmem:$0x65D0] =	vst v1;
	v1 =	vshrl.u32 v63, $0x2  }
.Ltmp6:
0x60d: {  	[tilespmem:$0x64E0] =	vst v1;
	v1 =	vand.u32 $0x60, v3;
	(pc) =	sbr.rel .LBB2_6-.Ltmp6, $4  }
0x60e: {  	[tilespmem:$0x65E0] =	vst v1;
	v1 =	vshrl.u32 v2, $0x2;
	v2 =	vshll.u32 v2, $0x5  }
0x60f: {  	[tilespmem:$0x64F0] =	vst v1;
	v1 =	vand.u32 $0x60, v2  }
0x610: {  	[tilespmem:$0x65F0] =	vst v1  }
0x611: {  	[tilespmem:s14], [sflag:$0x3] =	stream.indirect.gather [hbm4b:s0+s10], $0x80, s13, s10, $0xb8;
	[tilespmem:$0x10600] =	vst v63  }
.LBB2_8:
0x612: {  	_ =	sfence.sel $0x180000  }
0x613: {  	[bflag:$0x0] =	sbarrier.arrive $0xFFFF  }
0x614: {  	p0 =	sne.s32 s2, $0x0;
	_ =	strace $0x90000047  }
0x615: {  	s0 =	sadd.s32 @!p0 $0x100000, s3;
	[bflag:$0x2] =	sbarrier.arrive $0xFFFF  }
0x616: {  	[sflag:s0] =	ssyncadd.tile.s32 @!p0 $0x1;
	_ =	shalt  }
.Lfunc_end2:
_tile_overlayer_lowered:
.L_overlay_start_2:
0x617: {  	(tag) =	ssettag $0x2  }
0x618: {  	s0 =	rddreg [dreg:$0x0];
	s2 =	stileid.u32  }
0x619: {  	s1 =	rddreg [dreg:$0x1];
	p0 =	sne.s32 s2, $0x0  }
0x61a: {  	s3 =	rddreg [dreg:$0x2];
	[bflag:$0x3] =	sbarrier.arrive $0xFFFF;
	s2 =	simm.s32 @!p0 $0x1C06  }
0x61b: {  	[timem:s3], [sflag:s2] =	dma.local @!p0 [hbm:s0], s1  }
0x61c: {  	s0 =	simm.s32 @!p0 $0x6  }
0x61d: {  	_ =	swait.ge @!p0 [sflag:s0], s1  }
0x61e: {  	s1 =	ssub.s32 @!p0 $0x0, s1;
	[sflag:s0] =	ssyncset.done @!p0 $0x0  }
0x61f: {  	[sflag:s0] =	ssyncadd.s32 @!p0 s1  }
0x620: {  	[bflag:$0x3] =	sbarrier.arrive $0xFFFF  }
0x621: {  	_ =	shalt  }

</sc_bundles>
